<compile_context>
chip_gen: v7x
topology: tpu7x:2x2x1
jax: 0.10.2.dev20260603
libtpu: 0.0.44.dev20260713+nightly
codegen_flags: <defaults>
</compile_context>

<pallas_src>
import functools

import jax
import jax.numpy as jnp
from jax import lax
from jax.experimental import pallas as pl
from jax.experimental.pallas import tpu as pltpu
from jax.experimental.pallas import tpu_sc as plsc

_B, _N, _D = 16, 196, 768
_ND = 64
_P, _LEN, _TOPK = 32768, 2, 8
_LG, _H = 20, 8
_HD = _D // _H
_ROWS = _B * _TOPK
_NW = 16
_RPW = _ROWS // _NW
_BPS = 4


def _sc_gather_body(prompt_hbm, pkey_hbm, idx_hbm, rows_out, keys_out,
                    idx_v, rows_v, keys_v, sem):
    wid = lax.axis_index("s") * 2 + lax.axis_index("c")

    @pl.when(wid < _NW)
    def _():
        base = wid * _RPW
        pltpu.sync_copy(idx_hbm.at[wid], idx_v)
        pltpu.async_copy(prompt_hbm.at[idx_v], rows_v, sem).wait()
        pltpu.async_copy(pkey_hbm.at[idx_v], keys_v, sem).wait()
        pltpu.sync_copy(rows_v, rows_out.at[pl.ds(base, _RPW)])
        pltpu.sync_copy(keys_v, keys_out.at[pl.ds(base, _RPW)])


@functools.cache
def _sc_gather():
    return pl.kernel(
        _sc_gather_body,
        out_type=(
            jax.ShapeDtypeStruct((_ROWS, _LEN, _D), jnp.float32),
            jax.ShapeDtypeStruct((_ROWS, _D), jnp.float32),
        ),
        mesh=plsc.VectorSubcoreMesh(core_axis_name="c", subcore_axis_name="s"),
        scratch_types=[
            pltpu.VMEM((_RPW,), jnp.int32),
            pltpu.VMEM((_RPW, _LEN, _D), jnp.float32),
            pltpu.VMEM((_RPW, _D), jnp.float32),
            pltpu.SemaphoreType.DMA,
        ],
        compiler_params=pltpu.CompilerParams(use_tc_tiling_on_sc=True),
    )


_XBB = 8


def _tc_body(xt_ref, depth_ref, gp_ref,
             wq_ref, bq_ref, wkv_ref, bkv_ref, wproj_ref, bproj_ref,
             out_ref, xn_ref,
             qt_scratch, wkv_b, wproj_b, kvt_scratch, o_scratch, bkv_col):
    p = pl.program_id(0)
    scale = float(_HD) ** -0.5

    @pl.when(p == 0)
    def _():
        q = lax.dot_general(
            gp_ref[0], wq_ref[...], (((1,), (1,)), ((), ())),
            preferred_element_type=jnp.float32) + bq_ref[...].reshape(1, _D)
        qt_scratch[...] = jnp.transpose(q * scale).astype(jnp.bfloat16)
        bkv_col[...] = jnp.transpose(bkv_ref[...].reshape(1, 2 * _D))
        wkv_b[...] = wkv_ref[...].astype(jnp.bfloat16)
        wproj_b[...] = wproj_ref[...].astype(jnp.bfloat16)

    xlocal = _BPS * (p % (_XBB // _BPS))
    for i in range(_BPS):
        x = xt_ref[:, xlocal + i, :]
        xm = jnp.mean(x, axis=0, keepdims=True)
        xn_ref[i] = xm * lax.rsqrt(jnp.maximum(jnp.sum(xm * xm), 1e-12))

        kvt = lax.dot_general(
            wkv_b[...], depth_ref[i].astype(jnp.bfloat16),
            (((1,), (1,)), ((), ())),
            preferred_element_type=jnp.float32) + bkv_col[...]
        kvt_scratch[i] = kvt.astype(jnp.bfloat16)

        out_ref[i, _LG + _TOPK * _LEN:] = x

    for h in range(_H):
        sl = slice(h * _HD, (h + 1) * _HD)
        qth = qt_scratch[sl, :]
        for i in range(_BPS):
            kth = kvt_scratch[i, sl, :]
            vth = kvt_scratch[i, _D + h * _HD:_D + (h + 1) * _HD, :]
            s = lax.dot_general(qth, kth, (((0,), (0,)), ((), ())),
                                preferred_element_type=jnp.float32)
            e = jnp.exp(s)
            den = jnp.sum(e, axis=1, keepdims=True)
            o = lax.dot_general(e.astype(jnp.bfloat16), vth,
                                (((1,), (1,)), ((), ())),
                                preferred_element_type=jnp.float32)
            o_scratch[i, :, sl] = (o * (1.0 / den)).astype(jnp.bfloat16)

    for i in range(_BPS):
        ca = lax.dot_general(o_scratch[i], wproj_b[...],
                             (((1,), (1,)), ((), ())),
                             preferred_element_type=jnp.float32
                             ) + bproj_ref[...].reshape(1, _D)
        out_ref[i, 0:_LG] = ca


def _dense_tc(x_embed, depth_feature, g_prompt,
              Wq, bq, Wkv, bkv, Wproj, bproj, interpret=False):
    n_out = _LG + _TOPK * _LEN + _N
    xt = jnp.transpose(x_embed, (1, 0, 2))
    return pl.pallas_call(
        _tc_body,
        grid=(_B // _BPS,),
        in_specs=[
            pl.BlockSpec((_N, _XBB, _D),
                         lambda b: (0, b // (_XBB // _BPS), 0)),
            pl.BlockSpec((_BPS, _ND, _D), lambda b: (b, 0, 0)),
            pl.BlockSpec((1, _LG, _D), lambda b: (0, 0, 0)),
            pl.BlockSpec((_D, _D), lambda b: (0, 0)),
            pl.BlockSpec((_D,), lambda b: (0,)),
            pl.BlockSpec((2 * _D, _D), lambda b: (0, 0)),
            pl.BlockSpec((2 * _D,), lambda b: (0,)),
            pl.BlockSpec((_D, _D), lambda b: (0, 0)),
            pl.BlockSpec((_D,), lambda b: (0,)),
        ],
        out_specs=[
            pl.BlockSpec((_BPS, n_out, _D), lambda b: (b, 0, 0)),
            pl.BlockSpec((_BPS, 1, _D), lambda b: (b, 0, 0)),
        ],
        out_shape=[
            jax.ShapeDtypeStruct((_B, n_out, _D), jnp.float32),
            jax.ShapeDtypeStruct((_B, 1, _D), jnp.float32),
        ],
        scratch_shapes=[
            pltpu.VMEM((_D, _LG), jnp.bfloat16),
            pltpu.VMEM((2 * _D, _D), jnp.bfloat16),
            pltpu.VMEM((_D, _D), jnp.bfloat16),
            pltpu.VMEM((_BPS, 2 * _D, _ND), jnp.bfloat16),
            pltpu.VMEM((_BPS, _LG, _D), jnp.bfloat16),
            pltpu.VMEM((2 * _D, 1), jnp.float32),
        ],
        interpret=interpret,
    )(xt, depth_feature, g_prompt,
      Wq, bq, Wkv, bkv, Wproj, bproj)


def _stitch_body(alias_ref, rows_ref, keys_ref, xn_ref,
                 out_ref, bkn_ref, sim_ref, sem):
    del alias_ref
    copies = []
    for b in range(_B):
        for k in range(_TOPK):
            c = pltpu.make_async_copy(
                rows_ref.at[b * _TOPK + k],
                out_ref.at[b, pl.ds(_LG + _LEN * k, _LEN)],
                sem)
            c.start()
            copies.append(c)

    keys = keys_ref[...]
    ksq = jnp.sum(keys * keys, axis=2, keepdims=True)
    kn = keys * lax.rsqrt(jnp.maximum(ksq, 1e-12))
    bkn_ref[...] = kn
    sim_ref[0, 0] = jnp.sum(kn * xn_ref[...]) * (1.0 / _B)

    for c in copies:
        c.wait()


def _stitch(prompted0, rows, keys3, xn, interpret=False):
    n_out = _LG + _TOPK * _LEN + _N
    return pl.pallas_call(
        _stitch_body,
        in_specs=[
            pl.BlockSpec(memory_space=pl.ANY),
            pl.BlockSpec(memory_space=pltpu.VMEM),
            pl.BlockSpec(memory_space=pltpu.VMEM),
            pl.BlockSpec(memory_space=pltpu.VMEM),
        ],
        out_specs=[
            pl.BlockSpec(memory_space=pl.ANY),
            pl.BlockSpec(memory_space=pltpu.VMEM),
            pl.BlockSpec(memory_space=pltpu.SMEM),
        ],
        out_shape=[
            jax.ShapeDtypeStruct((_B, n_out, _D), jnp.float32),
            jax.ShapeDtypeStruct((_B, _TOPK, _D), jnp.float32),
            jax.ShapeDtypeStruct((1, 1), jnp.float32),
        ],
        scratch_shapes=[pltpu.SemaphoreType.DMA],
        input_output_aliases={0: 0},
        interpret=interpret,
    )(prompted0, rows, keys3, xn)


def kernel(x_embed, prompt_mask, depth_feature, prompt, prompt_key,
           prompt_key_g, g_prompt, Wq, bq, Wkv, bkv, Wproj, bproj):
    rows, keys = _sc_gather()(prompt, prompt_key, prompt_mask)
    prompted0, xn = _dense_tc(
        x_embed, depth_feature, g_prompt, Wq, bq, Wkv, bkv, Wproj, bproj)
    prompted, bkn, sim = _stitch(
        prompted0,
        rows,
        keys.reshape(_B, _TOPK, _D),
        xn)
    return prompted, bkn, sim.reshape(())

# --- scband reference (transcript-rebuilt; emitter-appended) ---
"""Pipeline reference for scband-prompt-13365938225509 (READ-ONLY COPY).

The authoritative reference and input builder live on the scoring server;
editing this copy changes nothing except your own understanding.
"""

import jax, jax.numpy as jnp
import numpy as np

B, N, D = 16, 196, 768
ND = 64
P, LEN, TOPK = 32768, 2, 8
LG, H = 20, 8


def l2_normalize(x, axis):
    sq = jnp.sum(x ** 2, axis=axis, keepdims=True)
    return x * jax.lax.rsqrt(jnp.maximum(sq, 1e-12))


def cross_attn(x, guidance, Wq, bq, Wkv, bkv, Wproj, bproj):
    Bq, Nq, C = x.shape
    q = (x @ Wq.T + bq).reshape(Bq, Nq, H, C // H).transpose(0, 2, 1, 3)
    kv = guidance @ Wkv.T + bkv
    B_, N_, C_ = kv.shape
    kv = kv.reshape(B_, N_, 2, H, C_ // H // 2).transpose(2, 0, 3, 1, 4)
    k, v = kv[0], kv[1]
    scale = (C // H) ** (-0.5)
    attn = jnp.einsum('bhqd,bhkd->bhqk', q, k) * scale
    attn = jax.nn.softmax(attn, axis=-1)
    out = jnp.einsum('bhqk,bhkd->bhqd', attn, v).transpose(0, 2, 1, 3).reshape(Bq, Nq, C)
    return out @ Wproj.T + bproj


def setup_inputs(seed: int = 0):
    key = jax.random.key(seed)
    ks = jax.random.split(key, 13)
    s = 1.0 / np.sqrt(D)
    return {
        'x_embed': jax.random.normal(ks[0], (B, N, D), dtype=jnp.float32),
        'prompt_mask': jax.random.randint(ks[1], (B, TOPK), 0, P, dtype=jnp.int32),
        'depth_feature': jax.random.normal(ks[2], (B, ND, D), dtype=jnp.float32),
        'prompt': jax.random.uniform(ks[3], (P, LEN, D), minval=-1.0, maxval=1.0, dtype=jnp.float32),
        'prompt_key': jax.random.uniform(ks[4], (P, D), minval=-1.0, maxval=1.0, dtype=jnp.float32),
        'prompt_key_g': jax.random.uniform(ks[5], (1, D), minval=-1.0, maxval=1.0, dtype=jnp.float32),
        'g_prompt': jax.random.normal(ks[6], (1, LG, D), dtype=jnp.float32) * 0.02,
        'Wq': jax.random.normal(ks[7], (D, D), dtype=jnp.float32) * s,
        'bq': jnp.zeros((D,), dtype=jnp.float32),
        'Wkv': jax.random.normal(ks[8], (2 * D, D), dtype=jnp.float32) * s,
        'bkv': jnp.zeros((2 * D,), dtype=jnp.float32),
        'Wproj': jax.random.normal(ks[9], (D, D), dtype=jnp.float32) * s,
        'bproj': jnp.zeros((D,), dtype=jnp.float32),
    }


def reference(x_embed, prompt_mask, depth_feature, prompt, prompt_key, prompt_key_g, g_prompt, Wq, bq, Wkv, bkv, Wproj, bproj):
    Bx = x_embed.shape[0]
    # use_g_prompt: expand g_prompt over batch
    g = jnp.broadcast_to(g_prompt, (Bx, g_prompt.shape[1], g_prompt.shape[2]))
    # embedding_key == 'mean'
    x_embed_mean = jnp.mean(x_embed, axis=1)
    depth_feature_mean = jnp.mean(depth_feature, axis=1)
    g_prompt_mean = jnp.mean(g, axis=1)
    prompt_norm = l2_normalize(prompt_key, 1)
    x_embed_norm = l2_normalize(x_embed_mean, 1)
    g_prompt_norm = l2_normalize(prompt_key_g, 1)
    depth_feature_norm = l2_normalize(depth_feature_mean, 1)
    # knn-style similarity between query embeddings and key store
    similarity = x_embed_norm @ prompt_norm.T
    # prompt_mask provided -> idx = prompt_mask (topk/frequency branch skipped)
    idx = prompt_mask
    batched_prompt_raw = jnp.take(prompt, idx, axis=0)  # [B, top_k, length, C]
    bs, tk, ln, c = batched_prompt_raw.shape
    batched_prompt = batched_prompt_raw.reshape(bs, tk * ln, c)
    ca = cross_attn(g, depth_feature, Wq, bq, Wkv, bkv, Wproj, bproj)
    batched_prompt = jnp.concatenate([ca, batched_prompt], axis=1)
    batched_key_norm = jnp.take(prompt_norm, idx, axis=0)  # selected_key
    sim_pull = batched_key_norm * x_embed_norm[:, None, :]
    reduce_sim = jnp.sum(sim_pull) / Bx
    prompted_embedding = jnp.concatenate([batched_prompt, x_embed], axis=1)
    return prompted_embedding, batched_key_norm, reduce_sim

if __name__ == "__main__":
    import jax
    _d = setup_inputs()
    print(jax.jit(kernel)(*tuple(_d.values())))

</pallas_src>

<mosaic_0001>
#map = affine_map<(d0, d1) -> (0, 0, 0)>
#map1 = affine_map<(d0, d1) -> (0, 0)>
module attributes {stable_mosaic.version = 14 : i64} {
  func.func @_sc_gather_body(%arg0: i32, %arg1: i32, %arg2: memref<32768x2x768xf32, #tpu.memory_space<hbm>>, %arg3: memref<32768x768xf32, #tpu.memory_space<hbm>>, %arg4: memref<16x8xi32, #tpu.memory_space<hbm>>, %arg5: memref<128x2x768xf32, #tpu.memory_space<hbm>>, %arg6: memref<128x768xf32, #tpu.memory_space<hbm>>, %arg7: memref<8xi32, #tpu.memory_space<vmem>>, %arg8: memref<8x2x768xf32, #tpu.memory_space<vmem>>, %arg9: memref<8x768xf32, #tpu.memory_space<vmem>>, %arg10: memref<!tpu.dma_semaphore, #tpu.memory_space<semaphore_mem>>) attributes {dimension_semantics = [#tpu.dimension_semantics<core_parallel>, #tpu.dimension_semantics<subcore_parallel>], iteration_bounds = array<i64: 2, 16>, scalar_prefetch = 0 : i64, scratch_operands = 4 : i64, tpu.core_type = #tpu.core_type<sc_vector_subcore>, window_params = [{transform_indices = #map}, {transform_indices = #map1}, {transform_indices = #map1}, {transform_indices = #map}, {transform_indices = #map1}]} {
    %mul3A = arith.constant 2 : i32
    %mul3A_0 = arith.muli %arg1, %mul3A : i32
    %add3A = arith.addi %mul3A_0, %arg0 : i32
    %lt3A = arith.constant 16 : i32
    %lt3A_1 = arith.cmpi slt, %add3A, %lt3A : i32
    %convert_element_type3A = arith.extui %lt3A_1 : i1 to i32
    %cond3A = arith.constant 0 : i32
    %cond3A_2 = arith.cmpi ne, %convert_element_type3A, %cond3A : i32
    scf.if %cond3A_2 {
      %mul3A_3 = arith.constant 8 : i32
      %mul3A_4 = arith.muli %add3A, %mul3A_3 : i32
      "tpu.region"() ({
        %run_scoped3A = tpu.sem_alloc : memref<!tpu.dma_semaphore, #tpu.memory_space<semaphore_mem>>
        %dma_start3A_17 = arith.constant 0 : i32
        %dma_start3A_18 = tpu.memref_slice %arg4[%add3A, %dma_start3A_17] : memref<16x8xi32, #tpu.memory_space<hbm>> -> memref<1x8xi32, #tpu.memory_space<hbm>>
        %dma_start3A_19 = tpu.memref_squeeze %dma_start3A_18 : memref<1x8xi32, #tpu.memory_space<hbm>> -> memref<8xi32, #tpu.memory_space<hbm>>
        %dma_start3A_20 = arith.constant 0 : i32
        %dma_start3A_21 = tpu.memref_slice %arg4[%add3A, %dma_start3A_20] : memref<16x8xi32, #tpu.memory_space<hbm>> -> memref<1x8xi32, #tpu.memory_space<hbm>>
        %dma_start3A_22 = tpu.memref_squeeze %dma_start3A_21 : memref<1x8xi32, #tpu.memory_space<hbm>> -> memref<8xi32, #tpu.memory_space<hbm>>
        tpu.enqueue_dma source(%dma_start3A_22 : memref<8xi32, #tpu.memory_space<hbm>>) target(%arg7 : memref<8xi32, #tpu.memory_space<vmem>>) target_semaphore(%run_scoped3A : memref<!tpu.dma_semaphore, #tpu.memory_space<semaphore_mem>>)
        %dma_wait3A_23 = arith.constant 0 : i32
        %dma_wait3A_24 = tpu.memref_slice %arg4[%add3A, %dma_wait3A_23] : memref<16x8xi32, #tpu.memory_space<hbm>> -> memref<1x8xi32, #tpu.memory_space<hbm>>
        %dma_wait3A_25 = tpu.memref_squeeze %dma_wait3A_24 : memref<1x8xi32, #tpu.memory_space<hbm>> -> memref<8xi32, #tpu.memory_space<hbm>>
        %dma_wait3A_26 = arith.constant 0 : i32
        %dma_wait3A_27 = tpu.memref_slice %arg4[%add3A, %dma_wait3A_26] : memref<16x8xi32, #tpu.memory_space<hbm>> -> memref<1x8xi32, #tpu.memory_space<hbm>>
        %dma_wait3A_28 = tpu.memref_squeeze %dma_wait3A_27 : memref<1x8xi32, #tpu.memory_space<hbm>> -> memref<8xi32, #tpu.memory_space<hbm>>
        tpu.wait_dma2 semaphore(%run_scoped3A : memref<!tpu.dma_semaphore, #tpu.memory_space<semaphore_mem>>) src(%dma_wait3A_28 : memref<8xi32, #tpu.memory_space<hbm>>) dst(%arg7 : memref<8xi32, #tpu.memory_space<vmem>>)
        tpu.yield
      }) : () -> ()
      %dma_start3A = arith.constant 0 : i32
      %dma_start3A_5 = arith.constant 0 : i32
      %dma_start3A_6 = arith.constant 0 : i32
      %dma_start3A_7 = tpu.memref_slice %arg2[%dma_start3A, %dma_start3A_5, %dma_start3A_6] : memref<32768x2x768xf32, #tpu.memory_space<hbm>> -> memref<32768x2x768xf32, #tpu.memory_space<hbm>>
      tpu.enqueue_indirect_dma source(%dma_start3A_7 : memref<32768x2x768xf32, #tpu.memory_space<hbm>>) target(%arg8 : memref<8x2x768xf32, #tpu.memory_space<vmem>>) offsets(%arg7 : memref<8xi32, #tpu.memory_space<vmem>>) semaphore(%arg10 : memref<!tpu.dma_semaphore, #tpu.memory_space<semaphore_mem>>)
      %dma_wait3A = arith.constant 0 : i32
      %dma_wait3A_8 = arith.constant 0 : i32
      %dma_wait3A_9 = arith.constant 0 : i32
      %dma_wait3A_10 = tpu.memref_slice %arg2[%dma_wait3A, %dma_wait3A_8, %dma_wait3A_9] : memref<32768x2x768xf32, #tpu.memory_space<hbm>> -> memref<32768x2x768xf32, #tpu.memory_space<hbm>>
      tpu.wait_indirect_dma semaphore(%arg10 : memref<!tpu.dma_semaphore, #tpu.memory_space<semaphore_mem>>) src(%dma_wait3A_10 : memref<32768x2x768xf32, #tpu.memory_space<hbm>>) dst(%arg8 : memref<8x2x768xf32, #tpu.memory_space<vmem>>)
      %dma_start3A_11 = arith.constant 0 : i32
      %dma_start3A_12 = arith.constant 0 : i32
      %dma_start3A_13 = tpu.memref_slice %arg3[%dma_start3A_11, %dma_start3A_12] : memref<32768x768xf32, #tpu.memory_space<hbm>> -> memref<32768x768xf32, #tpu.memory_space<hbm>>
      tpu.enqueue_indirect_dma source(%dma_start3A_13 : memref<32768x768xf32, #tpu.memory_space<hbm>>) target(%arg9 : memref<8x768xf32, #tpu.memory_space<vmem>>) offsets(%arg7 : memref<8xi32, #tpu.memory_space<vmem>>) semaphore(%arg10 : memref<!tpu.dma_semaphore, #tpu.memory_space<semaphore_mem>>)
      %dma_wait3A_14 = arith.constant 0 : i32
      %dma_wait3A_15 = arith.constant 0 : i32
      %dma_wait3A_16 = tpu.memref_slice %arg3[%dma_wait3A_14, %dma_wait3A_15] : memref<32768x768xf32, #tpu.memory_space<hbm>> -> memref<32768x768xf32, #tpu.memory_space<hbm>>
      tpu.wait_indirect_dma semaphore(%arg10 : memref<!tpu.dma_semaphore, #tpu.memory_space<semaphore_mem>>) src(%dma_wait3A_16 : memref<32768x768xf32, #tpu.memory_space<hbm>>) dst(%arg9 : memref<8x768xf32, #tpu.memory_space<vmem>>)
      "tpu.region"() ({
        %run_scoped3A = tpu.sem_alloc : memref<!tpu.dma_semaphore, #tpu.memory_space<semaphore_mem>>
        %dma_start3A_17 = arith.constant 0 : i32
        %dma_start3A_18 = arith.constant 0 : i32
        %dma_start3A_19 = tpu.memref_slice %arg5[%mul3A_4, %dma_start3A_17, %dma_start3A_18] : memref<128x2x768xf32, #tpu.memory_space<hbm>> -> memref<8x2x768xf32, #tpu.memory_space<hbm>>
        %dma_start3A_20 = arith.constant 0 : i32
        %dma_start3A_21 = arith.constant 0 : i32
        %dma_start3A_22 = tpu.memref_slice %arg5[%mul3A_4, %dma_start3A_20, %dma_start3A_21] : memref<128x2x768xf32, #tpu.memory_space<hbm>> -> memref<8x2x768xf32, #tpu.memory_space<hbm>>
        tpu.enqueue_dma source(%arg8 : memref<8x2x768xf32, #tpu.memory_space<vmem>>) target(%dma_start3A_22 : memref<8x2x768xf32, #tpu.memory_space<hbm>>) target_semaphore(%run_scoped3A : memref<!tpu.dma_semaphore, #tpu.memory_space<semaphore_mem>>)
        %dma_wait3A_23 = arith.constant 0 : i32
        %dma_wait3A_24 = arith.constant 0 : i32
        %dma_wait3A_25 = tpu.memref_slice %arg5[%mul3A_4, %dma_wait3A_23, %dma_wait3A_24] : memref<128x2x768xf32, #tpu.memory_space<hbm>> -> memref<8x2x768xf32, #tpu.memory_space<hbm>>
        %dma_wait3A_26 = arith.constant 0 : i32
        %dma_wait3A_27 = arith.constant 0 : i32
        %dma_wait3A_28 = tpu.memref_slice %arg5[%mul3A_4, %dma_wait3A_26, %dma_wait3A_27] : memref<128x2x768xf32, #tpu.memory_space<hbm>> -> memref<8x2x768xf32, #tpu.memory_space<hbm>>
        tpu.wait_dma2 semaphore(%run_scoped3A : memref<!tpu.dma_semaphore, #tpu.memory_space<semaphore_mem>>) src(%arg8 : memref<8x2x768xf32, #tpu.memory_space<vmem>>) dst(%dma_wait3A_28 : memref<8x2x768xf32, #tpu.memory_space<hbm>>)
        tpu.yield
      }) : () -> ()
      "tpu.region"() ({
        %run_scoped3A = tpu.sem_alloc : memref<!tpu.dma_semaphore, #tpu.memory_space<semaphore_mem>>
        %dma_start3A_17 = arith.constant 0 : i32
        %dma_start3A_18 = tpu.memref_slice %arg6[%mul3A_4, %dma_start3A_17] : memref<128x768xf32, #tpu.memory_space<hbm>> -> memref<8x768xf32, #tpu.memory_space<hbm>>
        %dma_start3A_19 = arith.constant 0 : i32
        %dma_start3A_20 = tpu.memref_slice %arg6[%mul3A_4, %dma_start3A_19] : memref<128x768xf32, #tpu.memory_space<hbm>> -> memref<8x768xf32, #tpu.memory_space<hbm>>
        tpu.enqueue_dma source(%arg9 : memref<8x768xf32, #tpu.memory_space<vmem>>) target(%dma_start3A_20 : memref<8x768xf32, #tpu.memory_space<hbm>>) target_semaphore(%run_scoped3A : memref<!tpu.dma_semaphore, #tpu.memory_space<semaphore_mem>>)
        %dma_wait3A_21 = arith.constant 0 : i32
        %dma_wait3A_22 = tpu.memref_slice %arg6[%mul3A_4, %dma_wait3A_21] : memref<128x768xf32, #tpu.memory_space<hbm>> -> memref<8x768xf32, #tpu.memory_space<hbm>>
        %dma_wait3A_23 = arith.constant 0 : i32
        %dma_wait3A_24 = tpu.memref_slice %arg6[%mul3A_4, %dma_wait3A_23] : memref<128x768xf32, #tpu.memory_space<hbm>> -> memref<8x768xf32, #tpu.memory_space<hbm>>
        tpu.wait_dma2 semaphore(%run_scoped3A : memref<!tpu.dma_semaphore, #tpu.memory_space<semaphore_mem>>) src(%arg9 : memref<8x768xf32, #tpu.memory_space<vmem>>) dst(%dma_wait3A_24 : memref<8x768xf32, #tpu.memory_space<hbm>>)
        tpu.yield
      }) : () -> ()
    } else {
    }
    return
  }
}

module attributes {stable_mosaic.version = 14 : i64} {
  func.func @_tc_body(%arg0: i32, %arg1: memref<196x8x768xf32, #tpu.memory_space<vmem>>, %arg2: memref<4x64x768xf32, #tpu.memory_space<vmem>>, %arg3: memref<1x20x768xf32, #tpu.memory_space<vmem>>, %arg4: memref<768x768xf32, #tpu.memory_space<vmem>>, %arg5: memref<768xf32, #tpu.memory_space<vmem>>, %arg6: memref<1536x768xf32, #tpu.memory_space<vmem>>, %arg7: memref<1536xf32, #tpu.memory_space<vmem>>, %arg8: memref<768x768xf32, #tpu.memory_space<vmem>>, %arg9: memref<768xf32, #tpu.memory_space<vmem>>, %arg10: memref<4x232x768xf32, #tpu.memory_space<vmem>>, %arg11: memref<4x1x768xf32, #tpu.memory_space<vmem>>, %arg12: memref<768x20xbf16, #tpu.memory_space<vmem>>, %arg13: memref<1536x768xbf16, #tpu.memory_space<vmem>>, %arg14: memref<768x768xbf16, #tpu.memory_space<vmem>>, %arg15: memref<4x1536x64xbf16, #tpu.memory_space<vmem>>, %arg16: memref<4x20x768xbf16, #tpu.memory_space<vmem>>, %arg17: memref<1536x1xf32, #tpu.memory_space<vmem>>) attributes {dimension_semantics = [#tpu.dimension_semantics<arbitrary>], iteration_bounds = array<i64: 4>, scalar_prefetch = 0 : i64, scratch_operands = 6 : i64, tpu.core_type = #tpu.core_type<tc>, window_params = [{transform_indices = @transform_0, window_bounds = array<i64: 196, 8, 768>}, {transform_indices = @transform_1, window_bounds = array<i64: 4, 64, 768>}, {pipeline_mode = #tpu.pipeline_mode<synchronous>, transform_indices = @transform_2, window_bounds = array<i64: 1, 20, 768>}, {pipeline_mode = #tpu.pipeline_mode<synchronous>, transform_indices = @transform_3, window_bounds = array<i64: 768, 768>}, {pipeline_mode = #tpu.pipeline_mode<synchronous>, transform_indices = @transform_4, window_bounds = array<i64: 768>}, {pipeline_mode = #tpu.pipeline_mode<synchronous>, transform_indices = @transform_5, window_bounds = array<i64: 1536, 768>}, {pipeline_mode = #tpu.pipeline_mode<synchronous>, transform_indices = @transform_6, window_bounds = array<i64: 1536>}, {pipeline_mode = #tpu.pipeline_mode<synchronous>, transform_indices = @transform_7, window_bounds = array<i64: 768, 768>}, {pipeline_mode = #tpu.pipeline_mode<synchronous>, transform_indices = @transform_8, window_bounds = array<i64: 768>}, {transform_indices = @transform_9, window_bounds = array<i64: 4, 232, 768>}, {transform_indices = @transform_10, window_bounds = array<i64: 4, 1, 768>}]} {
    %eq3A = arith.constant 0 : i32
    %eq3A_0 = arith.cmpi eq, %arg0, %eq3A : i32
    %convert_element_type3A = arith.extui %eq3A_0 : i1 to i32
    %cond3A = arith.constant 0 : i32
    %cond3A_1 = arith.cmpi ne, %convert_element_type3A, %cond3A : i32
    scf.if %cond3A_1 {
      %get3A_1338 = arith.constant 0 : index
      %get3A_1339 = arith.constant 0 : index
      %get3A_1340 = arith.constant 0 : index
      %get3A_1341 = vector.load %arg3[%get3A_1338, %get3A_1339, %get3A_1340] : memref<1x20x768xf32, #tpu.memory_space<vmem>>, vector<1x20x768xf32>
      %get3A_1342 = vector.shape_cast %get3A_1341 : vector<1x20x768xf32> to vector<20x768xf32>
      %get3A_1343 = arith.constant 0 : index
      %get3A_1344 = arith.constant 0 : index
      %get3A_1345 = vector.load %arg4[%get3A_1343, %get3A_1344] : memref<768x768xf32, #tpu.memory_space<vmem>>, vector<768x768xf32>
      %dot_general3A_1346 = arith.constant dense<0.000000e+00> : vector<20x768xf32>
      %dot_general3A_1347 = tpu.matmul %get3A_1342, %get3A_1345, %dot_general3A_1346 {dimension_numbers = #tpu.dot_dimension_numbers<[1], [1], [0], [0], [0, 0, 1, 0], [], []>, transpose_lhs_hint = false} : vector<20x768xf32>, vector<768x768xf32>, vector<20x768xf32> -> vector<20x768xf32>
      %get3A_1348 = arith.constant 0 : index
      %get3A_1349 = vector.load %arg5[%get3A_1348] : memref<768xf32, #tpu.memory_space<vmem>>, vector<768xf32>
      %reshape3A_1350 = vector.shape_cast %get3A_1349 : vector<768xf32> to vector<1x768xf32>
      %add3A_1351 = vector.broadcast %reshape3A_1350 : vector<1x768xf32> to vector<20x768xf32>
      %add3A_1352 = arith.addf %dot_general3A_1347, %add3A_1351 : vector<20x768xf32>
      %mul3A_1353 = arith.constant 0.102062076 : f32
      %mul3A_1354 = vector.broadcast %mul3A_1353 : f32 to vector<20x768xf32>
      %mul3A_1355 = arith.mulf %add3A_1352, %mul3A_1354 : vector<20x768xf32>
      %transpose3A = tpu.transpose %mul3A_1355, [1, 0] : vector<20x768xf32> -> vector<768x20xf32>
      %convert_element_type3A_1356 = arith.truncf %transpose3A : vector<768x20xf32> to vector<768x20xbf16>
      %swap3A_1357 = arith.constant 0 : index
      %swap3A_1358 = arith.constant 0 : index
      %swap3A_1359 = vector.load %arg12[%swap3A_1357, %swap3A_1358] : memref<768x20xbf16, #tpu.memory_space<vmem>>, vector<768x20xbf16>
      tpu.vector_store %arg12[%swap3A_1357, %swap3A_1358], %convert_element_type3A_1356 {strides = array<i32>} : memref<768x20xbf16, #tpu.memory_space<vmem>>, vector<768x20xbf16>,
      %get3A_1360 = arith.constant 0 : index
      %get3A_1361 = vector.load %arg7[%get3A_1360] : memref<1536xf32, #tpu.memory_space<vmem>>, vector<1536xf32>
      %reshape3A_1362 = vector.shape_cast %get3A_1361 : vector<1536xf32> to vector<1x1536xf32>
      %transpose3A_1363 = tpu.transpose %reshape3A_1362, [1, 0] : vector<1x1536xf32> -> vector<1536x1xf32>
      %swap3A_1364 = arith.constant 0 : index
      %swap3A_1365 = arith.constant 0 : index
      %swap3A_1366 = vector.load %arg17[%swap3A_1364, %swap3A_1365] : memref<1536x1xf32, #tpu.memory_space<vmem>>, vector<1536x1xf32>
      tpu.vector_store %arg17[%swap3A_1364, %swap3A_1365], %transpose3A_1363 {strides = array<i32>} : memref<1536x1xf32, #tpu.memory_space<vmem>>, vector<1536x1xf32>,
      %get3A_1367 = arith.constant 0 : index
      %get3A_1368 = arith.constant 0 : index
      %get3A_1369 = vector.load %arg6[%get3A_1367, %get3A_1368] : memref<1536x768xf32, #tpu.memory_space<vmem>>, vector<1536x768xf32>
      %convert_element_type3A_1370 = arith.truncf %get3A_1369 : vector<1536x768xf32> to vector<1536x768xbf16>
      %swap3A_1371 = arith.constant 0 : index
      %swap3A_1372 = arith.constant 0 : index
      %swap3A_1373 = vector.load %arg13[%swap3A_1371, %swap3A_1372] : memref<1536x768xbf16, #tpu.memory_space<vmem>>, vector<1536x768xbf16>
      tpu.vector_store %arg13[%swap3A_1371, %swap3A_1372], %convert_element_type3A_1370 {strides = array<i32>} : memref<1536x768xbf16, #tpu.memory_space<vmem>>, vector<1536x768xbf16>,
      %get3A_1374 = arith.constant 0 : index
      %get3A_1375 = arith.constant 0 : index
      %get3A_1376 = vector.load %arg8[%get3A_1374, %get3A_1375] : memref<768x768xf32, #tpu.memory_space<vmem>>, vector<768x768xf32>
      %convert_element_type3A_1377 = arith.truncf %get3A_1376 : vector<768x768xf32> to vector<768x768xbf16>
      %swap3A_1378 = arith.constant 0 : index
      %swap3A_1379 = arith.constant 0 : index
      %swap3A_1380 = vector.load %arg14[%swap3A_1378, %swap3A_1379] : memref<768x768xbf16, #tpu.memory_space<vmem>>, vector<768x768xbf16>
      tpu.vector_store %arg14[%swap3A_1378, %swap3A_1379], %convert_element_type3A_1377 {strides = array<i32>} : memref<768x768xbf16, #tpu.memory_space<vmem>>, vector<768x768xbf16>,
    } else {
    }
    %jit3A = arith.constant 2 : i32
    %eq3A_2 = arith.constant 0 : i32
    %eq3A_3 = arith.cmpi eq, %jit3A, %eq3A_2 : i32
    %jit3A_4 = arith.constant 1 : i32
    %select_n3A = arith.select %eq3A_3, %jit3A_4, %jit3A : i32
    %rem3A = arith.remsi %arg0, %select_n3A : i32
    %ne3A = arith.constant 0 : i32
    %ne3A_5 = arith.cmpi ne, %rem3A, %ne3A : i32
    %lt3A = arith.constant 0 : i32
    %lt3A_6 = arith.cmpi slt, %rem3A, %lt3A : i32
    %lt3A_7 = arith.constant 0 : i32
    %lt3A_8 = arith.cmpi slt, %select_n3A, %lt3A_7 : i32
    %ne3A_9 = arith.xori %lt3A_6, %lt3A_8 : i1
    %and3A = arith.andi %ne3A_9, %ne3A_5 : i1
    %add3A = arith.addi %rem3A, %select_n3A : i32
    %select_n3A_10 = arith.select %and3A, %add3A, %rem3A : i32
    %mul3A = arith.constant 4 : i32
    %mul3A_11 = arith.muli %mul3A, %select_n3A_10 : i32
    %add3A_12 = arith.constant 0 : i32
    %add3A_13 = arith.addi %mul3A_11, %add3A_12 : i32
    %get3A = arith.constant 0 : index
    %get3A_14 = arith.index_cast %add3A_13 : i32 to index
    %get3A_15 = arith.constant 0 : index
    %get3A_16 = vector.load %arg1[%get3A, %get3A_14, %get3A_15] : memref<196x8x768xf32, #tpu.memory_space<vmem>>, vector<196x1x768xf32>
    %get3A_17 = vector.shape_cast %get3A_16 : vector<196x1x768xf32> to vector<196x768xf32>
    %reduce_sum3A = arith.constant dense<0.000000e+00> : vector<768xf32>
    %reduce_sum3A_18 = vector.multi_reduction <add>, %get3A_17, %reduce_sum3A [0] : vector<196x768xf32> to vector<768xf32>
    %broadcast_in_dim3A = vector.shape_cast %reduce_sum3A_18 : vector<768xf32> to vector<1x768xf32>
    %div3A = arith.constant 1.960000e+02 : f32
    %div3A_19 = vector.broadcast %div3A : f32 to vector<1x768xf32>
    %div3A_20 = arith.divf %broadcast_in_dim3A, %div3A_19 : vector<1x768xf32>
    %mul3A_21 = arith.mulf %div3A_20, %div3A_20 : vector<1x768xf32>
    %reduce_sum3A_22 = vector.shape_cast %mul3A_21 : vector<1x768xf32> to vector<1x1x768xf32>
    %reduce_sum3A_23 = arith.constant dense<0.000000e+00> : vector<1xf32>
    %reduce_sum3A_24 = vector.multi_reduction <add>, %reduce_sum3A_22, %reduce_sum3A_23 [1, 2] : vector<1x1x768xf32> to vector<1xf32>
    %reduce_sum3A_25 = vector.shape_cast %reduce_sum3A_24 : vector<1xf32> to vector<1x1x1xf32>
    %reduce_sum3A_26 = vector.extract %reduce_sum3A_25[0, 0, 0] : f32 from vector<1x1x1xf32>
    %max3A = arith.constant 9.99999996E-13 : f32
    %max3A_27 = arith.maximumf %reduce_sum3A_26, %max3A : f32
    %rsqrt3A = math.rsqrt %max3A_27 : f32
    %mul3A_28 = vector.broadcast %rsqrt3A : f32 to vector<1x768xf32>
    %mul3A_29 = arith.mulf %div3A_20, %mul3A_28 : vector<1x768xf32>
    %swap3A = arith.constant 0 : index
    %swap3A_30 = arith.constant 0 : index
    %swap3A_31 = arith.constant 0 : index
    %swap3A_32 = vector.load %arg11[%swap3A, %swap3A_30, %swap3A_31] : memref<4x1x768xf32, #tpu.memory_space<vmem>>, vector<1x1x768xf32>
    %swap3A_33 = vector.shape_cast %swap3A_32 : vector<1x1x768xf32> to vector<1x768xf32>
    %swap3A_34 = vector.shape_cast %mul3A_29 : vector<1x768xf32> to vector<1x1x768xf32>
    tpu.vector_store %arg11[%swap3A, %swap3A_30, %swap3A_31], %swap3A_34 {strides = array<i32>} : memref<4x1x768xf32, #tpu.memory_space<vmem>>, vector<1x1x768xf32>,
    %get3A_35 = arith.constant 0 : index
    %get3A_36 = arith.constant 0 : index
    %get3A_37 = vector.load %arg13[%get3A_35, %get3A_36] : memref<1536x768xbf16, #tpu.memory_space<vmem>>, vector<1536x768xbf16>
    %get3A_38 = arith.constant 0 : index
    %get3A_39 = arith.constant 0 : index
    %get3A_40 = arith.constant 0 : index
    %get3A_41 = vector.load %arg2[%get3A_38, %get3A_39, %get3A_40] : memref<4x64x768xf32, #tpu.memory_space<vmem>>, vector<1x64x768xf32>
    %get3A_42 = vector.shape_cast %get3A_41 : vector<1x64x768xf32> to vector<64x768xf32>
    %convert_element_type3A_43 = arith.truncf %get3A_42 : vector<64x768xf32> to vector<64x768xbf16>
    %dot_general3A = arith.constant dense<0.000000e+00> : vector<1536x64xf32>
    %dot_general3A_44 = tpu.matmul %get3A_37, %convert_element_type3A_43, %dot_general3A {dimension_numbers = #tpu.dot_dimension_numbers<[1], [1], [0], [0], [0, 0, 1, 0], [], []>, transpose_lhs_hint = false} : vector<1536x768xbf16>, vector<64x768xbf16>, vector<1536x64xf32> -> vector<1536x64xf32>
    %get3A_45 = arith.constant 0 : index
    %get3A_46 = arith.constant 0 : index
    %get3A_47 = vector.load %arg17[%get3A_45, %get3A_46] : memref<1536x1xf32, #tpu.memory_space<vmem>>, vector<1536x1xf32>
    %add3A_48 = vector.broadcast %get3A_47 : vector<1536x1xf32> to vector<1536x64xf32>
    %add3A_49 = arith.addf %dot_general3A_44, %add3A_48 : vector<1536x64xf32>
    %convert_element_type3A_50 = arith.truncf %add3A_49 : vector<1536x64xf32> to vector<1536x64xbf16>
    %swap3A_51 = arith.constant 0 : index
    %swap3A_52 = arith.constant 0 : index
    %swap3A_53 = arith.constant 0 : index
    %swap3A_54 = vector.load %arg15[%swap3A_51, %swap3A_52, %swap3A_53] : memref<4x1536x64xbf16, #tpu.memory_space<vmem>>, vector<1x1536x64xbf16>
    %swap3A_55 = vector.shape_cast %swap3A_54 : vector<1x1536x64xbf16> to vector<1536x64xbf16>
    %swap3A_56 = vector.shape_cast %convert_element_type3A_50 : vector<1536x64xbf16> to vector<1x1536x64xbf16>
    tpu.vector_store %arg15[%swap3A_51, %swap3A_52, %swap3A_53], %swap3A_56 {strides = array<i32>} : memref<4x1536x64xbf16, #tpu.memory_space<vmem>>, vector<1x1536x64xbf16>,
    %swap3A_57 = arith.constant 0 : index
    %swap3A_58 = arith.constant 36 : index
    %swap3A_59 = arith.constant 0 : index
    %swap3A_60 = vector.load %arg10[%swap3A_57, %swap3A_58, %swap3A_59] : memref<4x232x768xf32, #tpu.memory_space<vmem>>, vector<1x196x768xf32>
    %swap3A_61 = vector.shape_cast %swap3A_60 : vector<1x196x768xf32> to vector<196x768xf32>
    %swap3A_62 = vector.shape_cast %get3A_17 : vector<196x768xf32> to vector<1x196x768xf32>
    tpu.vector_store %arg10[%swap3A_57, %swap3A_58, %swap3A_59], %swap3A_62 {strides = array<i32>} : memref<4x232x768xf32, #tpu.memory_space<vmem>>, vector<1x196x768xf32>,
    %add3A_63 = arith.constant 1 : i32
    %add3A_64 = arith.addi %mul3A_11, %add3A_63 : i32
    %get3A_65 = arith.constant 0 : index
    %get3A_66 = arith.index_cast %add3A_64 : i32 to index
    %get3A_67 = arith.constant 0 : index
    %get3A_68 = vector.load %arg1[%get3A_65, %get3A_66, %get3A_67] : memref<196x8x768xf32, #tpu.memory_space<vmem>>, vector<196x1x768xf32>
    %get3A_69 = vector.shape_cast %get3A_68 : vector<196x1x768xf32> to vector<196x768xf32>
    %reduce_sum3A_70 = arith.constant dense<0.000000e+00> : vector<768xf32>
    %reduce_sum3A_71 = vector.multi_reduction <add>, %get3A_69, %reduce_sum3A_70 [0] : vector<196x768xf32> to vector<768xf32>
    %broadcast_in_dim3A_72 = vector.shape_cast %reduce_sum3A_71 : vector<768xf32> to vector<1x768xf32>
    %div3A_73 = arith.constant 1.960000e+02 : f32
    %div3A_74 = vector.broadcast %div3A_73 : f32 to vector<1x768xf32>
    %div3A_75 = arith.divf %broadcast_in_dim3A_72, %div3A_74 : vector<1x768xf32>
    %mul3A_76 = arith.mulf %div3A_75, %div3A_75 : vector<1x768xf32>
    %reduce_sum3A_77 = vector.shape_cast %mul3A_76 : vector<1x768xf32> to vector<1x1x768xf32>
    %reduce_sum3A_78 = arith.constant dense<0.000000e+00> : vector<1xf32>
    %reduce_sum3A_79 = vector.multi_reduction <add>, %reduce_sum3A_77, %reduce_sum3A_78 [1, 2] : vector<1x1x768xf32> to vector<1xf32>
    %reduce_sum3A_80 = vector.shape_cast %reduce_sum3A_79 : vector<1xf32> to vector<1x1x1xf32>
    %reduce_sum3A_81 = vector.extract %reduce_sum3A_80[0, 0, 0] : f32 from vector<1x1x1xf32>
    %max3A_82 = arith.constant 9.99999996E-13 : f32
    %max3A_83 = arith.maximumf %reduce_sum3A_81, %max3A_82 : f32
    %rsqrt3A_84 = math.rsqrt %max3A_83 : f32
    %mul3A_85 = vector.broadcast %rsqrt3A_84 : f32 to vector<1x768xf32>
    %mul3A_86 = arith.mulf %div3A_75, %mul3A_85 : vector<1x768xf32>
    %swap3A_87 = arith.constant 1 : index
    %swap3A_88 = arith.constant 0 : index
    %swap3A_89 = arith.constant 0 : index
    %swap3A_90 = vector.load %arg11[%swap3A_87, %swap3A_88, %swap3A_89] : memref<4x1x768xf32, #tpu.memory_space<vmem>>, vector<1x1x768xf32>
    %swap3A_91 = vector.shape_cast %swap3A_90 : vector<1x1x768xf32> to vector<1x768xf32>
    %swap3A_92 = vector.shape_cast %mul3A_86 : vector<1x768xf32> to vector<1x1x768xf32>
    tpu.vector_store %arg11[%swap3A_87, %swap3A_88, %swap3A_89], %swap3A_92 {strides = array<i32>} : memref<4x1x768xf32, #tpu.memory_space<vmem>>, vector<1x1x768xf32>,
    %get3A_93 = arith.constant 0 : index
    %get3A_94 = arith.constant 0 : index
    %get3A_95 = vector.load %arg13[%get3A_93, %get3A_94] : memref<1536x768xbf16, #tpu.memory_space<vmem>>, vector<1536x768xbf16>
    %get3A_96 = arith.constant 1 : index
    %get3A_97 = arith.constant 0 : index
    %get3A_98 = arith.constant 0 : index
    %get3A_99 = vector.load %arg2[%get3A_96, %get3A_97, %get3A_98] : memref<4x64x768xf32, #tpu.memory_space<vmem>>, vector<1x64x768xf32>
    %get3A_100 = vector.shape_cast %get3A_99 : vector<1x64x768xf32> to vector<64x768xf32>
    %convert_element_type3A_101 = arith.truncf %get3A_100 : vector<64x768xf32> to vector<64x768xbf16>
    %dot_general3A_102 = arith.constant dense<0.000000e+00> : vector<1536x64xf32>
    %dot_general3A_103 = tpu.matmul %get3A_95, %convert_element_type3A_101, %dot_general3A_102 {dimension_numbers = #tpu.dot_dimension_numbers<[1], [1], [0], [0], [0, 0, 1, 0], [], []>, transpose_lhs_hint = false} : vector<1536x768xbf16>, vector<64x768xbf16>, vector<1536x64xf32> -> vector<1536x64xf32>
    %get3A_104 = arith.constant 0 : index
    %get3A_105 = arith.constant 0 : index
    %get3A_106 = vector.load %arg17[%get3A_104, %get3A_105] : memref<1536x1xf32, #tpu.memory_space<vmem>>, vector<1536x1xf32>
    %add3A_107 = vector.broadcast %get3A_106 : vector<1536x1xf32> to vector<1536x64xf32>
    %add3A_108 = arith.addf %dot_general3A_103, %add3A_107 : vector<1536x64xf32>
    %convert_element_type3A_109 = arith.truncf %add3A_108 : vector<1536x64xf32> to vector<1536x64xbf16>
    %swap3A_110 = arith.constant 1 : index
    %swap3A_111 = arith.constant 0 : index
    %swap3A_112 = arith.constant 0 : index
    %swap3A_113 = vector.load %arg15[%swap3A_110, %swap3A_111, %swap3A_112] : memref<4x1536x64xbf16, #tpu.memory_space<vmem>>, vector<1x1536x64xbf16>
    %swap3A_114 = vector.shape_cast %swap3A_113 : vector<1x1536x64xbf16> to vector<1536x64xbf16>
    %swap3A_115 = vector.shape_cast %convert_element_type3A_109 : vector<1536x64xbf16> to vector<1x1536x64xbf16>
    tpu.vector_store %arg15[%swap3A_110, %swap3A_111, %swap3A_112], %swap3A_115 {strides = array<i32>} : memref<4x1536x64xbf16, #tpu.memory_space<vmem>>, vector<1x1536x64xbf16>,
    %swap3A_116 = arith.constant 1 : index
    %swap3A_117 = arith.constant 36 : index
    %swap3A_118 = arith.constant 0 : index
    %swap3A_119 = vector.load %arg10[%swap3A_116, %swap3A_117, %swap3A_118] : memref<4x232x768xf32, #tpu.memory_space<vmem>>, vector<1x196x768xf32>
    %swap3A_120 = vector.shape_cast %swap3A_119 : vector<1x196x768xf32> to vector<196x768xf32>
    %swap3A_121 = vector.shape_cast %get3A_69 : vector<196x768xf32> to vector<1x196x768xf32>
    tpu.vector_store %arg10[%swap3A_116, %swap3A_117, %swap3A_118], %swap3A_121 {strides = array<i32>} : memref<4x232x768xf32, #tpu.memory_space<vmem>>, vector<1x196x768xf32>,
    %add3A_122 = arith.constant 2 : i32
    %add3A_123 = arith.addi %mul3A_11, %add3A_122 : i32
    %get3A_124 = arith.constant 0 : index
    %get3A_125 = arith.index_cast %add3A_123 : i32 to index
    %get3A_126 = arith.constant 0 : index
    %get3A_127 = vector.load %arg1[%get3A_124, %get3A_125, %get3A_126] : memref<196x8x768xf32, #tpu.memory_space<vmem>>, vector<196x1x768xf32>
    %get3A_128 = vector.shape_cast %get3A_127 : vector<196x1x768xf32> to vector<196x768xf32>
    %reduce_sum3A_129 = arith.constant dense<0.000000e+00> : vector<768xf32>
    %reduce_sum3A_130 = vector.multi_reduction <add>, %get3A_128, %reduce_sum3A_129 [0] : vector<196x768xf32> to vector<768xf32>
    %broadcast_in_dim3A_131 = vector.shape_cast %reduce_sum3A_130 : vector<768xf32> to vector<1x768xf32>
    %div3A_132 = arith.constant 1.960000e+02 : f32
    %div3A_133 = vector.broadcast %div3A_132 : f32 to vector<1x768xf32>
    %div3A_134 = arith.divf %broadcast_in_dim3A_131, %div3A_133 : vector<1x768xf32>
    %mul3A_135 = arith.mulf %div3A_134, %div3A_134 : vector<1x768xf32>
    %reduce_sum3A_136 = vector.shape_cast %mul3A_135 : vector<1x768xf32> to vector<1x1x768xf32>
    %reduce_sum3A_137 = arith.constant dense<0.000000e+00> : vector<1xf32>
    %reduce_sum3A_138 = vector.multi_reduction <add>, %reduce_sum3A_136, %reduce_sum3A_137 [1, 2] : vector<1x1x768xf32> to vector<1xf32>
    %reduce_sum3A_139 = vector.shape_cast %reduce_sum3A_138 : vector<1xf32> to vector<1x1x1xf32>
    %reduce_sum3A_140 = vector.extract %reduce_sum3A_139[0, 0, 0] : f32 from vector<1x1x1xf32>
    %max3A_141 = arith.constant 9.99999996E-13 : f32
    %max3A_142 = arith.maximumf %reduce_sum3A_140, %max3A_141 : f32
    %rsqrt3A_143 = math.rsqrt %max3A_142 : f32
    %mul3A_144 = vector.broadcast %rsqrt3A_143 : f32 to vector<1x768xf32>
    %mul3A_145 = arith.mulf %div3A_134, %mul3A_144 : vector<1x768xf32>
    %swap3A_146 = arith.constant 2 : index
    %swap3A_147 = arith.constant 0 : index
    %swap3A_148 = arith.constant 0 : index
    %swap3A_149 = vector.load %arg11[%swap3A_146, %swap3A_147, %swap3A_148] : memref<4x1x768xf32, #tpu.memory_space<vmem>>, vector<1x1x768xf32>
    %swap3A_150 = vector.shape_cast %swap3A_149 : vector<1x1x768xf32> to vector<1x768xf32>
    %swap3A_151 = vector.shape_cast %mul3A_145 : vector<1x768xf32> to vector<1x1x768xf32>
    tpu.vector_store %arg11[%swap3A_146, %swap3A_147, %swap3A_148], %swap3A_151 {strides = array<i32>} : memref<4x1x768xf32, #tpu.memory_space<vmem>>, vector<1x1x768xf32>,
    %get3A_152 = arith.constant 0 : index
    %get3A_153 = arith.constant 0 : index
    %get3A_154 = vector.load %arg13[%get3A_152, %get3A_153] : memref<1536x768xbf16, #tpu.memory_space<vmem>>, vector<1536x768xbf16>
    %get3A_155 = arith.constant 2 : index
    %get3A_156 = arith.constant 0 : index
    %get3A_157 = arith.constant 0 : index
    %get3A_158 = vector.load %arg2[%get3A_155, %get3A_156, %get3A_157] : memref<4x64x768xf32, #tpu.memory_space<vmem>>, vector<1x64x768xf32>
    %get3A_159 = vector.shape_cast %get3A_158 : vector<1x64x768xf32> to vector<64x768xf32>
    %convert_element_type3A_160 = arith.truncf %get3A_159 : vector<64x768xf32> to vector<64x768xbf16>
    %dot_general3A_161 = arith.constant dense<0.000000e+00> : vector<1536x64xf32>
    %dot_general3A_162 = tpu.matmul %get3A_154, %convert_element_type3A_160, %dot_general3A_161 {dimension_numbers = #tpu.dot_dimension_numbers<[1], [1], [0], [0], [0, 0, 1, 0], [], []>, transpose_lhs_hint = false} : vector<1536x768xbf16>, vector<64x768xbf16>, vector<1536x64xf32> -> vector<1536x64xf32>
    %get3A_163 = arith.constant 0 : index
    %get3A_164 = arith.constant 0 : index
    %get3A_165 = vector.load %arg17[%get3A_163, %get3A_164] : memref<1536x1xf32, #tpu.memory_space<vmem>>, vector<1536x1xf32>
    %add3A_166 = vector.broadcast %get3A_165 : vector<1536x1xf32> to vector<1536x64xf32>
    %add3A_167 = arith.addf %dot_general3A_162, %add3A_166 : vector<1536x64xf32>
    %convert_element_type3A_168 = arith.truncf %add3A_167 : vector<1536x64xf32> to vector<1536x64xbf16>
    %swap3A_169 = arith.constant 2 : index
    %swap3A_170 = arith.constant 0 : index
    %swap3A_171 = arith.constant 0 : index
    %swap3A_172 = vector.load %arg15[%swap3A_169, %swap3A_170, %swap3A_171] : memref<4x1536x64xbf16, #tpu.memory_space<vmem>>, vector<1x1536x64xbf16>
    %swap3A_173 = vector.shape_cast %swap3A_172 : vector<1x1536x64xbf16> to vector<1536x64xbf16>
    %swap3A_174 = vector.shape_cast %convert_element_type3A_168 : vector<1536x64xbf16> to vector<1x1536x64xbf16>
    tpu.vector_store %arg15[%swap3A_169, %swap3A_170, %swap3A_171], %swap3A_174 {strides = array<i32>} : memref<4x1536x64xbf16, #tpu.memory_space<vmem>>, vector<1x1536x64xbf16>,
    %swap3A_175 = arith.constant 2 : index
    %swap3A_176 = arith.constant 36 : index
    %swap3A_177 = arith.constant 0 : index
    %swap3A_178 = vector.load %arg10[%swap3A_175, %swap3A_176, %swap3A_177] : memref<4x232x768xf32, #tpu.memory_space<vmem>>, vector<1x196x768xf32>
    %swap3A_179 = vector.shape_cast %swap3A_178 : vector<1x196x768xf32> to vector<196x768xf32>
    %swap3A_180 = vector.shape_cast %get3A_128 : vector<196x768xf32> to vector<1x196x768xf32>
    tpu.vector_store %arg10[%swap3A_175, %swap3A_176, %swap3A_177], %swap3A_180 {strides = array<i32>} : memref<4x232x768xf32, #tpu.memory_space<vmem>>, vector<1x196x768xf32>,
    %add3A_181 = arith.constant 3 : i32
    %add3A_182 = arith.addi %mul3A_11, %add3A_181 : i32
    %get3A_183 = arith.constant 0 : index
    %get3A_184 = arith.index_cast %add3A_182 : i32 to index
    %get3A_185 = arith.constant 0 : index
    %get3A_186 = vector.load %arg1[%get3A_183, %get3A_184, %get3A_185] : memref<196x8x768xf32, #tpu.memory_space<vmem>>, vector<196x1x768xf32>
    %get3A_187 = vector.shape_cast %get3A_186 : vector<196x1x768xf32> to vector<196x768xf32>
    %reduce_sum3A_188 = arith.constant dense<0.000000e+00> : vector<768xf32>
    %reduce_sum3A_189 = vector.multi_reduction <add>, %get3A_187, %reduce_sum3A_188 [0] : vector<196x768xf32> to vector<768xf32>
    %broadcast_in_dim3A_190 = vector.shape_cast %reduce_sum3A_189 : vector<768xf32> to vector<1x768xf32>
    %div3A_191 = arith.constant 1.960000e+02 : f32
    %div3A_192 = vector.broadcast %div3A_191 : f32 to vector<1x768xf32>
    %div3A_193 = arith.divf %broadcast_in_dim3A_190, %div3A_192 : vector<1x768xf32>
    %mul3A_194 = arith.mulf %div3A_193, %div3A_193 : vector<1x768xf32>
    %reduce_sum3A_195 = vector.shape_cast %mul3A_194 : vector<1x768xf32> to vector<1x1x768xf32>
    %reduce_sum3A_196 = arith.constant dense<0.000000e+00> : vector<1xf32>
    %reduce_sum3A_197 = vector.multi_reduction <add>, %reduce_sum3A_195, %reduce_sum3A_196 [1, 2] : vector<1x1x768xf32> to vector<1xf32>
    %reduce_sum3A_198 = vector.shape_cast %reduce_sum3A_197 : vector<1xf32> to vector<1x1x1xf32>
    %reduce_sum3A_199 = vector.extract %reduce_sum3A_198[0, 0, 0] : f32 from vector<1x1x1xf32>
    %max3A_200 = arith.constant 9.99999996E-13 : f32
    %max3A_201 = arith.maximumf %reduce_sum3A_199, %max3A_200 : f32
    %rsqrt3A_202 = math.rsqrt %max3A_201 : f32
    %mul3A_203 = vector.broadcast %rsqrt3A_202 : f32 to vector<1x768xf32>
    %mul3A_204 = arith.mulf %div3A_193, %mul3A_203 : vector<1x768xf32>
    %swap3A_205 = arith.constant 3 : index
    %swap3A_206 = arith.constant 0 : index
    %swap3A_207 = arith.constant 0 : index
    %swap3A_208 = vector.load %arg11[%swap3A_205, %swap3A_206, %swap3A_207] : memref<4x1x768xf32, #tpu.memory_space<vmem>>, vector<1x1x768xf32>
    %swap3A_209 = vector.shape_cast %swap3A_208 : vector<1x1x768xf32> to vector<1x768xf32>
    %swap3A_210 = vector.shape_cast %mul3A_204 : vector<1x768xf32> to vector<1x1x768xf32>
    tpu.vector_store %arg11[%swap3A_205, %swap3A_206, %swap3A_207], %swap3A_210 {strides = array<i32>} : memref<4x1x768xf32, #tpu.memory_space<vmem>>, vector<1x1x768xf32>,
    %get3A_211 = arith.constant 0 : index
    %get3A_212 = arith.constant 0 : index
    %get3A_213 = vector.load %arg13[%get3A_211, %get3A_212] : memref<1536x768xbf16, #tpu.memory_space<vmem>>, vector<1536x768xbf16>
    %get3A_214 = arith.constant 3 : index
    %get3A_215 = arith.constant 0 : index
    %get3A_216 = arith.constant 0 : index
    %get3A_217 = vector.load %arg2[%get3A_214, %get3A_215, %get3A_216] : memref<4x64x768xf32, #tpu.memory_space<vmem>>, vector<1x64x768xf32>
    %get3A_218 = vector.shape_cast %get3A_217 : vector<1x64x768xf32> to vector<64x768xf32>
    %convert_element_type3A_219 = arith.truncf %get3A_218 : vector<64x768xf32> to vector<64x768xbf16>
    %dot_general3A_220 = arith.constant dense<0.000000e+00> : vector<1536x64xf32>
    %dot_general3A_221 = tpu.matmul %get3A_213, %convert_element_type3A_219, %dot_general3A_220 {dimension_numbers = #tpu.dot_dimension_numbers<[1], [1], [0], [0], [0, 0, 1, 0], [], []>, transpose_lhs_hint = false} : vector<1536x768xbf16>, vector<64x768xbf16>, vector<1536x64xf32> -> vector<1536x64xf32>
    %get3A_222 = arith.constant 0 : index
    %get3A_223 = arith.constant 0 : index
    %get3A_224 = vector.load %arg17[%get3A_222, %get3A_223] : memref<1536x1xf32, #tpu.memory_space<vmem>>, vector<1536x1xf32>
    %add3A_225 = vector.broadcast %get3A_224 : vector<1536x1xf32> to vector<1536x64xf32>
    %add3A_226 = arith.addf %dot_general3A_221, %add3A_225 : vector<1536x64xf32>
    %convert_element_type3A_227 = arith.truncf %add3A_226 : vector<1536x64xf32> to vector<1536x64xbf16>
    %swap3A_228 = arith.constant 3 : index
    %swap3A_229 = arith.constant 0 : index
    %swap3A_230 = arith.constant 0 : index
    %swap3A_231 = vector.load %arg15[%swap3A_228, %swap3A_229, %swap3A_230] : memref<4x1536x64xbf16, #tpu.memory_space<vmem>>, vector<1x1536x64xbf16>
    %swap3A_232 = vector.shape_cast %swap3A_231 : vector<1x1536x64xbf16> to vector<1536x64xbf16>
    %swap3A_233 = vector.shape_cast %convert_element_type3A_227 : vector<1536x64xbf16> to vector<1x1536x64xbf16>
    tpu.vector_store %arg15[%swap3A_228, %swap3A_229, %swap3A_230], %swap3A_233 {strides = array<i32>} : memref<4x1536x64xbf16, #tpu.memory_space<vmem>>, vector<1x1536x64xbf16>,
    %swap3A_234 = arith.constant 3 : index
    %swap3A_235 = arith.constant 36 : index
    %swap3A_236 = arith.constant 0 : index
    %swap3A_237 = vector.load %arg10[%swap3A_234, %swap3A_235, %swap3A_236] : memref<4x232x768xf32, #tpu.memory_space<vmem>>, vector<1x196x768xf32>
    %swap3A_238 = vector.shape_cast %swap3A_237 : vector<1x196x768xf32> to vector<196x768xf32>
    %swap3A_239 = vector.shape_cast %get3A_187 : vector<196x768xf32> to vector<1x196x768xf32>
    tpu.vector_store %arg10[%swap3A_234, %swap3A_235, %swap3A_236], %swap3A_239 {strides = array<i32>} : memref<4x232x768xf32, #tpu.memory_space<vmem>>, vector<1x196x768xf32>,
    %get3A_240 = arith.constant 0 : index
    %get3A_241 = arith.constant 0 : index
    %get3A_242 = vector.load %arg12[%get3A_240, %get3A_241] : memref<768x20xbf16, #tpu.memory_space<vmem>>, vector<96x20xbf16>
    %get3A_243 = arith.constant 0 : index
    %get3A_244 = arith.constant 0 : index
    %get3A_245 = arith.constant 0 : index
    %get3A_246 = vector.load %arg15[%get3A_243, %get3A_244, %get3A_245] : memref<4x1536x64xbf16, #tpu.memory_space<vmem>>, vector<1x96x64xbf16>
    %get3A_247 = vector.shape_cast %get3A_246 : vector<1x96x64xbf16> to vector<96x64xbf16>
    %get3A_248 = arith.constant 0 : index
    %get3A_249 = arith.constant 768 : index
    %get3A_250 = arith.constant 0 : index
    %get3A_251 = vector.load %arg15[%get3A_248, %get3A_249, %get3A_250] : memref<4x1536x64xbf16, #tpu.memory_space<vmem>>, vector<1x96x64xbf16>
    %get3A_252 = vector.shape_cast %get3A_251 : vector<1x96x64xbf16> to vector<96x64xbf16>
    %dot_general3A_253 = arith.constant dense<0.000000e+00> : vector<20x64xf32>
    %dot_general3A_254 = tpu.matmul %get3A_242, %get3A_247, %dot_general3A_253 {dimension_numbers = #tpu.dot_dimension_numbers<[0], [0], [1], [1], [0, 1, 1, 1], [], []>, transpose_lhs_hint = false} : vector<96x20xbf16>, vector<96x64xbf16>, vector<20x64xf32> -> vector<20x64xf32>
    %exp3A = math.exp %dot_general3A_254 : vector<20x64xf32>
    %reduce_sum3A_255 = arith.constant dense<0.000000e+00> : vector<20xf32>
    %reduce_sum3A_256 = vector.multi_reduction <add>, %exp3A, %reduce_sum3A_255 [1] : vector<20x64xf32> to vector<20xf32>
    %broadcast_in_dim3A_257 = vector.shape_cast %reduce_sum3A_256 : vector<20xf32> to vector<20x1xf32>
    %convert_element_type3A_258 = arith.truncf %exp3A : vector<20x64xf32> to vector<20x64xbf16>
    %dot_general3A_259 = arith.constant dense<0.000000e+00> : vector<20x96xf32>
    %dot_general3A_260 = tpu.matmul %convert_element_type3A_258, %get3A_252, %dot_general3A_259 {dimension_numbers = #tpu.dot_dimension_numbers<[1], [1], [0], [0], [0, 0, 1, 0], [], []>, transpose_lhs_hint = false} : vector<20x64xbf16>, vector<96x64xbf16>, vector<20x96xf32> -> vector<20x96xf32>
    %div3A_261 = arith.constant 1.000000e+00 : f32
    %div3A_262 = vector.broadcast %div3A_261 : f32 to vector<20x1xf32>
    %div3A_263 = arith.divf %div3A_262, %broadcast_in_dim3A_257 : vector<20x1xf32>
    %mul3A_264 = vector.broadcast %div3A_263 : vector<20x1xf32> to vector<20x96xf32>
    %mul3A_265 = arith.mulf %dot_general3A_260, %mul3A_264 : vector<20x96xf32>
    %convert_element_type3A_266 = arith.truncf %mul3A_265 : vector<20x96xf32> to vector<20x96xbf16>
    %swap3A_267 = arith.constant 0 : index
    %swap3A_268 = arith.constant 0 : index
    %swap3A_269 = arith.constant 0 : index
    %swap3A_270 = vector.load %arg16[%swap3A_267, %swap3A_268, %swap3A_269] : memref<4x20x768xbf16, #tpu.memory_space<vmem>>, vector<1x20x96xbf16>
    %swap3A_271 = vector.shape_cast %swap3A_270 : vector<1x20x96xbf16> to vector<20x96xbf16>
    %swap3A_272 = vector.shape_cast %convert_element_type3A_266 : vector<20x96xbf16> to vector<1x20x96xbf16>
    tpu.vector_store %arg16[%swap3A_267, %swap3A_268, %swap3A_269], %swap3A_272 {strides = array<i32>} : memref<4x20x768xbf16, #tpu.memory_space<vmem>>, vector<1x20x96xbf16>,
    %get3A_273 = arith.constant 1 : index
    %get3A_274 = arith.constant 0 : index
    %get3A_275 = arith.constant 0 : index
    %get3A_276 = vector.load %arg15[%get3A_273, %get3A_274, %get3A_275] : memref<4x1536x64xbf16, #tpu.memory_space<vmem>>, vector<1x96x64xbf16>
    %get3A_277 = vector.shape_cast %get3A_276 : vector<1x96x64xbf16> to vector<96x64xbf16>
    %get3A_278 = arith.constant 1 : index
    %get3A_279 = arith.constant 768 : index
    %get3A_280 = arith.constant 0 : index
    %get3A_281 = vector.load %arg15[%get3A_278, %get3A_279, %get3A_280] : memref<4x1536x64xbf16, #tpu.memory_space<vmem>>, vector<1x96x64xbf16>
    %get3A_282 = vector.shape_cast %get3A_281 : vector<1x96x64xbf16> to vector<96x64xbf16>
    %dot_general3A_283 = arith.constant dense<0.000000e+00> : vector<20x64xf32>
    %dot_general3A_284 = tpu.matmul %get3A_242, %get3A_277, %dot_general3A_283 {dimension_numbers = #tpu.dot_dimension_numbers<[0], [0], [1], [1], [0, 1, 1, 1], [], []>, transpose_lhs_hint = false} : vector<96x20xbf16>, vector<96x64xbf16>, vector<20x64xf32> -> vector<20x64xf32>
    %exp3A_285 = math.exp %dot_general3A_284 : vector<20x64xf32>
    %reduce_sum3A_286 = arith.constant dense<0.000000e+00> : vector<20xf32>
    %reduce_sum3A_287 = vector.multi_reduction <add>, %exp3A_285, %reduce_sum3A_286 [1] : vector<20x64xf32> to vector<20xf32>
    %broadcast_in_dim3A_288 = vector.shape_cast %reduce_sum3A_287 : vector<20xf32> to vector<20x1xf32>
    %convert_element_type3A_289 = arith.truncf %exp3A_285 : vector<20x64xf32> to vector<20x64xbf16>
    %dot_general3A_290 = arith.constant dense<0.000000e+00> : vector<20x96xf32>
    %dot_general3A_291 = tpu.matmul %convert_element_type3A_289, %get3A_282, %dot_general3A_290 {dimension_numbers = #tpu.dot_dimension_numbers<[1], [1], [0], [0], [0, 0, 1, 0], [], []>, transpose_lhs_hint = false} : vector<20x64xbf16>, vector<96x64xbf16>, vector<20x96xf32> -> vector<20x96xf32>
    %div3A_292 = arith.constant 1.000000e+00 : f32
    %div3A_293 = vector.broadcast %div3A_292 : f32 to vector<20x1xf32>
    %div3A_294 = arith.divf %div3A_293, %broadcast_in_dim3A_288 : vector<20x1xf32>
    %mul3A_295 = vector.broadcast %div3A_294 : vector<20x1xf32> to vector<20x96xf32>
    %mul3A_296 = arith.mulf %dot_general3A_291, %mul3A_295 : vector<20x96xf32>
    %convert_element_type3A_297 = arith.truncf %mul3A_296 : vector<20x96xf32> to vector<20x96xbf16>
    %swap3A_298 = arith.constant 1 : index
    %swap3A_299 = arith.constant 0 : index
    %swap3A_300 = arith.constant 0 : index
    %swap3A_301 = vector.load %arg16[%swap3A_298, %swap3A_299, %swap3A_300] : memref<4x20x768xbf16, #tpu.memory_space<vmem>>, vector<1x20x96xbf16>
    %swap3A_302 = vector.shape_cast %swap3A_301 : vector<1x20x96xbf16> to vector<20x96xbf16>
    %swap3A_303 = vector.shape_cast %convert_element_type3A_297 : vector<20x96xbf16> to vector<1x20x96xbf16>
    tpu.vector_store %arg16[%swap3A_298, %swap3A_299, %swap3A_300], %swap3A_303 {strides = array<i32>} : memref<4x20x768xbf16, #tpu.memory_space<vmem>>, vector<1x20x96xbf16>,
    %get3A_304 = arith.constant 2 : index
    %get3A_305 = arith.constant 0 : index
    %get3A_306 = arith.constant 0 : index
    %get3A_307 = vector.load %arg15[%get3A_304, %get3A_305, %get3A_306] : memref<4x1536x64xbf16, #tpu.memory_space<vmem>>, vector<1x96x64xbf16>
    %get3A_308 = vector.shape_cast %get3A_307 : vector<1x96x64xbf16> to vector<96x64xbf16>
    %get3A_309 = arith.constant 2 : index
    %get3A_310 = arith.constant 768 : index
    %get3A_311 = arith.constant 0 : index
    %get3A_312 = vector.load %arg15[%get3A_309, %get3A_310, %get3A_311] : memref<4x1536x64xbf16, #tpu.memory_space<vmem>>, vector<1x96x64xbf16>
    %get3A_313 = vector.shape_cast %get3A_312 : vector<1x96x64xbf16> to vector<96x64xbf16>
    %dot_general3A_314 = arith.constant dense<0.000000e+00> : vector<20x64xf32>
    %dot_general3A_315 = tpu.matmul %get3A_242, %get3A_308, %dot_general3A_314 {dimension_numbers = #tpu.dot_dimension_numbers<[0], [0], [1], [1], [0, 1, 1, 1], [], []>, transpose_lhs_hint = false} : vector<96x20xbf16>, vector<96x64xbf16>, vector<20x64xf32> -> vector<20x64xf32>
    %exp3A_316 = math.exp %dot_general3A_315 : vector<20x64xf32>
    %reduce_sum3A_317 = arith.constant dense<0.000000e+00> : vector<20xf32>
    %reduce_sum3A_318 = vector.multi_reduction <add>, %exp3A_316, %reduce_sum3A_317 [1] : vector<20x64xf32> to vector<20xf32>
    %broadcast_in_dim3A_319 = vector.shape_cast %reduce_sum3A_318 : vector<20xf32> to vector<20x1xf32>
    %convert_element_type3A_320 = arith.truncf %exp3A_316 : vector<20x64xf32> to vector<20x64xbf16>
    %dot_general3A_321 = arith.constant dense<0.000000e+00> : vector<20x96xf32>
    %dot_general3A_322 = tpu.matmul %convert_element_type3A_320, %get3A_313, %dot_general3A_321 {dimension_numbers = #tpu.dot_dimension_numbers<[1], [1], [0], [0], [0, 0, 1, 0], [], []>, transpose_lhs_hint = false} : vector<20x64xbf16>, vector<96x64xbf16>, vector<20x96xf32> -> vector<20x96xf32>
    %div3A_323 = arith.constant 1.000000e+00 : f32
    %div3A_324 = vector.broadcast %div3A_323 : f32 to vector<20x1xf32>
    %div3A_325 = arith.divf %div3A_324, %broadcast_in_dim3A_319 : vector<20x1xf32>
    %mul3A_326 = vector.broadcast %div3A_325 : vector<20x1xf32> to vector<20x96xf32>
    %mul3A_327 = arith.mulf %dot_general3A_322, %mul3A_326 : vector<20x96xf32>
    %convert_element_type3A_328 = arith.truncf %mul3A_327 : vector<20x96xf32> to vector<20x96xbf16>
    %swap3A_329 = arith.constant 2 : index
    %swap3A_330 = arith.constant 0 : index
    %swap3A_331 = arith.constant 0 : index
    %swap3A_332 = vector.load %arg16[%swap3A_329, %swap3A_330, %swap3A_331] : memref<4x20x768xbf16, #tpu.memory_space<vmem>>, vector<1x20x96xbf16>
    %swap3A_333 = vector.shape_cast %swap3A_332 : vector<1x20x96xbf16> to vector<20x96xbf16>
    %swap3A_334 = vector.shape_cast %convert_element_type3A_328 : vector<20x96xbf16> to vector<1x20x96xbf16>
    tpu.vector_store %arg16[%swap3A_329, %swap3A_330, %swap3A_331], %swap3A_334 {strides = array<i32>} : memref<4x20x768xbf16, #tpu.memory_space<vmem>>, vector<1x20x96xbf16>,
    %get3A_335 = arith.constant 3 : index
    %get3A_336 = arith.constant 0 : index
    %get3A_337 = arith.constant 0 : index
    %get3A_338 = vector.load %arg15[%get3A_335, %get3A_336, %get3A_337] : memref<4x1536x64xbf16, #tpu.memory_space<vmem>>, vector<1x96x64xbf16>
    %get3A_339 = vector.shape_cast %get3A_338 : vector<1x96x64xbf16> to vector<96x64xbf16>
    %get3A_340 = arith.constant 3 : index
    %get3A_341 = arith.constant 768 : index
    %get3A_342 = arith.constant 0 : index
    %get3A_343 = vector.load %arg15[%get3A_340, %get3A_341, %get3A_342] : memref<4x1536x64xbf16, #tpu.memory_space<vmem>>, vector<1x96x64xbf16>
    %get3A_344 = vector.shape_cast %get3A_343 : vector<1x96x64xbf16> to vector<96x64xbf16>
    %dot_general3A_345 = arith.constant dense<0.000000e+00> : vector<20x64xf32>
    %dot_general3A_346 = tpu.matmul %get3A_242, %get3A_339, %dot_general3A_345 {dimension_numbers = #tpu.dot_dimension_numbers<[0], [0], [1], [1], [0, 1, 1, 1], [], []>, transpose_lhs_hint = false} : vector<96x20xbf16>, vector<96x64xbf16>, vector<20x64xf32> -> vector<20x64xf32>
    %exp3A_347 = math.exp %dot_general3A_346 : vector<20x64xf32>
    %reduce_sum3A_348 = arith.constant dense<0.000000e+00> : vector<20xf32>
    %reduce_sum3A_349 = vector.multi_reduction <add>, %exp3A_347, %reduce_sum3A_348 [1] : vector<20x64xf32> to vector<20xf32>
    %broadcast_in_dim3A_350 = vector.shape_cast %reduce_sum3A_349 : vector<20xf32> to vector<20x1xf32>
    %convert_element_type3A_351 = arith.truncf %exp3A_347 : vector<20x64xf32> to vector<20x64xbf16>
    %dot_general3A_352 = arith.constant dense<0.000000e+00> : vector<20x96xf32>
    %dot_general3A_353 = tpu.matmul %convert_element_type3A_351, %get3A_344, %dot_general3A_352 {dimension_numbers = #tpu.dot_dimension_numbers<[1], [1], [0], [0], [0, 0, 1, 0], [], []>, transpose_lhs_hint = false} : vector<20x64xbf16>, vector<96x64xbf16>, vector<20x96xf32> -> vector<20x96xf32>
    %div3A_354 = arith.constant 1.000000e+00 : f32
    %div3A_355 = vector.broadcast %div3A_354 : f32 to vector<20x1xf32>
    %div3A_356 = arith.divf %div3A_355, %broadcast_in_dim3A_350 : vector<20x1xf32>
    %mul3A_357 = vector.broadcast %div3A_356 : vector<20x1xf32> to vector<20x96xf32>
    %mul3A_358 = arith.mulf %dot_general3A_353, %mul3A_357 : vector<20x96xf32>
    %convert_element_type3A_359 = arith.truncf %mul3A_358 : vector<20x96xf32> to vector<20x96xbf16>
    %swap3A_360 = arith.constant 3 : index
    %swap3A_361 = arith.constant 0 : index
    %swap3A_362 = arith.constant 0 : index
    %swap3A_363 = vector.load %arg16[%swap3A_360, %swap3A_361, %swap3A_362] : memref<4x20x768xbf16, #tpu.memory_space<vmem>>, vector<1x20x96xbf16>
    %swap3A_364 = vector.shape_cast %swap3A_363 : vector<1x20x96xbf16> to vector<20x96xbf16>
    %swap3A_365 = vector.shape_cast %convert_element_type3A_359 : vector<20x96xbf16> to vector<1x20x96xbf16>
    tpu.vector_store %arg16[%swap3A_360, %swap3A_361, %swap3A_362], %swap3A_365 {strides = array<i32>} : memref<4x20x768xbf16, #tpu.memory_space<vmem>>, vector<1x20x96xbf16>,
    %get3A_366 = arith.constant 96 : index
    %get3A_367 = arith.constant 0 : index
    %get3A_368 = vector.load %arg12[%get3A_366, %get3A_367] : memref<768x20xbf16, #tpu.memory_space<vmem>>, vector<96x20xbf16>
    %get3A_369 = arith.constant 0 : index
    %get3A_370 = arith.constant 96 : index
    %get3A_371 = arith.constant 0 : index
    %get3A_372 = vector.load %arg15[%get3A_369, %get3A_370, %get3A_371] : memref<4x1536x64xbf16, #tpu.memory_space<vmem>>, vector<1x96x64xbf16>
    %get3A_373 = vector.shape_cast %get3A_372 : vector<1x96x64xbf16> to vector<96x64xbf16>
    %get3A_374 = arith.constant 0 : index
    %get3A_375 = arith.constant 864 : index
    %get3A_376 = arith.constant 0 : index
    %get3A_377 = vector.load %arg15[%get3A_374, %get3A_375, %get3A_376] : memref<4x1536x64xbf16, #tpu.memory_space<vmem>>, vector<1x96x64xbf16>
    %get3A_378 = vector.shape_cast %get3A_377 : vector<1x96x64xbf16> to vector<96x64xbf16>
    %dot_general3A_379 = arith.constant dense<0.000000e+00> : vector<20x64xf32>
    %dot_general3A_380 = tpu.matmul %get3A_368, %get3A_373, %dot_general3A_379 {dimension_numbers = #tpu.dot_dimension_numbers<[0], [0], [1], [1], [0, 1, 1, 1], [], []>, transpose_lhs_hint = false} : vector<96x20xbf16>, vector<96x64xbf16>, vector<20x64xf32> -> vector<20x64xf32>
    %exp3A_381 = math.exp %dot_general3A_380 : vector<20x64xf32>
    %reduce_sum3A_382 = arith.constant dense<0.000000e+00> : vector<20xf32>
    %reduce_sum3A_383 = vector.multi_reduction <add>, %exp3A_381, %reduce_sum3A_382 [1] : vector<20x64xf32> to vector<20xf32>
    %broadcast_in_dim3A_384 = vector.shape_cast %reduce_sum3A_383 : vector<20xf32> to vector<20x1xf32>
    %convert_element_type3A_385 = arith.truncf %exp3A_381 : vector<20x64xf32> to vector<20x64xbf16>
    %dot_general3A_386 = arith.constant dense<0.000000e+00> : vector<20x96xf32>
    %dot_general3A_387 = tpu.matmul %convert_element_type3A_385, %get3A_378, %dot_general3A_386 {dimension_numbers = #tpu.dot_dimension_numbers<[1], [1], [0], [0], [0, 0, 1, 0], [], []>, transpose_lhs_hint = false} : vector<20x64xbf16>, vector<96x64xbf16>, vector<20x96xf32> -> vector<20x96xf32>
    %div3A_388 = arith.constant 1.000000e+00 : f32
    %div3A_389 = vector.broadcast %div3A_388 : f32 to vector<20x1xf32>
    %div3A_390 = arith.divf %div3A_389, %broadcast_in_dim3A_384 : vector<20x1xf32>
    %mul3A_391 = vector.broadcast %div3A_390 : vector<20x1xf32> to vector<20x96xf32>
    %mul3A_392 = arith.mulf %dot_general3A_387, %mul3A_391 : vector<20x96xf32>
    %convert_element_type3A_393 = arith.truncf %mul3A_392 : vector<20x96xf32> to vector<20x96xbf16>
    %swap3A_394 = arith.constant 0 : index
    %swap3A_395 = arith.constant 0 : index
    %swap3A_396 = arith.constant 96 : index
    %swap3A_397 = vector.load %arg16[%swap3A_394, %swap3A_395, %swap3A_396] : memref<4x20x768xbf16, #tpu.memory_space<vmem>>, vector<1x20x96xbf16>
    %swap3A_398 = vector.shape_cast %swap3A_397 : vector<1x20x96xbf16> to vector<20x96xbf16>
    %swap3A_399 = vector.shape_cast %convert_element_type3A_393 : vector<20x96xbf16> to vector<1x20x96xbf16>
    tpu.vector_store %arg16[%swap3A_394, %swap3A_395, %swap3A_396], %swap3A_399 {strides = array<i32>} : memref<4x20x768xbf16, #tpu.memory_space<vmem>>, vector<1x20x96xbf16>,
    %get3A_400 = arith.constant 1 : index
    %get3A_401 = arith.constant 96 : index
    %get3A_402 = arith.constant 0 : index
    %get3A_403 = vector.load %arg15[%get3A_400, %get3A_401, %get3A_402] : memref<4x1536x64xbf16, #tpu.memory_space<vmem>>, vector<1x96x64xbf16>
    %get3A_404 = vector.shape_cast %get3A_403 : vector<1x96x64xbf16> to vector<96x64xbf16>
    %get3A_405 = arith.constant 1 : index
    %get3A_406 = arith.constant 864 : index
    %get3A_407 = arith.constant 0 : index
    %get3A_408 = vector.load %arg15[%get3A_405, %get3A_406, %get3A_407] : memref<4x1536x64xbf16, #tpu.memory_space<vmem>>, vector<1x96x64xbf16>
    %get3A_409 = vector.shape_cast %get3A_408 : vector<1x96x64xbf16> to vector<96x64xbf16>
    %dot_general3A_410 = arith.constant dense<0.000000e+00> : vector<20x64xf32>
    %dot_general3A_411 = tpu.matmul %get3A_368, %get3A_404, %dot_general3A_410 {dimension_numbers = #tpu.dot_dimension_numbers<[0], [0], [1], [1], [0, 1, 1, 1], [], []>, transpose_lhs_hint = false} : vector<96x20xbf16>, vector<96x64xbf16>, vector<20x64xf32> -> vector<20x64xf32>
    %exp3A_412 = math.exp %dot_general3A_411 : vector<20x64xf32>
    %reduce_sum3A_413 = arith.constant dense<0.000000e+00> : vector<20xf32>
    %reduce_sum3A_414 = vector.multi_reduction <add>, %exp3A_412, %reduce_sum3A_413 [1] : vector<20x64xf32> to vector<20xf32>
    %broadcast_in_dim3A_415 = vector.shape_cast %reduce_sum3A_414 : vector<20xf32> to vector<20x1xf32>
    %convert_element_type3A_416 = arith.truncf %exp3A_412 : vector<20x64xf32> to vector<20x64xbf16>
    %dot_general3A_417 = arith.constant dense<0.000000e+00> : vector<20x96xf32>
    %dot_general3A_418 = tpu.matmul %convert_element_type3A_416, %get3A_409, %dot_general3A_417 {dimension_numbers = #tpu.dot_dimension_numbers<[1], [1], [0], [0], [0, 0, 1, 0], [], []>, transpose_lhs_hint = false} : vector<20x64xbf16>, vector<96x64xbf16>, vector<20x96xf32> -> vector<20x96xf32>
    %div3A_419 = arith.constant 1.000000e+00 : f32
    %div3A_420 = vector.broadcast %div3A_419 : f32 to vector<20x1xf32>
    %div3A_421 = arith.divf %div3A_420, %broadcast_in_dim3A_415 : vector<20x1xf32>
    %mul3A_422 = vector.broadcast %div3A_421 : vector<20x1xf32> to vector<20x96xf32>
    %mul3A_423 = arith.mulf %dot_general3A_418, %mul3A_422 : vector<20x96xf32>
    %convert_element_type3A_424 = arith.truncf %mul3A_423 : vector<20x96xf32> to vector<20x96xbf16>
    %swap3A_425 = arith.constant 1 : index
    %swap3A_426 = arith.constant 0 : index
    %swap3A_427 = arith.constant 96 : index
    %swap3A_428 = vector.load %arg16[%swap3A_425, %swap3A_426, %swap3A_427] : memref<4x20x768xbf16, #tpu.memory_space<vmem>>, vector<1x20x96xbf16>
    %swap3A_429 = vector.shape_cast %swap3A_428 : vector<1x20x96xbf16> to vector<20x96xbf16>
    %swap3A_430 = vector.shape_cast %convert_element_type3A_424 : vector<20x96xbf16> to vector<1x20x96xbf16>
    tpu.vector_store %arg16[%swap3A_425, %swap3A_426, %swap3A_427], %swap3A_430 {strides = array<i32>} : memref<4x20x768xbf16, #tpu.memory_space<vmem>>, vector<1x20x96xbf16>,
    %get3A_431 = arith.constant 2 : index
    %get3A_432 = arith.constant 96 : index
    %get3A_433 = arith.constant 0 : index
    %get3A_434 = vector.load %arg15[%get3A_431, %get3A_432, %get3A_433] : memref<4x1536x64xbf16, #tpu.memory_space<vmem>>, vector<1x96x64xbf16>
    %get3A_435 = vector.shape_cast %get3A_434 : vector<1x96x64xbf16> to vector<96x64xbf16>
    %get3A_436 = arith.constant 2 : index
    %get3A_437 = arith.constant 864 : index
    %get3A_438 = arith.constant 0 : index
    %get3A_439 = vector.load %arg15[%get3A_436, %get3A_437, %get3A_438] : memref<4x1536x64xbf16, #tpu.memory_space<vmem>>, vector<1x96x64xbf16>
    %get3A_440 = vector.shape_cast %get3A_439 : vector<1x96x64xbf16> to vector<96x64xbf16>
    %dot_general3A_441 = arith.constant dense<0.000000e+00> : vector<20x64xf32>
    %dot_general3A_442 = tpu.matmul %get3A_368, %get3A_435, %dot_general3A_441 {dimension_numbers = #tpu.dot_dimension_numbers<[0], [0], [1], [1], [0, 1, 1, 1], [], []>, transpose_lhs_hint = false} : vector<96x20xbf16>, vector<96x64xbf16>, vector<20x64xf32> -> vector<20x64xf32>
    %exp3A_443 = math.exp %dot_general3A_442 : vector<20x64xf32>
    %reduce_sum3A_444 = arith.constant dense<0.000000e+00> : vector<20xf32>
    %reduce_sum3A_445 = vector.multi_reduction <add>, %exp3A_443, %reduce_sum3A_444 [1] : vector<20x64xf32> to vector<20xf32>
    %broadcast_in_dim3A_446 = vector.shape_cast %reduce_sum3A_445 : vector<20xf32> to vector<20x1xf32>
    %convert_element_type3A_447 = arith.truncf %exp3A_443 : vector<20x64xf32> to vector<20x64xbf16>
    %dot_general3A_448 = arith.constant dense<0.000000e+00> : vector<20x96xf32>
    %dot_general3A_449 = tpu.matmul %convert_element_type3A_447, %get3A_440, %dot_general3A_448 {dimension_numbers = #tpu.dot_dimension_numbers<[1], [1], [0], [0], [0, 0, 1, 0], [], []>, transpose_lhs_hint = false} : vector<20x64xbf16>, vector<96x64xbf16>, vector<20x96xf32> -> vector<20x96xf32>
    %div3A_450 = arith.constant 1.000000e+00 : f32
    %div3A_451 = vector.broadcast %div3A_450 : f32 to vector<20x1xf32>
    %div3A_452 = arith.divf %div3A_451, %broadcast_in_dim3A_446 : vector<20x1xf32>
    %mul3A_453 = vector.broadcast %div3A_452 : vector<20x1xf32> to vector<20x96xf32>
    %mul3A_454 = arith.mulf %dot_general3A_449, %mul3A_453 : vector<20x96xf32>
    %convert_element_type3A_455 = arith.truncf %mul3A_454 : vector<20x96xf32> to vector<20x96xbf16>
    %swap3A_456 = arith.constant 2 : index
    %swap3A_457 = arith.constant 0 : index
    %swap3A_458 = arith.constant 96 : index
    %swap3A_459 = vector.load %arg16[%swap3A_456, %swap3A_457, %swap3A_458] : memref<4x20x768xbf16, #tpu.memory_space<vmem>>, vector<1x20x96xbf16>
    %swap3A_460 = vector.shape_cast %swap3A_459 : vector<1x20x96xbf16> to vector<20x96xbf16>
    %swap3A_461 = vector.shape_cast %convert_element_type3A_455 : vector<20x96xbf16> to vector<1x20x96xbf16>
    tpu.vector_store %arg16[%swap3A_456, %swap3A_457, %swap3A_458], %swap3A_461 {strides = array<i32>} : memref<4x20x768xbf16, #tpu.memory_space<vmem>>, vector<1x20x96xbf16>,
    %get3A_462 = arith.constant 3 : index
    %get3A_463 = arith.constant 96 : index
    %get3A_464 = arith.constant 0 : index
    %get3A_465 = vector.load %arg15[%get3A_462, %get3A_463, %get3A_464] : memref<4x1536x64xbf16, #tpu.memory_space<vmem>>, vector<1x96x64xbf16>
    %get3A_466 = vector.shape_cast %get3A_465 : vector<1x96x64xbf16> to vector<96x64xbf16>
    %get3A_467 = arith.constant 3 : index
    %get3A_468 = arith.constant 864 : index
    %get3A_469 = arith.constant 0 : index
    %get3A_470 = vector.load %arg15[%get3A_467, %get3A_468, %get3A_469] : memref<4x1536x64xbf16, #tpu.memory_space<vmem>>, vector<1x96x64xbf16>
    %get3A_471 = vector.shape_cast %get3A_470 : vector<1x96x64xbf16> to vector<96x64xbf16>
    %dot_general3A_472 = arith.constant dense<0.000000e+00> : vector<20x64xf32>
    %dot_general3A_473 = tpu.matmul %get3A_368, %get3A_466, %dot_general3A_472 {dimension_numbers = #tpu.dot_dimension_numbers<[0], [0], [1], [1], [0, 1, 1, 1], [], []>, transpose_lhs_hint = false} : vector<96x20xbf16>, vector<96x64xbf16>, vector<20x64xf32> -> vector<20x64xf32>
    %exp3A_474 = math.exp %dot_general3A_473 : vector<20x64xf32>
    %reduce_sum3A_475 = arith.constant dense<0.000000e+00> : vector<20xf32>
    %reduce_sum3A_476 = vector.multi_reduction <add>, %exp3A_474, %reduce_sum3A_475 [1] : vector<20x64xf32> to vector<20xf32>
    %broadcast_in_dim3A_477 = vector.shape_cast %reduce_sum3A_476 : vector<20xf32> to vector<20x1xf32>
    %convert_element_type3A_478 = arith.truncf %exp3A_474 : vector<20x64xf32> to vector<20x64xbf16>
    %dot_general3A_479 = arith.constant dense<0.000000e+00> : vector<20x96xf32>
    %dot_general3A_480 = tpu.matmul %convert_element_type3A_478, %get3A_471, %dot_general3A_479 {dimension_numbers = #tpu.dot_dimension_numbers<[1], [1], [0], [0], [0, 0, 1, 0], [], []>, transpose_lhs_hint = false} : vector<20x64xbf16>, vector<96x64xbf16>, vector<20x96xf32> -> vector<20x96xf32>
    %div3A_481 = arith.constant 1.000000e+00 : f32
    %div3A_482 = vector.broadcast %div3A_481 : f32 to vector<20x1xf32>
    %div3A_483 = arith.divf %div3A_482, %broadcast_in_dim3A_477 : vector<20x1xf32>
    %mul3A_484 = vector.broadcast %div3A_483 : vector<20x1xf32> to vector<20x96xf32>
    %mul3A_485 = arith.mulf %dot_general3A_480, %mul3A_484 : vector<20x96xf32>
    %convert_element_type3A_486 = arith.truncf %mul3A_485 : vector<20x96xf32> to vector<20x96xbf16>
    %swap3A_487 = arith.constant 3 : index
    %swap3A_488 = arith.constant 0 : index
    %swap3A_489 = arith.constant 96 : index
    %swap3A_490 = vector.load %arg16[%swap3A_487, %swap3A_488, %swap3A_489] : memref<4x20x768xbf16, #tpu.memory_space<vmem>>, vector<1x20x96xbf16>
    %swap3A_491 = vector.shape_cast %swap3A_490 : vector<1x20x96xbf16> to vector<20x96xbf16>
    %swap3A_492 = vector.shape_cast %convert_element_type3A_486 : vector<20x96xbf16> to vector<1x20x96xbf16>
    tpu.vector_store %arg16[%swap3A_487, %swap3A_488, %swap3A_489], %swap3A_492 {strides = array<i32>} : memref<4x20x768xbf16, #tpu.memory_space<vmem>>, vector<1x20x96xbf16>,
    %get3A_493 = arith.constant 192 : index
    %get3A_494 = arith.constant 0 : index
    %get3A_495 = vector.load %arg12[%get3A_493, %get3A_494] : memref<768x20xbf16, #tpu.memory_space<vmem>>, vector<96x20xbf16>
    %get3A_496 = arith.constant 0 : index
    %get3A_497 = arith.constant 192 : index
    %get3A_498 = arith.constant 0 : index
    %get3A_499 = vector.load %arg15[%get3A_496, %get3A_497, %get3A_498] : memref<4x1536x64xbf16, #tpu.memory_space<vmem>>, vector<1x96x64xbf16>
    %get3A_500 = vector.shape_cast %get3A_499 : vector<1x96x64xbf16> to vector<96x64xbf16>
    %get3A_501 = arith.constant 0 : index
    %get3A_502 = arith.constant 960 : index
    %get3A_503 = arith.constant 0 : index
    %get3A_504 = vector.load %arg15[%get3A_501, %get3A_502, %get3A_503] : memref<4x1536x64xbf16, #tpu.memory_space<vmem>>, vector<1x96x64xbf16>
    %get3A_505 = vector.shape_cast %get3A_504 : vector<1x96x64xbf16> to vector<96x64xbf16>
    %dot_general3A_506 = arith.constant dense<0.000000e+00> : vector<20x64xf32>
    %dot_general3A_507 = tpu.matmul %get3A_495, %get3A_500, %dot_general3A_506 {dimension_numbers = #tpu.dot_dimension_numbers<[0], [0], [1], [1], [0, 1, 1, 1], [], []>, transpose_lhs_hint = false} : vector<96x20xbf16>, vector<96x64xbf16>, vector<20x64xf32> -> vector<20x64xf32>
    %exp3A_508 = math.exp %dot_general3A_507 : vector<20x64xf32>
    %reduce_sum3A_509 = arith.constant dense<0.000000e+00> : vector<20xf32>
    %reduce_sum3A_510 = vector.multi_reduction <add>, %exp3A_508, %reduce_sum3A_509 [1] : vector<20x64xf32> to vector<20xf32>
    %broadcast_in_dim3A_511 = vector.shape_cast %reduce_sum3A_510 : vector<20xf32> to vector<20x1xf32>
    %convert_element_type3A_512 = arith.truncf %exp3A_508 : vector<20x64xf32> to vector<20x64xbf16>
    %dot_general3A_513 = arith.constant dense<0.000000e+00> : vector<20x96xf32>
    %dot_general3A_514 = tpu.matmul %convert_element_type3A_512, %get3A_505, %dot_general3A_513 {dimension_numbers = #tpu.dot_dimension_numbers<[1], [1], [0], [0], [0, 0, 1, 0], [], []>, transpose_lhs_hint = false} : vector<20x64xbf16>, vector<96x64xbf16>, vector<20x96xf32> -> vector<20x96xf32>
    %div3A_515 = arith.constant 1.000000e+00 : f32
    %div3A_516 = vector.broadcast %div3A_515 : f32 to vector<20x1xf32>
    %div3A_517 = arith.divf %div3A_516, %broadcast_in_dim3A_511 : vector<20x1xf32>
    %mul3A_518 = vector.broadcast %div3A_517 : vector<20x1xf32> to vector<20x96xf32>
    %mul3A_519 = arith.mulf %dot_general3A_514, %mul3A_518 : vector<20x96xf32>
    %convert_element_type3A_520 = arith.truncf %mul3A_519 : vector<20x96xf32> to vector<20x96xbf16>
    %swap3A_521 = arith.constant 0 : index
    %swap3A_522 = arith.constant 0 : index
    %swap3A_523 = arith.constant 192 : index
    %swap3A_524 = vector.load %arg16[%swap3A_521, %swap3A_522, %swap3A_523] : memref<4x20x768xbf16, #tpu.memory_space<vmem>>, vector<1x20x96xbf16>
    %swap3A_525 = vector.shape_cast %swap3A_524 : vector<1x20x96xbf16> to vector<20x96xbf16>
    %swap3A_526 = vector.shape_cast %convert_element_type3A_520 : vector<20x96xbf16> to vector<1x20x96xbf16>
    tpu.vector_store %arg16[%swap3A_521, %swap3A_522, %swap3A_523], %swap3A_526 {strides = array<i32>} : memref<4x20x768xbf16, #tpu.memory_space<vmem>>, vector<1x20x96xbf16>,
    %get3A_527 = arith.constant 1 : index
    %get3A_528 = arith.constant 192 : index
    %get3A_529 = arith.constant 0 : index
    %get3A_530 = vector.load %arg15[%get3A_527, %get3A_528, %get3A_529] : memref<4x1536x64xbf16, #tpu.memory_space<vmem>>, vector<1x96x64xbf16>
    %get3A_531 = vector.shape_cast %get3A_530 : vector<1x96x64xbf16> to vector<96x64xbf16>
    %get3A_532 = arith.constant 1 : index
    %get3A_533 = arith.constant 960 : index
    %get3A_534 = arith.constant 0 : index
    %get3A_535 = vector.load %arg15[%get3A_532, %get3A_533, %get3A_534] : memref<4x1536x64xbf16, #tpu.memory_space<vmem>>, vector<1x96x64xbf16>
    %get3A_536 = vector.shape_cast %get3A_535 : vector<1x96x64xbf16> to vector<96x64xbf16>
    %dot_general3A_537 = arith.constant dense<0.000000e+00> : vector<20x64xf32>
    %dot_general3A_538 = tpu.matmul %get3A_495, %get3A_531, %dot_general3A_537 {dimension_numbers = #tpu.dot_dimension_numbers<[0], [0], [1], [1], [0, 1, 1, 1], [], []>, transpose_lhs_hint = false} : vector<96x20xbf16>, vector<96x64xbf16>, vector<20x64xf32> -> vector<20x64xf32>
    %exp3A_539 = math.exp %dot_general3A_538 : vector<20x64xf32>
    %reduce_sum3A_540 = arith.constant dense<0.000000e+00> : vector<20xf32>
    %reduce_sum3A_541 = vector.multi_reduction <add>, %exp3A_539, %reduce_sum3A_540 [1] : vector<20x64xf32> to vector<20xf32>
    %broadcast_in_dim3A_542 = vector.shape_cast %reduce_sum3A_541 : vector<20xf32> to vector<20x1xf32>
    %convert_element_type3A_543 = arith.truncf %exp3A_539 : vector<20x64xf32> to vector<20x64xbf16>
    %dot_general3A_544 = arith.constant dense<0.000000e+00> : vector<20x96xf32>
    %dot_general3A_545 = tpu.matmul %convert_element_type3A_543, %get3A_536, %dot_general3A_544 {dimension_numbers = #tpu.dot_dimension_numbers<[1], [1], [0], [0], [0, 0, 1, 0], [], []>, transpose_lhs_hint = false} : vector<20x64xbf16>, vector<96x64xbf16>, vector<20x96xf32> -> vector<20x96xf32>
    %div3A_546 = arith.constant 1.000000e+00 : f32
    %div3A_547 = vector.broadcast %div3A_546 : f32 to vector<20x1xf32>
    %div3A_548 = arith.divf %div3A_547, %broadcast_in_dim3A_542 : vector<20x1xf32>
    %mul3A_549 = vector.broadcast %div3A_548 : vector<20x1xf32> to vector<20x96xf32>
    %mul3A_550 = arith.mulf %dot_general3A_545, %mul3A_549 : vector<20x96xf32>
    %convert_element_type3A_551 = arith.truncf %mul3A_550 : vector<20x96xf32> to vector<20x96xbf16>
    %swap3A_552 = arith.constant 1 : index
    %swap3A_553 = arith.constant 0 : index
    %swap3A_554 = arith.constant 192 : index
    %swap3A_555 = vector.load %arg16[%swap3A_552, %swap3A_553, %swap3A_554] : memref<4x20x768xbf16, #tpu.memory_space<vmem>>, vector<1x20x96xbf16>
    %swap3A_556 = vector.shape_cast %swap3A_555 : vector<1x20x96xbf16> to vector<20x96xbf16>
    %swap3A_557 = vector.shape_cast %convert_element_type3A_551 : vector<20x96xbf16> to vector<1x20x96xbf16>
    tpu.vector_store %arg16[%swap3A_552, %swap3A_553, %swap3A_554], %swap3A_557 {strides = array<i32>} : memref<4x20x768xbf16, #tpu.memory_space<vmem>>, vector<1x20x96xbf16>,
    %get3A_558 = arith.constant 2 : index
    %get3A_559 = arith.constant 192 : index
    %get3A_560 = arith.constant 0 : index
    %get3A_561 = vector.load %arg15[%get3A_558, %get3A_559, %get3A_560] : memref<4x1536x64xbf16, #tpu.memory_space<vmem>>, vector<1x96x64xbf16>
    %get3A_562 = vector.shape_cast %get3A_561 : vector<1x96x64xbf16> to vector<96x64xbf16>
    %get3A_563 = arith.constant 2 : index
    %get3A_564 = arith.constant 960 : index
    %get3A_565 = arith.constant 0 : index
    %get3A_566 = vector.load %arg15[%get3A_563, %get3A_564, %get3A_565] : memref<4x1536x64xbf16, #tpu.memory_space<vmem>>, vector<1x96x64xbf16>
    %get3A_567 = vector.shape_cast %get3A_566 : vector<1x96x64xbf16> to vector<96x64xbf16>
    %dot_general3A_568 = arith.constant dense<0.000000e+00> : vector<20x64xf32>
    %dot_general3A_569 = tpu.matmul %get3A_495, %get3A_562, %dot_general3A_568 {dimension_numbers = #tpu.dot_dimension_numbers<[0], [0], [1], [1], [0, 1, 1, 1], [], []>, transpose_lhs_hint = false} : vector<96x20xbf16>, vector<96x64xbf16>, vector<20x64xf32> -> vector<20x64xf32>
    %exp3A_570 = math.exp %dot_general3A_569 : vector<20x64xf32>
    %reduce_sum3A_571 = arith.constant dense<0.000000e+00> : vector<20xf32>
    %reduce_sum3A_572 = vector.multi_reduction <add>, %exp3A_570, %reduce_sum3A_571 [1] : vector<20x64xf32> to vector<20xf32>
    %broadcast_in_dim3A_573 = vector.shape_cast %reduce_sum3A_572 : vector<20xf32> to vector<20x1xf32>
    %convert_element_type3A_574 = arith.truncf %exp3A_570 : vector<20x64xf32> to vector<20x64xbf16>
    %dot_general3A_575 = arith.constant dense<0.000000e+00> : vector<20x96xf32>
    %dot_general3A_576 = tpu.matmul %convert_element_type3A_574, %get3A_567, %dot_general3A_575 {dimension_numbers = #tpu.dot_dimension_numbers<[1], [1], [0], [0], [0, 0, 1, 0], [], []>, transpose_lhs_hint = false} : vector<20x64xbf16>, vector<96x64xbf16>, vector<20x96xf32> -> vector<20x96xf32>
    %div3A_577 = arith.constant 1.000000e+00 : f32
    %div3A_578 = vector.broadcast %div3A_577 : f32 to vector<20x1xf32>
    %div3A_579 = arith.divf %div3A_578, %broadcast_in_dim3A_573 : vector<20x1xf32>
    %mul3A_580 = vector.broadcast %div3A_579 : vector<20x1xf32> to vector<20x96xf32>
    %mul3A_581 = arith.mulf %dot_general3A_576, %mul3A_580 : vector<20x96xf32>
    %convert_element_type3A_582 = arith.truncf %mul3A_581 : vector<20x96xf32> to vector<20x96xbf16>
    %swap3A_583 = arith.constant 2 : index
    %swap3A_584 = arith.constant 0 : index
    %swap3A_585 = arith.constant 192 : index
    %swap3A_586 = vector.load %arg16[%swap3A_583, %swap3A_584, %swap3A_585] : memref<4x20x768xbf16, #tpu.memory_space<vmem>>, vector<1x20x96xbf16>
    %swap3A_587 = vector.shape_cast %swap3A_586 : vector<1x20x96xbf16> to vector<20x96xbf16>
    %swap3A_588 = vector.shape_cast %convert_element_type3A_582 : vector<20x96xbf16> to vector<1x20x96xbf16>
    tpu.vector_store %arg16[%swap3A_583, %swap3A_584, %swap3A_585], %swap3A_588 {strides = array<i32>} : memref<4x20x768xbf16, #tpu.memory_space<vmem>>, vector<1x20x96xbf16>,
    %get3A_589 = arith.constant 3 : index
    %get3A_590 = arith.constant 192 : index
    %get3A_591 = arith.constant 0 : index
    %get3A_592 = vector.load %arg15[%get3A_589, %get3A_590, %get3A_591] : memref<4x1536x64xbf16, #tpu.memory_space<vmem>>, vector<1x96x64xbf16>
    %get3A_593 = vector.shape_cast %get3A_592 : vector<1x96x64xbf16> to vector<96x64xbf16>
    %get3A_594 = arith.constant 3 : index
    %get3A_595 = arith.constant 960 : index
    %get3A_596 = arith.constant 0 : index
    %get3A_597 = vector.load %arg15[%get3A_594, %get3A_595, %get3A_596] : memref<4x1536x64xbf16, #tpu.memory_space<vmem>>, vector<1x96x64xbf16>
    %get3A_598 = vector.shape_cast %get3A_597 : vector<1x96x64xbf16> to vector<96x64xbf16>
    %dot_general3A_599 = arith.constant dense<0.000000e+00> : vector<20x64xf32>
    %dot_general3A_600 = tpu.matmul %get3A_495, %get3A_593, %dot_general3A_599 {dimension_numbers = #tpu.dot_dimension_numbers<[0], [0], [1], [1], [0, 1, 1, 1], [], []>, transpose_lhs_hint = false} : vector<96x20xbf16>, vector<96x64xbf16>, vector<20x64xf32> -> vector<20x64xf32>
    %exp3A_601 = math.exp %dot_general3A_600 : vector<20x64xf32>
    %reduce_sum3A_602 = arith.constant dense<0.000000e+00> : vector<20xf32>
    %reduce_sum3A_603 = vector.multi_reduction <add>, %exp3A_601, %reduce_sum3A_602 [1] : vector<20x64xf32> to vector<20xf32>
    %broadcast_in_dim3A_604 = vector.shape_cast %reduce_sum3A_603 : vector<20xf32> to vector<20x1xf32>
    %convert_element_type3A_605 = arith.truncf %exp3A_601 : vector<20x64xf32> to vector<20x64xbf16>
    %dot_general3A_606 = arith.constant dense<0.000000e+00> : vector<20x96xf32>
    %dot_general3A_607 = tpu.matmul %convert_element_type3A_605, %get3A_598, %dot_general3A_606 {dimension_numbers = #tpu.dot_dimension_numbers<[1], [1], [0], [0], [0, 0, 1, 0], [], []>, transpose_lhs_hint = false} : vector<20x64xbf16>, vector<96x64xbf16>, vector<20x96xf32> -> vector<20x96xf32>
    %div3A_608 = arith.constant 1.000000e+00 : f32
    %div3A_609 = vector.broadcast %div3A_608 : f32 to vector<20x1xf32>
    %div3A_610 = arith.divf %div3A_609, %broadcast_in_dim3A_604 : vector<20x1xf32>
    %mul3A_611 = vector.broadcast %div3A_610 : vector<20x1xf32> to vector<20x96xf32>
    %mul3A_612 = arith.mulf %dot_general3A_607, %mul3A_611 : vector<20x96xf32>
    %convert_element_type3A_613 = arith.truncf %mul3A_612 : vector<20x96xf32> to vector<20x96xbf16>
    %swap3A_614 = arith.constant 3 : index
    %swap3A_615 = arith.constant 0 : index
    %swap3A_616 = arith.constant 192 : index
    %swap3A_617 = vector.load %arg16[%swap3A_614, %swap3A_615, %swap3A_616] : memref<4x20x768xbf16, #tpu.memory_space<vmem>>, vector<1x20x96xbf16>
    %swap3A_618 = vector.shape_cast %swap3A_617 : vector<1x20x96xbf16> to vector<20x96xbf16>
    %swap3A_619 = vector.shape_cast %convert_element_type3A_613 : vector<20x96xbf16> to vector<1x20x96xbf16>
    tpu.vector_store %arg16[%swap3A_614, %swap3A_615, %swap3A_616], %swap3A_619 {strides = array<i32>} : memref<4x20x768xbf16, #tpu.memory_space<vmem>>, vector<1x20x96xbf16>,
    %get3A_620 = arith.constant 288 : index
    %get3A_621 = arith.constant 0 : index
    %get3A_622 = vector.load %arg12[%get3A_620, %get3A_621] : memref<768x20xbf16, #tpu.memory_space<vmem>>, vector<96x20xbf16>
    %get3A_623 = arith.constant 0 : index
    %get3A_624 = arith.constant 288 : index
    %get3A_625 = arith.constant 0 : index
    %get3A_626 = vector.load %arg15[%get3A_623, %get3A_624, %get3A_625] : memref<4x1536x64xbf16, #tpu.memory_space<vmem>>, vector<1x96x64xbf16>
    %get3A_627 = vector.shape_cast %get3A_626 : vector<1x96x64xbf16> to vector<96x64xbf16>
    %get3A_628 = arith.constant 0 : index
    %get3A_629 = arith.constant 1056 : index
    %get3A_630 = arith.constant 0 : index
    %get3A_631 = vector.load %arg15[%get3A_628, %get3A_629, %get3A_630] : memref<4x1536x64xbf16, #tpu.memory_space<vmem>>, vector<1x96x64xbf16>
    %get3A_632 = vector.shape_cast %get3A_631 : vector<1x96x64xbf16> to vector<96x64xbf16>
    %dot_general3A_633 = arith.constant dense<0.000000e+00> : vector<20x64xf32>
    %dot_general3A_634 = tpu.matmul %get3A_622, %get3A_627, %dot_general3A_633 {dimension_numbers = #tpu.dot_dimension_numbers<[0], [0], [1], [1], [0, 1, 1, 1], [], []>, transpose_lhs_hint = false} : vector<96x20xbf16>, vector<96x64xbf16>, vector<20x64xf32> -> vector<20x64xf32>
    %exp3A_635 = math.exp %dot_general3A_634 : vector<20x64xf32>
    %reduce_sum3A_636 = arith.constant dense<0.000000e+00> : vector<20xf32>
    %reduce_sum3A_637 = vector.multi_reduction <add>, %exp3A_635, %reduce_sum3A_636 [1] : vector<20x64xf32> to vector<20xf32>
    %broadcast_in_dim3A_638 = vector.shape_cast %reduce_sum3A_637 : vector<20xf32> to vector<20x1xf32>
    %convert_element_type3A_639 = arith.truncf %exp3A_635 : vector<20x64xf32> to vector<20x64xbf16>
    %dot_general3A_640 = arith.constant dense<0.000000e+00> : vector<20x96xf32>
    %dot_general3A_641 = tpu.matmul %convert_element_type3A_639, %get3A_632, %dot_general3A_640 {dimension_numbers = #tpu.dot_dimension_numbers<[1], [1], [0], [0], [0, 0, 1, 0], [], []>, transpose_lhs_hint = false} : vector<20x64xbf16>, vector<96x64xbf16>, vector<20x96xf32> -> vector<20x96xf32>
    %div3A_642 = arith.constant 1.000000e+00 : f32
    %div3A_643 = vector.broadcast %div3A_642 : f32 to vector<20x1xf32>
    %div3A_644 = arith.divf %div3A_643, %broadcast_in_dim3A_638 : vector<20x1xf32>
    %mul3A_645 = vector.broadcast %div3A_644 : vector<20x1xf32> to vector<20x96xf32>
    %mul3A_646 = arith.mulf %dot_general3A_641, %mul3A_645 : vector<20x96xf32>
    %convert_element_type3A_647 = arith.truncf %mul3A_646 : vector<20x96xf32> to vector<20x96xbf16>
    %swap3A_648 = arith.constant 0 : index
    %swap3A_649 = arith.constant 0 : index
    %swap3A_650 = arith.constant 288 : index
    %swap3A_651 = vector.load %arg16[%swap3A_648, %swap3A_649, %swap3A_650] : memref<4x20x768xbf16, #tpu.memory_space<vmem>>, vector<1x20x96xbf16>
    %swap3A_652 = vector.shape_cast %swap3A_651 : vector<1x20x96xbf16> to vector<20x96xbf16>
    %swap3A_653 = vector.shape_cast %convert_element_type3A_647 : vector<20x96xbf16> to vector<1x20x96xbf16>
    tpu.vector_store %arg16[%swap3A_648, %swap3A_649, %swap3A_650], %swap3A_653 {strides = array<i32>} : memref<4x20x768xbf16, #tpu.memory_space<vmem>>, vector<1x20x96xbf16>,
    %get3A_654 = arith.constant 1 : index
    %get3A_655 = arith.constant 288 : index
    %get3A_656 = arith.constant 0 : index
    %get3A_657 = vector.load %arg15[%get3A_654, %get3A_655, %get3A_656] : memref<4x1536x64xbf16, #tpu.memory_space<vmem>>, vector<1x96x64xbf16>
    %get3A_658 = vector.shape_cast %get3A_657 : vector<1x96x64xbf16> to vector<96x64xbf16>
    %get3A_659 = arith.constant 1 : index
    %get3A_660 = arith.constant 1056 : index
    %get3A_661 = arith.constant 0 : index
    %get3A_662 = vector.load %arg15[%get3A_659, %get3A_660, %get3A_661] : memref<4x1536x64xbf16, #tpu.memory_space<vmem>>, vector<1x96x64xbf16>
    %get3A_663 = vector.shape_cast %get3A_662 : vector<1x96x64xbf16> to vector<96x64xbf16>
    %dot_general3A_664 = arith.constant dense<0.000000e+00> : vector<20x64xf32>
    %dot_general3A_665 = tpu.matmul %get3A_622, %get3A_658, %dot_general3A_664 {dimension_numbers = #tpu.dot_dimension_numbers<[0], [0], [1], [1], [0, 1, 1, 1], [], []>, transpose_lhs_hint = false} : vector<96x20xbf16>, vector<96x64xbf16>, vector<20x64xf32> -> vector<20x64xf32>
    %exp3A_666 = math.exp %dot_general3A_665 : vector<20x64xf32>
    %reduce_sum3A_667 = arith.constant dense<0.000000e+00> : vector<20xf32>
    %reduce_sum3A_668 = vector.multi_reduction <add>, %exp3A_666, %reduce_sum3A_667 [1] : vector<20x64xf32> to vector<20xf32>
    %broadcast_in_dim3A_669 = vector.shape_cast %reduce_sum3A_668 : vector<20xf32> to vector<20x1xf32>
    %convert_element_type3A_670 = arith.truncf %exp3A_666 : vector<20x64xf32> to vector<20x64xbf16>
    %dot_general3A_671 = arith.constant dense<0.000000e+00> : vector<20x96xf32>
    %dot_general3A_672 = tpu.matmul %convert_element_type3A_670, %get3A_663, %dot_general3A_671 {dimension_numbers = #tpu.dot_dimension_numbers<[1], [1], [0], [0], [0, 0, 1, 0], [], []>, transpose_lhs_hint = false} : vector<20x64xbf16>, vector<96x64xbf16>, vector<20x96xf32> -> vector<20x96xf32>
    %div3A_673 = arith.constant 1.000000e+00 : f32
    %div3A_674 = vector.broadcast %div3A_673 : f32 to vector<20x1xf32>
    %div3A_675 = arith.divf %div3A_674, %broadcast_in_dim3A_669 : vector<20x1xf32>
    %mul3A_676 = vector.broadcast %div3A_675 : vector<20x1xf32> to vector<20x96xf32>
    %mul3A_677 = arith.mulf %dot_general3A_672, %mul3A_676 : vector<20x96xf32>
    %convert_element_type3A_678 = arith.truncf %mul3A_677 : vector<20x96xf32> to vector<20x96xbf16>
    %swap3A_679 = arith.constant 1 : index
    %swap3A_680 = arith.constant 0 : index
    %swap3A_681 = arith.constant 288 : index
    %swap3A_682 = vector.load %arg16[%swap3A_679, %swap3A_680, %swap3A_681] : memref<4x20x768xbf16, #tpu.memory_space<vmem>>, vector<1x20x96xbf16>
    %swap3A_683 = vector.shape_cast %swap3A_682 : vector<1x20x96xbf16> to vector<20x96xbf16>
    %swap3A_684 = vector.shape_cast %convert_element_type3A_678 : vector<20x96xbf16> to vector<1x20x96xbf16>
    tpu.vector_store %arg16[%swap3A_679, %swap3A_680, %swap3A_681], %swap3A_684 {strides = array<i32>} : memref<4x20x768xbf16, #tpu.memory_space<vmem>>, vector<1x20x96xbf16>,
    %get3A_685 = arith.constant 2 : index
    %get3A_686 = arith.constant 288 : index
    %get3A_687 = arith.constant 0 : index
    %get3A_688 = vector.load %arg15[%get3A_685, %get3A_686, %get3A_687] : memref<4x1536x64xbf16, #tpu.memory_space<vmem>>, vector<1x96x64xbf16>
    %get3A_689 = vector.shape_cast %get3A_688 : vector<1x96x64xbf16> to vector<96x64xbf16>
    %get3A_690 = arith.constant 2 : index
    %get3A_691 = arith.constant 1056 : index
    %get3A_692 = arith.constant 0 : index
    %get3A_693 = vector.load %arg15[%get3A_690, %get3A_691, %get3A_692] : memref<4x1536x64xbf16, #tpu.memory_space<vmem>>, vector<1x96x64xbf16>
    %get3A_694 = vector.shape_cast %get3A_693 : vector<1x96x64xbf16> to vector<96x64xbf16>
    %dot_general3A_695 = arith.constant dense<0.000000e+00> : vector<20x64xf32>
    %dot_general3A_696 = tpu.matmul %get3A_622, %get3A_689, %dot_general3A_695 {dimension_numbers = #tpu.dot_dimension_numbers<[0], [0], [1], [1], [0, 1, 1, 1], [], []>, transpose_lhs_hint = false} : vector<96x20xbf16>, vector<96x64xbf16>, vector<20x64xf32> -> vector<20x64xf32>
    %exp3A_697 = math.exp %dot_general3A_696 : vector<20x64xf32>
    %reduce_sum3A_698 = arith.constant dense<0.000000e+00> : vector<20xf32>
    %reduce_sum3A_699 = vector.multi_reduction <add>, %exp3A_697, %reduce_sum3A_698 [1] : vector<20x64xf32> to vector<20xf32>
    %broadcast_in_dim3A_700 = vector.shape_cast %reduce_sum3A_699 : vector<20xf32> to vector<20x1xf32>
    %convert_element_type3A_701 = arith.truncf %exp3A_697 : vector<20x64xf32> to vector<20x64xbf16>
    %dot_general3A_702 = arith.constant dense<0.000000e+00> : vector<20x96xf32>
    %dot_general3A_703 = tpu.matmul %convert_element_type3A_701, %get3A_694, %dot_general3A_702 {dimension_numbers = #tpu.dot_dimension_numbers<[1], [1], [0], [0], [0, 0, 1, 0], [], []>, transpose_lhs_hint = false} : vector<20x64xbf16>, vector<96x64xbf16>, vector<20x96xf32> -> vector<20x96xf32>
    %div3A_704 = arith.constant 1.000000e+00 : f32
    %div3A_705 = vector.broadcast %div3A_704 : f32 to vector<20x1xf32>
    %div3A_706 = arith.divf %div3A_705, %broadcast_in_dim3A_700 : vector<20x1xf32>
    %mul3A_707 = vector.broadcast %div3A_706 : vector<20x1xf32> to vector<20x96xf32>
    %mul3A_708 = arith.mulf %dot_general3A_703, %mul3A_707 : vector<20x96xf32>
    %convert_element_type3A_709 = arith.truncf %mul3A_708 : vector<20x96xf32> to vector<20x96xbf16>
    %swap3A_710 = arith.constant 2 : index
    %swap3A_711 = arith.constant 0 : index
    %swap3A_712 = arith.constant 288 : index
    %swap3A_713 = vector.load %arg16[%swap3A_710, %swap3A_711, %swap3A_712] : memref<4x20x768xbf16, #tpu.memory_space<vmem>>, vector<1x20x96xbf16>
    %swap3A_714 = vector.shape_cast %swap3A_713 : vector<1x20x96xbf16> to vector<20x96xbf16>
    %swap3A_715 = vector.shape_cast %convert_element_type3A_709 : vector<20x96xbf16> to vector<1x20x96xbf16>
    tpu.vector_store %arg16[%swap3A_710, %swap3A_711, %swap3A_712], %swap3A_715 {strides = array<i32>} : memref<4x20x768xbf16, #tpu.memory_space<vmem>>, vector<1x20x96xbf16>,
    %get3A_716 = arith.constant 3 : index
    %get3A_717 = arith.constant 288 : index
    %get3A_718 = arith.constant 0 : index
    %get3A_719 = vector.load %arg15[%get3A_716, %get3A_717, %get3A_718] : memref<4x1536x64xbf16, #tpu.memory_space<vmem>>, vector<1x96x64xbf16>
    %get3A_720 = vector.shape_cast %get3A_719 : vector<1x96x64xbf16> to vector<96x64xbf16>
    %get3A_721 = arith.constant 3 : index
    %get3A_722 = arith.constant 1056 : index
    %get3A_723 = arith.constant 0 : index
    %get3A_724 = vector.load %arg15[%get3A_721, %get3A_722, %get3A_723] : memref<4x1536x64xbf16, #tpu.memory_space<vmem>>, vector<1x96x64xbf16>
    %get3A_725 = vector.shape_cast %get3A_724 : vector<1x96x64xbf16> to vector<96x64xbf16>
    %dot_general3A_726 = arith.constant dense<0.000000e+00> : vector<20x64xf32>
    %dot_general3A_727 = tpu.matmul %get3A_622, %get3A_720, %dot_general3A_726 {dimension_numbers = #tpu.dot_dimension_numbers<[0], [0], [1], [1], [0, 1, 1, 1], [], []>, transpose_lhs_hint = false} : vector<96x20xbf16>, vector<96x64xbf16>, vector<20x64xf32> -> vector<20x64xf32>
    %exp3A_728 = math.exp %dot_general3A_727 : vector<20x64xf32>
    %reduce_sum3A_729 = arith.constant dense<0.000000e+00> : vector<20xf32>
    %reduce_sum3A_730 = vector.multi_reduction <add>, %exp3A_728, %reduce_sum3A_729 [1] : vector<20x64xf32> to vector<20xf32>
    %broadcast_in_dim3A_731 = vector.shape_cast %reduce_sum3A_730 : vector<20xf32> to vector<20x1xf32>
    %convert_element_type3A_732 = arith.truncf %exp3A_728 : vector<20x64xf32> to vector<20x64xbf16>
    %dot_general3A_733 = arith.constant dense<0.000000e+00> : vector<20x96xf32>
    %dot_general3A_734 = tpu.matmul %convert_element_type3A_732, %get3A_725, %dot_general3A_733 {dimension_numbers = #tpu.dot_dimension_numbers<[1], [1], [0], [0], [0, 0, 1, 0], [], []>, transpose_lhs_hint = false} : vector<20x64xbf16>, vector<96x64xbf16>, vector<20x96xf32> -> vector<20x96xf32>
    %div3A_735 = arith.constant 1.000000e+00 : f32
    %div3A_736 = vector.broadcast %div3A_735 : f32 to vector<20x1xf32>
    %div3A_737 = arith.divf %div3A_736, %broadcast_in_dim3A_731 : vector<20x1xf32>
    %mul3A_738 = vector.broadcast %div3A_737 : vector<20x1xf32> to vector<20x96xf32>
    %mul3A_739 = arith.mulf %dot_general3A_734, %mul3A_738 : vector<20x96xf32>
    %convert_element_type3A_740 = arith.truncf %mul3A_739 : vector<20x96xf32> to vector<20x96xbf16>
    %swap3A_741 = arith.constant 3 : index
    %swap3A_742 = arith.constant 0 : index
    %swap3A_743 = arith.constant 288 : index
    %swap3A_744 = vector.load %arg16[%swap3A_741, %swap3A_742, %swap3A_743] : memref<4x20x768xbf16, #tpu.memory_space<vmem>>, vector<1x20x96xbf16>
    %swap3A_745 = vector.shape_cast %swap3A_744 : vector<1x20x96xbf16> to vector<20x96xbf16>
    %swap3A_746 = vector.shape_cast %convert_element_type3A_740 : vector<20x96xbf16> to vector<1x20x96xbf16>
    tpu.vector_store %arg16[%swap3A_741, %swap3A_742, %swap3A_743], %swap3A_746 {strides = array<i32>} : memref<4x20x768xbf16, #tpu.memory_space<vmem>>, vector<1x20x96xbf16>,
    %get3A_747 = arith.constant 384 : index
    %get3A_748 = arith.constant 0 : index
    %get3A_749 = vector.load %arg12[%get3A_747, %get3A_748] : memref<768x20xbf16, #tpu.memory_space<vmem>>, vector<96x20xbf16>
    %get3A_750 = arith.constant 0 : index
    %get3A_751 = arith.constant 384 : index
    %get3A_752 = arith.constant 0 : index
    %get3A_753 = vector.load %arg15[%get3A_750, %get3A_751, %get3A_752] : memref<4x1536x64xbf16, #tpu.memory_space<vmem>>, vector<1x96x64xbf16>
    %get3A_754 = vector.shape_cast %get3A_753 : vector<1x96x64xbf16> to vector<96x64xbf16>
    %get3A_755 = arith.constant 0 : index
    %get3A_756 = arith.constant 1152 : index
    %get3A_757 = arith.constant 0 : index
    %get3A_758 = vector.load %arg15[%get3A_755, %get3A_756, %get3A_757] : memref<4x1536x64xbf16, #tpu.memory_space<vmem>>, vector<1x96x64xbf16>
    %get3A_759 = vector.shape_cast %get3A_758 : vector<1x96x64xbf16> to vector<96x64xbf16>
    %dot_general3A_760 = arith.constant dense<0.000000e+00> : vector<20x64xf32>
    %dot_general3A_761 = tpu.matmul %get3A_749, %get3A_754, %dot_general3A_760 {dimension_numbers = #tpu.dot_dimension_numbers<[0], [0], [1], [1], [0, 1, 1, 1], [], []>, transpose_lhs_hint = false} : vector<96x20xbf16>, vector<96x64xbf16>, vector<20x64xf32> -> vector<20x64xf32>
    %exp3A_762 = math.exp %dot_general3A_761 : vector<20x64xf32>
    %reduce_sum3A_763 = arith.constant dense<0.000000e+00> : vector<20xf32>
    %reduce_sum3A_764 = vector.multi_reduction <add>, %exp3A_762, %reduce_sum3A_763 [1] : vector<20x64xf32> to vector<20xf32>
    %broadcast_in_dim3A_765 = vector.shape_cast %reduce_sum3A_764 : vector<20xf32> to vector<20x1xf32>
    %convert_element_type3A_766 = arith.truncf %exp3A_762 : vector<20x64xf32> to vector<20x64xbf16>
    %dot_general3A_767 = arith.constant dense<0.000000e+00> : vector<20x96xf32>
    %dot_general3A_768 = tpu.matmul %convert_element_type3A_766, %get3A_759, %dot_general3A_767 {dimension_numbers = #tpu.dot_dimension_numbers<[1], [1], [0], [0], [0, 0, 1, 0], [], []>, transpose_lhs_hint = false} : vector<20x64xbf16>, vector<96x64xbf16>, vector<20x96xf32> -> vector<20x96xf32>
    %div3A_769 = arith.constant 1.000000e+00 : f32
    %div3A_770 = vector.broadcast %div3A_769 : f32 to vector<20x1xf32>
    %div3A_771 = arith.divf %div3A_770, %broadcast_in_dim3A_765 : vector<20x1xf32>
    %mul3A_772 = vector.broadcast %div3A_771 : vector<20x1xf32> to vector<20x96xf32>
    %mul3A_773 = arith.mulf %dot_general3A_768, %mul3A_772 : vector<20x96xf32>
    %convert_element_type3A_774 = arith.truncf %mul3A_773 : vector<20x96xf32> to vector<20x96xbf16>
    %swap3A_775 = arith.constant 0 : index
    %swap3A_776 = arith.constant 0 : index
    %swap3A_777 = arith.constant 384 : index
    %swap3A_778 = vector.load %arg16[%swap3A_775, %swap3A_776, %swap3A_777] : memref<4x20x768xbf16, #tpu.memory_space<vmem>>, vector<1x20x96xbf16>
    %swap3A_779 = vector.shape_cast %swap3A_778 : vector<1x20x96xbf16> to vector<20x96xbf16>
    %swap3A_780 = vector.shape_cast %convert_element_type3A_774 : vector<20x96xbf16> to vector<1x20x96xbf16>
    tpu.vector_store %arg16[%swap3A_775, %swap3A_776, %swap3A_777], %swap3A_780 {strides = array<i32>} : memref<4x20x768xbf16, #tpu.memory_space<vmem>>, vector<1x20x96xbf16>,
    %get3A_781 = arith.constant 1 : index
    %get3A_782 = arith.constant 384 : index
    %get3A_783 = arith.constant 0 : index
    %get3A_784 = vector.load %arg15[%get3A_781, %get3A_782, %get3A_783] : memref<4x1536x64xbf16, #tpu.memory_space<vmem>>, vector<1x96x64xbf16>
    %get3A_785 = vector.shape_cast %get3A_784 : vector<1x96x64xbf16> to vector<96x64xbf16>
    %get3A_786 = arith.constant 1 : index
    %get3A_787 = arith.constant 1152 : index
    %get3A_788 = arith.constant 0 : index
    %get3A_789 = vector.load %arg15[%get3A_786, %get3A_787, %get3A_788] : memref<4x1536x64xbf16, #tpu.memory_space<vmem>>, vector<1x96x64xbf16>
    %get3A_790 = vector.shape_cast %get3A_789 : vector<1x96x64xbf16> to vector<96x64xbf16>
    %dot_general3A_791 = arith.constant dense<0.000000e+00> : vector<20x64xf32>
    %dot_general3A_792 = tpu.matmul %get3A_749, %get3A_785, %dot_general3A_791 {dimension_numbers = #tpu.dot_dimension_numbers<[0], [0], [1], [1], [0, 1, 1, 1], [], []>, transpose_lhs_hint = false} : vector<96x20xbf16>, vector<96x64xbf16>, vector<20x64xf32> -> vector<20x64xf32>
    %exp3A_793 = math.exp %dot_general3A_792 : vector<20x64xf32>
    %reduce_sum3A_794 = arith.constant dense<0.000000e+00> : vector<20xf32>
    %reduce_sum3A_795 = vector.multi_reduction <add>, %exp3A_793, %reduce_sum3A_794 [1] : vector<20x64xf32> to vector<20xf32>
    %broadcast_in_dim3A_796 = vector.shape_cast %reduce_sum3A_795 : vector<20xf32> to vector<20x1xf32>
    %convert_element_type3A_797 = arith.truncf %exp3A_793 : vector<20x64xf32> to vector<20x64xbf16>
    %dot_general3A_798 = arith.constant dense<0.000000e+00> : vector<20x96xf32>
    %dot_general3A_799 = tpu.matmul %convert_element_type3A_797, %get3A_790, %dot_general3A_798 {dimension_numbers = #tpu.dot_dimension_numbers<[1], [1], [0], [0], [0, 0, 1, 0], [], []>, transpose_lhs_hint = false} : vector<20x64xbf16>, vector<96x64xbf16>, vector<20x96xf32> -> vector<20x96xf32>
    %div3A_800 = arith.constant 1.000000e+00 : f32
    %div3A_801 = vector.broadcast %div3A_800 : f32 to vector<20x1xf32>
    %div3A_802 = arith.divf %div3A_801, %broadcast_in_dim3A_796 : vector<20x1xf32>
    %mul3A_803 = vector.broadcast %div3A_802 : vector<20x1xf32> to vector<20x96xf32>
    %mul3A_804 = arith.mulf %dot_general3A_799, %mul3A_803 : vector<20x96xf32>
    %convert_element_type3A_805 = arith.truncf %mul3A_804 : vector<20x96xf32> to vector<20x96xbf16>
    %swap3A_806 = arith.constant 1 : index
    %swap3A_807 = arith.constant 0 : index
    %swap3A_808 = arith.constant 384 : index
    %swap3A_809 = vector.load %arg16[%swap3A_806, %swap3A_807, %swap3A_808] : memref<4x20x768xbf16, #tpu.memory_space<vmem>>, vector<1x20x96xbf16>
    %swap3A_810 = vector.shape_cast %swap3A_809 : vector<1x20x96xbf16> to vector<20x96xbf16>
    %swap3A_811 = vector.shape_cast %convert_element_type3A_805 : vector<20x96xbf16> to vector<1x20x96xbf16>
    tpu.vector_store %arg16[%swap3A_806, %swap3A_807, %swap3A_808], %swap3A_811 {strides = array<i32>} : memref<4x20x768xbf16, #tpu.memory_space<vmem>>, vector<1x20x96xbf16>,
    %get3A_812 = arith.constant 2 : index
    %get3A_813 = arith.constant 384 : index
    %get3A_814 = arith.constant 0 : index
    %get3A_815 = vector.load %arg15[%get3A_812, %get3A_813, %get3A_814] : memref<4x1536x64xbf16, #tpu.memory_space<vmem>>, vector<1x96x64xbf16>
    %get3A_816 = vector.shape_cast %get3A_815 : vector<1x96x64xbf16> to vector<96x64xbf16>
    %get3A_817 = arith.constant 2 : index
    %get3A_818 = arith.constant 1152 : index
    %get3A_819 = arith.constant 0 : index
    %get3A_820 = vector.load %arg15[%get3A_817, %get3A_818, %get3A_819] : memref<4x1536x64xbf16, #tpu.memory_space<vmem>>, vector<1x96x64xbf16>
    %get3A_821 = vector.shape_cast %get3A_820 : vector<1x96x64xbf16> to vector<96x64xbf16>
    %dot_general3A_822 = arith.constant dense<0.000000e+00> : vector<20x64xf32>
    %dot_general3A_823 = tpu.matmul %get3A_749, %get3A_816, %dot_general3A_822 {dimension_numbers = #tpu.dot_dimension_numbers<[0], [0], [1], [1], [0, 1, 1, 1], [], []>, transpose_lhs_hint = false} : vector<96x20xbf16>, vector<96x64xbf16>, vector<20x64xf32> -> vector<20x64xf32>
    %exp3A_824 = math.exp %dot_general3A_823 : vector<20x64xf32>
    %reduce_sum3A_825 = arith.constant dense<0.000000e+00> : vector<20xf32>
    %reduce_sum3A_826 = vector.multi_reduction <add>, %exp3A_824, %reduce_sum3A_825 [1] : vector<20x64xf32> to vector<20xf32>
    %broadcast_in_dim3A_827 = vector.shape_cast %reduce_sum3A_826 : vector<20xf32> to vector<20x1xf32>
    %convert_element_type3A_828 = arith.truncf %exp3A_824 : vector<20x64xf32> to vector<20x64xbf16>
    %dot_general3A_829 = arith.constant dense<0.000000e+00> : vector<20x96xf32>
    %dot_general3A_830 = tpu.matmul %convert_element_type3A_828, %get3A_821, %dot_general3A_829 {dimension_numbers = #tpu.dot_dimension_numbers<[1], [1], [0], [0], [0, 0, 1, 0], [], []>, transpose_lhs_hint = false} : vector<20x64xbf16>, vector<96x64xbf16>, vector<20x96xf32> -> vector<20x96xf32>
    %div3A_831 = arith.constant 1.000000e+00 : f32
    %div3A_832 = vector.broadcast %div3A_831 : f32 to vector<20x1xf32>
    %div3A_833 = arith.divf %div3A_832, %broadcast_in_dim3A_827 : vector<20x1xf32>
    %mul3A_834 = vector.broadcast %div3A_833 : vector<20x1xf32> to vector<20x96xf32>
    %mul3A_835 = arith.mulf %dot_general3A_830, %mul3A_834 : vector<20x96xf32>
    %convert_element_type3A_836 = arith.truncf %mul3A_835 : vector<20x96xf32> to vector<20x96xbf16>
    %swap3A_837 = arith.constant 2 : index
    %swap3A_838 = arith.constant 0 : index
    %swap3A_839 = arith.constant 384 : index
    %swap3A_840 = vector.load %arg16[%swap3A_837, %swap3A_838, %swap3A_839] : memref<4x20x768xbf16, #tpu.memory_space<vmem>>, vector<1x20x96xbf16>
    %swap3A_841 = vector.shape_cast %swap3A_840 : vector<1x20x96xbf16> to vector<20x96xbf16>
    %swap3A_842 = vector.shape_cast %convert_element_type3A_836 : vector<20x96xbf16> to vector<1x20x96xbf16>
    tpu.vector_store %arg16[%swap3A_837, %swap3A_838, %swap3A_839], %swap3A_842 {strides = array<i32>} : memref<4x20x768xbf16, #tpu.memory_space<vmem>>, vector<1x20x96xbf16>,
    %get3A_843 = arith.constant 3 : index
    %get3A_844 = arith.constant 384 : index
    %get3A_845 = arith.constant 0 : index
    %get3A_846 = vector.load %arg15[%get3A_843, %get3A_844, %get3A_845] : memref<4x1536x64xbf16, #tpu.memory_space<vmem>>, vector<1x96x64xbf16>
    %get3A_847 = vector.shape_cast %get3A_846 : vector<1x96x64xbf16> to vector<96x64xbf16>
    %get3A_848 = arith.constant 3 : index
    %get3A_849 = arith.constant 1152 : index
    %get3A_850 = arith.constant 0 : index
    %get3A_851 = vector.load %arg15[%get3A_848, %get3A_849, %get3A_850] : memref<4x1536x64xbf16, #tpu.memory_space<vmem>>, vector<1x96x64xbf16>
    %get3A_852 = vector.shape_cast %get3A_851 : vector<1x96x64xbf16> to vector<96x64xbf16>
    %dot_general3A_853 = arith.constant dense<0.000000e+00> : vector<20x64xf32>
    %dot_general3A_854 = tpu.matmul %get3A_749, %get3A_847, %dot_general3A_853 {dimension_numbers = #tpu.dot_dimension_numbers<[0], [0], [1], [1], [0, 1, 1, 1], [], []>, transpose_lhs_hint = false} : vector<96x20xbf16>, vector<96x64xbf16>, vector<20x64xf32> -> vector<20x64xf32>
    %exp3A_855 = math.exp %dot_general3A_854 : vector<20x64xf32>
    %reduce_sum3A_856 = arith.constant dense<0.000000e+00> : vector<20xf32>
    %reduce_sum3A_857 = vector.multi_reduction <add>, %exp3A_855, %reduce_sum3A_856 [1] : vector<20x64xf32> to vector<20xf32>
    %broadcast_in_dim3A_858 = vector.shape_cast %reduce_sum3A_857 : vector<20xf32> to vector<20x1xf32>
    %convert_element_type3A_859 = arith.truncf %exp3A_855 : vector<20x64xf32> to vector<20x64xbf16>
    %dot_general3A_860 = arith.constant dense<0.000000e+00> : vector<20x96xf32>
    %dot_general3A_861 = tpu.matmul %convert_element_type3A_859, %get3A_852, %dot_general3A_860 {dimension_numbers = #tpu.dot_dimension_numbers<[1], [1], [0], [0], [0, 0, 1, 0], [], []>, transpose_lhs_hint = false} : vector<20x64xbf16>, vector<96x64xbf16>, vector<20x96xf32> -> vector<20x96xf32>
    %div3A_862 = arith.constant 1.000000e+00 : f32
    %div3A_863 = vector.broadcast %div3A_862 : f32 to vector<20x1xf32>
    %div3A_864 = arith.divf %div3A_863, %broadcast_in_dim3A_858 : vector<20x1xf32>
    %mul3A_865 = vector.broadcast %div3A_864 : vector<20x1xf32> to vector<20x96xf32>
    %mul3A_866 = arith.mulf %dot_general3A_861, %mul3A_865 : vector<20x96xf32>
    %convert_element_type3A_867 = arith.truncf %mul3A_866 : vector<20x96xf32> to vector<20x96xbf16>
    %swap3A_868 = arith.constant 3 : index
    %swap3A_869 = arith.constant 0 : index
    %swap3A_870 = arith.constant 384 : index
    %swap3A_871 = vector.load %arg16[%swap3A_868, %swap3A_869, %swap3A_870] : memref<4x20x768xbf16, #tpu.memory_space<vmem>>, vector<1x20x96xbf16>
    %swap3A_872 = vector.shape_cast %swap3A_871 : vector<1x20x96xbf16> to vector<20x96xbf16>
    %swap3A_873 = vector.shape_cast %convert_element_type3A_867 : vector<20x96xbf16> to vector<1x20x96xbf16>
    tpu.vector_store %arg16[%swap3A_868, %swap3A_869, %swap3A_870], %swap3A_873 {strides = array<i32>} : memref<4x20x768xbf16, #tpu.memory_space<vmem>>, vector<1x20x96xbf16>,
    %get3A_874 = arith.constant 480 : index
    %get3A_875 = arith.constant 0 : index
    %get3A_876 = vector.load %arg12[%get3A_874, %get3A_875] : memref<768x20xbf16, #tpu.memory_space<vmem>>, vector<96x20xbf16>
    %get3A_877 = arith.constant 0 : index
    %get3A_878 = arith.constant 480 : index
    %get3A_879 = arith.constant 0 : index
    %get3A_880 = vector.load %arg15[%get3A_877, %get3A_878, %get3A_879] : memref<4x1536x64xbf16, #tpu.memory_space<vmem>>, vector<1x96x64xbf16>
    %get3A_881 = vector.shape_cast %get3A_880 : vector<1x96x64xbf16> to vector<96x64xbf16>
    %get3A_882 = arith.constant 0 : index
    %get3A_883 = arith.constant 1248 : index
    %get3A_884 = arith.constant 0 : index
    %get3A_885 = vector.load %arg15[%get3A_882, %get3A_883, %get3A_884] : memref<4x1536x64xbf16, #tpu.memory_space<vmem>>, vector<1x96x64xbf16>
    %get3A_886 = vector.shape_cast %get3A_885 : vector<1x96x64xbf16> to vector<96x64xbf16>
    %dot_general3A_887 = arith.constant dense<0.000000e+00> : vector<20x64xf32>
    %dot_general3A_888 = tpu.matmul %get3A_876, %get3A_881, %dot_general3A_887 {dimension_numbers = #tpu.dot_dimension_numbers<[0], [0], [1], [1], [0, 1, 1, 1], [], []>, transpose_lhs_hint = false} : vector<96x20xbf16>, vector<96x64xbf16>, vector<20x64xf32> -> vector<20x64xf32>
    %exp3A_889 = math.exp %dot_general3A_888 : vector<20x64xf32>
    %reduce_sum3A_890 = arith.constant dense<0.000000e+00> : vector<20xf32>
    %reduce_sum3A_891 = vector.multi_reduction <add>, %exp3A_889, %reduce_sum3A_890 [1] : vector<20x64xf32> to vector<20xf32>
    %broadcast_in_dim3A_892 = vector.shape_cast %reduce_sum3A_891 : vector<20xf32> to vector<20x1xf32>
    %convert_element_type3A_893 = arith.truncf %exp3A_889 : vector<20x64xf32> to vector<20x64xbf16>
    %dot_general3A_894 = arith.constant dense<0.000000e+00> : vector<20x96xf32>
    %dot_general3A_895 = tpu.matmul %convert_element_type3A_893, %get3A_886, %dot_general3A_894 {dimension_numbers = #tpu.dot_dimension_numbers<[1], [1], [0], [0], [0, 0, 1, 0], [], []>, transpose_lhs_hint = false} : vector<20x64xbf16>, vector<96x64xbf16>, vector<20x96xf32> -> vector<20x96xf32>
    %div3A_896 = arith.constant 1.000000e+00 : f32
    %div3A_897 = vector.broadcast %div3A_896 : f32 to vector<20x1xf32>
    %div3A_898 = arith.divf %div3A_897, %broadcast_in_dim3A_892 : vector<20x1xf32>
    %mul3A_899 = vector.broadcast %div3A_898 : vector<20x1xf32> to vector<20x96xf32>
    %mul3A_900 = arith.mulf %dot_general3A_895, %mul3A_899 : vector<20x96xf32>
    %convert_element_type3A_901 = arith.truncf %mul3A_900 : vector<20x96xf32> to vector<20x96xbf16>
    %swap3A_902 = arith.constant 0 : index
    %swap3A_903 = arith.constant 0 : index
    %swap3A_904 = arith.constant 480 : index
    %swap3A_905 = vector.load %arg16[%swap3A_902, %swap3A_903, %swap3A_904] : memref<4x20x768xbf16, #tpu.memory_space<vmem>>, vector<1x20x96xbf16>
    %swap3A_906 = vector.shape_cast %swap3A_905 : vector<1x20x96xbf16> to vector<20x96xbf16>
    %swap3A_907 = vector.shape_cast %convert_element_type3A_901 : vector<20x96xbf16> to vector<1x20x96xbf16>
    tpu.vector_store %arg16[%swap3A_902, %swap3A_903, %swap3A_904], %swap3A_907 {strides = array<i32>} : memref<4x20x768xbf16, #tpu.memory_space<vmem>>, vector<1x20x96xbf16>,
    %get3A_908 = arith.constant 1 : index
    %get3A_909 = arith.constant 480 : index
    %get3A_910 = arith.constant 0 : index
    %get3A_911 = vector.load %arg15[%get3A_908, %get3A_909, %get3A_910] : memref<4x1536x64xbf16, #tpu.memory_space<vmem>>, vector<1x96x64xbf16>
    %get3A_912 = vector.shape_cast %get3A_911 : vector<1x96x64xbf16> to vector<96x64xbf16>
    %get3A_913 = arith.constant 1 : index
    %get3A_914 = arith.constant 1248 : index
    %get3A_915 = arith.constant 0 : index
    %get3A_916 = vector.load %arg15[%get3A_913, %get3A_914, %get3A_915] : memref<4x1536x64xbf16, #tpu.memory_space<vmem>>, vector<1x96x64xbf16>
    %get3A_917 = vector.shape_cast %get3A_916 : vector<1x96x64xbf16> to vector<96x64xbf16>
    %dot_general3A_918 = arith.constant dense<0.000000e+00> : vector<20x64xf32>
    %dot_general3A_919 = tpu.matmul %get3A_876, %get3A_912, %dot_general3A_918 {dimension_numbers = #tpu.dot_dimension_numbers<[0], [0], [1], [1], [0, 1, 1, 1], [], []>, transpose_lhs_hint = false} : vector<96x20xbf16>, vector<96x64xbf16>, vector<20x64xf32> -> vector<20x64xf32>
    %exp3A_920 = math.exp %dot_general3A_919 : vector<20x64xf32>
    %reduce_sum3A_921 = arith.constant dense<0.000000e+00> : vector<20xf32>
    %reduce_sum3A_922 = vector.multi_reduction <add>, %exp3A_920, %reduce_sum3A_921 [1] : vector<20x64xf32> to vector<20xf32>
    %broadcast_in_dim3A_923 = vector.shape_cast %reduce_sum3A_922 : vector<20xf32> to vector<20x1xf32>
    %convert_element_type3A_924 = arith.truncf %exp3A_920 : vector<20x64xf32> to vector<20x64xbf16>
    %dot_general3A_925 = arith.constant dense<0.000000e+00> : vector<20x96xf32>
    %dot_general3A_926 = tpu.matmul %convert_element_type3A_924, %get3A_917, %dot_general3A_925 {dimension_numbers = #tpu.dot_dimension_numbers<[1], [1], [0], [0], [0, 0, 1, 0], [], []>, transpose_lhs_hint = false} : vector<20x64xbf16>, vector<96x64xbf16>, vector<20x96xf32> -> vector<20x96xf32>
    %div3A_927 = arith.constant 1.000000e+00 : f32
    %div3A_928 = vector.broadcast %div3A_927 : f32 to vector<20x1xf32>
    %div3A_929 = arith.divf %div3A_928, %broadcast_in_dim3A_923 : vector<20x1xf32>
    %mul3A_930 = vector.broadcast %div3A_929 : vector<20x1xf32> to vector<20x96xf32>
    %mul3A_931 = arith.mulf %dot_general3A_926, %mul3A_930 : vector<20x96xf32>
    %convert_element_type3A_932 = arith.truncf %mul3A_931 : vector<20x96xf32> to vector<20x96xbf16>
    %swap3A_933 = arith.constant 1 : index
    %swap3A_934 = arith.constant 0 : index
    %swap3A_935 = arith.constant 480 : index
    %swap3A_936 = vector.load %arg16[%swap3A_933, %swap3A_934, %swap3A_935] : memref<4x20x768xbf16, #tpu.memory_space<vmem>>, vector<1x20x96xbf16>
    %swap3A_937 = vector.shape_cast %swap3A_936 : vector<1x20x96xbf16> to vector<20x96xbf16>
    %swap3A_938 = vector.shape_cast %convert_element_type3A_932 : vector<20x96xbf16> to vector<1x20x96xbf16>
    tpu.vector_store %arg16[%swap3A_933, %swap3A_934, %swap3A_935], %swap3A_938 {strides = array<i32>} : memref<4x20x768xbf16, #tpu.memory_space<vmem>>, vector<1x20x96xbf16>,
    %get3A_939 = arith.constant 2 : index
    %get3A_940 = arith.constant 480 : index
    %get3A_941 = arith.constant 0 : index
    %get3A_942 = vector.load %arg15[%get3A_939, %get3A_940, %get3A_941] : memref<4x1536x64xbf16, #tpu.memory_space<vmem>>, vector<1x96x64xbf16>
    %get3A_943 = vector.shape_cast %get3A_942 : vector<1x96x64xbf16> to vector<96x64xbf16>
    %get3A_944 = arith.constant 2 : index
    %get3A_945 = arith.constant 1248 : index
    %get3A_946 = arith.constant 0 : index
    %get3A_947 = vector.load %arg15[%get3A_944, %get3A_945, %get3A_946] : memref<4x1536x64xbf16, #tpu.memory_space<vmem>>, vector<1x96x64xbf16>
    %get3A_948 = vector.shape_cast %get3A_947 : vector<1x96x64xbf16> to vector<96x64xbf16>
    %dot_general3A_949 = arith.constant dense<0.000000e+00> : vector<20x64xf32>
    %dot_general3A_950 = tpu.matmul %get3A_876, %get3A_943, %dot_general3A_949 {dimension_numbers = #tpu.dot_dimension_numbers<[0], [0], [1], [1], [0, 1, 1, 1], [], []>, transpose_lhs_hint = false} : vector<96x20xbf16>, vector<96x64xbf16>, vector<20x64xf32> -> vector<20x64xf32>
    %exp3A_951 = math.exp %dot_general3A_950 : vector<20x64xf32>
    %reduce_sum3A_952 = arith.constant dense<0.000000e+00> : vector<20xf32>
    %reduce_sum3A_953 = vector.multi_reduction <add>, %exp3A_951, %reduce_sum3A_952 [1] : vector<20x64xf32> to vector<20xf32>
    %broadcast_in_dim3A_954 = vector.shape_cast %reduce_sum3A_953 : vector<20xf32> to vector<20x1xf32>
    %convert_element_type3A_955 = arith.truncf %exp3A_951 : vector<20x64xf32> to vector<20x64xbf16>
    %dot_general3A_956 = arith.constant dense<0.000000e+00> : vector<20x96xf32>
    %dot_general3A_957 = tpu.matmul %convert_element_type3A_955, %get3A_948, %dot_general3A_956 {dimension_numbers = #tpu.dot_dimension_numbers<[1], [1], [0], [0], [0, 0, 1, 0], [], []>, transpose_lhs_hint = false} : vector<20x64xbf16>, vector<96x64xbf16>, vector<20x96xf32> -> vector<20x96xf32>
    %div3A_958 = arith.constant 1.000000e+00 : f32
    %div3A_959 = vector.broadcast %div3A_958 : f32 to vector<20x1xf32>
    %div3A_960 = arith.divf %div3A_959, %broadcast_in_dim3A_954 : vector<20x1xf32>
    %mul3A_961 = vector.broadcast %div3A_960 : vector<20x1xf32> to vector<20x96xf32>
    %mul3A_962 = arith.mulf %dot_general3A_957, %mul3A_961 : vector<20x96xf32>
    %convert_element_type3A_963 = arith.truncf %mul3A_962 : vector<20x96xf32> to vector<20x96xbf16>
    %swap3A_964 = arith.constant 2 : index
    %swap3A_965 = arith.constant 0 : index
    %swap3A_966 = arith.constant 480 : index
    %swap3A_967 = vector.load %arg16[%swap3A_964, %swap3A_965, %swap3A_966] : memref<4x20x768xbf16, #tpu.memory_space<vmem>>, vector<1x20x96xbf16>
    %swap3A_968 = vector.shape_cast %swap3A_967 : vector<1x20x96xbf16> to vector<20x96xbf16>
    %swap3A_969 = vector.shape_cast %convert_element_type3A_963 : vector<20x96xbf16> to vector<1x20x96xbf16>
    tpu.vector_store %arg16[%swap3A_964, %swap3A_965, %swap3A_966], %swap3A_969 {strides = array<i32>} : memref<4x20x768xbf16, #tpu.memory_space<vmem>>, vector<1x20x96xbf16>,
    %get3A_970 = arith.constant 3 : index
    %get3A_971 = arith.constant 480 : index
    %get3A_972 = arith.constant 0 : index
    %get3A_973 = vector.load %arg15[%get3A_970, %get3A_971, %get3A_972] : memref<4x1536x64xbf16, #tpu.memory_space<vmem>>, vector<1x96x64xbf16>
    %get3A_974 = vector.shape_cast %get3A_973 : vector<1x96x64xbf16> to vector<96x64xbf16>
    %get3A_975 = arith.constant 3 : index
    %get3A_976 = arith.constant 1248 : index
    %get3A_977 = arith.constant 0 : index
    %get3A_978 = vector.load %arg15[%get3A_975, %get3A_976, %get3A_977] : memref<4x1536x64xbf16, #tpu.memory_space<vmem>>, vector<1x96x64xbf16>
    %get3A_979 = vector.shape_cast %get3A_978 : vector<1x96x64xbf16> to vector<96x64xbf16>
    %dot_general3A_980 = arith.constant dense<0.000000e+00> : vector<20x64xf32>
    %dot_general3A_981 = tpu.matmul %get3A_876, %get3A_974, %dot_general3A_980 {dimension_numbers = #tpu.dot_dimension_numbers<[0], [0], [1], [1], [0, 1, 1, 1], [], []>, transpose_lhs_hint = false} : vector<96x20xbf16>, vector<96x64xbf16>, vector<20x64xf32> -> vector<20x64xf32>
    %exp3A_982 = math.exp %dot_general3A_981 : vector<20x64xf32>
    %reduce_sum3A_983 = arith.constant dense<0.000000e+00> : vector<20xf32>
    %reduce_sum3A_984 = vector.multi_reduction <add>, %exp3A_982, %reduce_sum3A_983 [1] : vector<20x64xf32> to vector<20xf32>
    %broadcast_in_dim3A_985 = vector.shape_cast %reduce_sum3A_984 : vector<20xf32> to vector<20x1xf32>
    %convert_element_type3A_986 = arith.truncf %exp3A_982 : vector<20x64xf32> to vector<20x64xbf16>
    %dot_general3A_987 = arith.constant dense<0.000000e+00> : vector<20x96xf32>
    %dot_general3A_988 = tpu.matmul %convert_element_type3A_986, %get3A_979, %dot_general3A_987 {dimension_numbers = #tpu.dot_dimension_numbers<[1], [1], [0], [0], [0, 0, 1, 0], [], []>, transpose_lhs_hint = false} : vector<20x64xbf16>, vector<96x64xbf16>, vector<20x96xf32> -> vector<20x96xf32>
    %div3A_989 = arith.constant 1.000000e+00 : f32
    %div3A_990 = vector.broadcast %div3A_989 : f32 to vector<20x1xf32>
    %div3A_991 = arith.divf %div3A_990, %broadcast_in_dim3A_985 : vector<20x1xf32>
    %mul3A_992 = vector.broadcast %div3A_991 : vector<20x1xf32> to vector<20x96xf32>
    %mul3A_993 = arith.mulf %dot_general3A_988, %mul3A_992 : vector<20x96xf32>
    %convert_element_type3A_994 = arith.truncf %mul3A_993 : vector<20x96xf32> to vector<20x96xbf16>
    %swap3A_995 = arith.constant 3 : index
    %swap3A_996 = arith.constant 0 : index
    %swap3A_997 = arith.constant 480 : index
    %swap3A_998 = vector.load %arg16[%swap3A_995, %swap3A_996, %swap3A_997] : memref<4x20x768xbf16, #tpu.memory_space<vmem>>, vector<1x20x96xbf16>
    %swap3A_999 = vector.shape_cast %swap3A_998 : vector<1x20x96xbf16> to vector<20x96xbf16>
    %swap3A_1000 = vector.shape_cast %convert_element_type3A_994 : vector<20x96xbf16> to vector<1x20x96xbf16>
    tpu.vector_store %arg16[%swap3A_995, %swap3A_996, %swap3A_997], %swap3A_1000 {strides = array<i32>} : memref<4x20x768xbf16, #tpu.memory_space<vmem>>, vector<1x20x96xbf16>,
    %get3A_1001 = arith.constant 576 : index
    %get3A_1002 = arith.constant 0 : index
    %get3A_1003 = vector.load %arg12[%get3A_1001, %get3A_1002] : memref<768x20xbf16, #tpu.memory_space<vmem>>, vector<96x20xbf16>
    %get3A_1004 = arith.constant 0 : index
    %get3A_1005 = arith.constant 576 : index
    %get3A_1006 = arith.constant 0 : index
    %get3A_1007 = vector.load %arg15[%get3A_1004, %get3A_1005, %get3A_1006] : memref<4x1536x64xbf16, #tpu.memory_space<vmem>>, vector<1x96x64xbf16>
    %get3A_1008 = vector.shape_cast %get3A_1007 : vector<1x96x64xbf16> to vector<96x64xbf16>
    %get3A_1009 = arith.constant 0 : index
    %get3A_1010 = arith.constant 1344 : index
    %get3A_1011 = arith.constant 0 : index
    %get3A_1012 = vector.load %arg15[%get3A_1009, %get3A_1010, %get3A_1011] : memref<4x1536x64xbf16, #tpu.memory_space<vmem>>, vector<1x96x64xbf16>
    %get3A_1013 = vector.shape_cast %get3A_1012 : vector<1x96x64xbf16> to vector<96x64xbf16>
    %dot_general3A_1014 = arith.constant dense<0.000000e+00> : vector<20x64xf32>
    %dot_general3A_1015 = tpu.matmul %get3A_1003, %get3A_1008, %dot_general3A_1014 {dimension_numbers = #tpu.dot_dimension_numbers<[0], [0], [1], [1], [0, 1, 1, 1], [], []>, transpose_lhs_hint = false} : vector<96x20xbf16>, vector<96x64xbf16>, vector<20x64xf32> -> vector<20x64xf32>
    %exp3A_1016 = math.exp %dot_general3A_1015 : vector<20x64xf32>
    %reduce_sum3A_1017 = arith.constant dense<0.000000e+00> : vector<20xf32>
    %reduce_sum3A_1018 = vector.multi_reduction <add>, %exp3A_1016, %reduce_sum3A_1017 [1] : vector<20x64xf32> to vector<20xf32>
    %broadcast_in_dim3A_1019 = vector.shape_cast %reduce_sum3A_1018 : vector<20xf32> to vector<20x1xf32>
    %convert_element_type3A_1020 = arith.truncf %exp3A_1016 : vector<20x64xf32> to vector<20x64xbf16>
    %dot_general3A_1021 = arith.constant dense<0.000000e+00> : vector<20x96xf32>
    %dot_general3A_1022 = tpu.matmul %convert_element_type3A_1020, %get3A_1013, %dot_general3A_1021 {dimension_numbers = #tpu.dot_dimension_numbers<[1], [1], [0], [0], [0, 0, 1, 0], [], []>, transpose_lhs_hint = false} : vector<20x64xbf16>, vector<96x64xbf16>, vector<20x96xf32> -> vector<20x96xf32>
    %div3A_1023 = arith.constant 1.000000e+00 : f32
    %div3A_1024 = vector.broadcast %div3A_1023 : f32 to vector<20x1xf32>
    %div3A_1025 = arith.divf %div3A_1024, %broadcast_in_dim3A_1019 : vector<20x1xf32>
    %mul3A_1026 = vector.broadcast %div3A_1025 : vector<20x1xf32> to vector<20x96xf32>
    %mul3A_1027 = arith.mulf %dot_general3A_1022, %mul3A_1026 : vector<20x96xf32>
    %convert_element_type3A_1028 = arith.truncf %mul3A_1027 : vector<20x96xf32> to vector<20x96xbf16>
    %swap3A_1029 = arith.constant 0 : index
    %swap3A_1030 = arith.constant 0 : index
    %swap3A_1031 = arith.constant 576 : index
    %swap3A_1032 = vector.load %arg16[%swap3A_1029, %swap3A_1030, %swap3A_1031] : memref<4x20x768xbf16, #tpu.memory_space<vmem>>, vector<1x20x96xbf16>
    %swap3A_1033 = vector.shape_cast %swap3A_1032 : vector<1x20x96xbf16> to vector<20x96xbf16>
    %swap3A_1034 = vector.shape_cast %convert_element_type3A_1028 : vector<20x96xbf16> to vector<1x20x96xbf16>
    tpu.vector_store %arg16[%swap3A_1029, %swap3A_1030, %swap3A_1031], %swap3A_1034 {strides = array<i32>} : memref<4x20x768xbf16, #tpu.memory_space<vmem>>, vector<1x20x96xbf16>,
    %get3A_1035 = arith.constant 1 : index
    %get3A_1036 = arith.constant 576 : index
    %get3A_1037 = arith.constant 0 : index
    %get3A_1038 = vector.load %arg15[%get3A_1035, %get3A_1036, %get3A_1037] : memref<4x1536x64xbf16, #tpu.memory_space<vmem>>, vector<1x96x64xbf16>
    %get3A_1039 = vector.shape_cast %get3A_1038 : vector<1x96x64xbf16> to vector<96x64xbf16>
    %get3A_1040 = arith.constant 1 : index
    %get3A_1041 = arith.constant 1344 : index
    %get3A_1042 = arith.constant 0 : index
    %get3A_1043 = vector.load %arg15[%get3A_1040, %get3A_1041, %get3A_1042] : memref<4x1536x64xbf16, #tpu.memory_space<vmem>>, vector<1x96x64xbf16>
    %get3A_1044 = vector.shape_cast %get3A_1043 : vector<1x96x64xbf16> to vector<96x64xbf16>
    %dot_general3A_1045 = arith.constant dense<0.000000e+00> : vector<20x64xf32>
    %dot_general3A_1046 = tpu.matmul %get3A_1003, %get3A_1039, %dot_general3A_1045 {dimension_numbers = #tpu.dot_dimension_numbers<[0], [0], [1], [1], [0, 1, 1, 1], [], []>, transpose_lhs_hint = false} : vector<96x20xbf16>, vector<96x64xbf16>, vector<20x64xf32> -> vector<20x64xf32>
    %exp3A_1047 = math.exp %dot_general3A_1046 : vector<20x64xf32>
    %reduce_sum3A_1048 = arith.constant dense<0.000000e+00> : vector<20xf32>
    %reduce_sum3A_1049 = vector.multi_reduction <add>, %exp3A_1047, %reduce_sum3A_1048 [1] : vector<20x64xf32> to vector<20xf32>
    %broadcast_in_dim3A_1050 = vector.shape_cast %reduce_sum3A_1049 : vector<20xf32> to vector<20x1xf32>
    %convert_element_type3A_1051 = arith.truncf %exp3A_1047 : vector<20x64xf32> to vector<20x64xbf16>
    %dot_general3A_1052 = arith.constant dense<0.000000e+00> : vector<20x96xf32>
    %dot_general3A_1053 = tpu.matmul %convert_element_type3A_1051, %get3A_1044, %dot_general3A_1052 {dimension_numbers = #tpu.dot_dimension_numbers<[1], [1], [0], [0], [0, 0, 1, 0], [], []>, transpose_lhs_hint = false} : vector<20x64xbf16>, vector<96x64xbf16>, vector<20x96xf32> -> vector<20x96xf32>
    %div3A_1054 = arith.constant 1.000000e+00 : f32
    %div3A_1055 = vector.broadcast %div3A_1054 : f32 to vector<20x1xf32>
    %div3A_1056 = arith.divf %div3A_1055, %broadcast_in_dim3A_1050 : vector<20x1xf32>
    %mul3A_1057 = vector.broadcast %div3A_1056 : vector<20x1xf32> to vector<20x96xf32>
    %mul3A_1058 = arith.mulf %dot_general3A_1053, %mul3A_1057 : vector<20x96xf32>
    %convert_element_type3A_1059 = arith.truncf %mul3A_1058 : vector<20x96xf32> to vector<20x96xbf16>
    %swap3A_1060 = arith.constant 1 : index
    %swap3A_1061 = arith.constant 0 : index
    %swap3A_1062 = arith.constant 576 : index
    %swap3A_1063 = vector.load %arg16[%swap3A_1060, %swap3A_1061, %swap3A_1062] : memref<4x20x768xbf16, #tpu.memory_space<vmem>>, vector<1x20x96xbf16>
    %swap3A_1064 = vector.shape_cast %swap3A_1063 : vector<1x20x96xbf16> to vector<20x96xbf16>
    %swap3A_1065 = vector.shape_cast %convert_element_type3A_1059 : vector<20x96xbf16> to vector<1x20x96xbf16>
    tpu.vector_store %arg16[%swap3A_1060, %swap3A_1061, %swap3A_1062], %swap3A_1065 {strides = array<i32>} : memref<4x20x768xbf16, #tpu.memory_space<vmem>>, vector<1x20x96xbf16>,
    %get3A_1066 = arith.constant 2 : index
    %get3A_1067 = arith.constant 576 : index
    %get3A_1068 = arith.constant 0 : index
    %get3A_1069 = vector.load %arg15[%get3A_1066, %get3A_1067, %get3A_1068] : memref<4x1536x64xbf16, #tpu.memory_space<vmem>>, vector<1x96x64xbf16>
    %get3A_1070 = vector.shape_cast %get3A_1069 : vector<1x96x64xbf16> to vector<96x64xbf16>
    %get3A_1071 = arith.constant 2 : index
    %get3A_1072 = arith.constant 1344 : index
    %get3A_1073 = arith.constant 0 : index
    %get3A_1074 = vector.load %arg15[%get3A_1071, %get3A_1072, %get3A_1073] : memref<4x1536x64xbf16, #tpu.memory_space<vmem>>, vector<1x96x64xbf16>
    %get3A_1075 = vector.shape_cast %get3A_1074 : vector<1x96x64xbf16> to vector<96x64xbf16>
    %dot_general3A_1076 = arith.constant dense<0.000000e+00> : vector<20x64xf32>
    %dot_general3A_1077 = tpu.matmul %get3A_1003, %get3A_1070, %dot_general3A_1076 {dimension_numbers = #tpu.dot_dimension_numbers<[0], [0], [1], [1], [0, 1, 1, 1], [], []>, transpose_lhs_hint = false} : vector<96x20xbf16>, vector<96x64xbf16>, vector<20x64xf32> -> vector<20x64xf32>
    %exp3A_1078 = math.exp %dot_general3A_1077 : vector<20x64xf32>
    %reduce_sum3A_1079 = arith.constant dense<0.000000e+00> : vector<20xf32>
    %reduce_sum3A_1080 = vector.multi_reduction <add>, %exp3A_1078, %reduce_sum3A_1079 [1] : vector<20x64xf32> to vector<20xf32>
    %broadcast_in_dim3A_1081 = vector.shape_cast %reduce_sum3A_1080 : vector<20xf32> to vector<20x1xf32>
    %convert_element_type3A_1082 = arith.truncf %exp3A_1078 : vector<20x64xf32> to vector<20x64xbf16>
    %dot_general3A_1083 = arith.constant dense<0.000000e+00> : vector<20x96xf32>
    %dot_general3A_1084 = tpu.matmul %convert_element_type3A_1082, %get3A_1075, %dot_general3A_1083 {dimension_numbers = #tpu.dot_dimension_numbers<[1], [1], [0], [0], [0, 0, 1, 0], [], []>, transpose_lhs_hint = false} : vector<20x64xbf16>, vector<96x64xbf16>, vector<20x96xf32> -> vector<20x96xf32>
    %div3A_1085 = arith.constant 1.000000e+00 : f32
    %div3A_1086 = vector.broadcast %div3A_1085 : f32 to vector<20x1xf32>
    %div3A_1087 = arith.divf %div3A_1086, %broadcast_in_dim3A_1081 : vector<20x1xf32>
    %mul3A_1088 = vector.broadcast %div3A_1087 : vector<20x1xf32> to vector<20x96xf32>
    %mul3A_1089 = arith.mulf %dot_general3A_1084, %mul3A_1088 : vector<20x96xf32>
    %convert_element_type3A_1090 = arith.truncf %mul3A_1089 : vector<20x96xf32> to vector<20x96xbf16>
    %swap3A_1091 = arith.constant 2 : index
    %swap3A_1092 = arith.constant 0 : index
    %swap3A_1093 = arith.constant 576 : index
    %swap3A_1094 = vector.load %arg16[%swap3A_1091, %swap3A_1092, %swap3A_1093] : memref<4x20x768xbf16, #tpu.memory_space<vmem>>, vector<1x20x96xbf16>
    %swap3A_1095 = vector.shape_cast %swap3A_1094 : vector<1x20x96xbf16> to vector<20x96xbf16>
    %swap3A_1096 = vector.shape_cast %convert_element_type3A_1090 : vector<20x96xbf16> to vector<1x20x96xbf16>
    tpu.vector_store %arg16[%swap3A_1091, %swap3A_1092, %swap3A_1093], %swap3A_1096 {strides = array<i32>} : memref<4x20x768xbf16, #tpu.memory_space<vmem>>, vector<1x20x96xbf16>,
    %get3A_1097 = arith.constant 3 : index
    %get3A_1098 = arith.constant 576 : index
    %get3A_1099 = arith.constant 0 : index
    %get3A_1100 = vector.load %arg15[%get3A_1097, %get3A_1098, %get3A_1099] : memref<4x1536x64xbf16, #tpu.memory_space<vmem>>, vector<1x96x64xbf16>
    %get3A_1101 = vector.shape_cast %get3A_1100 : vector<1x96x64xbf16> to vector<96x64xbf16>
    %get3A_1102 = arith.constant 3 : index
    %get3A_1103 = arith.constant 1344 : index
    %get3A_1104 = arith.constant 0 : index
    %get3A_1105 = vector.load %arg15[%get3A_1102, %get3A_1103, %get3A_1104] : memref<4x1536x64xbf16, #tpu.memory_space<vmem>>, vector<1x96x64xbf16>
    %get3A_1106 = vector.shape_cast %get3A_1105 : vector<1x96x64xbf16> to vector<96x64xbf16>
    %dot_general3A_1107 = arith.constant dense<0.000000e+00> : vector<20x64xf32>
    %dot_general3A_1108 = tpu.matmul %get3A_1003, %get3A_1101, %dot_general3A_1107 {dimension_numbers = #tpu.dot_dimension_numbers<[0], [0], [1], [1], [0, 1, 1, 1], [], []>, transpose_lhs_hint = false} : vector<96x20xbf16>, vector<96x64xbf16>, vector<20x64xf32> -> vector<20x64xf32>
    %exp3A_1109 = math.exp %dot_general3A_1108 : vector<20x64xf32>
    %reduce_sum3A_1110 = arith.constant dense<0.000000e+00> : vector<20xf32>
    %reduce_sum3A_1111 = vector.multi_reduction <add>, %exp3A_1109, %reduce_sum3A_1110 [1] : vector<20x64xf32> to vector<20xf32>
    %broadcast_in_dim3A_1112 = vector.shape_cast %reduce_sum3A_1111 : vector<20xf32> to vector<20x1xf32>
    %convert_element_type3A_1113 = arith.truncf %exp3A_1109 : vector<20x64xf32> to vector<20x64xbf16>
    %dot_general3A_1114 = arith.constant dense<0.000000e+00> : vector<20x96xf32>
    %dot_general3A_1115 = tpu.matmul %convert_element_type3A_1113, %get3A_1106, %dot_general3A_1114 {dimension_numbers = #tpu.dot_dimension_numbers<[1], [1], [0], [0], [0, 0, 1, 0], [], []>, transpose_lhs_hint = false} : vector<20x64xbf16>, vector<96x64xbf16>, vector<20x96xf32> -> vector<20x96xf32>
    %div3A_1116 = arith.constant 1.000000e+00 : f32
    %div3A_1117 = vector.broadcast %div3A_1116 : f32 to vector<20x1xf32>
    %div3A_1118 = arith.divf %div3A_1117, %broadcast_in_dim3A_1112 : vector<20x1xf32>
    %mul3A_1119 = vector.broadcast %div3A_1118 : vector<20x1xf32> to vector<20x96xf32>
    %mul3A_1120 = arith.mulf %dot_general3A_1115, %mul3A_1119 : vector<20x96xf32>
    %convert_element_type3A_1121 = arith.truncf %mul3A_1120 : vector<20x96xf32> to vector<20x96xbf16>
    %swap3A_1122 = arith.constant 3 : index
    %swap3A_1123 = arith.constant 0 : index
    %swap3A_1124 = arith.constant 576 : index
    %swap3A_1125 = vector.load %arg16[%swap3A_1122, %swap3A_1123, %swap3A_1124] : memref<4x20x768xbf16, #tpu.memory_space<vmem>>, vector<1x20x96xbf16>
    %swap3A_1126 = vector.shape_cast %swap3A_1125 : vector<1x20x96xbf16> to vector<20x96xbf16>
    %swap3A_1127 = vector.shape_cast %convert_element_type3A_1121 : vector<20x96xbf16> to vector<1x20x96xbf16>
    tpu.vector_store %arg16[%swap3A_1122, %swap3A_1123, %swap3A_1124], %swap3A_1127 {strides = array<i32>} : memref<4x20x768xbf16, #tpu.memory_space<vmem>>, vector<1x20x96xbf16>,
    %get3A_1128 = arith.constant 672 : index
    %get3A_1129 = arith.constant 0 : index
    %get3A_1130 = vector.load %arg12[%get3A_1128, %get3A_1129] : memref<768x20xbf16, #tpu.memory_space<vmem>>, vector<96x20xbf16>
    %get3A_1131 = arith.constant 0 : index
    %get3A_1132 = arith.constant 672 : index
    %get3A_1133 = arith.constant 0 : index
    %get3A_1134 = vector.load %arg15[%get3A_1131, %get3A_1132, %get3A_1133] : memref<4x1536x64xbf16, #tpu.memory_space<vmem>>, vector<1x96x64xbf16>
    %get3A_1135 = vector.shape_cast %get3A_1134 : vector<1x96x64xbf16> to vector<96x64xbf16>
    %get3A_1136 = arith.constant 0 : index
    %get3A_1137 = arith.constant 1440 : index
    %get3A_1138 = arith.constant 0 : index
    %get3A_1139 = vector.load %arg15[%get3A_1136, %get3A_1137, %get3A_1138] : memref<4x1536x64xbf16, #tpu.memory_space<vmem>>, vector<1x96x64xbf16>
    %get3A_1140 = vector.shape_cast %get3A_1139 : vector<1x96x64xbf16> to vector<96x64xbf16>
    %dot_general3A_1141 = arith.constant dense<0.000000e+00> : vector<20x64xf32>
    %dot_general3A_1142 = tpu.matmul %get3A_1130, %get3A_1135, %dot_general3A_1141 {dimension_numbers = #tpu.dot_dimension_numbers<[0], [0], [1], [1], [0, 1, 1, 1], [], []>, transpose_lhs_hint = false} : vector<96x20xbf16>, vector<96x64xbf16>, vector<20x64xf32> -> vector<20x64xf32>
    %exp3A_1143 = math.exp %dot_general3A_1142 : vector<20x64xf32>
    %reduce_sum3A_1144 = arith.constant dense<0.000000e+00> : vector<20xf32>
    %reduce_sum3A_1145 = vector.multi_reduction <add>, %exp3A_1143, %reduce_sum3A_1144 [1] : vector<20x64xf32> to vector<20xf32>
    %broadcast_in_dim3A_1146 = vector.shape_cast %reduce_sum3A_1145 : vector<20xf32> to vector<20x1xf32>
    %convert_element_type3A_1147 = arith.truncf %exp3A_1143 : vector<20x64xf32> to vector<20x64xbf16>
    %dot_general3A_1148 = arith.constant dense<0.000000e+00> : vector<20x96xf32>
    %dot_general3A_1149 = tpu.matmul %convert_element_type3A_1147, %get3A_1140, %dot_general3A_1148 {dimension_numbers = #tpu.dot_dimension_numbers<[1], [1], [0], [0], [0, 0, 1, 0], [], []>, transpose_lhs_hint = false} : vector<20x64xbf16>, vector<96x64xbf16>, vector<20x96xf32> -> vector<20x96xf32>
    %div3A_1150 = arith.constant 1.000000e+00 : f32
    %div3A_1151 = vector.broadcast %div3A_1150 : f32 to vector<20x1xf32>
    %div3A_1152 = arith.divf %div3A_1151, %broadcast_in_dim3A_1146 : vector<20x1xf32>
    %mul3A_1153 = vector.broadcast %div3A_1152 : vector<20x1xf32> to vector<20x96xf32>
    %mul3A_1154 = arith.mulf %dot_general3A_1149, %mul3A_1153 : vector<20x96xf32>
    %convert_element_type3A_1155 = arith.truncf %mul3A_1154 : vector<20x96xf32> to vector<20x96xbf16>
    %swap3A_1156 = arith.constant 0 : index
    %swap3A_1157 = arith.constant 0 : index
    %swap3A_1158 = arith.constant 672 : index
    %swap3A_1159 = vector.load %arg16[%swap3A_1156, %swap3A_1157, %swap3A_1158] : memref<4x20x768xbf16, #tpu.memory_space<vmem>>, vector<1x20x96xbf16>
    %swap3A_1160 = vector.shape_cast %swap3A_1159 : vector<1x20x96xbf16> to vector<20x96xbf16>
    %swap3A_1161 = vector.shape_cast %convert_element_type3A_1155 : vector<20x96xbf16> to vector<1x20x96xbf16>
    tpu.vector_store %arg16[%swap3A_1156, %swap3A_1157, %swap3A_1158], %swap3A_1161 {strides = array<i32>} : memref<4x20x768xbf16, #tpu.memory_space<vmem>>, vector<1x20x96xbf16>,
    %get3A_1162 = arith.constant 1 : index
    %get3A_1163 = arith.constant 672 : index
    %get3A_1164 = arith.constant 0 : index
    %get3A_1165 = vector.load %arg15[%get3A_1162, %get3A_1163, %get3A_1164] : memref<4x1536x64xbf16, #tpu.memory_space<vmem>>, vector<1x96x64xbf16>
    %get3A_1166 = vector.shape_cast %get3A_1165 : vector<1x96x64xbf16> to vector<96x64xbf16>
    %get3A_1167 = arith.constant 1 : index
    %get3A_1168 = arith.constant 1440 : index
    %get3A_1169 = arith.constant 0 : index
    %get3A_1170 = vector.load %arg15[%get3A_1167, %get3A_1168, %get3A_1169] : memref<4x1536x64xbf16, #tpu.memory_space<vmem>>, vector<1x96x64xbf16>
    %get3A_1171 = vector.shape_cast %get3A_1170 : vector<1x96x64xbf16> to vector<96x64xbf16>
    %dot_general3A_1172 = arith.constant dense<0.000000e+00> : vector<20x64xf32>
    %dot_general3A_1173 = tpu.matmul %get3A_1130, %get3A_1166, %dot_general3A_1172 {dimension_numbers = #tpu.dot_dimension_numbers<[0], [0], [1], [1], [0, 1, 1, 1], [], []>, transpose_lhs_hint = false} : vector<96x20xbf16>, vector<96x64xbf16>, vector<20x64xf32> -> vector<20x64xf32>
    %exp3A_1174 = math.exp %dot_general3A_1173 : vector<20x64xf32>
    %reduce_sum3A_1175 = arith.constant dense<0.000000e+00> : vector<20xf32>
    %reduce_sum3A_1176 = vector.multi_reduction <add>, %exp3A_1174, %reduce_sum3A_1175 [1] : vector<20x64xf32> to vector<20xf32>
    %broadcast_in_dim3A_1177 = vector.shape_cast %reduce_sum3A_1176 : vector<20xf32> to vector<20x1xf32>
    %convert_element_type3A_1178 = arith.truncf %exp3A_1174 : vector<20x64xf32> to vector<20x64xbf16>
    %dot_general3A_1179 = arith.constant dense<0.000000e+00> : vector<20x96xf32>
    %dot_general3A_1180 = tpu.matmul %convert_element_type3A_1178, %get3A_1171, %dot_general3A_1179 {dimension_numbers = #tpu.dot_dimension_numbers<[1], [1], [0], [0], [0, 0, 1, 0], [], []>, transpose_lhs_hint = false} : vector<20x64xbf16>, vector<96x64xbf16>, vector<20x96xf32> -> vector<20x96xf32>
    %div3A_1181 = arith.constant 1.000000e+00 : f32
    %div3A_1182 = vector.broadcast %div3A_1181 : f32 to vector<20x1xf32>
    %div3A_1183 = arith.divf %div3A_1182, %broadcast_in_dim3A_1177 : vector<20x1xf32>
    %mul3A_1184 = vector.broadcast %div3A_1183 : vector<20x1xf32> to vector<20x96xf32>
    %mul3A_1185 = arith.mulf %dot_general3A_1180, %mul3A_1184 : vector<20x96xf32>
    %convert_element_type3A_1186 = arith.truncf %mul3A_1185 : vector<20x96xf32> to vector<20x96xbf16>
    %swap3A_1187 = arith.constant 1 : index
    %swap3A_1188 = arith.constant 0 : index
    %swap3A_1189 = arith.constant 672 : index
    %swap3A_1190 = vector.load %arg16[%swap3A_1187, %swap3A_1188, %swap3A_1189] : memref<4x20x768xbf16, #tpu.memory_space<vmem>>, vector<1x20x96xbf16>
    %swap3A_1191 = vector.shape_cast %swap3A_1190 : vector<1x20x96xbf16> to vector<20x96xbf16>
    %swap3A_1192 = vector.shape_cast %convert_element_type3A_1186 : vector<20x96xbf16> to vector<1x20x96xbf16>
    tpu.vector_store %arg16[%swap3A_1187, %swap3A_1188, %swap3A_1189], %swap3A_1192 {strides = array<i32>} : memref<4x20x768xbf16, #tpu.memory_space<vmem>>, vector<1x20x96xbf16>,
    %get3A_1193 = arith.constant 2 : index
    %get3A_1194 = arith.constant 672 : index
    %get3A_1195 = arith.constant 0 : index
    %get3A_1196 = vector.load %arg15[%get3A_1193, %get3A_1194, %get3A_1195] : memref<4x1536x64xbf16, #tpu.memory_space<vmem>>, vector<1x96x64xbf16>
    %get3A_1197 = vector.shape_cast %get3A_1196 : vector<1x96x64xbf16> to vector<96x64xbf16>
    %get3A_1198 = arith.constant 2 : index
    %get3A_1199 = arith.constant 1440 : index
    %get3A_1200 = arith.constant 0 : index
    %get3A_1201 = vector.load %arg15[%get3A_1198, %get3A_1199, %get3A_1200] : memref<4x1536x64xbf16, #tpu.memory_space<vmem>>, vector<1x96x64xbf16>
    %get3A_1202 = vector.shape_cast %get3A_1201 : vector<1x96x64xbf16> to vector<96x64xbf16>
    %dot_general3A_1203 = arith.constant dense<0.000000e+00> : vector<20x64xf32>
    %dot_general3A_1204 = tpu.matmul %get3A_1130, %get3A_1197, %dot_general3A_1203 {dimension_numbers = #tpu.dot_dimension_numbers<[0], [0], [1], [1], [0, 1, 1, 1], [], []>, transpose_lhs_hint = false} : vector<96x20xbf16>, vector<96x64xbf16>, vector<20x64xf32> -> vector<20x64xf32>
    %exp3A_1205 = math.exp %dot_general3A_1204 : vector<20x64xf32>
    %reduce_sum3A_1206 = arith.constant dense<0.000000e+00> : vector<20xf32>
    %reduce_sum3A_1207 = vector.multi_reduction <add>, %exp3A_1205, %reduce_sum3A_1206 [1] : vector<20x64xf32> to vector<20xf32>
    %broadcast_in_dim3A_1208 = vector.shape_cast %reduce_sum3A_1207 : vector<20xf32> to vector<20x1xf32>
    %convert_element_type3A_1209 = arith.truncf %exp3A_1205 : vector<20x64xf32> to vector<20x64xbf16>
    %dot_general3A_1210 = arith.constant dense<0.000000e+00> : vector<20x96xf32>
    %dot_general3A_1211 = tpu.matmul %convert_element_type3A_1209, %get3A_1202, %dot_general3A_1210 {dimension_numbers = #tpu.dot_dimension_numbers<[1], [1], [0], [0], [0, 0, 1, 0], [], []>, transpose_lhs_hint = false} : vector<20x64xbf16>, vector<96x64xbf16>, vector<20x96xf32> -> vector<20x96xf32>
    %div3A_1212 = arith.constant 1.000000e+00 : f32
    %div3A_1213 = vector.broadcast %div3A_1212 : f32 to vector<20x1xf32>
    %div3A_1214 = arith.divf %div3A_1213, %broadcast_in_dim3A_1208 : vector<20x1xf32>
    %mul3A_1215 = vector.broadcast %div3A_1214 : vector<20x1xf32> to vector<20x96xf32>
    %mul3A_1216 = arith.mulf %dot_general3A_1211, %mul3A_1215 : vector<20x96xf32>
    %convert_element_type3A_1217 = arith.truncf %mul3A_1216 : vector<20x96xf32> to vector<20x96xbf16>
    %swap3A_1218 = arith.constant 2 : index
    %swap3A_1219 = arith.constant 0 : index
    %swap3A_1220 = arith.constant 672 : index
    %swap3A_1221 = vector.load %arg16[%swap3A_1218, %swap3A_1219, %swap3A_1220] : memref<4x20x768xbf16, #tpu.memory_space<vmem>>, vector<1x20x96xbf16>
    %swap3A_1222 = vector.shape_cast %swap3A_1221 : vector<1x20x96xbf16> to vector<20x96xbf16>
    %swap3A_1223 = vector.shape_cast %convert_element_type3A_1217 : vector<20x96xbf16> to vector<1x20x96xbf16>
    tpu.vector_store %arg16[%swap3A_1218, %swap3A_1219, %swap3A_1220], %swap3A_1223 {strides = array<i32>} : memref<4x20x768xbf16, #tpu.memory_space<vmem>>, vector<1x20x96xbf16>,
    %get3A_1224 = arith.constant 3 : index
    %get3A_1225 = arith.constant 672 : index
    %get3A_1226 = arith.constant 0 : index
    %get3A_1227 = vector.load %arg15[%get3A_1224, %get3A_1225, %get3A_1226] : memref<4x1536x64xbf16, #tpu.memory_space<vmem>>, vector<1x96x64xbf16>
    %get3A_1228 = vector.shape_cast %get3A_1227 : vector<1x96x64xbf16> to vector<96x64xbf16>
    %get3A_1229 = arith.constant 3 : index
    %get3A_1230 = arith.constant 1440 : index
    %get3A_1231 = arith.constant 0 : index
    %get3A_1232 = vector.load %arg15[%get3A_1229, %get3A_1230, %get3A_1231] : memref<4x1536x64xbf16, #tpu.memory_space<vmem>>, vector<1x96x64xbf16>
    %get3A_1233 = vector.shape_cast %get3A_1232 : vector<1x96x64xbf16> to vector<96x64xbf16>
    %dot_general3A_1234 = arith.constant dense<0.000000e+00> : vector<20x64xf32>
    %dot_general3A_1235 = tpu.matmul %get3A_1130, %get3A_1228, %dot_general3A_1234 {dimension_numbers = #tpu.dot_dimension_numbers<[0], [0], [1], [1], [0, 1, 1, 1], [], []>, transpose_lhs_hint = false} : vector<96x20xbf16>, vector<96x64xbf16>, vector<20x64xf32> -> vector<20x64xf32>
    %exp3A_1236 = math.exp %dot_general3A_1235 : vector<20x64xf32>
    %reduce_sum3A_1237 = arith.constant dense<0.000000e+00> : vector<20xf32>
    %reduce_sum3A_1238 = vector.multi_reduction <add>, %exp3A_1236, %reduce_sum3A_1237 [1] : vector<20x64xf32> to vector<20xf32>
    %broadcast_in_dim3A_1239 = vector.shape_cast %reduce_sum3A_1238 : vector<20xf32> to vector<20x1xf32>
    %convert_element_type3A_1240 = arith.truncf %exp3A_1236 : vector<20x64xf32> to vector<20x64xbf16>
    %dot_general3A_1241 = arith.constant dense<0.000000e+00> : vector<20x96xf32>
    %dot_general3A_1242 = tpu.matmul %convert_element_type3A_1240, %get3A_1233, %dot_general3A_1241 {dimension_numbers = #tpu.dot_dimension_numbers<[1], [1], [0], [0], [0, 0, 1, 0], [], []>, transpose_lhs_hint = false} : vector<20x64xbf16>, vector<96x64xbf16>, vector<20x96xf32> -> vector<20x96xf32>
    %div3A_1243 = arith.constant 1.000000e+00 : f32
    %div3A_1244 = vector.broadcast %div3A_1243 : f32 to vector<20x1xf32>
    %div3A_1245 = arith.divf %div3A_1244, %broadcast_in_dim3A_1239 : vector<20x1xf32>
    %mul3A_1246 = vector.broadcast %div3A_1245 : vector<20x1xf32> to vector<20x96xf32>
    %mul3A_1247 = arith.mulf %dot_general3A_1242, %mul3A_1246 : vector<20x96xf32>
    %convert_element_type3A_1248 = arith.truncf %mul3A_1247 : vector<20x96xf32> to vector<20x96xbf16>
    %swap3A_1249 = arith.constant 3 : index
    %swap3A_1250 = arith.constant 0 : index
    %swap3A_1251 = arith.constant 672 : index
    %swap3A_1252 = vector.load %arg16[%swap3A_1249, %swap3A_1250, %swap3A_1251] : memref<4x20x768xbf16, #tpu.memory_space<vmem>>, vector<1x20x96xbf16>
    %swap3A_1253 = vector.shape_cast %swap3A_1252 : vector<1x20x96xbf16> to vector<20x96xbf16>
    %swap3A_1254 = vector.shape_cast %convert_element_type3A_1248 : vector<20x96xbf16> to vector<1x20x96xbf16>
    tpu.vector_store %arg16[%swap3A_1249, %swap3A_1250, %swap3A_1251], %swap3A_1254 {strides = array<i32>} : memref<4x20x768xbf16, #tpu.memory_space<vmem>>, vector<1x20x96xbf16>,
    %get3A_1255 = arith.constant 0 : index
    %get3A_1256 = arith.constant 0 : index
    %get3A_1257 = arith.constant 0 : index
    %get3A_1258 = vector.load %arg16[%get3A_1255, %get3A_1256, %get3A_1257] : memref<4x20x768xbf16, #tpu.memory_space<vmem>>, vector<1x20x768xbf16>
    %get3A_1259 = vector.shape_cast %get3A_1258 : vector<1x20x768xbf16> to vector<20x768xbf16>
    %get3A_1260 = arith.constant 0 : index
    %get3A_1261 = arith.constant 0 : index
    %get3A_1262 = vector.load %arg14[%get3A_1260, %get3A_1261] : memref<768x768xbf16, #tpu.memory_space<vmem>>, vector<768x768xbf16>
    %dot_general3A_1263 = arith.constant dense<0.000000e+00> : vector<20x768xf32>
    %dot_general3A_1264 = tpu.matmul %get3A_1259, %get3A_1262, %dot_general3A_1263 {dimension_numbers = #tpu.dot_dimension_numbers<[1], [1], [0], [0], [0, 0, 1, 0], [], []>, transpose_lhs_hint = false} : vector<20x768xbf16>, vector<768x768xbf16>, vector<20x768xf32> -> vector<20x768xf32>
    %get3A_1265 = arith.constant 0 : index
    %get3A_1266 = vector.load %arg9[%get3A_1265] : memref<768xf32, #tpu.memory_space<vmem>>, vector<768xf32>
    %reshape3A = vector.shape_cast %get3A_1266 : vector<768xf32> to vector<1x768xf32>
    %add3A_1267 = vector.broadcast %reshape3A : vector<1x768xf32> to vector<20x768xf32>
    %add3A_1268 = arith.addf %dot_general3A_1264, %add3A_1267 : vector<20x768xf32>
    %swap3A_1269 = arith.constant 0 : index
    %swap3A_1270 = arith.constant 0 : index
    %swap3A_1271 = arith.constant 0 : index
    %swap3A_1272 = vector.load %arg10[%swap3A_1269, %swap3A_1270, %swap3A_1271] : memref<4x232x768xf32, #tpu.memory_space<vmem>>, vector<1x20x768xf32>
    %swap3A_1273 = vector.shape_cast %swap3A_1272 : vector<1x20x768xf32> to vector<20x768xf32>
    %swap3A_1274 = vector.shape_cast %add3A_1268 : vector<20x768xf32> to vector<1x20x768xf32>
    tpu.vector_store %arg10[%swap3A_1269, %swap3A_1270, %swap3A_1271], %swap3A_1274 {strides = array<i32>} : memref<4x232x768xf32, #tpu.memory_space<vmem>>, vector<1x20x768xf32>,
    %get3A_1275 = arith.constant 1 : index
    %get3A_1276 = arith.constant 0 : index
    %get3A_1277 = arith.constant 0 : index
    %get3A_1278 = vector.load %arg16[%get3A_1275, %get3A_1276, %get3A_1277] : memref<4x20x768xbf16, #tpu.memory_space<vmem>>, vector<1x20x768xbf16>
    %get3A_1279 = vector.shape_cast %get3A_1278 : vector<1x20x768xbf16> to vector<20x768xbf16>
    %get3A_1280 = arith.constant 0 : index
    %get3A_1281 = arith.constant 0 : index
    %get3A_1282 = vector.load %arg14[%get3A_1280, %get3A_1281] : memref<768x768xbf16, #tpu.memory_space<vmem>>, vector<768x768xbf16>
    %dot_general3A_1283 = arith.constant dense<0.000000e+00> : vector<20x768xf32>
    %dot_general3A_1284 = tpu.matmul %get3A_1279, %get3A_1282, %dot_general3A_1283 {dimension_numbers = #tpu.dot_dimension_numbers<[1], [1], [0], [0], [0, 0, 1, 0], [], []>, transpose_lhs_hint = false} : vector<20x768xbf16>, vector<768x768xbf16>, vector<20x768xf32> -> vector<20x768xf32>
    %get3A_1285 = arith.constant 0 : index
    %get3A_1286 = vector.load %arg9[%get3A_1285] : memref<768xf32, #tpu.memory_space<vmem>>, vector<768xf32>
    %reshape3A_1287 = vector.shape_cast %get3A_1286 : vector<768xf32> to vector<1x768xf32>
    %add3A_1288 = vector.broadcast %reshape3A_1287 : vector<1x768xf32> to vector<20x768xf32>
    %add3A_1289 = arith.addf %dot_general3A_1284, %add3A_1288 : vector<20x768xf32>
    %swap3A_1290 = arith.constant 1 : index
    %swap3A_1291 = arith.constant 0 : index
    %swap3A_1292 = arith.constant 0 : index
    %swap3A_1293 = vector.load %arg10[%swap3A_1290, %swap3A_1291, %swap3A_1292] : memref<4x232x768xf32, #tpu.memory_space<vmem>>, vector<1x20x768xf32>
    %swap3A_1294 = vector.shape_cast %swap3A_1293 : vector<1x20x768xf32> to vector<20x768xf32>
    %swap3A_1295 = vector.shape_cast %add3A_1289 : vector<20x768xf32> to vector<1x20x768xf32>
    tpu.vector_store %arg10[%swap3A_1290, %swap3A_1291, %swap3A_1292], %swap3A_1295 {strides = array<i32>} : memref<4x232x768xf32, #tpu.memory_space<vmem>>, vector<1x20x768xf32>,
    %get3A_1296 = arith.constant 2 : index
    %get3A_1297 = arith.constant 0 : index
    %get3A_1298 = arith.constant 0 : index
    %get3A_1299 = vector.load %arg16[%get3A_1296, %get3A_1297, %get3A_1298] : memref<4x20x768xbf16, #tpu.memory_space<vmem>>, vector<1x20x768xbf16>
    %get3A_1300 = vector.shape_cast %get3A_1299 : vector<1x20x768xbf16> to vector<20x768xbf16>
    %get3A_1301 = arith.constant 0 : index
    %get3A_1302 = arith.constant 0 : index
    %get3A_1303 = vector.load %arg14[%get3A_1301, %get3A_1302] : memref<768x768xbf16, #tpu.memory_space<vmem>>, vector<768x768xbf16>
    %dot_general3A_1304 = arith.constant dense<0.000000e+00> : vector<20x768xf32>
    %dot_general3A_1305 = tpu.matmul %get3A_1300, %get3A_1303, %dot_general3A_1304 {dimension_numbers = #tpu.dot_dimension_numbers<[1], [1], [0], [0], [0, 0, 1, 0], [], []>, transpose_lhs_hint = false} : vector<20x768xbf16>, vector<768x768xbf16>, vector<20x768xf32> -> vector<20x768xf32>
    %get3A_1306 = arith.constant 0 : index
    %get3A_1307 = vector.load %arg9[%get3A_1306] : memref<768xf32, #tpu.memory_space<vmem>>, vector<768xf32>
    %reshape3A_1308 = vector.shape_cast %get3A_1307 : vector<768xf32> to vector<1x768xf32>
    %add3A_1309 = vector.broadcast %reshape3A_1308 : vector<1x768xf32> to vector<20x768xf32>
    %add3A_1310 = arith.addf %dot_general3A_1305, %add3A_1309 : vector<20x768xf32>
    %swap3A_1311 = arith.constant 2 : index
    %swap3A_1312 = arith.constant 0 : index
    %swap3A_1313 = arith.constant 0 : index
    %swap3A_1314 = vector.load %arg10[%swap3A_1311, %swap3A_1312, %swap3A_1313] : memref<4x232x768xf32, #tpu.memory_space<vmem>>, vector<1x20x768xf32>
    %swap3A_1315 = vector.shape_cast %swap3A_1314 : vector<1x20x768xf32> to vector<20x768xf32>
    %swap3A_1316 = vector.shape_cast %add3A_1310 : vector<20x768xf32> to vector<1x20x768xf32>
    tpu.vector_store %arg10[%swap3A_1311, %swap3A_1312, %swap3A_1313], %swap3A_1316 {strides = array<i32>} : memref<4x232x768xf32, #tpu.memory_space<vmem>>, vector<1x20x768xf32>,
    %get3A_1317 = arith.constant 3 : index
    %get3A_1318 = arith.constant 0 : index
    %get3A_1319 = arith.constant 0 : index
    %get3A_1320 = vector.load %arg16[%get3A_1317, %get3A_1318, %get3A_1319] : memref<4x20x768xbf16, #tpu.memory_space<vmem>>, vector<1x20x768xbf16>
    %get3A_1321 = vector.shape_cast %get3A_1320 : vector<1x20x768xbf16> to vector<20x768xbf16>
    %get3A_1322 = arith.constant 0 : index
    %get3A_1323 = arith.constant 0 : index
    %get3A_1324 = vector.load %arg14[%get3A_1322, %get3A_1323] : memref<768x768xbf16, #tpu.memory_space<vmem>>, vector<768x768xbf16>
    %dot_general3A_1325 = arith.constant dense<0.000000e+00> : vector<20x768xf32>
    %dot_general3A_1326 = tpu.matmul %get3A_1321, %get3A_1324, %dot_general3A_1325 {dimension_numbers = #tpu.dot_dimension_numbers<[1], [1], [0], [0], [0, 0, 1, 0], [], []>, transpose_lhs_hint = false} : vector<20x768xbf16>, vector<768x768xbf16>, vector<20x768xf32> -> vector<20x768xf32>
    %get3A_1327 = arith.constant 0 : index
    %get3A_1328 = vector.load %arg9[%get3A_1327] : memref<768xf32, #tpu.memory_space<vmem>>, vector<768xf32>
    %reshape3A_1329 = vector.shape_cast %get3A_1328 : vector<768xf32> to vector<1x768xf32>
    %add3A_1330 = vector.broadcast %reshape3A_1329 : vector<1x768xf32> to vector<20x768xf32>
    %add3A_1331 = arith.addf %dot_general3A_1326, %add3A_1330 : vector<20x768xf32>
    %swap3A_1332 = arith.constant 3 : index
    %swap3A_1333 = arith.constant 0 : index
    %swap3A_1334 = arith.constant 0 : index
    %swap3A_1335 = vector.load %arg10[%swap3A_1332, %swap3A_1333, %swap3A_1334] : memref<4x232x768xf32, #tpu.memory_space<vmem>>, vector<1x20x768xf32>
    %swap3A_1336 = vector.shape_cast %swap3A_1335 : vector<1x20x768xf32> to vector<20x768xf32>
    %swap3A_1337 = vector.shape_cast %add3A_1331 : vector<20x768xf32> to vector<1x20x768xf32>
    tpu.vector_store %arg10[%swap3A_1332, %swap3A_1333, %swap3A_1334], %swap3A_1337 {strides = array<i32>} : memref<4x232x768xf32, #tpu.memory_space<vmem>>, vector<1x20x768xf32>,
    return
  }
  func.func @transform_0(%arg0: i32) -> (i32, i32, i32) {
    %jit3A = arith.constant 2 : i32
    %div3A = arith.divsi %arg0, %jit3A : i32
    %sign3A = arith.constant 0 : i32
    %sign3A_0 = arith.cmpi sgt, %arg0, %sign3A : i32
    %sign3A_1 = arith.extui %sign3A_0 : i1 to i32
    %sign3A_2 = arith.constant 0 : i32
    %sign3A_3 = arith.cmpi slt, %arg0, %sign3A_2 : i32
    %sign3A_4 = arith.extui %sign3A_3 : i1 to i32
    %sign3A_5 = arith.subi %sign3A_1, %sign3A_4 : i32
    %sign3A_6 = arith.constant 0 : i32
    %sign3A_7 = arith.cmpi sgt, %jit3A, %sign3A_6 : i32
    %sign3A_8 = arith.extui %sign3A_7 : i1 to i32
    %sign3A_9 = arith.constant 0 : i32
    %sign3A_10 = arith.cmpi slt, %jit3A, %sign3A_9 : i32
    %sign3A_11 = arith.extui %sign3A_10 : i1 to i32
    %sign3A_12 = arith.subi %sign3A_8, %sign3A_11 : i32
    %ne3A = arith.cmpi ne, %sign3A_5, %sign3A_12 : i32
    %rem3A = arith.remsi %arg0, %jit3A : i32
    %ne3A_13 = arith.constant 0 : i32
    %ne3A_14 = arith.cmpi ne, %rem3A, %ne3A_13 : i32
    %and3A = arith.andi %ne3A, %ne3A_14 : i1
    %sub3A = arith.constant 1 : i32
    %sub3A_15 = arith.subi %div3A, %sub3A : i32
    %select_n3A = arith.select %and3A, %sub3A_15, %div3A : i32
    %c0_i32 = arith.constant 0 : i32
    %c0_i32_16 = arith.constant 0 : i32
    %c0_i32_17 = arith.constant 0 : i32
    return %c0_i32, %select_n3A, %c0_i32_16 : i32, i32, i32
  }
  func.func @transform_1(%arg0: i32) -> (i32, i32, i32) {
    %c0_i32 = arith.constant 0 : i32
    %c0_i32_0 = arith.constant 0 : i32
    %c0_i32_1 = arith.constant 0 : i32
    return %arg0, %c0_i32, %c0_i32_0 : i32, i32, i32
  }
  func.func @transform_2(%arg0: i32) -> (i32, i32, i32) {
    %c0_i32 = arith.constant 0 : i32
    %c0_i32_0 = arith.constant 0 : i32
    %c0_i32_1 = arith.constant 0 : i32
    %c0_i32_2 = arith.constant 0 : i32
    return %c0_i32, %c0_i32_0, %c0_i32_1 : i32, i32, i32
  }
  func.func @transform_3(%arg0: i32) -> (i32, i32) {
    %c0_i32 = arith.constant 0 : i32
    %c0_i32_0 = arith.constant 0 : i32
    %c0_i32_1 = arith.constant 0 : i32
    return %c0_i32, %c0_i32_0 : i32, i32
  }
  func.func @transform_4(%arg0: i32) -> i32 {
    %c0_i32 = arith.constant 0 : i32
    %c0_i32_0 = arith.constant 0 : i32
    return %c0_i32 : i32
  }
  func.func @transform_5(%arg0: i32) -> (i32, i32) {
    %c0_i32 = arith.constant 0 : i32
    %c0_i32_0 = arith.constant 0 : i32
    %c0_i32_1 = arith.constant 0 : i32
    return %c0_i32, %c0_i32_0 : i32, i32
  }
  func.func @transform_6(%arg0: i32) -> i32 {
    %c0_i32 = arith.constant 0 : i32
    %c0_i32_0 = arith.constant 0 : i32
    return %c0_i32 : i32
  }
  func.func @transform_7(%arg0: i32) -> (i32, i32) {
    %c0_i32 = arith.constant 0 : i32
    %c0_i32_0 = arith.constant 0 : i32
    %c0_i32_1 = arith.constant 0 : i32
    return %c0_i32, %c0_i32_0 : i32, i32
  }
  func.func @transform_8(%arg0: i32) -> i32 {
    %c0_i32 = arith.constant 0 : i32
    %c0_i32_0 = arith.constant 0 : i32
    return %c0_i32 : i32
  }
  func.func @transform_9(%arg0: i32) -> (i32, i32, i32) {
    %c0_i32 = arith.constant 0 : i32
    %c0_i32_0 = arith.constant 0 : i32
    %c0_i32_1 = arith.constant 0 : i32
    return %arg0, %c0_i32, %c0_i32_0 : i32, i32, i32
  }
  func.func @transform_10(%arg0: i32) -> (i32, i32, i32) {
    %c0_i32 = arith.constant 0 : i32
    %c0_i32_0 = arith.constant 0 : i32
    %c0_i32_1 = arith.constant 0 : i32
    return %arg0, %c0_i32, %c0_i32_0 : i32, i32, i32
  }
}

module attributes {stable_mosaic.version = 14 : i64} {
  func.func @_stitch_body(%arg0: memref<16x232x768xf32, #tpu.memory_space<any>>, %arg1: memref<128x2x768xf32, #tpu.memory_space<vmem>>, %arg2: memref<16x8x768xf32, #tpu.memory_space<vmem>>, %arg3: memref<16x1x768xf32, #tpu.memory_space<vmem>>, %arg4: memref<16x232x768xf32, #tpu.memory_space<any>>, %arg5: memref<16x8x768xf32, #tpu.memory_space<vmem>>, %arg6: memref<1x1xf32, #tpu.memory_space<smem>>, %arg7: memref<!tpu.dma_semaphore, #tpu.memory_space<semaphore_mem>>) attributes {dimension_semantics = [], scalar_prefetch = 0 : i64, scratch_operands = 1 : i64, tpu.core_type = #tpu.core_type<tc>} {
    %dma_start3A = arith.constant 0 : i32
    %dma_start3A_0 = arith.constant 0 : i32
    %dma_start3A_1 = arith.constant 20 : i32
    %dma_start3A_2 = arith.constant 0 : i32
    %dma_start3A_3 = tpu.memref_slice %arg4[%dma_start3A_0, %dma_start3A_1, %dma_start3A_2] : memref<16x232x768xf32, #tpu.memory_space<any>> -> memref<1x2x768xf32, #tpu.memory_space<any>>
    %dma_start3A_4 = tpu.memref_squeeze %dma_start3A_3 : memref<1x2x768xf32, #tpu.memory_space<any>> -> memref<2x768xf32, #tpu.memory_space<any>>
    %dma_start3A_5 = arith.constant 0 : i32
    %dma_start3A_6 = arith.constant 0 : i32
    %dma_start3A_7 = tpu.memref_slice %arg1[%dma_start3A, %dma_start3A_5, %dma_start3A_6] : memref<128x2x768xf32, #tpu.memory_space<vmem>> -> memref<1x2x768xf32, #tpu.memory_space<vmem>>
    %dma_start3A_8 = tpu.memref_squeeze %dma_start3A_7 : memref<1x2x768xf32, #tpu.memory_space<vmem>> -> memref<2x768xf32, #tpu.memory_space<vmem>>
    tpu.enqueue_dma source(%dma_start3A_8 : memref<2x768xf32, #tpu.memory_space<vmem>>) target(%dma_start3A_4 : memref<2x768xf32, #tpu.memory_space<any>>) target_semaphore(%arg7 : memref<!tpu.dma_semaphore, #tpu.memory_space<semaphore_mem>>)
    %dma_start3A_9 = arith.constant 1 : i32
    %dma_start3A_10 = arith.constant 0 : i32
    %dma_start3A_11 = arith.constant 22 : i32
    %dma_start3A_12 = arith.constant 0 : i32
    %dma_start3A_13 = tpu.memref_slice %arg4[%dma_start3A_10, %dma_start3A_11, %dma_start3A_12] : memref<16x232x768xf32, #tpu.memory_space<any>> -> memref<1x2x768xf32, #tpu.memory_space<any>>
    %dma_start3A_14 = tpu.memref_squeeze %dma_start3A_13 : memref<1x2x768xf32, #tpu.memory_space<any>> -> memref<2x768xf32, #tpu.memory_space<any>>
    %dma_start3A_15 = arith.constant 0 : i32
    %dma_start3A_16 = arith.constant 0 : i32
    %dma_start3A_17 = tpu.memref_slice %arg1[%dma_start3A_9, %dma_start3A_15, %dma_start3A_16] : memref<128x2x768xf32, #tpu.memory_space<vmem>> -> memref<1x2x768xf32, #tpu.memory_space<vmem>>
    %dma_start3A_18 = tpu.memref_squeeze %dma_start3A_17 : memref<1x2x768xf32, #tpu.memory_space<vmem>> -> memref<2x768xf32, #tpu.memory_space<vmem>>
    tpu.enqueue_dma source(%dma_start3A_18 : memref<2x768xf32, #tpu.memory_space<vmem>>) target(%dma_start3A_14 : memref<2x768xf32, #tpu.memory_space<any>>) target_semaphore(%arg7 : memref<!tpu.dma_semaphore, #tpu.memory_space<semaphore_mem>>)
    %dma_start3A_19 = arith.constant 2 : i32
    %dma_start3A_20 = arith.constant 0 : i32
    %dma_start3A_21 = arith.constant 24 : i32
    %dma_start3A_22 = arith.constant 0 : i32
    %dma_start3A_23 = tpu.memref_slice %arg4[%dma_start3A_20, %dma_start3A_21, %dma_start3A_22] : memref<16x232x768xf32, #tpu.memory_space<any>> -> memref<1x2x768xf32, #tpu.memory_space<any>>
    %dma_start3A_24 = tpu.memref_squeeze %dma_start3A_23 : memref<1x2x768xf32, #tpu.memory_space<any>> -> memref<2x768xf32, #tpu.memory_space<any>>
    %dma_start3A_25 = arith.constant 0 : i32
    %dma_start3A_26 = arith.constant 0 : i32
    %dma_start3A_27 = tpu.memref_slice %arg1[%dma_start3A_19, %dma_start3A_25, %dma_start3A_26] : memref<128x2x768xf32, #tpu.memory_space<vmem>> -> memref<1x2x768xf32, #tpu.memory_space<vmem>>
    %dma_start3A_28 = tpu.memref_squeeze %dma_start3A_27 : memref<1x2x768xf32, #tpu.memory_space<vmem>> -> memref<2x768xf32, #tpu.memory_space<vmem>>
    tpu.enqueue_dma source(%dma_start3A_28 : memref<2x768xf32, #tpu.memory_space<vmem>>) target(%dma_start3A_24 : memref<2x768xf32, #tpu.memory_space<any>>) target_semaphore(%arg7 : memref<!tpu.dma_semaphore, #tpu.memory_space<semaphore_mem>>)
    %dma_start3A_29 = arith.constant 3 : i32
    %dma_start3A_30 = arith.constant 0 : i32
    %dma_start3A_31 = arith.constant 26 : i32
    %dma_start3A_32 = arith.constant 0 : i32
    %dma_start3A_33 = tpu.memref_slice %arg4[%dma_start3A_30, %dma_start3A_31, %dma_start3A_32] : memref<16x232x768xf32, #tpu.memory_space<any>> -> memref<1x2x768xf32, #tpu.memory_space<any>>
    %dma_start3A_34 = tpu.memref_squeeze %dma_start3A_33 : memref<1x2x768xf32, #tpu.memory_space<any>> -> memref<2x768xf32, #tpu.memory_space<any>>
    %dma_start3A_35 = arith.constant 0 : i32
    %dma_start3A_36 = arith.constant 0 : i32
    %dma_start3A_37 = tpu.memref_slice %arg1[%dma_start3A_29, %dma_start3A_35, %dma_start3A_36] : memref<128x2x768xf32, #tpu.memory_space<vmem>> -> memref<1x2x768xf32, #tpu.memory_space<vmem>>
    %dma_start3A_38 = tpu.memref_squeeze %dma_start3A_37 : memref<1x2x768xf32, #tpu.memory_space<vmem>> -> memref<2x768xf32, #tpu.memory_space<vmem>>
    tpu.enqueue_dma source(%dma_start3A_38 : memref<2x768xf32, #tpu.memory_space<vmem>>) target(%dma_start3A_34 : memref<2x768xf32, #tpu.memory_space<any>>) target_semaphore(%arg7 : memref<!tpu.dma_semaphore, #tpu.memory_space<semaphore_mem>>)
    %dma_start3A_39 = arith.constant 4 : i32
    %dma_start3A_40 = arith.constant 0 : i32
    %dma_start3A_41 = arith.constant 28 : i32
    %dma_start3A_42 = arith.constant 0 : i32
    %dma_start3A_43 = tpu.memref_slice %arg4[%dma_start3A_40, %dma_start3A_41, %dma_start3A_42] : memref<16x232x768xf32, #tpu.memory_space<any>> -> memref<1x2x768xf32, #tpu.memory_space<any>>
    %dma_start3A_44 = tpu.memref_squeeze %dma_start3A_43 : memref<1x2x768xf32, #tpu.memory_space<any>> -> memref<2x768xf32, #tpu.memory_space<any>>
    %dma_start3A_45 = arith.constant 0 : i32
    %dma_start3A_46 = arith.constant 0 : i32
    %dma_start3A_47 = tpu.memref_slice %arg1[%dma_start3A_39, %dma_start3A_45, %dma_start3A_46] : memref<128x2x768xf32, #tpu.memory_space<vmem>> -> memref<1x2x768xf32, #tpu.memory_space<vmem>>
    %dma_start3A_48 = tpu.memref_squeeze %dma_start3A_47 : memref<1x2x768xf32, #tpu.memory_space<vmem>> -> memref<2x768xf32, #tpu.memory_space<vmem>>
    tpu.enqueue_dma source(%dma_start3A_48 : memref<2x768xf32, #tpu.memory_space<vmem>>) target(%dma_start3A_44 : memref<2x768xf32, #tpu.memory_space<any>>) target_semaphore(%arg7 : memref<!tpu.dma_semaphore, #tpu.memory_space<semaphore_mem>>)
    %dma_start3A_49 = arith.constant 5 : i32
    %dma_start3A_50 = arith.constant 0 : i32
    %dma_start3A_51 = arith.constant 30 : i32
    %dma_start3A_52 = arith.constant 0 : i32
    %dma_start3A_53 = tpu.memref_slice %arg4[%dma_start3A_50, %dma_start3A_51, %dma_start3A_52] : memref<16x232x768xf32, #tpu.memory_space<any>> -> memref<1x2x768xf32, #tpu.memory_space<any>>
    %dma_start3A_54 = tpu.memref_squeeze %dma_start3A_53 : memref<1x2x768xf32, #tpu.memory_space<any>> -> memref<2x768xf32, #tpu.memory_space<any>>
    %dma_start3A_55 = arith.constant 0 : i32
    %dma_start3A_56 = arith.constant 0 : i32
    %dma_start3A_57 = tpu.memref_slice %arg1[%dma_start3A_49, %dma_start3A_55, %dma_start3A_56] : memref<128x2x768xf32, #tpu.memory_space<vmem>> -> memref<1x2x768xf32, #tpu.memory_space<vmem>>
    %dma_start3A_58 = tpu.memref_squeeze %dma_start3A_57 : memref<1x2x768xf32, #tpu.memory_space<vmem>> -> memref<2x768xf32, #tpu.memory_space<vmem>>
    tpu.enqueue_dma source(%dma_start3A_58 : memref<2x768xf32, #tpu.memory_space<vmem>>) target(%dma_start3A_54 : memref<2x768xf32, #tpu.memory_space<any>>) target_semaphore(%arg7 : memref<!tpu.dma_semaphore, #tpu.memory_space<semaphore_mem>>)
    %dma_start3A_59 = arith.constant 6 : i32
    %dma_start3A_60 = arith.constant 0 : i32
    %dma_start3A_61 = arith.constant 32 : i32
    %dma_start3A_62 = arith.constant 0 : i32
    %dma_start3A_63 = tpu.memref_slice %arg4[%dma_start3A_60, %dma_start3A_61, %dma_start3A_62] : memref<16x232x768xf32, #tpu.memory_space<any>> -> memref<1x2x768xf32, #tpu.memory_space<any>>
    %dma_start3A_64 = tpu.memref_squeeze %dma_start3A_63 : memref<1x2x768xf32, #tpu.memory_space<any>> -> memref<2x768xf32, #tpu.memory_space<any>>
    %dma_start3A_65 = arith.constant 0 : i32
    %dma_start3A_66 = arith.constant 0 : i32
    %dma_start3A_67 = tpu.memref_slice %arg1[%dma_start3A_59, %dma_start3A_65, %dma_start3A_66] : memref<128x2x768xf32, #tpu.memory_space<vmem>> -> memref<1x2x768xf32, #tpu.memory_space<vmem>>
    %dma_start3A_68 = tpu.memref_squeeze %dma_start3A_67 : memref<1x2x768xf32, #tpu.memory_space<vmem>> -> memref<2x768xf32, #tpu.memory_space<vmem>>
    tpu.enqueue_dma source(%dma_start3A_68 : memref<2x768xf32, #tpu.memory_space<vmem>>) target(%dma_start3A_64 : memref<2x768xf32, #tpu.memory_space<any>>) target_semaphore(%arg7 : memref<!tpu.dma_semaphore, #tpu.memory_space<semaphore_mem>>)
    %dma_start3A_69 = arith.constant 7 : i32
    %dma_start3A_70 = arith.constant 0 : i32
    %dma_start3A_71 = arith.constant 34 : i32
    %dma_start3A_72 = arith.constant 0 : i32
    %dma_start3A_73 = tpu.memref_slice %arg4[%dma_start3A_70, %dma_start3A_71, %dma_start3A_72] : memref<16x232x768xf32, #tpu.memory_space<any>> -> memref<1x2x768xf32, #tpu.memory_space<any>>
    %dma_start3A_74 = tpu.memref_squeeze %dma_start3A_73 : memref<1x2x768xf32, #tpu.memory_space<any>> -> memref<2x768xf32, #tpu.memory_space<any>>
    %dma_start3A_75 = arith.constant 0 : i32
    %dma_start3A_76 = arith.constant 0 : i32
    %dma_start3A_77 = tpu.memref_slice %arg1[%dma_start3A_69, %dma_start3A_75, %dma_start3A_76] : memref<128x2x768xf32, #tpu.memory_space<vmem>> -> memref<1x2x768xf32, #tpu.memory_space<vmem>>
    %dma_start3A_78 = tpu.memref_squeeze %dma_start3A_77 : memref<1x2x768xf32, #tpu.memory_space<vmem>> -> memref<2x768xf32, #tpu.memory_space<vmem>>
    tpu.enqueue_dma source(%dma_start3A_78 : memref<2x768xf32, #tpu.memory_space<vmem>>) target(%dma_start3A_74 : memref<2x768xf32, #tpu.memory_space<any>>) target_semaphore(%arg7 : memref<!tpu.dma_semaphore, #tpu.memory_space<semaphore_mem>>)
    %dma_start3A_79 = arith.constant 8 : i32
    %dma_start3A_80 = arith.constant 1 : i32
    %dma_start3A_81 = arith.constant 20 : i32
    %dma_start3A_82 = arith.constant 0 : i32
    %dma_start3A_83 = tpu.memref_slice %arg4[%dma_start3A_80, %dma_start3A_81, %dma_start3A_82] : memref<16x232x768xf32, #tpu.memory_space<any>> -> memref<1x2x768xf32, #tpu.memory_space<any>>
    %dma_start3A_84 = tpu.memref_squeeze %dma_start3A_83 : memref<1x2x768xf32, #tpu.memory_space<any>> -> memref<2x768xf32, #tpu.memory_space<any>>
    %dma_start3A_85 = arith.constant 0 : i32
    %dma_start3A_86 = arith.constant 0 : i32
    %dma_start3A_87 = tpu.memref_slice %arg1[%dma_start3A_79, %dma_start3A_85, %dma_start3A_86] : memref<128x2x768xf32, #tpu.memory_space<vmem>> -> memref<1x2x768xf32, #tpu.memory_space<vmem>>
    %dma_start3A_88 = tpu.memref_squeeze %dma_start3A_87 : memref<1x2x768xf32, #tpu.memory_space<vmem>> -> memref<2x768xf32, #tpu.memory_space<vmem>>
    tpu.enqueue_dma source(%dma_start3A_88 : memref<2x768xf32, #tpu.memory_space<vmem>>) target(%dma_start3A_84 : memref<2x768xf32, #tpu.memory_space<any>>) target_semaphore(%arg7 : memref<!tpu.dma_semaphore, #tpu.memory_space<semaphore_mem>>)
    %dma_start3A_89 = arith.constant 9 : i32
    %dma_start3A_90 = arith.constant 1 : i32
    %dma_start3A_91 = arith.constant 22 : i32
    %dma_start3A_92 = arith.constant 0 : i32
    %dma_start3A_93 = tpu.memref_slice %arg4[%dma_start3A_90, %dma_start3A_91, %dma_start3A_92] : memref<16x232x768xf32, #tpu.memory_space<any>> -> memref<1x2x768xf32, #tpu.memory_space<any>>
    %dma_start3A_94 = tpu.memref_squeeze %dma_start3A_93 : memref<1x2x768xf32, #tpu.memory_space<any>> -> memref<2x768xf32, #tpu.memory_space<any>>
    %dma_start3A_95 = arith.constant 0 : i32
    %dma_start3A_96 = arith.constant 0 : i32
    %dma_start3A_97 = tpu.memref_slice %arg1[%dma_start3A_89, %dma_start3A_95, %dma_start3A_96] : memref<128x2x768xf32, #tpu.memory_space<vmem>> -> memref<1x2x768xf32, #tpu.memory_space<vmem>>
    %dma_start3A_98 = tpu.memref_squeeze %dma_start3A_97 : memref<1x2x768xf32, #tpu.memory_space<vmem>> -> memref<2x768xf32, #tpu.memory_space<vmem>>
    tpu.enqueue_dma source(%dma_start3A_98 : memref<2x768xf32, #tpu.memory_space<vmem>>) target(%dma_start3A_94 : memref<2x768xf32, #tpu.memory_space<any>>) target_semaphore(%arg7 : memref<!tpu.dma_semaphore, #tpu.memory_space<semaphore_mem>>)
    %dma_start3A_99 = arith.constant 10 : i32
    %dma_start3A_100 = arith.constant 1 : i32
    %dma_start3A_101 = arith.constant 24 : i32
    %dma_start3A_102 = arith.constant 0 : i32
    %dma_start3A_103 = tpu.memref_slice %arg4[%dma_start3A_100, %dma_start3A_101, %dma_start3A_102] : memref<16x232x768xf32, #tpu.memory_space<any>> -> memref<1x2x768xf32, #tpu.memory_space<any>>
    %dma_start3A_104 = tpu.memref_squeeze %dma_start3A_103 : memref<1x2x768xf32, #tpu.memory_space<any>> -> memref<2x768xf32, #tpu.memory_space<any>>
    %dma_start3A_105 = arith.constant 0 : i32
    %dma_start3A_106 = arith.constant 0 : i32
    %dma_start3A_107 = tpu.memref_slice %arg1[%dma_start3A_99, %dma_start3A_105, %dma_start3A_106] : memref<128x2x768xf32, #tpu.memory_space<vmem>> -> memref<1x2x768xf32, #tpu.memory_space<vmem>>
    %dma_start3A_108 = tpu.memref_squeeze %dma_start3A_107 : memref<1x2x768xf32, #tpu.memory_space<vmem>> -> memref<2x768xf32, #tpu.memory_space<vmem>>
    tpu.enqueue_dma source(%dma_start3A_108 : memref<2x768xf32, #tpu.memory_space<vmem>>) target(%dma_start3A_104 : memref<2x768xf32, #tpu.memory_space<any>>) target_semaphore(%arg7 : memref<!tpu.dma_semaphore, #tpu.memory_space<semaphore_mem>>)
    %dma_start3A_109 = arith.constant 11 : i32
    %dma_start3A_110 = arith.constant 1 : i32
    %dma_start3A_111 = arith.constant 26 : i32
    %dma_start3A_112 = arith.constant 0 : i32
    %dma_start3A_113 = tpu.memref_slice %arg4[%dma_start3A_110, %dma_start3A_111, %dma_start3A_112] : memref<16x232x768xf32, #tpu.memory_space<any>> -> memref<1x2x768xf32, #tpu.memory_space<any>>
    %dma_start3A_114 = tpu.memref_squeeze %dma_start3A_113 : memref<1x2x768xf32, #tpu.memory_space<any>> -> memref<2x768xf32, #tpu.memory_space<any>>
    %dma_start3A_115 = arith.constant 0 : i32
    %dma_start3A_116 = arith.constant 0 : i32
    %dma_start3A_117 = tpu.memref_slice %arg1[%dma_start3A_109, %dma_start3A_115, %dma_start3A_116] : memref<128x2x768xf32, #tpu.memory_space<vmem>> -> memref<1x2x768xf32, #tpu.memory_space<vmem>>
    %dma_start3A_118 = tpu.memref_squeeze %dma_start3A_117 : memref<1x2x768xf32, #tpu.memory_space<vmem>> -> memref<2x768xf32, #tpu.memory_space<vmem>>
    tpu.enqueue_dma source(%dma_start3A_118 : memref<2x768xf32, #tpu.memory_space<vmem>>) target(%dma_start3A_114 : memref<2x768xf32, #tpu.memory_space<any>>) target_semaphore(%arg7 : memref<!tpu.dma_semaphore, #tpu.memory_space<semaphore_mem>>)
    %dma_start3A_119 = arith.constant 12 : i32
    %dma_start3A_120 = arith.constant 1 : i32
    %dma_start3A_121 = arith.constant 28 : i32
    %dma_start3A_122 = arith.constant 0 : i32
    %dma_start3A_123 = tpu.memref_slice %arg4[%dma_start3A_120, %dma_start3A_121, %dma_start3A_122] : memref<16x232x768xf32, #tpu.memory_space<any>> -> memref<1x2x768xf32, #tpu.memory_space<any>>
    %dma_start3A_124 = tpu.memref_squeeze %dma_start3A_123 : memref<1x2x768xf32, #tpu.memory_space<any>> -> memref<2x768xf32, #tpu.memory_space<any>>
    %dma_start3A_125 = arith.constant 0 : i32
    %dma_start3A_126 = arith.constant 0 : i32
    %dma_start3A_127 = tpu.memref_slice %arg1[%dma_start3A_119, %dma_start3A_125, %dma_start3A_126] : memref<128x2x768xf32, #tpu.memory_space<vmem>> -> memref<1x2x768xf32, #tpu.memory_space<vmem>>
    %dma_start3A_128 = tpu.memref_squeeze %dma_start3A_127 : memref<1x2x768xf32, #tpu.memory_space<vmem>> -> memref<2x768xf32, #tpu.memory_space<vmem>>
    tpu.enqueue_dma source(%dma_start3A_128 : memref<2x768xf32, #tpu.memory_space<vmem>>) target(%dma_start3A_124 : memref<2x768xf32, #tpu.memory_space<any>>) target_semaphore(%arg7 : memref<!tpu.dma_semaphore, #tpu.memory_space<semaphore_mem>>)
    %dma_start3A_129 = arith.constant 13 : i32
    %dma_start3A_130 = arith.constant 1 : i32
    %dma_start3A_131 = arith.constant 30 : i32
    %dma_start3A_132 = arith.constant 0 : i32
    %dma_start3A_133 = tpu.memref_slice %arg4[%dma_start3A_130, %dma_start3A_131, %dma_start3A_132] : memref<16x232x768xf32, #tpu.memory_space<any>> -> memref<1x2x768xf32, #tpu.memory_space<any>>
    %dma_start3A_134 = tpu.memref_squeeze %dma_start3A_133 : memref<1x2x768xf32, #tpu.memory_space<any>> -> memref<2x768xf32, #tpu.memory_space<any>>
    %dma_start3A_135 = arith.constant 0 : i32
    %dma_start3A_136 = arith.constant 0 : i32
    %dma_start3A_137 = tpu.memref_slice %arg1[%dma_start3A_129, %dma_start3A_135, %dma_start3A_136] : memref<128x2x768xf32, #tpu.memory_space<vmem>> -> memref<1x2x768xf32, #tpu.memory_space<vmem>>
    %dma_start3A_138 = tpu.memref_squeeze %dma_start3A_137 : memref<1x2x768xf32, #tpu.memory_space<vmem>> -> memref<2x768xf32, #tpu.memory_space<vmem>>
    tpu.enqueue_dma source(%dma_start3A_138 : memref<2x768xf32, #tpu.memory_space<vmem>>) target(%dma_start3A_134 : memref<2x768xf32, #tpu.memory_space<any>>) target_semaphore(%arg7 : memref<!tpu.dma_semaphore, #tpu.memory_space<semaphore_mem>>)
    %dma_start3A_139 = arith.constant 14 : i32
    %dma_start3A_140 = arith.constant 1 : i32
    %dma_start3A_141 = arith.constant 32 : i32
    %dma_start3A_142 = arith.constant 0 : i32
    %dma_start3A_143 = tpu.memref_slice %arg4[%dma_start3A_140, %dma_start3A_141, %dma_start3A_142] : memref<16x232x768xf32, #tpu.memory_space<any>> -> memref<1x2x768xf32, #tpu.memory_space<any>>
    %dma_start3A_144 = tpu.memref_squeeze %dma_start3A_143 : memref<1x2x768xf32, #tpu.memory_space<any>> -> memref<2x768xf32, #tpu.memory_space<any>>
    %dma_start3A_145 = arith.constant 0 : i32
    %dma_start3A_146 = arith.constant 0 : i32
    %dma_start3A_147 = tpu.memref_slice %arg1[%dma_start3A_139, %dma_start3A_145, %dma_start3A_146] : memref<128x2x768xf32, #tpu.memory_space<vmem>> -> memref<1x2x768xf32, #tpu.memory_space<vmem>>
    %dma_start3A_148 = tpu.memref_squeeze %dma_start3A_147 : memref<1x2x768xf32, #tpu.memory_space<vmem>> -> memref<2x768xf32, #tpu.memory_space<vmem>>
    tpu.enqueue_dma source(%dma_start3A_148 : memref<2x768xf32, #tpu.memory_space<vmem>>) target(%dma_start3A_144 : memref<2x768xf32, #tpu.memory_space<any>>) target_semaphore(%arg7 : memref<!tpu.dma_semaphore, #tpu.memory_space<semaphore_mem>>)
    %dma_start3A_149 = arith.constant 15 : i32
    %dma_start3A_150 = arith.constant 1 : i32
    %dma_start3A_151 = arith.constant 34 : i32
    %dma_start3A_152 = arith.constant 0 : i32
    %dma_start3A_153 = tpu.memref_slice %arg4[%dma_start3A_150, %dma_start3A_151, %dma_start3A_152] : memref<16x232x768xf32, #tpu.memory_space<any>> -> memref<1x2x768xf32, #tpu.memory_space<any>>
    %dma_start3A_154 = tpu.memref_squeeze %dma_start3A_153 : memref<1x2x768xf32, #tpu.memory_space<any>> -> memref<2x768xf32, #tpu.memory_space<any>>
    %dma_start3A_155 = arith.constant 0 : i32
    %dma_start3A_156 = arith.constant 0 : i32
    %dma_start3A_157 = tpu.memref_slice %arg1[%dma_start3A_149, %dma_start3A_155, %dma_start3A_156] : memref<128x2x768xf32, #tpu.memory_space<vmem>> -> memref<1x2x768xf32, #tpu.memory_space<vmem>>
    %dma_start3A_158 = tpu.memref_squeeze %dma_start3A_157 : memref<1x2x768xf32, #tpu.memory_space<vmem>> -> memref<2x768xf32, #tpu.memory_space<vmem>>
    tpu.enqueue_dma source(%dma_start3A_158 : memref<2x768xf32, #tpu.memory_space<vmem>>) target(%dma_start3A_154 : memref<2x768xf32, #tpu.memory_space<any>>) target_semaphore(%arg7 : memref<!tpu.dma_semaphore, #tpu.memory_space<semaphore_mem>>)
    %dma_start3A_159 = arith.constant 16 : i32
    %dma_start3A_160 = arith.constant 2 : i32
    %dma_start3A_161 = arith.constant 20 : i32
    %dma_start3A_162 = arith.constant 0 : i32
    %dma_start3A_163 = tpu.memref_slice %arg4[%dma_start3A_160, %dma_start3A_161, %dma_start3A_162] : memref<16x232x768xf32, #tpu.memory_space<any>> -> memref<1x2x768xf32, #tpu.memory_space<any>>
    %dma_start3A_164 = tpu.memref_squeeze %dma_start3A_163 : memref<1x2x768xf32, #tpu.memory_space<any>> -> memref<2x768xf32, #tpu.memory_space<any>>
    %dma_start3A_165 = arith.constant 0 : i32
    %dma_start3A_166 = arith.constant 0 : i32
    %dma_start3A_167 = tpu.memref_slice %arg1[%dma_start3A_159, %dma_start3A_165, %dma_start3A_166] : memref<128x2x768xf32, #tpu.memory_space<vmem>> -> memref<1x2x768xf32, #tpu.memory_space<vmem>>
    %dma_start3A_168 = tpu.memref_squeeze %dma_start3A_167 : memref<1x2x768xf32, #tpu.memory_space<vmem>> -> memref<2x768xf32, #tpu.memory_space<vmem>>
    tpu.enqueue_dma source(%dma_start3A_168 : memref<2x768xf32, #tpu.memory_space<vmem>>) target(%dma_start3A_164 : memref<2x768xf32, #tpu.memory_space<any>>) target_semaphore(%arg7 : memref<!tpu.dma_semaphore, #tpu.memory_space<semaphore_mem>>)
    %dma_start3A_169 = arith.constant 17 : i32
    %dma_start3A_170 = arith.constant 2 : i32
    %dma_start3A_171 = arith.constant 22 : i32
    %dma_start3A_172 = arith.constant 0 : i32
    %dma_start3A_173 = tpu.memref_slice %arg4[%dma_start3A_170, %dma_start3A_171, %dma_start3A_172] : memref<16x232x768xf32, #tpu.memory_space<any>> -> memref<1x2x768xf32, #tpu.memory_space<any>>
    %dma_start3A_174 = tpu.memref_squeeze %dma_start3A_173 : memref<1x2x768xf32, #tpu.memory_space<any>> -> memref<2x768xf32, #tpu.memory_space<any>>
    %dma_start3A_175 = arith.constant 0 : i32
    %dma_start3A_176 = arith.constant 0 : i32
    %dma_start3A_177 = tpu.memref_slice %arg1[%dma_start3A_169, %dma_start3A_175, %dma_start3A_176] : memref<128x2x768xf32, #tpu.memory_space<vmem>> -> memref<1x2x768xf32, #tpu.memory_space<vmem>>
    %dma_start3A_178 = tpu.memref_squeeze %dma_start3A_177 : memref<1x2x768xf32, #tpu.memory_space<vmem>> -> memref<2x768xf32, #tpu.memory_space<vmem>>
    tpu.enqueue_dma source(%dma_start3A_178 : memref<2x768xf32, #tpu.memory_space<vmem>>) target(%dma_start3A_174 : memref<2x768xf32, #tpu.memory_space<any>>) target_semaphore(%arg7 : memref<!tpu.dma_semaphore, #tpu.memory_space<semaphore_mem>>)
    %dma_start3A_179 = arith.constant 18 : i32
    %dma_start3A_180 = arith.constant 2 : i32
    %dma_start3A_181 = arith.constant 24 : i32
    %dma_start3A_182 = arith.constant 0 : i32
    %dma_start3A_183 = tpu.memref_slice %arg4[%dma_start3A_180, %dma_start3A_181, %dma_start3A_182] : memref<16x232x768xf32, #tpu.memory_space<any>> -> memref<1x2x768xf32, #tpu.memory_space<any>>
    %dma_start3A_184 = tpu.memref_squeeze %dma_start3A_183 : memref<1x2x768xf32, #tpu.memory_space<any>> -> memref<2x768xf32, #tpu.memory_space<any>>
    %dma_start3A_185 = arith.constant 0 : i32
    %dma_start3A_186 = arith.constant 0 : i32
    %dma_start3A_187 = tpu.memref_slice %arg1[%dma_start3A_179, %dma_start3A_185, %dma_start3A_186] : memref<128x2x768xf32, #tpu.memory_space<vmem>> -> memref<1x2x768xf32, #tpu.memory_space<vmem>>
    %dma_start3A_188 = tpu.memref_squeeze %dma_start3A_187 : memref<1x2x768xf32, #tpu.memory_space<vmem>> -> memref<2x768xf32, #tpu.memory_space<vmem>>
    tpu.enqueue_dma source(%dma_start3A_188 : memref<2x768xf32, #tpu.memory_space<vmem>>) target(%dma_start3A_184 : memref<2x768xf32, #tpu.memory_space<any>>) target_semaphore(%arg7 : memref<!tpu.dma_semaphore, #tpu.memory_space<semaphore_mem>>)
    %dma_start3A_189 = arith.constant 19 : i32
    %dma_start3A_190 = arith.constant 2 : i32
    %dma_start3A_191 = arith.constant 26 : i32
    %dma_start3A_192 = arith.constant 0 : i32
    %dma_start3A_193 = tpu.memref_slice %arg4[%dma_start3A_190, %dma_start3A_191, %dma_start3A_192] : memref<16x232x768xf32, #tpu.memory_space<any>> -> memref<1x2x768xf32, #tpu.memory_space<any>>
    %dma_start3A_194 = tpu.memref_squeeze %dma_start3A_193 : memref<1x2x768xf32, #tpu.memory_space<any>> -> memref<2x768xf32, #tpu.memory_space<any>>
    %dma_start3A_195 = arith.constant 0 : i32
    %dma_start3A_196 = arith.constant 0 : i32
    %dma_start3A_197 = tpu.memref_slice %arg1[%dma_start3A_189, %dma_start3A_195, %dma_start3A_196] : memref<128x2x768xf32, #tpu.memory_space<vmem>> -> memref<1x2x768xf32, #tpu.memory_space<vmem>>
    %dma_start3A_198 = tpu.memref_squeeze %dma_start3A_197 : memref<1x2x768xf32, #tpu.memory_space<vmem>> -> memref<2x768xf32, #tpu.memory_space<vmem>>
    tpu.enqueue_dma source(%dma_start3A_198 : memref<2x768xf32, #tpu.memory_space<vmem>>) target(%dma_start3A_194 : memref<2x768xf32, #tpu.memory_space<any>>) target_semaphore(%arg7 : memref<!tpu.dma_semaphore, #tpu.memory_space<semaphore_mem>>)
    %dma_start3A_199 = arith.constant 20 : i32
    %dma_start3A_200 = arith.constant 2 : i32
    %dma_start3A_201 = arith.constant 28 : i32
    %dma_start3A_202 = arith.constant 0 : i32
    %dma_start3A_203 = tpu.memref_slice %arg4[%dma_start3A_200, %dma_start3A_201, %dma_start3A_202] : memref<16x232x768xf32, #tpu.memory_space<any>> -> memref<1x2x768xf32, #tpu.memory_space<any>>
    %dma_start3A_204 = tpu.memref_squeeze %dma_start3A_203 : memref<1x2x768xf32, #tpu.memory_space<any>> -> memref<2x768xf32, #tpu.memory_space<any>>
    %dma_start3A_205 = arith.constant 0 : i32
    %dma_start3A_206 = arith.constant 0 : i32
    %dma_start3A_207 = tpu.memref_slice %arg1[%dma_start3A_199, %dma_start3A_205, %dma_start3A_206] : memref<128x2x768xf32, #tpu.memory_space<vmem>> -> memref<1x2x768xf32, #tpu.memory_space<vmem>>
    %dma_start3A_208 = tpu.memref_squeeze %dma_start3A_207 : memref<1x2x768xf32, #tpu.memory_space<vmem>> -> memref<2x768xf32, #tpu.memory_space<vmem>>
    tpu.enqueue_dma source(%dma_start3A_208 : memref<2x768xf32, #tpu.memory_space<vmem>>) target(%dma_start3A_204 : memref<2x768xf32, #tpu.memory_space<any>>) target_semaphore(%arg7 : memref<!tpu.dma_semaphore, #tpu.memory_space<semaphore_mem>>)
    %dma_start3A_209 = arith.constant 21 : i32
    %dma_start3A_210 = arith.constant 2 : i32
    %dma_start3A_211 = arith.constant 30 : i32
    %dma_start3A_212 = arith.constant 0 : i32
    %dma_start3A_213 = tpu.memref_slice %arg4[%dma_start3A_210, %dma_start3A_211, %dma_start3A_212] : memref<16x232x768xf32, #tpu.memory_space<any>> -> memref<1x2x768xf32, #tpu.memory_space<any>>
    %dma_start3A_214 = tpu.memref_squeeze %dma_start3A_213 : memref<1x2x768xf32, #tpu.memory_space<any>> -> memref<2x768xf32, #tpu.memory_space<any>>
    %dma_start3A_215 = arith.constant 0 : i32
    %dma_start3A_216 = arith.constant 0 : i32
    %dma_start3A_217 = tpu.memref_slice %arg1[%dma_start3A_209, %dma_start3A_215, %dma_start3A_216] : memref<128x2x768xf32, #tpu.memory_space<vmem>> -> memref<1x2x768xf32, #tpu.memory_space<vmem>>
    %dma_start3A_218 = tpu.memref_squeeze %dma_start3A_217 : memref<1x2x768xf32, #tpu.memory_space<vmem>> -> memref<2x768xf32, #tpu.memory_space<vmem>>
    tpu.enqueue_dma source(%dma_start3A_218 : memref<2x768xf32, #tpu.memory_space<vmem>>) target(%dma_start3A_214 : memref<2x768xf32, #tpu.memory_space<any>>) target_semaphore(%arg7 : memref<!tpu.dma_semaphore, #tpu.memory_space<semaphore_mem>>)
    %dma_start3A_219 = arith.constant 22 : i32
    %dma_start3A_220 = arith.constant 2 : i32
    %dma_start3A_221 = arith.constant 32 : i32
    %dma_start3A_222 = arith.constant 0 : i32
    %dma_start3A_223 = tpu.memref_slice %arg4[%dma_start3A_220, %dma_start3A_221, %dma_start3A_222] : memref<16x232x768xf32, #tpu.memory_space<any>> -> memref<1x2x768xf32, #tpu.memory_space<any>>
    %dma_start3A_224 = tpu.memref_squeeze %dma_start3A_223 : memref<1x2x768xf32, #tpu.memory_space<any>> -> memref<2x768xf32, #tpu.memory_space<any>>
    %dma_start3A_225 = arith.constant 0 : i32
    %dma_start3A_226 = arith.constant 0 : i32
    %dma_start3A_227 = tpu.memref_slice %arg1[%dma_start3A_219, %dma_start3A_225, %dma_start3A_226] : memref<128x2x768xf32, #tpu.memory_space<vmem>> -> memref<1x2x768xf32, #tpu.memory_space<vmem>>
    %dma_start3A_228 = tpu.memref_squeeze %dma_start3A_227 : memref<1x2x768xf32, #tpu.memory_space<vmem>> -> memref<2x768xf32, #tpu.memory_space<vmem>>
    tpu.enqueue_dma source(%dma_start3A_228 : memref<2x768xf32, #tpu.memory_space<vmem>>) target(%dma_start3A_224 : memref<2x768xf32, #tpu.memory_space<any>>) target_semaphore(%arg7 : memref<!tpu.dma_semaphore, #tpu.memory_space<semaphore_mem>>)
    %dma_start3A_229 = arith.constant 23 : i32
    %dma_start3A_230 = arith.constant 2 : i32
    %dma_start3A_231 = arith.constant 34 : i32
    %dma_start3A_232 = arith.constant 0 : i32
    %dma_start3A_233 = tpu.memref_slice %arg4[%dma_start3A_230, %dma_start3A_231, %dma_start3A_232] : memref<16x232x768xf32, #tpu.memory_space<any>> -> memref<1x2x768xf32, #tpu.memory_space<any>>
    %dma_start3A_234 = tpu.memref_squeeze %dma_start3A_233 : memref<1x2x768xf32, #tpu.memory_space<any>> -> memref<2x768xf32, #tpu.memory_space<any>>
    %dma_start3A_235 = arith.constant 0 : i32
    %dma_start3A_236 = arith.constant 0 : i32
    %dma_start3A_237 = tpu.memref_slice %arg1[%dma_start3A_229, %dma_start3A_235, %dma_start3A_236] : memref<128x2x768xf32, #tpu.memory_space<vmem>> -> memref<1x2x768xf32, #tpu.memory_space<vmem>>
    %dma_start3A_238 = tpu.memref_squeeze %dma_start3A_237 : memref<1x2x768xf32, #tpu.memory_space<vmem>> -> memref<2x768xf32, #tpu.memory_space<vmem>>
    tpu.enqueue_dma source(%dma_start3A_238 : memref<2x768xf32, #tpu.memory_space<vmem>>) target(%dma_start3A_234 : memref<2x768xf32, #tpu.memory_space<any>>) target_semaphore(%arg7 : memref<!tpu.dma_semaphore, #tpu.memory_space<semaphore_mem>>)
    %dma_start3A_239 = arith.constant 24 : i32
    %dma_start3A_240 = arith.constant 3 : i32
    %dma_start3A_241 = arith.constant 20 : i32
    %dma_start3A_242 = arith.constant 0 : i32
    %dma_start3A_243 = tpu.memref_slice %arg4[%dma_start3A_240, %dma_start3A_241, %dma_start3A_242] : memref<16x232x768xf32, #tpu.memory_space<any>> -> memref<1x2x768xf32, #tpu.memory_space<any>>
    %dma_start3A_244 = tpu.memref_squeeze %dma_start3A_243 : memref<1x2x768xf32, #tpu.memory_space<any>> -> memref<2x768xf32, #tpu.memory_space<any>>
    %dma_start3A_245 = arith.constant 0 : i32
    %dma_start3A_246 = arith.constant 0 : i32
    %dma_start3A_247 = tpu.memref_slice %arg1[%dma_start3A_239, %dma_start3A_245, %dma_start3A_246] : memref<128x2x768xf32, #tpu.memory_space<vmem>> -> memref<1x2x768xf32, #tpu.memory_space<vmem>>
    %dma_start3A_248 = tpu.memref_squeeze %dma_start3A_247 : memref<1x2x768xf32, #tpu.memory_space<vmem>> -> memref<2x768xf32, #tpu.memory_space<vmem>>
    tpu.enqueue_dma source(%dma_start3A_248 : memref<2x768xf32, #tpu.memory_space<vmem>>) target(%dma_start3A_244 : memref<2x768xf32, #tpu.memory_space<any>>) target_semaphore(%arg7 : memref<!tpu.dma_semaphore, #tpu.memory_space<semaphore_mem>>)
    %dma_start3A_249 = arith.constant 25 : i32
    %dma_start3A_250 = arith.constant 3 : i32
    %dma_start3A_251 = arith.constant 22 : i32
    %dma_start3A_252 = arith.constant 0 : i32
    %dma_start3A_253 = tpu.memref_slice %arg4[%dma_start3A_250, %dma_start3A_251, %dma_start3A_252] : memref<16x232x768xf32, #tpu.memory_space<any>> -> memref<1x2x768xf32, #tpu.memory_space<any>>
    %dma_start3A_254 = tpu.memref_squeeze %dma_start3A_253 : memref<1x2x768xf32, #tpu.memory_space<any>> -> memref<2x768xf32, #tpu.memory_space<any>>
    %dma_start3A_255 = arith.constant 0 : i32
    %dma_start3A_256 = arith.constant 0 : i32
    %dma_start3A_257 = tpu.memref_slice %arg1[%dma_start3A_249, %dma_start3A_255, %dma_start3A_256] : memref<128x2x768xf32, #tpu.memory_space<vmem>> -> memref<1x2x768xf32, #tpu.memory_space<vmem>>
    %dma_start3A_258 = tpu.memref_squeeze %dma_start3A_257 : memref<1x2x768xf32, #tpu.memory_space<vmem>> -> memref<2x768xf32, #tpu.memory_space<vmem>>
    tpu.enqueue_dma source(%dma_start3A_258 : memref<2x768xf32, #tpu.memory_space<vmem>>) target(%dma_start3A_254 : memref<2x768xf32, #tpu.memory_space<any>>) target_semaphore(%arg7 : memref<!tpu.dma_semaphore, #tpu.memory_space<semaphore_mem>>)
    %dma_start3A_259 = arith.constant 26 : i32
    %dma_start3A_260 = arith.constant 3 : i32
    %dma_start3A_261 = arith.constant 24 : i32
    %dma_start3A_262 = arith.constant 0 : i32
    %dma_start3A_263 = tpu.memref_slice %arg4[%dma_start3A_260, %dma_start3A_261, %dma_start3A_262] : memref<16x232x768xf32, #tpu.memory_space<any>> -> memref<1x2x768xf32, #tpu.memory_space<any>>
    %dma_start3A_264 = tpu.memref_squeeze %dma_start3A_263 : memref<1x2x768xf32, #tpu.memory_space<any>> -> memref<2x768xf32, #tpu.memory_space<any>>
    %dma_start3A_265 = arith.constant 0 : i32
    %dma_start3A_266 = arith.constant 0 : i32
    %dma_start3A_267 = tpu.memref_slice %arg1[%dma_start3A_259, %dma_start3A_265, %dma_start3A_266] : memref<128x2x768xf32, #tpu.memory_space<vmem>> -> memref<1x2x768xf32, #tpu.memory_space<vmem>>
    %dma_start3A_268 = tpu.memref_squeeze %dma_start3A_267 : memref<1x2x768xf32, #tpu.memory_space<vmem>> -> memref<2x768xf32, #tpu.memory_space<vmem>>
    tpu.enqueue_dma source(%dma_start3A_268 : memref<2x768xf32, #tpu.memory_space<vmem>>) target(%dma_start3A_264 : memref<2x768xf32, #tpu.memory_space<any>>) target_semaphore(%arg7 : memref<!tpu.dma_semaphore, #tpu.memory_space<semaphore_mem>>)
    %dma_start3A_269 = arith.constant 27 : i32
    %dma_start3A_270 = arith.constant 3 : i32
    %dma_start3A_271 = arith.constant 26 : i32
    %dma_start3A_272 = arith.constant 0 : i32
    %dma_start3A_273 = tpu.memref_slice %arg4[%dma_start3A_270, %dma_start3A_271, %dma_start3A_272] : memref<16x232x768xf32, #tpu.memory_space<any>> -> memref<1x2x768xf32, #tpu.memory_space<any>>
    %dma_start3A_274 = tpu.memref_squeeze %dma_start3A_273 : memref<1x2x768xf32, #tpu.memory_space<any>> -> memref<2x768xf32, #tpu.memory_space<any>>
    %dma_start3A_275 = arith.constant 0 : i32
    %dma_start3A_276 = arith.constant 0 : i32
    %dma_start3A_277 = tpu.memref_slice %arg1[%dma_start3A_269, %dma_start3A_275, %dma_start3A_276] : memref<128x2x768xf32, #tpu.memory_space<vmem>> -> memref<1x2x768xf32, #tpu.memory_space<vmem>>
    %dma_start3A_278 = tpu.memref_squeeze %dma_start3A_277 : memref<1x2x768xf32, #tpu.memory_space<vmem>> -> memref<2x768xf32, #tpu.memory_space<vmem>>
    tpu.enqueue_dma source(%dma_start3A_278 : memref<2x768xf32, #tpu.memory_space<vmem>>) target(%dma_start3A_274 : memref<2x768xf32, #tpu.memory_space<any>>) target_semaphore(%arg7 : memref<!tpu.dma_semaphore, #tpu.memory_space<semaphore_mem>>)
    %dma_start3A_279 = arith.constant 28 : i32
    %dma_start3A_280 = arith.constant 3 : i32
    %dma_start3A_281 = arith.constant 28 : i32
    %dma_start3A_282 = arith.constant 0 : i32
    %dma_start3A_283 = tpu.memref_slice %arg4[%dma_start3A_280, %dma_start3A_281, %dma_start3A_282] : memref<16x232x768xf32, #tpu.memory_space<any>> -> memref<1x2x768xf32, #tpu.memory_space<any>>
    %dma_start3A_284 = tpu.memref_squeeze %dma_start3A_283 : memref<1x2x768xf32, #tpu.memory_space<any>> -> memref<2x768xf32, #tpu.memory_space<any>>
    %dma_start3A_285 = arith.constant 0 : i32
    %dma_start3A_286 = arith.constant 0 : i32
    %dma_start3A_287 = tpu.memref_slice %arg1[%dma_start3A_279, %dma_start3A_285, %dma_start3A_286] : memref<128x2x768xf32, #tpu.memory_space<vmem>> -> memref<1x2x768xf32, #tpu.memory_space<vmem>>
    %dma_start3A_288 = tpu.memref_squeeze %dma_start3A_287 : memref<1x2x768xf32, #tpu.memory_space<vmem>> -> memref<2x768xf32, #tpu.memory_space<vmem>>
    tpu.enqueue_dma source(%dma_start3A_288 : memref<2x768xf32, #tpu.memory_space<vmem>>) target(%dma_start3A_284 : memref<2x768xf32, #tpu.memory_space<any>>) target_semaphore(%arg7 : memref<!tpu.dma_semaphore, #tpu.memory_space<semaphore_mem>>)
    %dma_start3A_289 = arith.constant 29 : i32
    %dma_start3A_290 = arith.constant 3 : i32
    %dma_start3A_291 = arith.constant 30 : i32
    %dma_start3A_292 = arith.constant 0 : i32
    %dma_start3A_293 = tpu.memref_slice %arg4[%dma_start3A_290, %dma_start3A_291, %dma_start3A_292] : memref<16x232x768xf32, #tpu.memory_space<any>> -> memref<1x2x768xf32, #tpu.memory_space<any>>
    %dma_start3A_294 = tpu.memref_squeeze %dma_start3A_293 : memref<1x2x768xf32, #tpu.memory_space<any>> -> memref<2x768xf32, #tpu.memory_space<any>>
    %dma_start3A_295 = arith.constant 0 : i32
    %dma_start3A_296 = arith.constant 0 : i32
    %dma_start3A_297 = tpu.memref_slice %arg1[%dma_start3A_289, %dma_start3A_295, %dma_start3A_296] : memref<128x2x768xf32, #tpu.memory_space<vmem>> -> memref<1x2x768xf32, #tpu.memory_space<vmem>>
    %dma_start3A_298 = tpu.memref_squeeze %dma_start3A_297 : memref<1x2x768xf32, #tpu.memory_space<vmem>> -> memref<2x768xf32, #tpu.memory_space<vmem>>
    tpu.enqueue_dma source(%dma_start3A_298 : memref<2x768xf32, #tpu.memory_space<vmem>>) target(%dma_start3A_294 : memref<2x768xf32, #tpu.memory_space<any>>) target_semaphore(%arg7 : memref<!tpu.dma_semaphore, #tpu.memory_space<semaphore_mem>>)
    %dma_start3A_299 = arith.constant 30 : i32
    %dma_start3A_300 = arith.constant 3 : i32
    %dma_start3A_301 = arith.constant 32 : i32
    %dma_start3A_302 = arith.constant 0 : i32
    %dma_start3A_303 = tpu.memref_slice %arg4[%dma_start3A_300, %dma_start3A_301, %dma_start3A_302] : memref<16x232x768xf32, #tpu.memory_space<any>> -> memref<1x2x768xf32, #tpu.memory_space<any>>
    %dma_start3A_304 = tpu.memref_squeeze %dma_start3A_303 : memref<1x2x768xf32, #tpu.memory_space<any>> -> memref<2x768xf32, #tpu.memory_space<any>>
    %dma_start3A_305 = arith.constant 0 : i32
    %dma_start3A_306 = arith.constant 0 : i32
    %dma_start3A_307 = tpu.memref_slice %arg1[%dma_start3A_299, %dma_start3A_305, %dma_start3A_306] : memref<128x2x768xf32, #tpu.memory_space<vmem>> -> memref<1x2x768xf32, #tpu.memory_space<vmem>>
    %dma_start3A_308 = tpu.memref_squeeze %dma_start3A_307 : memref<1x2x768xf32, #tpu.memory_space<vmem>> -> memref<2x768xf32, #tpu.memory_space<vmem>>
    tpu.enqueue_dma source(%dma_start3A_308 : memref<2x768xf32, #tpu.memory_space<vmem>>) target(%dma_start3A_304 : memref<2x768xf32, #tpu.memory_space<any>>) target_semaphore(%arg7 : memref<!tpu.dma_semaphore, #tpu.memory_space<semaphore_mem>>)
    %dma_start3A_309 = arith.constant 31 : i32
    %dma_start3A_310 = arith.constant 3 : i32
    %dma_start3A_311 = arith.constant 34 : i32
    %dma_start3A_312 = arith.constant 0 : i32
    %dma_start3A_313 = tpu.memref_slice %arg4[%dma_start3A_310, %dma_start3A_311, %dma_start3A_312] : memref<16x232x768xf32, #tpu.memory_space<any>> -> memref<1x2x768xf32, #tpu.memory_space<any>>
    %dma_start3A_314 = tpu.memref_squeeze %dma_start3A_313 : memref<1x2x768xf32, #tpu.memory_space<any>> -> memref<2x768xf32, #tpu.memory_space<any>>
    %dma_start3A_315 = arith.constant 0 : i32
    %dma_start3A_316 = arith.constant 0 : i32
    %dma_start3A_317 = tpu.memref_slice %arg1[%dma_start3A_309, %dma_start3A_315, %dma_start3A_316] : memref<128x2x768xf32, #tpu.memory_space<vmem>> -> memref<1x2x768xf32, #tpu.memory_space<vmem>>
    %dma_start3A_318 = tpu.memref_squeeze %dma_start3A_317 : memref<1x2x768xf32, #tpu.memory_space<vmem>> -> memref<2x768xf32, #tpu.memory_space<vmem>>
    tpu.enqueue_dma source(%dma_start3A_318 : memref<2x768xf32, #tpu.memory_space<vmem>>) target(%dma_start3A_314 : memref<2x768xf32, #tpu.memory_space<any>>) target_semaphore(%arg7 : memref<!tpu.dma_semaphore, #tpu.memory_space<semaphore_mem>>)
    %dma_start3A_319 = arith.constant 32 : i32
    %dma_start3A_320 = arith.constant 4 : i32
    %dma_start3A_321 = arith.constant 20 : i32
    %dma_start3A_322 = arith.constant 0 : i32
    %dma_start3A_323 = tpu.memref_slice %arg4[%dma_start3A_320, %dma_start3A_321, %dma_start3A_322] : memref<16x232x768xf32, #tpu.memory_space<any>> -> memref<1x2x768xf32, #tpu.memory_space<any>>
    %dma_start3A_324 = tpu.memref_squeeze %dma_start3A_323 : memref<1x2x768xf32, #tpu.memory_space<any>> -> memref<2x768xf32, #tpu.memory_space<any>>
    %dma_start3A_325 = arith.constant 0 : i32
    %dma_start3A_326 = arith.constant 0 : i32
    %dma_start3A_327 = tpu.memref_slice %arg1[%dma_start3A_319, %dma_start3A_325, %dma_start3A_326] : memref<128x2x768xf32, #tpu.memory_space<vmem>> -> memref<1x2x768xf32, #tpu.memory_space<vmem>>
    %dma_start3A_328 = tpu.memref_squeeze %dma_start3A_327 : memref<1x2x768xf32, #tpu.memory_space<vmem>> -> memref<2x768xf32, #tpu.memory_space<vmem>>
    tpu.enqueue_dma source(%dma_start3A_328 : memref<2x768xf32, #tpu.memory_space<vmem>>) target(%dma_start3A_324 : memref<2x768xf32, #tpu.memory_space<any>>) target_semaphore(%arg7 : memref<!tpu.dma_semaphore, #tpu.memory_space<semaphore_mem>>)
    %dma_start3A_329 = arith.constant 33 : i32
    %dma_start3A_330 = arith.constant 4 : i32
    %dma_start3A_331 = arith.constant 22 : i32
    %dma_start3A_332 = arith.constant 0 : i32
    %dma_start3A_333 = tpu.memref_slice %arg4[%dma_start3A_330, %dma_start3A_331, %dma_start3A_332] : memref<16x232x768xf32, #tpu.memory_space<any>> -> memref<1x2x768xf32, #tpu.memory_space<any>>
    %dma_start3A_334 = tpu.memref_squeeze %dma_start3A_333 : memref<1x2x768xf32, #tpu.memory_space<any>> -> memref<2x768xf32, #tpu.memory_space<any>>
    %dma_start3A_335 = arith.constant 0 : i32
    %dma_start3A_336 = arith.constant 0 : i32
    %dma_start3A_337 = tpu.memref_slice %arg1[%dma_start3A_329, %dma_start3A_335, %dma_start3A_336] : memref<128x2x768xf32, #tpu.memory_space<vmem>> -> memref<1x2x768xf32, #tpu.memory_space<vmem>>
    %dma_start3A_338 = tpu.memref_squeeze %dma_start3A_337 : memref<1x2x768xf32, #tpu.memory_space<vmem>> -> memref<2x768xf32, #tpu.memory_space<vmem>>
    tpu.enqueue_dma source(%dma_start3A_338 : memref<2x768xf32, #tpu.memory_space<vmem>>) target(%dma_start3A_334 : memref<2x768xf32, #tpu.memory_space<any>>) target_semaphore(%arg7 : memref<!tpu.dma_semaphore, #tpu.memory_space<semaphore_mem>>)
    %dma_start3A_339 = arith.constant 34 : i32
    %dma_start3A_340 = arith.constant 4 : i32
    %dma_start3A_341 = arith.constant 24 : i32
    %dma_start3A_342 = arith.constant 0 : i32
    %dma_start3A_343 = tpu.memref_slice %arg4[%dma_start3A_340, %dma_start3A_341, %dma_start3A_342] : memref<16x232x768xf32, #tpu.memory_space<any>> -> memref<1x2x768xf32, #tpu.memory_space<any>>
    %dma_start3A_344 = tpu.memref_squeeze %dma_start3A_343 : memref<1x2x768xf32, #tpu.memory_space<any>> -> memref<2x768xf32, #tpu.memory_space<any>>
    %dma_start3A_345 = arith.constant 0 : i32
    %dma_start3A_346 = arith.constant 0 : i32
    %dma_start3A_347 = tpu.memref_slice %arg1[%dma_start3A_339, %dma_start3A_345, %dma_start3A_346] : memref<128x2x768xf32, #tpu.memory_space<vmem>> -> memref<1x2x768xf32, #tpu.memory_space<vmem>>
    %dma_start3A_348 = tpu.memref_squeeze %dma_start3A_347 : memref<1x2x768xf32, #tpu.memory_space<vmem>> -> memref<2x768xf32, #tpu.memory_space<vmem>>
    tpu.enqueue_dma source(%dma_start3A_348 : memref<2x768xf32, #tpu.memory_space<vmem>>) target(%dma_start3A_344 : memref<2x768xf32, #tpu.memory_space<any>>) target_semaphore(%arg7 : memref<!tpu.dma_semaphore, #tpu.memory_space<semaphore_mem>>)
    %dma_start3A_349 = arith.constant 35 : i32
    %dma_start3A_350 = arith.constant 4 : i32
    %dma_start3A_351 = arith.constant 26 : i32
    %dma_start3A_352 = arith.constant 0 : i32
    %dma_start3A_353 = tpu.memref_slice %arg4[%dma_start3A_350, %dma_start3A_351, %dma_start3A_352] : memref<16x232x768xf32, #tpu.memory_space<any>> -> memref<1x2x768xf32, #tpu.memory_space<any>>
    %dma_start3A_354 = tpu.memref_squeeze %dma_start3A_353 : memref<1x2x768xf32, #tpu.memory_space<any>> -> memref<2x768xf32, #tpu.memory_space<any>>
    %dma_start3A_355 = arith.constant 0 : i32
    %dma_start3A_356 = arith.constant 0 : i32
    %dma_start3A_357 = tpu.memref_slice %arg1[%dma_start3A_349, %dma_start3A_355, %dma_start3A_356] : memref<128x2x768xf32, #tpu.memory_space<vmem>> -> memref<1x2x768xf32, #tpu.memory_space<vmem>>
    %dma_start3A_358 = tpu.memref_squeeze %dma_start3A_357 : memref<1x2x768xf32, #tpu.memory_space<vmem>> -> memref<2x768xf32, #tpu.memory_space<vmem>>
    tpu.enqueue_dma source(%dma_start3A_358 : memref<2x768xf32, #tpu.memory_space<vmem>>) target(%dma_start3A_354 : memref<2x768xf32, #tpu.memory_space<any>>) target_semaphore(%arg7 : memref<!tpu.dma_semaphore, #tpu.memory_space<semaphore_mem>>)
    %dma_start3A_359 = arith.constant 36 : i32
    %dma_start3A_360 = arith.constant 4 : i32
    %dma_start3A_361 = arith.constant 28 : i32
    %dma_start3A_362 = arith.constant 0 : i32
    %dma_start3A_363 = tpu.memref_slice %arg4[%dma_start3A_360, %dma_start3A_361, %dma_start3A_362] : memref<16x232x768xf32, #tpu.memory_space<any>> -> memref<1x2x768xf32, #tpu.memory_space<any>>
    %dma_start3A_364 = tpu.memref_squeeze %dma_start3A_363 : memref<1x2x768xf32, #tpu.memory_space<any>> -> memref<2x768xf32, #tpu.memory_space<any>>
    %dma_start3A_365 = arith.constant 0 : i32
    %dma_start3A_366 = arith.constant 0 : i32
    %dma_start3A_367 = tpu.memref_slice %arg1[%dma_start3A_359, %dma_start3A_365, %dma_start3A_366] : memref<128x2x768xf32, #tpu.memory_space<vmem>> -> memref<1x2x768xf32, #tpu.memory_space<vmem>>
    %dma_start3A_368 = tpu.memref_squeeze %dma_start3A_367 : memref<1x2x768xf32, #tpu.memory_space<vmem>> -> memref<2x768xf32, #tpu.memory_space<vmem>>
    tpu.enqueue_dma source(%dma_start3A_368 : memref<2x768xf32, #tpu.memory_space<vmem>>) target(%dma_start3A_364 : memref<2x768xf32, #tpu.memory_space<any>>) target_semaphore(%arg7 : memref<!tpu.dma_semaphore, #tpu.memory_space<semaphore_mem>>)
    %dma_start3A_369 = arith.constant 37 : i32
    %dma_start3A_370 = arith.constant 4 : i32
    %dma_start3A_371 = arith.constant 30 : i32
    %dma_start3A_372 = arith.constant 0 : i32
    %dma_start3A_373 = tpu.memref_slice %arg4[%dma_start3A_370, %dma_start3A_371, %dma_start3A_372] : memref<16x232x768xf32, #tpu.memory_space<any>> -> memref<1x2x768xf32, #tpu.memory_space<any>>
    %dma_start3A_374 = tpu.memref_squeeze %dma_start3A_373 : memref<1x2x768xf32, #tpu.memory_space<any>> -> memref<2x768xf32, #tpu.memory_space<any>>
    %dma_start3A_375 = arith.constant 0 : i32
    %dma_start3A_376 = arith.constant 0 : i32
    %dma_start3A_377 = tpu.memref_slice %arg1[%dma_start3A_369, %dma_start3A_375, %dma_start3A_376] : memref<128x2x768xf32, #tpu.memory_space<vmem>> -> memref<1x2x768xf32, #tpu.memory_space<vmem>>
    %dma_start3A_378 = tpu.memref_squeeze %dma_start3A_377 : memref<1x2x768xf32, #tpu.memory_space<vmem>> -> memref<2x768xf32, #tpu.memory_space<vmem>>
    tpu.enqueue_dma source(%dma_start3A_378 : memref<2x768xf32, #tpu.memory_space<vmem>>) target(%dma_start3A_374 : memref<2x768xf32, #tpu.memory_space<any>>) target_semaphore(%arg7 : memref<!tpu.dma_semaphore, #tpu.memory_space<semaphore_mem>>)
    %dma_start3A_379 = arith.constant 38 : i32
    %dma_start3A_380 = arith.constant 4 : i32
    %dma_start3A_381 = arith.constant 32 : i32
    %dma_start3A_382 = arith.constant 0 : i32
    %dma_start3A_383 = tpu.memref_slice %arg4[%dma_start3A_380, %dma_start3A_381, %dma_start3A_382] : memref<16x232x768xf32, #tpu.memory_space<any>> -> memref<1x2x768xf32, #tpu.memory_space<any>>
    %dma_start3A_384 = tpu.memref_squeeze %dma_start3A_383 : memref<1x2x768xf32, #tpu.memory_space<any>> -> memref<2x768xf32, #tpu.memory_space<any>>
    %dma_start3A_385 = arith.constant 0 : i32
    %dma_start3A_386 = arith.constant 0 : i32
    %dma_start3A_387 = tpu.memref_slice %arg1[%dma_start3A_379, %dma_start3A_385, %dma_start3A_386] : memref<128x2x768xf32, #tpu.memory_space<vmem>> -> memref<1x2x768xf32, #tpu.memory_space<vmem>>
    %dma_start3A_388 = tpu.memref_squeeze %dma_start3A_387 : memref<1x2x768xf32, #tpu.memory_space<vmem>> -> memref<2x768xf32, #tpu.memory_space<vmem>>
    tpu.enqueue_dma source(%dma_start3A_388 : memref<2x768xf32, #tpu.memory_space<vmem>>) target(%dma_start3A_384 : memref<2x768xf32, #tpu.memory_space<any>>) target_semaphore(%arg7 : memref<!tpu.dma_semaphore, #tpu.memory_space<semaphore_mem>>)
    %dma_start3A_389 = arith.constant 39 : i32
    %dma_start3A_390 = arith.constant 4 : i32
    %dma_start3A_391 = arith.constant 34 : i32
    %dma_start3A_392 = arith.constant 0 : i32
    %dma_start3A_393 = tpu.memref_slice %arg4[%dma_start3A_390, %dma_start3A_391, %dma_start3A_392] : memref<16x232x768xf32, #tpu.memory_space<any>> -> memref<1x2x768xf32, #tpu.memory_space<any>>
    %dma_start3A_394 = tpu.memref_squeeze %dma_start3A_393 : memref<1x2x768xf32, #tpu.memory_space<any>> -> memref<2x768xf32, #tpu.memory_space<any>>
    %dma_start3A_395 = arith.constant 0 : i32
    %dma_start3A_396 = arith.constant 0 : i32
    %dma_start3A_397 = tpu.memref_slice %arg1[%dma_start3A_389, %dma_start3A_395, %dma_start3A_396] : memref<128x2x768xf32, #tpu.memory_space<vmem>> -> memref<1x2x768xf32, #tpu.memory_space<vmem>>
    %dma_start3A_398 = tpu.memref_squeeze %dma_start3A_397 : memref<1x2x768xf32, #tpu.memory_space<vmem>> -> memref<2x768xf32, #tpu.memory_space<vmem>>
    tpu.enqueue_dma source(%dma_start3A_398 : memref<2x768xf32, #tpu.memory_space<vmem>>) target(%dma_start3A_394 : memref<2x768xf32, #tpu.memory_space<any>>) target_semaphore(%arg7 : memref<!tpu.dma_semaphore, #tpu.memory_space<semaphore_mem>>)
    %dma_start3A_399 = arith.constant 40 : i32
    %dma_start3A_400 = arith.constant 5 : i32
    %dma_start3A_401 = arith.constant 20 : i32
    %dma_start3A_402 = arith.constant 0 : i32
    %dma_start3A_403 = tpu.memref_slice %arg4[%dma_start3A_400, %dma_start3A_401, %dma_start3A_402] : memref<16x232x768xf32, #tpu.memory_space<any>> -> memref<1x2x768xf32, #tpu.memory_space<any>>
    %dma_start3A_404 = tpu.memref_squeeze %dma_start3A_403 : memref<1x2x768xf32, #tpu.memory_space<any>> -> memref<2x768xf32, #tpu.memory_space<any>>
    %dma_start3A_405 = arith.constant 0 : i32
    %dma_start3A_406 = arith.constant 0 : i32
    %dma_start3A_407 = tpu.memref_slice %arg1[%dma_start3A_399, %dma_start3A_405, %dma_start3A_406] : memref<128x2x768xf32, #tpu.memory_space<vmem>> -> memref<1x2x768xf32, #tpu.memory_space<vmem>>
    %dma_start3A_408 = tpu.memref_squeeze %dma_start3A_407 : memref<1x2x768xf32, #tpu.memory_space<vmem>> -> memref<2x768xf32, #tpu.memory_space<vmem>>
    tpu.enqueue_dma source(%dma_start3A_408 : memref<2x768xf32, #tpu.memory_space<vmem>>) target(%dma_start3A_404 : memref<2x768xf32, #tpu.memory_space<any>>) target_semaphore(%arg7 : memref<!tpu.dma_semaphore, #tpu.memory_space<semaphore_mem>>)
    %dma_start3A_409 = arith.constant 41 : i32
    %dma_start3A_410 = arith.constant 5 : i32
    %dma_start3A_411 = arith.constant 22 : i32
    %dma_start3A_412 = arith.constant 0 : i32
    %dma_start3A_413 = tpu.memref_slice %arg4[%dma_start3A_410, %dma_start3A_411, %dma_start3A_412] : memref<16x232x768xf32, #tpu.memory_space<any>> -> memref<1x2x768xf32, #tpu.memory_space<any>>
    %dma_start3A_414 = tpu.memref_squeeze %dma_start3A_413 : memref<1x2x768xf32, #tpu.memory_space<any>> -> memref<2x768xf32, #tpu.memory_space<any>>
    %dma_start3A_415 = arith.constant 0 : i32
    %dma_start3A_416 = arith.constant 0 : i32
    %dma_start3A_417 = tpu.memref_slice %arg1[%dma_start3A_409, %dma_start3A_415, %dma_start3A_416] : memref<128x2x768xf32, #tpu.memory_space<vmem>> -> memref<1x2x768xf32, #tpu.memory_space<vmem>>
    %dma_start3A_418 = tpu.memref_squeeze %dma_start3A_417 : memref<1x2x768xf32, #tpu.memory_space<vmem>> -> memref<2x768xf32, #tpu.memory_space<vmem>>
    tpu.enqueue_dma source(%dma_start3A_418 : memref<2x768xf32, #tpu.memory_space<vmem>>) target(%dma_start3A_414 : memref<2x768xf32, #tpu.memory_space<any>>) target_semaphore(%arg7 : memref<!tpu.dma_semaphore, #tpu.memory_space<semaphore_mem>>)
    %dma_start3A_419 = arith.constant 42 : i32
    %dma_start3A_420 = arith.constant 5 : i32
    %dma_start3A_421 = arith.constant 24 : i32
    %dma_start3A_422 = arith.constant 0 : i32
    %dma_start3A_423 = tpu.memref_slice %arg4[%dma_start3A_420, %dma_start3A_421, %dma_start3A_422] : memref<16x232x768xf32, #tpu.memory_space<any>> -> memref<1x2x768xf32, #tpu.memory_space<any>>
    %dma_start3A_424 = tpu.memref_squeeze %dma_start3A_423 : memref<1x2x768xf32, #tpu.memory_space<any>> -> memref<2x768xf32, #tpu.memory_space<any>>
    %dma_start3A_425 = arith.constant 0 : i32
    %dma_start3A_426 = arith.constant 0 : i32
    %dma_start3A_427 = tpu.memref_slice %arg1[%dma_start3A_419, %dma_start3A_425, %dma_start3A_426] : memref<128x2x768xf32, #tpu.memory_space<vmem>> -> memref<1x2x768xf32, #tpu.memory_space<vmem>>
    %dma_start3A_428 = tpu.memref_squeeze %dma_start3A_427 : memref<1x2x768xf32, #tpu.memory_space<vmem>> -> memref<2x768xf32, #tpu.memory_space<vmem>>
    tpu.enqueue_dma source(%dma_start3A_428 : memref<2x768xf32, #tpu.memory_space<vmem>>) target(%dma_start3A_424 : memref<2x768xf32, #tpu.memory_space<any>>) target_semaphore(%arg7 : memref<!tpu.dma_semaphore, #tpu.memory_space<semaphore_mem>>)
    %dma_start3A_429 = arith.constant 43 : i32
    %dma_start3A_430 = arith.constant 5 : i32
    %dma_start3A_431 = arith.constant 26 : i32
    %dma_start3A_432 = arith.constant 0 : i32
    %dma_start3A_433 = tpu.memref_slice %arg4[%dma_start3A_430, %dma_start3A_431, %dma_start3A_432] : memref<16x232x768xf32, #tpu.memory_space<any>> -> memref<1x2x768xf32, #tpu.memory_space<any>>
    %dma_start3A_434 = tpu.memref_squeeze %dma_start3A_433 : memref<1x2x768xf32, #tpu.memory_space<any>> -> memref<2x768xf32, #tpu.memory_space<any>>
    %dma_start3A_435 = arith.constant 0 : i32
    %dma_start3A_436 = arith.constant 0 : i32
    %dma_start3A_437 = tpu.memref_slice %arg1[%dma_start3A_429, %dma_start3A_435, %dma_start3A_436] : memref<128x2x768xf32, #tpu.memory_space<vmem>> -> memref<1x2x768xf32, #tpu.memory_space<vmem>>
    %dma_start3A_438 = tpu.memref_squeeze %dma_start3A_437 : memref<1x2x768xf32, #tpu.memory_space<vmem>> -> memref<2x768xf32, #tpu.memory_space<vmem>>
    tpu.enqueue_dma source(%dma_start3A_438 : memref<2x768xf32, #tpu.memory_space<vmem>>) target(%dma_start3A_434 : memref<2x768xf32, #tpu.memory_space<any>>) target_semaphore(%arg7 : memref<!tpu.dma_semaphore, #tpu.memory_space<semaphore_mem>>)
    %dma_start3A_439 = arith.constant 44 : i32
    %dma_start3A_440 = arith.constant 5 : i32
    %dma_start3A_441 = arith.constant 28 : i32
    %dma_start3A_442 = arith.constant 0 : i32
    %dma_start3A_443 = tpu.memref_slice %arg4[%dma_start3A_440, %dma_start3A_441, %dma_start3A_442] : memref<16x232x768xf32, #tpu.memory_space<any>> -> memref<1x2x768xf32, #tpu.memory_space<any>>
    %dma_start3A_444 = tpu.memref_squeeze %dma_start3A_443 : memref<1x2x768xf32, #tpu.memory_space<any>> -> memref<2x768xf32, #tpu.memory_space<any>>
    %dma_start3A_445 = arith.constant 0 : i32
    %dma_start3A_446 = arith.constant 0 : i32
    %dma_start3A_447 = tpu.memref_slice %arg1[%dma_start3A_439, %dma_start3A_445, %dma_start3A_446] : memref<128x2x768xf32, #tpu.memory_space<vmem>> -> memref<1x2x768xf32, #tpu.memory_space<vmem>>
    %dma_start3A_448 = tpu.memref_squeeze %dma_start3A_447 : memref<1x2x768xf32, #tpu.memory_space<vmem>> -> memref<2x768xf32, #tpu.memory_space<vmem>>
    tpu.enqueue_dma source(%dma_start3A_448 : memref<2x768xf32, #tpu.memory_space<vmem>>) target(%dma_start3A_444 : memref<2x768xf32, #tpu.memory_space<any>>) target_semaphore(%arg7 : memref<!tpu.dma_semaphore, #tpu.memory_space<semaphore_mem>>)
    %dma_start3A_449 = arith.constant 45 : i32
    %dma_start3A_450 = arith.constant 5 : i32
    %dma_start3A_451 = arith.constant 30 : i32
    %dma_start3A_452 = arith.constant 0 : i32
    %dma_start3A_453 = tpu.memref_slice %arg4[%dma_start3A_450, %dma_start3A_451, %dma_start3A_452] : memref<16x232x768xf32, #tpu.memory_space<any>> -> memref<1x2x768xf32, #tpu.memory_space<any>>
    %dma_start3A_454 = tpu.memref_squeeze %dma_start3A_453 : memref<1x2x768xf32, #tpu.memory_space<any>> -> memref<2x768xf32, #tpu.memory_space<any>>
    %dma_start3A_455 = arith.constant 0 : i32
    %dma_start3A_456 = arith.constant 0 : i32
    %dma_start3A_457 = tpu.memref_slice %arg1[%dma_start3A_449, %dma_start3A_455, %dma_start3A_456] : memref<128x2x768xf32, #tpu.memory_space<vmem>> -> memref<1x2x768xf32, #tpu.memory_space<vmem>>
    %dma_start3A_458 = tpu.memref_squeeze %dma_start3A_457 : memref<1x2x768xf32, #tpu.memory_space<vmem>> -> memref<2x768xf32, #tpu.memory_space<vmem>>
    tpu.enqueue_dma source(%dma_start3A_458 : memref<2x768xf32, #tpu.memory_space<vmem>>) target(%dma_start3A_454 : memref<2x768xf32, #tpu.memory_space<any>>) target_semaphore(%arg7 : memref<!tpu.dma_semaphore, #tpu.memory_space<semaphore_mem>>)
    %dma_start3A_459 = arith.constant 46 : i32
    %dma_start3A_460 = arith.constant 5 : i32
    %dma_start3A_461 = arith.constant 32 : i32
    %dma_start3A_462 = arith.constant 0 : i32
    %dma_start3A_463 = tpu.memref_slice %arg4[%dma_start3A_460, %dma_start3A_461, %dma_start3A_462] : memref<16x232x768xf32, #tpu.memory_space<any>> -> memref<1x2x768xf32, #tpu.memory_space<any>>
    %dma_start3A_464 = tpu.memref_squeeze %dma_start3A_463 : memref<1x2x768xf32, #tpu.memory_space<any>> -> memref<2x768xf32, #tpu.memory_space<any>>
    %dma_start3A_465 = arith.constant 0 : i32
    %dma_start3A_466 = arith.constant 0 : i32
    %dma_start3A_467 = tpu.memref_slice %arg1[%dma_start3A_459, %dma_start3A_465, %dma_start3A_466] : memref<128x2x768xf32, #tpu.memory_space<vmem>> -> memref<1x2x768xf32, #tpu.memory_space<vmem>>
    %dma_start3A_468 = tpu.memref_squeeze %dma_start3A_467 : memref<1x2x768xf32, #tpu.memory_space<vmem>> -> memref<2x768xf32, #tpu.memory_space<vmem>>
    tpu.enqueue_dma source(%dma_start3A_468 : memref<2x768xf32, #tpu.memory_space<vmem>>) target(%dma_start3A_464 : memref<2x768xf32, #tpu.memory_space<any>>) target_semaphore(%arg7 : memref<!tpu.dma_semaphore, #tpu.memory_space<semaphore_mem>>)
    %dma_start3A_469 = arith.constant 47 : i32
    %dma_start3A_470 = arith.constant 5 : i32
    %dma_start3A_471 = arith.constant 34 : i32
    %dma_start3A_472 = arith.constant 0 : i32
    %dma_start3A_473 = tpu.memref_slice %arg4[%dma_start3A_470, %dma_start3A_471, %dma_start3A_472] : memref<16x232x768xf32, #tpu.memory_space<any>> -> memref<1x2x768xf32, #tpu.memory_space<any>>
    %dma_start3A_474 = tpu.memref_squeeze %dma_start3A_473 : memref<1x2x768xf32, #tpu.memory_space<any>> -> memref<2x768xf32, #tpu.memory_space<any>>
    %dma_start3A_475 = arith.constant 0 : i32
    %dma_start3A_476 = arith.constant 0 : i32
    %dma_start3A_477 = tpu.memref_slice %arg1[%dma_start3A_469, %dma_start3A_475, %dma_start3A_476] : memref<128x2x768xf32, #tpu.memory_space<vmem>> -> memref<1x2x768xf32, #tpu.memory_space<vmem>>
    %dma_start3A_478 = tpu.memref_squeeze %dma_start3A_477 : memref<1x2x768xf32, #tpu.memory_space<vmem>> -> memref<2x768xf32, #tpu.memory_space<vmem>>
    tpu.enqueue_dma source(%dma_start3A_478 : memref<2x768xf32, #tpu.memory_space<vmem>>) target(%dma_start3A_474 : memref<2x768xf32, #tpu.memory_space<any>>) target_semaphore(%arg7 : memref<!tpu.dma_semaphore, #tpu.memory_space<semaphore_mem>>)
    %dma_start3A_479 = arith.constant 48 : i32
    %dma_start3A_480 = arith.constant 6 : i32
    %dma_start3A_481 = arith.constant 20 : i32
    %dma_start3A_482 = arith.constant 0 : i32
    %dma_start3A_483 = tpu.memref_slice %arg4[%dma_start3A_480, %dma_start3A_481, %dma_start3A_482] : memref<16x232x768xf32, #tpu.memory_space<any>> -> memref<1x2x768xf32, #tpu.memory_space<any>>
    %dma_start3A_484 = tpu.memref_squeeze %dma_start3A_483 : memref<1x2x768xf32, #tpu.memory_space<any>> -> memref<2x768xf32, #tpu.memory_space<any>>
    %dma_start3A_485 = arith.constant 0 : i32
    %dma_start3A_486 = arith.constant 0 : i32
    %dma_start3A_487 = tpu.memref_slice %arg1[%dma_start3A_479, %dma_start3A_485, %dma_start3A_486] : memref<128x2x768xf32, #tpu.memory_space<vmem>> -> memref<1x2x768xf32, #tpu.memory_space<vmem>>
    %dma_start3A_488 = tpu.memref_squeeze %dma_start3A_487 : memref<1x2x768xf32, #tpu.memory_space<vmem>> -> memref<2x768xf32, #tpu.memory_space<vmem>>
    tpu.enqueue_dma source(%dma_start3A_488 : memref<2x768xf32, #tpu.memory_space<vmem>>) target(%dma_start3A_484 : memref<2x768xf32, #tpu.memory_space<any>>) target_semaphore(%arg7 : memref<!tpu.dma_semaphore, #tpu.memory_space<semaphore_mem>>)
    %dma_start3A_489 = arith.constant 49 : i32
    %dma_start3A_490 = arith.constant 6 : i32
    %dma_start3A_491 = arith.constant 22 : i32
    %dma_start3A_492 = arith.constant 0 : i32
    %dma_start3A_493 = tpu.memref_slice %arg4[%dma_start3A_490, %dma_start3A_491, %dma_start3A_492] : memref<16x232x768xf32, #tpu.memory_space<any>> -> memref<1x2x768xf32, #tpu.memory_space<any>>
    %dma_start3A_494 = tpu.memref_squeeze %dma_start3A_493 : memref<1x2x768xf32, #tpu.memory_space<any>> -> memref<2x768xf32, #tpu.memory_space<any>>
    %dma_start3A_495 = arith.constant 0 : i32
    %dma_start3A_496 = arith.constant 0 : i32
    %dma_start3A_497 = tpu.memref_slice %arg1[%dma_start3A_489, %dma_start3A_495, %dma_start3A_496] : memref<128x2x768xf32, #tpu.memory_space<vmem>> -> memref<1x2x768xf32, #tpu.memory_space<vmem>>
    %dma_start3A_498 = tpu.memref_squeeze %dma_start3A_497 : memref<1x2x768xf32, #tpu.memory_space<vmem>> -> memref<2x768xf32, #tpu.memory_space<vmem>>
    tpu.enqueue_dma source(%dma_start3A_498 : memref<2x768xf32, #tpu.memory_space<vmem>>) target(%dma_start3A_494 : memref<2x768xf32, #tpu.memory_space<any>>) target_semaphore(%arg7 : memref<!tpu.dma_semaphore, #tpu.memory_space<semaphore_mem>>)
    %dma_start3A_499 = arith.constant 50 : i32
    %dma_start3A_500 = arith.constant 6 : i32
    %dma_start3A_501 = arith.constant 24 : i32
    %dma_start3A_502 = arith.constant 0 : i32
    %dma_start3A_503 = tpu.memref_slice %arg4[%dma_start3A_500, %dma_start3A_501, %dma_start3A_502] : memref<16x232x768xf32, #tpu.memory_space<any>> -> memref<1x2x768xf32, #tpu.memory_space<any>>
    %dma_start3A_504 = tpu.memref_squeeze %dma_start3A_503 : memref<1x2x768xf32, #tpu.memory_space<any>> -> memref<2x768xf32, #tpu.memory_space<any>>
    %dma_start3A_505 = arith.constant 0 : i32
    %dma_start3A_506 = arith.constant 0 : i32
    %dma_start3A_507 = tpu.memref_slice %arg1[%dma_start3A_499, %dma_start3A_505, %dma_start3A_506] : memref<128x2x768xf32, #tpu.memory_space<vmem>> -> memref<1x2x768xf32, #tpu.memory_space<vmem>>
    %dma_start3A_508 = tpu.memref_squeeze %dma_start3A_507 : memref<1x2x768xf32, #tpu.memory_space<vmem>> -> memref<2x768xf32, #tpu.memory_space<vmem>>
    tpu.enqueue_dma source(%dma_start3A_508 : memref<2x768xf32, #tpu.memory_space<vmem>>) target(%dma_start3A_504 : memref<2x768xf32, #tpu.memory_space<any>>) target_semaphore(%arg7 : memref<!tpu.dma_semaphore, #tpu.memory_space<semaphore_mem>>)
    %dma_start3A_509 = arith.constant 51 : i32
    %dma_start3A_510 = arith.constant 6 : i32
    %dma_start3A_511 = arith.constant 26 : i32
    %dma_start3A_512 = arith.constant 0 : i32
    %dma_start3A_513 = tpu.memref_slice %arg4[%dma_start3A_510, %dma_start3A_511, %dma_start3A_512] : memref<16x232x768xf32, #tpu.memory_space<any>> -> memref<1x2x768xf32, #tpu.memory_space<any>>
    %dma_start3A_514 = tpu.memref_squeeze %dma_start3A_513 : memref<1x2x768xf32, #tpu.memory_space<any>> -> memref<2x768xf32, #tpu.memory_space<any>>
    %dma_start3A_515 = arith.constant 0 : i32
    %dma_start3A_516 = arith.constant 0 : i32
    %dma_start3A_517 = tpu.memref_slice %arg1[%dma_start3A_509, %dma_start3A_515, %dma_start3A_516] : memref<128x2x768xf32, #tpu.memory_space<vmem>> -> memref<1x2x768xf32, #tpu.memory_space<vmem>>
    %dma_start3A_518 = tpu.memref_squeeze %dma_start3A_517 : memref<1x2x768xf32, #tpu.memory_space<vmem>> -> memref<2x768xf32, #tpu.memory_space<vmem>>
    tpu.enqueue_dma source(%dma_start3A_518 : memref<2x768xf32, #tpu.memory_space<vmem>>) target(%dma_start3A_514 : memref<2x768xf32, #tpu.memory_space<any>>) target_semaphore(%arg7 : memref<!tpu.dma_semaphore, #tpu.memory_space<semaphore_mem>>)
    %dma_start3A_519 = arith.constant 52 : i32
    %dma_start3A_520 = arith.constant 6 : i32
    %dma_start3A_521 = arith.constant 28 : i32
    %dma_start3A_522 = arith.constant 0 : i32
    %dma_start3A_523 = tpu.memref_slice %arg4[%dma_start3A_520, %dma_start3A_521, %dma_start3A_522] : memref<16x232x768xf32, #tpu.memory_space<any>> -> memref<1x2x768xf32, #tpu.memory_space<any>>
    %dma_start3A_524 = tpu.memref_squeeze %dma_start3A_523 : memref<1x2x768xf32, #tpu.memory_space<any>> -> memref<2x768xf32, #tpu.memory_space<any>>
    %dma_start3A_525 = arith.constant 0 : i32
    %dma_start3A_526 = arith.constant 0 : i32
    %dma_start3A_527 = tpu.memref_slice %arg1[%dma_start3A_519, %dma_start3A_525, %dma_start3A_526] : memref<128x2x768xf32, #tpu.memory_space<vmem>> -> memref<1x2x768xf32, #tpu.memory_space<vmem>>
    %dma_start3A_528 = tpu.memref_squeeze %dma_start3A_527 : memref<1x2x768xf32, #tpu.memory_space<vmem>> -> memref<2x768xf32, #tpu.memory_space<vmem>>
    tpu.enqueue_dma source(%dma_start3A_528 : memref<2x768xf32, #tpu.memory_space<vmem>>) target(%dma_start3A_524 : memref<2x768xf32, #tpu.memory_space<any>>) target_semaphore(%arg7 : memref<!tpu.dma_semaphore, #tpu.memory_space<semaphore_mem>>)
    %dma_start3A_529 = arith.constant 53 : i32
    %dma_start3A_530 = arith.constant 6 : i32
    %dma_start3A_531 = arith.constant 30 : i32
    %dma_start3A_532 = arith.constant 0 : i32
    %dma_start3A_533 = tpu.memref_slice %arg4[%dma_start3A_530, %dma_start3A_531, %dma_start3A_532] : memref<16x232x768xf32, #tpu.memory_space<any>> -> memref<1x2x768xf32, #tpu.memory_space<any>>
    %dma_start3A_534 = tpu.memref_squeeze %dma_start3A_533 : memref<1x2x768xf32, #tpu.memory_space<any>> -> memref<2x768xf32, #tpu.memory_space<any>>
    %dma_start3A_535 = arith.constant 0 : i32
    %dma_start3A_536 = arith.constant 0 : i32
    %dma_start3A_537 = tpu.memref_slice %arg1[%dma_start3A_529, %dma_start3A_535, %dma_start3A_536] : memref<128x2x768xf32, #tpu.memory_space<vmem>> -> memref<1x2x768xf32, #tpu.memory_space<vmem>>
    %dma_start3A_538 = tpu.memref_squeeze %dma_start3A_537 : memref<1x2x768xf32, #tpu.memory_space<vmem>> -> memref<2x768xf32, #tpu.memory_space<vmem>>
    tpu.enqueue_dma source(%dma_start3A_538 : memref<2x768xf32, #tpu.memory_space<vmem>>) target(%dma_start3A_534 : memref<2x768xf32, #tpu.memory_space<any>>) target_semaphore(%arg7 : memref<!tpu.dma_semaphore, #tpu.memory_space<semaphore_mem>>)
    %dma_start3A_539 = arith.constant 54 : i32
    %dma_start3A_540 = arith.constant 6 : i32
    %dma_start3A_541 = arith.constant 32 : i32
    %dma_start3A_542 = arith.constant 0 : i32
    %dma_start3A_543 = tpu.memref_slice %arg4[%dma_start3A_540, %dma_start3A_541, %dma_start3A_542] : memref<16x232x768xf32, #tpu.memory_space<any>> -> memref<1x2x768xf32, #tpu.memory_space<any>>
    %dma_start3A_544 = tpu.memref_squeeze %dma_start3A_543 : memref<1x2x768xf32, #tpu.memory_space<any>> -> memref<2x768xf32, #tpu.memory_space<any>>
    %dma_start3A_545 = arith.constant 0 : i32
    %dma_start3A_546 = arith.constant 0 : i32
    %dma_start3A_547 = tpu.memref_slice %arg1[%dma_start3A_539, %dma_start3A_545, %dma_start3A_546] : memref<128x2x768xf32, #tpu.memory_space<vmem>> -> memref<1x2x768xf32, #tpu.memory_space<vmem>>
    %dma_start3A_548 = tpu.memref_squeeze %dma_start3A_547 : memref<1x2x768xf32, #tpu.memory_space<vmem>> -> memref<2x768xf32, #tpu.memory_space<vmem>>
    tpu.enqueue_dma source(%dma_start3A_548 : memref<2x768xf32, #tpu.memory_space<vmem>>) target(%dma_start3A_544 : memref<2x768xf32, #tpu.memory_space<any>>) target_semaphore(%arg7 : memref<!tpu.dma_semaphore, #tpu.memory_space<semaphore_mem>>)
    %dma_start3A_549 = arith.constant 55 : i32
    %dma_start3A_550 = arith.constant 6 : i32
    %dma_start3A_551 = arith.constant 34 : i32
    %dma_start3A_552 = arith.constant 0 : i32
    %dma_start3A_553 = tpu.memref_slice %arg4[%dma_start3A_550, %dma_start3A_551, %dma_start3A_552] : memref<16x232x768xf32, #tpu.memory_space<any>> -> memref<1x2x768xf32, #tpu.memory_space<any>>
    %dma_start3A_554 = tpu.memref_squeeze %dma_start3A_553 : memref<1x2x768xf32, #tpu.memory_space<any>> -> memref<2x768xf32, #tpu.memory_space<any>>
    %dma_start3A_555 = arith.constant 0 : i32
    %dma_start3A_556 = arith.constant 0 : i32
    %dma_start3A_557 = tpu.memref_slice %arg1[%dma_start3A_549, %dma_start3A_555, %dma_start3A_556] : memref<128x2x768xf32, #tpu.memory_space<vmem>> -> memref<1x2x768xf32, #tpu.memory_space<vmem>>
    %dma_start3A_558 = tpu.memref_squeeze %dma_start3A_557 : memref<1x2x768xf32, #tpu.memory_space<vmem>> -> memref<2x768xf32, #tpu.memory_space<vmem>>
    tpu.enqueue_dma source(%dma_start3A_558 : memref<2x768xf32, #tpu.memory_space<vmem>>) target(%dma_start3A_554 : memref<2x768xf32, #tpu.memory_space<any>>) target_semaphore(%arg7 : memref<!tpu.dma_semaphore, #tpu.memory_space<semaphore_mem>>)
    %dma_start3A_559 = arith.constant 56 : i32
    %dma_start3A_560 = arith.constant 7 : i32
    %dma_start3A_561 = arith.constant 20 : i32
    %dma_start3A_562 = arith.constant 0 : i32
    %dma_start3A_563 = tpu.memref_slice %arg4[%dma_start3A_560, %dma_start3A_561, %dma_start3A_562] : memref<16x232x768xf32, #tpu.memory_space<any>> -> memref<1x2x768xf32, #tpu.memory_space<any>>
    %dma_start3A_564 = tpu.memref_squeeze %dma_start3A_563 : memref<1x2x768xf32, #tpu.memory_space<any>> -> memref<2x768xf32, #tpu.memory_space<any>>
    %dma_start3A_565 = arith.constant 0 : i32
    %dma_start3A_566 = arith.constant 0 : i32
    %dma_start3A_567 = tpu.memref_slice %arg1[%dma_start3A_559, %dma_start3A_565, %dma_start3A_566] : memref<128x2x768xf32, #tpu.memory_space<vmem>> -> memref<1x2x768xf32, #tpu.memory_space<vmem>>
    %dma_start3A_568 = tpu.memref_squeeze %dma_start3A_567 : memref<1x2x768xf32, #tpu.memory_space<vmem>> -> memref<2x768xf32, #tpu.memory_space<vmem>>
    tpu.enqueue_dma source(%dma_start3A_568 : memref<2x768xf32, #tpu.memory_space<vmem>>) target(%dma_start3A_564 : memref<2x768xf32, #tpu.memory_space<any>>) target_semaphore(%arg7 : memref<!tpu.dma_semaphore, #tpu.memory_space<semaphore_mem>>)
    %dma_start3A_569 = arith.constant 57 : i32
    %dma_start3A_570 = arith.constant 7 : i32
    %dma_start3A_571 = arith.constant 22 : i32
    %dma_start3A_572 = arith.constant 0 : i32
    %dma_start3A_573 = tpu.memref_slice %arg4[%dma_start3A_570, %dma_start3A_571, %dma_start3A_572] : memref<16x232x768xf32, #tpu.memory_space<any>> -> memref<1x2x768xf32, #tpu.memory_space<any>>
    %dma_start3A_574 = tpu.memref_squeeze %dma_start3A_573 : memref<1x2x768xf32, #tpu.memory_space<any>> -> memref<2x768xf32, #tpu.memory_space<any>>
    %dma_start3A_575 = arith.constant 0 : i32
    %dma_start3A_576 = arith.constant 0 : i32
    %dma_start3A_577 = tpu.memref_slice %arg1[%dma_start3A_569, %dma_start3A_575, %dma_start3A_576] : memref<128x2x768xf32, #tpu.memory_space<vmem>> -> memref<1x2x768xf32, #tpu.memory_space<vmem>>
    %dma_start3A_578 = tpu.memref_squeeze %dma_start3A_577 : memref<1x2x768xf32, #tpu.memory_space<vmem>> -> memref<2x768xf32, #tpu.memory_space<vmem>>
    tpu.enqueue_dma source(%dma_start3A_578 : memref<2x768xf32, #tpu.memory_space<vmem>>) target(%dma_start3A_574 : memref<2x768xf32, #tpu.memory_space<any>>) target_semaphore(%arg7 : memref<!tpu.dma_semaphore, #tpu.memory_space<semaphore_mem>>)
    %dma_start3A_579 = arith.constant 58 : i32
    %dma_start3A_580 = arith.constant 7 : i32
    %dma_start3A_581 = arith.constant 24 : i32
    %dma_start3A_582 = arith.constant 0 : i32
    %dma_start3A_583 = tpu.memref_slice %arg4[%dma_start3A_580, %dma_start3A_581, %dma_start3A_582] : memref<16x232x768xf32, #tpu.memory_space<any>> -> memref<1x2x768xf32, #tpu.memory_space<any>>
    %dma_start3A_584 = tpu.memref_squeeze %dma_start3A_583 : memref<1x2x768xf32, #tpu.memory_space<any>> -> memref<2x768xf32, #tpu.memory_space<any>>
    %dma_start3A_585 = arith.constant 0 : i32
    %dma_start3A_586 = arith.constant 0 : i32
    %dma_start3A_587 = tpu.memref_slice %arg1[%dma_start3A_579, %dma_start3A_585, %dma_start3A_586] : memref<128x2x768xf32, #tpu.memory_space<vmem>> -> memref<1x2x768xf32, #tpu.memory_space<vmem>>
    %dma_start3A_588 = tpu.memref_squeeze %dma_start3A_587 : memref<1x2x768xf32, #tpu.memory_space<vmem>> -> memref<2x768xf32, #tpu.memory_space<vmem>>
    tpu.enqueue_dma source(%dma_start3A_588 : memref<2x768xf32, #tpu.memory_space<vmem>>) target(%dma_start3A_584 : memref<2x768xf32, #tpu.memory_space<any>>) target_semaphore(%arg7 : memref<!tpu.dma_semaphore, #tpu.memory_space<semaphore_mem>>)
    %dma_start3A_589 = arith.constant 59 : i32
    %dma_start3A_590 = arith.constant 7 : i32
    %dma_start3A_591 = arith.constant 26 : i32
    %dma_start3A_592 = arith.constant 0 : i32
    %dma_start3A_593 = tpu.memref_slice %arg4[%dma_start3A_590, %dma_start3A_591, %dma_start3A_592] : memref<16x232x768xf32, #tpu.memory_space<any>> -> memref<1x2x768xf32, #tpu.memory_space<any>>
    %dma_start3A_594 = tpu.memref_squeeze %dma_start3A_593 : memref<1x2x768xf32, #tpu.memory_space<any>> -> memref<2x768xf32, #tpu.memory_space<any>>
    %dma_start3A_595 = arith.constant 0 : i32
    %dma_start3A_596 = arith.constant 0 : i32
    %dma_start3A_597 = tpu.memref_slice %arg1[%dma_start3A_589, %dma_start3A_595, %dma_start3A_596] : memref<128x2x768xf32, #tpu.memory_space<vmem>> -> memref<1x2x768xf32, #tpu.memory_space<vmem>>
    %dma_start3A_598 = tpu.memref_squeeze %dma_start3A_597 : memref<1x2x768xf32, #tpu.memory_space<vmem>> -> memref<2x768xf32, #tpu.memory_space<vmem>>
    tpu.enqueue_dma source(%dma_start3A_598 : memref<2x768xf32, #tpu.memory_space<vmem>>) target(%dma_start3A_594 : memref<2x768xf32, #tpu.memory_space<any>>) target_semaphore(%arg7 : memref<!tpu.dma_semaphore, #tpu.memory_space<semaphore_mem>>)
    %dma_start3A_599 = arith.constant 60 : i32
    %dma_start3A_600 = arith.constant 7 : i32
    %dma_start3A_601 = arith.constant 28 : i32
    %dma_start3A_602 = arith.constant 0 : i32
    %dma_start3A_603 = tpu.memref_slice %arg4[%dma_start3A_600, %dma_start3A_601, %dma_start3A_602] : memref<16x232x768xf32, #tpu.memory_space<any>> -> memref<1x2x768xf32, #tpu.memory_space<any>>
    %dma_start3A_604 = tpu.memref_squeeze %dma_start3A_603 : memref<1x2x768xf32, #tpu.memory_space<any>> -> memref<2x768xf32, #tpu.memory_space<any>>
    %dma_start3A_605 = arith.constant 0 : i32
    %dma_start3A_606 = arith.constant 0 : i32
    %dma_start3A_607 = tpu.memref_slice %arg1[%dma_start3A_599, %dma_start3A_605, %dma_start3A_606] : memref<128x2x768xf32, #tpu.memory_space<vmem>> -> memref<1x2x768xf32, #tpu.memory_space<vmem>>
    %dma_start3A_608 = tpu.memref_squeeze %dma_start3A_607 : memref<1x2x768xf32, #tpu.memory_space<vmem>> -> memref<2x768xf32, #tpu.memory_space<vmem>>
    tpu.enqueue_dma source(%dma_start3A_608 : memref<2x768xf32, #tpu.memory_space<vmem>>) target(%dma_start3A_604 : memref<2x768xf32, #tpu.memory_space<any>>) target_semaphore(%arg7 : memref<!tpu.dma_semaphore, #tpu.memory_space<semaphore_mem>>)
    %dma_start3A_609 = arith.constant 61 : i32
    %dma_start3A_610 = arith.constant 7 : i32
    %dma_start3A_611 = arith.constant 30 : i32
    %dma_start3A_612 = arith.constant 0 : i32
    %dma_start3A_613 = tpu.memref_slice %arg4[%dma_start3A_610, %dma_start3A_611, %dma_start3A_612] : memref<16x232x768xf32, #tpu.memory_space<any>> -> memref<1x2x768xf32, #tpu.memory_space<any>>
    %dma_start3A_614 = tpu.memref_squeeze %dma_start3A_613 : memref<1x2x768xf32, #tpu.memory_space<any>> -> memref<2x768xf32, #tpu.memory_space<any>>
    %dma_start3A_615 = arith.constant 0 : i32
    %dma_start3A_616 = arith.constant 0 : i32
    %dma_start3A_617 = tpu.memref_slice %arg1[%dma_start3A_609, %dma_start3A_615, %dma_start3A_616] : memref<128x2x768xf32, #tpu.memory_space<vmem>> -> memref<1x2x768xf32, #tpu.memory_space<vmem>>
    %dma_start3A_618 = tpu.memref_squeeze %dma_start3A_617 : memref<1x2x768xf32, #tpu.memory_space<vmem>> -> memref<2x768xf32, #tpu.memory_space<vmem>>
    tpu.enqueue_dma source(%dma_start3A_618 : memref<2x768xf32, #tpu.memory_space<vmem>>) target(%dma_start3A_614 : memref<2x768xf32, #tpu.memory_space<any>>) target_semaphore(%arg7 : memref<!tpu.dma_semaphore, #tpu.memory_space<semaphore_mem>>)
    %dma_start3A_619 = arith.constant 62 : i32
    %dma_start3A_620 = arith.constant 7 : i32
    %dma_start3A_621 = arith.constant 32 : i32
    %dma_start3A_622 = arith.constant 0 : i32
    %dma_start3A_623 = tpu.memref_slice %arg4[%dma_start3A_620, %dma_start3A_621, %dma_start3A_622] : memref<16x232x768xf32, #tpu.memory_space<any>> -> memref<1x2x768xf32, #tpu.memory_space<any>>
    %dma_start3A_624 = tpu.memref_squeeze %dma_start3A_623 : memref<1x2x768xf32, #tpu.memory_space<any>> -> memref<2x768xf32, #tpu.memory_space<any>>
    %dma_start3A_625 = arith.constant 0 : i32
    %dma_start3A_626 = arith.constant 0 : i32
    %dma_start3A_627 = tpu.memref_slice %arg1[%dma_start3A_619, %dma_start3A_625, %dma_start3A_626] : memref<128x2x768xf32, #tpu.memory_space<vmem>> -> memref<1x2x768xf32, #tpu.memory_space<vmem>>
    %dma_start3A_628 = tpu.memref_squeeze %dma_start3A_627 : memref<1x2x768xf32, #tpu.memory_space<vmem>> -> memref<2x768xf32, #tpu.memory_space<vmem>>
    tpu.enqueue_dma source(%dma_start3A_628 : memref<2x768xf32, #tpu.memory_space<vmem>>) target(%dma_start3A_624 : memref<2x768xf32, #tpu.memory_space<any>>) target_semaphore(%arg7 : memref<!tpu.dma_semaphore, #tpu.memory_space<semaphore_mem>>)
    %dma_start3A_629 = arith.constant 63 : i32
    %dma_start3A_630 = arith.constant 7 : i32
    %dma_start3A_631 = arith.constant 34 : i32
    %dma_start3A_632 = arith.constant 0 : i32
    %dma_start3A_633 = tpu.memref_slice %arg4[%dma_start3A_630, %dma_start3A_631, %dma_start3A_632] : memref<16x232x768xf32, #tpu.memory_space<any>> -> memref<1x2x768xf32, #tpu.memory_space<any>>
    %dma_start3A_634 = tpu.memref_squeeze %dma_start3A_633 : memref<1x2x768xf32, #tpu.memory_space<any>> -> memref<2x768xf32, #tpu.memory_space<any>>
    %dma_start3A_635 = arith.constant 0 : i32
    %dma_start3A_636 = arith.constant 0 : i32
    %dma_start3A_637 = tpu.memref_slice %arg1[%dma_start3A_629, %dma_start3A_635, %dma_start3A_636] : memref<128x2x768xf32, #tpu.memory_space<vmem>> -> memref<1x2x768xf32, #tpu.memory_space<vmem>>
    %dma_start3A_638 = tpu.memref_squeeze %dma_start3A_637 : memref<1x2x768xf32, #tpu.memory_space<vmem>> -> memref<2x768xf32, #tpu.memory_space<vmem>>
    tpu.enqueue_dma source(%dma_start3A_638 : memref<2x768xf32, #tpu.memory_space<vmem>>) target(%dma_start3A_634 : memref<2x768xf32, #tpu.memory_space<any>>) target_semaphore(%arg7 : memref<!tpu.dma_semaphore, #tpu.memory_space<semaphore_mem>>)
    %dma_start3A_639 = arith.constant 64 : i32
    %dma_start3A_640 = arith.constant 8 : i32
    %dma_start3A_641 = arith.constant 20 : i32
    %dma_start3A_642 = arith.constant 0 : i32
    %dma_start3A_643 = tpu.memref_slice %arg4[%dma_start3A_640, %dma_start3A_641, %dma_start3A_642] : memref<16x232x768xf32, #tpu.memory_space<any>> -> memref<1x2x768xf32, #tpu.memory_space<any>>
    %dma_start3A_644 = tpu.memref_squeeze %dma_start3A_643 : memref<1x2x768xf32, #tpu.memory_space<any>> -> memref<2x768xf32, #tpu.memory_space<any>>
    %dma_start3A_645 = arith.constant 0 : i32
    %dma_start3A_646 = arith.constant 0 : i32
    %dma_start3A_647 = tpu.memref_slice %arg1[%dma_start3A_639, %dma_start3A_645, %dma_start3A_646] : memref<128x2x768xf32, #tpu.memory_space<vmem>> -> memref<1x2x768xf32, #tpu.memory_space<vmem>>
    %dma_start3A_648 = tpu.memref_squeeze %dma_start3A_647 : memref<1x2x768xf32, #tpu.memory_space<vmem>> -> memref<2x768xf32, #tpu.memory_space<vmem>>
    tpu.enqueue_dma source(%dma_start3A_648 : memref<2x768xf32, #tpu.memory_space<vmem>>) target(%dma_start3A_644 : memref<2x768xf32, #tpu.memory_space<any>>) target_semaphore(%arg7 : memref<!tpu.dma_semaphore, #tpu.memory_space<semaphore_mem>>)
    %dma_start3A_649 = arith.constant 65 : i32
    %dma_start3A_650 = arith.constant 8 : i32
    %dma_start3A_651 = arith.constant 22 : i32
    %dma_start3A_652 = arith.constant 0 : i32
    %dma_start3A_653 = tpu.memref_slice %arg4[%dma_start3A_650, %dma_start3A_651, %dma_start3A_652] : memref<16x232x768xf32, #tpu.memory_space<any>> -> memref<1x2x768xf32, #tpu.memory_space<any>>
    %dma_start3A_654 = tpu.memref_squeeze %dma_start3A_653 : memref<1x2x768xf32, #tpu.memory_space<any>> -> memref<2x768xf32, #tpu.memory_space<any>>
    %dma_start3A_655 = arith.constant 0 : i32
    %dma_start3A_656 = arith.constant 0 : i32
    %dma_start3A_657 = tpu.memref_slice %arg1[%dma_start3A_649, %dma_start3A_655, %dma_start3A_656] : memref<128x2x768xf32, #tpu.memory_space<vmem>> -> memref<1x2x768xf32, #tpu.memory_space<vmem>>
    %dma_start3A_658 = tpu.memref_squeeze %dma_start3A_657 : memref<1x2x768xf32, #tpu.memory_space<vmem>> -> memref<2x768xf32, #tpu.memory_space<vmem>>
    tpu.enqueue_dma source(%dma_start3A_658 : memref<2x768xf32, #tpu.memory_space<vmem>>) target(%dma_start3A_654 : memref<2x768xf32, #tpu.memory_space<any>>) target_semaphore(%arg7 : memref<!tpu.dma_semaphore, #tpu.memory_space<semaphore_mem>>)
    %dma_start3A_659 = arith.constant 66 : i32
    %dma_start3A_660 = arith.constant 8 : i32
    %dma_start3A_661 = arith.constant 24 : i32
    %dma_start3A_662 = arith.constant 0 : i32
    %dma_start3A_663 = tpu.memref_slice %arg4[%dma_start3A_660, %dma_start3A_661, %dma_start3A_662] : memref<16x232x768xf32, #tpu.memory_space<any>> -> memref<1x2x768xf32, #tpu.memory_space<any>>
    %dma_start3A_664 = tpu.memref_squeeze %dma_start3A_663 : memref<1x2x768xf32, #tpu.memory_space<any>> -> memref<2x768xf32, #tpu.memory_space<any>>
    %dma_start3A_665 = arith.constant 0 : i32
    %dma_start3A_666 = arith.constant 0 : i32
    %dma_start3A_667 = tpu.memref_slice %arg1[%dma_start3A_659, %dma_start3A_665, %dma_start3A_666] : memref<128x2x768xf32, #tpu.memory_space<vmem>> -> memref<1x2x768xf32, #tpu.memory_space<vmem>>
    %dma_start3A_668 = tpu.memref_squeeze %dma_start3A_667 : memref<1x2x768xf32, #tpu.memory_space<vmem>> -> memref<2x768xf32, #tpu.memory_space<vmem>>
    tpu.enqueue_dma source(%dma_start3A_668 : memref<2x768xf32, #tpu.memory_space<vmem>>) target(%dma_start3A_664 : memref<2x768xf32, #tpu.memory_space<any>>) target_semaphore(%arg7 : memref<!tpu.dma_semaphore, #tpu.memory_space<semaphore_mem>>)
    %dma_start3A_669 = arith.constant 67 : i32
    %dma_start3A_670 = arith.constant 8 : i32
    %dma_start3A_671 = arith.constant 26 : i32
    %dma_start3A_672 = arith.constant 0 : i32
    %dma_start3A_673 = tpu.memref_slice %arg4[%dma_start3A_670, %dma_start3A_671, %dma_start3A_672] : memref<16x232x768xf32, #tpu.memory_space<any>> -> memref<1x2x768xf32, #tpu.memory_space<any>>
    %dma_start3A_674 = tpu.memref_squeeze %dma_start3A_673 : memref<1x2x768xf32, #tpu.memory_space<any>> -> memref<2x768xf32, #tpu.memory_space<any>>
    %dma_start3A_675 = arith.constant 0 : i32
    %dma_start3A_676 = arith.constant 0 : i32
    %dma_start3A_677 = tpu.memref_slice %arg1[%dma_start3A_669, %dma_start3A_675, %dma_start3A_676] : memref<128x2x768xf32, #tpu.memory_space<vmem>> -> memref<1x2x768xf32, #tpu.memory_space<vmem>>
    %dma_start3A_678 = tpu.memref_squeeze %dma_start3A_677 : memref<1x2x768xf32, #tpu.memory_space<vmem>> -> memref<2x768xf32, #tpu.memory_space<vmem>>
    tpu.enqueue_dma source(%dma_start3A_678 : memref<2x768xf32, #tpu.memory_space<vmem>>) target(%dma_start3A_674 : memref<2x768xf32, #tpu.memory_space<any>>) target_semaphore(%arg7 : memref<!tpu.dma_semaphore, #tpu.memory_space<semaphore_mem>>)
    %dma_start3A_679 = arith.constant 68 : i32
    %dma_start3A_680 = arith.constant 8 : i32
    %dma_start3A_681 = arith.constant 28 : i32
    %dma_start3A_682 = arith.constant 0 : i32
    %dma_start3A_683 = tpu.memref_slice %arg4[%dma_start3A_680, %dma_start3A_681, %dma_start3A_682] : memref<16x232x768xf32, #tpu.memory_space<any>> -> memref<1x2x768xf32, #tpu.memory_space<any>>
    %dma_start3A_684 = tpu.memref_squeeze %dma_start3A_683 : memref<1x2x768xf32, #tpu.memory_space<any>> -> memref<2x768xf32, #tpu.memory_space<any>>
    %dma_start3A_685 = arith.constant 0 : i32
    %dma_start3A_686 = arith.constant 0 : i32
    %dma_start3A_687 = tpu.memref_slice %arg1[%dma_start3A_679, %dma_start3A_685, %dma_start3A_686] : memref<128x2x768xf32, #tpu.memory_space<vmem>> -> memref<1x2x768xf32, #tpu.memory_space<vmem>>
    %dma_start3A_688 = tpu.memref_squeeze %dma_start3A_687 : memref<1x2x768xf32, #tpu.memory_space<vmem>> -> memref<2x768xf32, #tpu.memory_space<vmem>>
    tpu.enqueue_dma source(%dma_start3A_688 : memref<2x768xf32, #tpu.memory_space<vmem>>) target(%dma_start3A_684 : memref<2x768xf32, #tpu.memory_space<any>>) target_semaphore(%arg7 : memref<!tpu.dma_semaphore, #tpu.memory_space<semaphore_mem>>)
    %dma_start3A_689 = arith.constant 69 : i32
    %dma_start3A_690 = arith.constant 8 : i32
    %dma_start3A_691 = arith.constant 30 : i32
    %dma_start3A_692 = arith.constant 0 : i32
    %dma_start3A_693 = tpu.memref_slice %arg4[%dma_start3A_690, %dma_start3A_691, %dma_start3A_692] : memref<16x232x768xf32, #tpu.memory_space<any>> -> memref<1x2x768xf32, #tpu.memory_space<any>>
    %dma_start3A_694 = tpu.memref_squeeze %dma_start3A_693 : memref<1x2x768xf32, #tpu.memory_space<any>> -> memref<2x768xf32, #tpu.memory_space<any>>
    %dma_start3A_695 = arith.constant 0 : i32
    %dma_start3A_696 = arith.constant 0 : i32
    %dma_start3A_697 = tpu.memref_slice %arg1[%dma_start3A_689, %dma_start3A_695, %dma_start3A_696] : memref<128x2x768xf32, #tpu.memory_space<vmem>> -> memref<1x2x768xf32, #tpu.memory_space<vmem>>
    %dma_start3A_698 = tpu.memref_squeeze %dma_start3A_697 : memref<1x2x768xf32, #tpu.memory_space<vmem>> -> memref<2x768xf32, #tpu.memory_space<vmem>>
    tpu.enqueue_dma source(%dma_start3A_698 : memref<2x768xf32, #tpu.memory_space<vmem>>) target(%dma_start3A_694 : memref<2x768xf32, #tpu.memory_space<any>>) target_semaphore(%arg7 : memref<!tpu.dma_semaphore, #tpu.memory_space<semaphore_mem>>)
    %dma_start3A_699 = arith.constant 70 : i32
    %dma_start3A_700 = arith.constant 8 : i32
    %dma_start3A_701 = arith.constant 32 : i32
    %dma_start3A_702 = arith.constant 0 : i32
    %dma_start3A_703 = tpu.memref_slice %arg4[%dma_start3A_700, %dma_start3A_701, %dma_start3A_702] : memref<16x232x768xf32, #tpu.memory_space<any>> -> memref<1x2x768xf32, #tpu.memory_space<any>>
    %dma_start3A_704 = tpu.memref_squeeze %dma_start3A_703 : memref<1x2x768xf32, #tpu.memory_space<any>> -> memref<2x768xf32, #tpu.memory_space<any>>
    %dma_start3A_705 = arith.constant 0 : i32
    %dma_start3A_706 = arith.constant 0 : i32
    %dma_start3A_707 = tpu.memref_slice %arg1[%dma_start3A_699, %dma_start3A_705, %dma_start3A_706] : memref<128x2x768xf32, #tpu.memory_space<vmem>> -> memref<1x2x768xf32, #tpu.memory_space<vmem>>
    %dma_start3A_708 = tpu.memref_squeeze %dma_start3A_707 : memref<1x2x768xf32, #tpu.memory_space<vmem>> -> memref<2x768xf32, #tpu.memory_space<vmem>>
    tpu.enqueue_dma source(%dma_start3A_708 : memref<2x768xf32, #tpu.memory_space<vmem>>) target(%dma_start3A_704 : memref<2x768xf32, #tpu.memory_space<any>>) target_semaphore(%arg7 : memref<!tpu.dma_semaphore, #tpu.memory_space<semaphore_mem>>)
    %dma_start3A_709 = arith.constant 71 : i32
    %dma_start3A_710 = arith.constant 8 : i32
    %dma_start3A_711 = arith.constant 34 : i32
    %dma_start3A_712 = arith.constant 0 : i32
    %dma_start3A_713 = tpu.memref_slice %arg4[%dma_start3A_710, %dma_start3A_711, %dma_start3A_712] : memref<16x232x768xf32, #tpu.memory_space<any>> -> memref<1x2x768xf32, #tpu.memory_space<any>>
    %dma_start3A_714 = tpu.memref_squeeze %dma_start3A_713 : memref<1x2x768xf32, #tpu.memory_space<any>> -> memref<2x768xf32, #tpu.memory_space<any>>
    %dma_start3A_715 = arith.constant 0 : i32
    %dma_start3A_716 = arith.constant 0 : i32
    %dma_start3A_717 = tpu.memref_slice %arg1[%dma_start3A_709, %dma_start3A_715, %dma_start3A_716] : memref<128x2x768xf32, #tpu.memory_space<vmem>> -> memref<1x2x768xf32, #tpu.memory_space<vmem>>
    %dma_start3A_718 = tpu.memref_squeeze %dma_start3A_717 : memref<1x2x768xf32, #tpu.memory_space<vmem>> -> memref<2x768xf32, #tpu.memory_space<vmem>>
    tpu.enqueue_dma source(%dma_start3A_718 : memref<2x768xf32, #tpu.memory_space<vmem>>) target(%dma_start3A_714 : memref<2x768xf32, #tpu.memory_space<any>>) target_semaphore(%arg7 : memref<!tpu.dma_semaphore, #tpu.memory_space<semaphore_mem>>)
    %dma_start3A_719 = arith.constant 72 : i32
    %dma_start3A_720 = arith.constant 9 : i32
    %dma_start3A_721 = arith.constant 20 : i32
    %dma_start3A_722 = arith.constant 0 : i32
    %dma_start3A_723 = tpu.memref_slice %arg4[%dma_start3A_720, %dma_start3A_721, %dma_start3A_722] : memref<16x232x768xf32, #tpu.memory_space<any>> -> memref<1x2x768xf32, #tpu.memory_space<any>>
    %dma_start3A_724 = tpu.memref_squeeze %dma_start3A_723 : memref<1x2x768xf32, #tpu.memory_space<any>> -> memref<2x768xf32, #tpu.memory_space<any>>
    %dma_start3A_725 = arith.constant 0 : i32
    %dma_start3A_726 = arith.constant 0 : i32
    %dma_start3A_727 = tpu.memref_slice %arg1[%dma_start3A_719, %dma_start3A_725, %dma_start3A_726] : memref<128x2x768xf32, #tpu.memory_space<vmem>> -> memref<1x2x768xf32, #tpu.memory_space<vmem>>
    %dma_start3A_728 = tpu.memref_squeeze %dma_start3A_727 : memref<1x2x768xf32, #tpu.memory_space<vmem>> -> memref<2x768xf32, #tpu.memory_space<vmem>>
    tpu.enqueue_dma source(%dma_start3A_728 : memref<2x768xf32, #tpu.memory_space<vmem>>) target(%dma_start3A_724 : memref<2x768xf32, #tpu.memory_space<any>>) target_semaphore(%arg7 : memref<!tpu.dma_semaphore, #tpu.memory_space<semaphore_mem>>)
    %dma_start3A_729 = arith.constant 73 : i32
    %dma_start3A_730 = arith.constant 9 : i32
    %dma_start3A_731 = arith.constant 22 : i32
    %dma_start3A_732 = arith.constant 0 : i32
    %dma_start3A_733 = tpu.memref_slice %arg4[%dma_start3A_730, %dma_start3A_731, %dma_start3A_732] : memref<16x232x768xf32, #tpu.memory_space<any>> -> memref<1x2x768xf32, #tpu.memory_space<any>>
    %dma_start3A_734 = tpu.memref_squeeze %dma_start3A_733 : memref<1x2x768xf32, #tpu.memory_space<any>> -> memref<2x768xf32, #tpu.memory_space<any>>
    %dma_start3A_735 = arith.constant 0 : i32
    %dma_start3A_736 = arith.constant 0 : i32
    %dma_start3A_737 = tpu.memref_slice %arg1[%dma_start3A_729, %dma_start3A_735, %dma_start3A_736] : memref<128x2x768xf32, #tpu.memory_space<vmem>> -> memref<1x2x768xf32, #tpu.memory_space<vmem>>
    %dma_start3A_738 = tpu.memref_squeeze %dma_start3A_737 : memref<1x2x768xf32, #tpu.memory_space<vmem>> -> memref<2x768xf32, #tpu.memory_space<vmem>>
    tpu.enqueue_dma source(%dma_start3A_738 : memref<2x768xf32, #tpu.memory_space<vmem>>) target(%dma_start3A_734 : memref<2x768xf32, #tpu.memory_space<any>>) target_semaphore(%arg7 : memref<!tpu.dma_semaphore, #tpu.memory_space<semaphore_mem>>)
    %dma_start3A_739 = arith.constant 74 : i32
    %dma_start3A_740 = arith.constant 9 : i32
    %dma_start3A_741 = arith.constant 24 : i32
    %dma_start3A_742 = arith.constant 0 : i32
    %dma_start3A_743 = tpu.memref_slice %arg4[%dma_start3A_740, %dma_start3A_741, %dma_start3A_742] : memref<16x232x768xf32, #tpu.memory_space<any>> -> memref<1x2x768xf32, #tpu.memory_space<any>>
    %dma_start3A_744 = tpu.memref_squeeze %dma_start3A_743 : memref<1x2x768xf32, #tpu.memory_space<any>> -> memref<2x768xf32, #tpu.memory_space<any>>
    %dma_start3A_745 = arith.constant 0 : i32
    %dma_start3A_746 = arith.constant 0 : i32
    %dma_start3A_747 = tpu.memref_slice %arg1[%dma_start3A_739, %dma_start3A_745, %dma_start3A_746] : memref<128x2x768xf32, #tpu.memory_space<vmem>> -> memref<1x2x768xf32, #tpu.memory_space<vmem>>
    %dma_start3A_748 = tpu.memref_squeeze %dma_start3A_747 : memref<1x2x768xf32, #tpu.memory_space<vmem>> -> memref<2x768xf32, #tpu.memory_space<vmem>>
    tpu.enqueue_dma source(%dma_start3A_748 : memref<2x768xf32, #tpu.memory_space<vmem>>) target(%dma_start3A_744 : memref<2x768xf32, #tpu.memory_space<any>>) target_semaphore(%arg7 : memref<!tpu.dma_semaphore, #tpu.memory_space<semaphore_mem>>)
    %dma_start3A_749 = arith.constant 75 : i32
    %dma_start3A_750 = arith.constant 9 : i32
    %dma_start3A_751 = arith.constant 26 : i32
    %dma_start3A_752 = arith.constant 0 : i32
    %dma_start3A_753 = tpu.memref_slice %arg4[%dma_start3A_750, %dma_start3A_751, %dma_start3A_752] : memref<16x232x768xf32, #tpu.memory_space<any>> -> memref<1x2x768xf32, #tpu.memory_space<any>>
    %dma_start3A_754 = tpu.memref_squeeze %dma_start3A_753 : memref<1x2x768xf32, #tpu.memory_space<any>> -> memref<2x768xf32, #tpu.memory_space<any>>
    %dma_start3A_755 = arith.constant 0 : i32
    %dma_start3A_756 = arith.constant 0 : i32
    %dma_start3A_757 = tpu.memref_slice %arg1[%dma_start3A_749, %dma_start3A_755, %dma_start3A_756] : memref<128x2x768xf32, #tpu.memory_space<vmem>> -> memref<1x2x768xf32, #tpu.memory_space<vmem>>
    %dma_start3A_758 = tpu.memref_squeeze %dma_start3A_757 : memref<1x2x768xf32, #tpu.memory_space<vmem>> -> memref<2x768xf32, #tpu.memory_space<vmem>>
    tpu.enqueue_dma source(%dma_start3A_758 : memref<2x768xf32, #tpu.memory_space<vmem>>) target(%dma_start3A_754 : memref<2x768xf32, #tpu.memory_space<any>>) target_semaphore(%arg7 : memref<!tpu.dma_semaphore, #tpu.memory_space<semaphore_mem>>)
    %dma_start3A_759 = arith.constant 76 : i32
    %dma_start3A_760 = arith.constant 9 : i32
    %dma_start3A_761 = arith.constant 28 : i32
    %dma_start3A_762 = arith.constant 0 : i32
    %dma_start3A_763 = tpu.memref_slice %arg4[%dma_start3A_760, %dma_start3A_761, %dma_start3A_762] : memref<16x232x768xf32, #tpu.memory_space<any>> -> memref<1x2x768xf32, #tpu.memory_space<any>>
    %dma_start3A_764 = tpu.memref_squeeze %dma_start3A_763 : memref<1x2x768xf32, #tpu.memory_space<any>> -> memref<2x768xf32, #tpu.memory_space<any>>
    %dma_start3A_765 = arith.constant 0 : i32
    %dma_start3A_766 = arith.constant 0 : i32
    %dma_start3A_767 = tpu.memref_slice %arg1[%dma_start3A_759, %dma_start3A_765, %dma_start3A_766] : memref<128x2x768xf32, #tpu.memory_space<vmem>> -> memref<1x2x768xf32, #tpu.memory_space<vmem>>
    %dma_start3A_768 = tpu.memref_squeeze %dma_start3A_767 : memref<1x2x768xf32, #tpu.memory_space<vmem>> -> memref<2x768xf32, #tpu.memory_space<vmem>>
    tpu.enqueue_dma source(%dma_start3A_768 : memref<2x768xf32, #tpu.memory_space<vmem>>) target(%dma_start3A_764 : memref<2x768xf32, #tpu.memory_space<any>>) target_semaphore(%arg7 : memref<!tpu.dma_semaphore, #tpu.memory_space<semaphore_mem>>)
    %dma_start3A_769 = arith.constant 77 : i32
    %dma_start3A_770 = arith.constant 9 : i32
    %dma_start3A_771 = arith.constant 30 : i32
    %dma_start3A_772 = arith.constant 0 : i32
    %dma_start3A_773 = tpu.memref_slice %arg4[%dma_start3A_770, %dma_start3A_771, %dma_start3A_772] : memref<16x232x768xf32, #tpu.memory_space<any>> -> memref<1x2x768xf32, #tpu.memory_space<any>>
    %dma_start3A_774 = tpu.memref_squeeze %dma_start3A_773 : memref<1x2x768xf32, #tpu.memory_space<any>> -> memref<2x768xf32, #tpu.memory_space<any>>
    %dma_start3A_775 = arith.constant 0 : i32
    %dma_start3A_776 = arith.constant 0 : i32
    %dma_start3A_777 = tpu.memref_slice %arg1[%dma_start3A_769, %dma_start3A_775, %dma_start3A_776] : memref<128x2x768xf32, #tpu.memory_space<vmem>> -> memref<1x2x768xf32, #tpu.memory_space<vmem>>
    %dma_start3A_778 = tpu.memref_squeeze %dma_start3A_777 : memref<1x2x768xf32, #tpu.memory_space<vmem>> -> memref<2x768xf32, #tpu.memory_space<vmem>>
    tpu.enqueue_dma source(%dma_start3A_778 : memref<2x768xf32, #tpu.memory_space<vmem>>) target(%dma_start3A_774 : memref<2x768xf32, #tpu.memory_space<any>>) target_semaphore(%arg7 : memref<!tpu.dma_semaphore, #tpu.memory_space<semaphore_mem>>)
    %dma_start3A_779 = arith.constant 78 : i32
    %dma_start3A_780 = arith.constant 9 : i32
    %dma_start3A_781 = arith.constant 32 : i32
    %dma_start3A_782 = arith.constant 0 : i32
    %dma_start3A_783 = tpu.memref_slice %arg4[%dma_start3A_780, %dma_start3A_781, %dma_start3A_782] : memref<16x232x768xf32, #tpu.memory_space<any>> -> memref<1x2x768xf32, #tpu.memory_space<any>>
    %dma_start3A_784 = tpu.memref_squeeze %dma_start3A_783 : memref<1x2x768xf32, #tpu.memory_space<any>> -> memref<2x768xf32, #tpu.memory_space<any>>
    %dma_start3A_785 = arith.constant 0 : i32
    %dma_start3A_786 = arith.constant 0 : i32
    %dma_start3A_787 = tpu.memref_slice %arg1[%dma_start3A_779, %dma_start3A_785, %dma_start3A_786] : memref<128x2x768xf32, #tpu.memory_space<vmem>> -> memref<1x2x768xf32, #tpu.memory_space<vmem>>
    %dma_start3A_788 = tpu.memref_squeeze %dma_start3A_787 : memref<1x2x768xf32, #tpu.memory_space<vmem>> -> memref<2x768xf32, #tpu.memory_space<vmem>>
    tpu.enqueue_dma source(%dma_start3A_788 : memref<2x768xf32, #tpu.memory_space<vmem>>) target(%dma_start3A_784 : memref<2x768xf32, #tpu.memory_space<any>>) target_semaphore(%arg7 : memref<!tpu.dma_semaphore, #tpu.memory_space<semaphore_mem>>)
    %dma_start3A_789 = arith.constant 79 : i32
    %dma_start3A_790 = arith.constant 9 : i32
    %dma_start3A_791 = arith.constant 34 : i32
    %dma_start3A_792 = arith.constant 0 : i32
    %dma_start3A_793 = tpu.memref_slice %arg4[%dma_start3A_790, %dma_start3A_791, %dma_start3A_792] : memref<16x232x768xf32, #tpu.memory_space<any>> -> memref<1x2x768xf32, #tpu.memory_space<any>>
    %dma_start3A_794 = tpu.memref_squeeze %dma_start3A_793 : memref<1x2x768xf32, #tpu.memory_space<any>> -> memref<2x768xf32, #tpu.memory_space<any>>
    %dma_start3A_795 = arith.constant 0 : i32
    %dma_start3A_796 = arith.constant 0 : i32
    %dma_start3A_797 = tpu.memref_slice %arg1[%dma_start3A_789, %dma_start3A_795, %dma_start3A_796] : memref<128x2x768xf32, #tpu.memory_space<vmem>> -> memref<1x2x768xf32, #tpu.memory_space<vmem>>
    %dma_start3A_798 = tpu.memref_squeeze %dma_start3A_797 : memref<1x2x768xf32, #tpu.memory_space<vmem>> -> memref<2x768xf32, #tpu.memory_space<vmem>>
    tpu.enqueue_dma source(%dma_start3A_798 : memref<2x768xf32, #tpu.memory_space<vmem>>) target(%dma_start3A_794 : memref<2x768xf32, #tpu.memory_space<any>>) target_semaphore(%arg7 : memref<!tpu.dma_semaphore, #tpu.memory_space<semaphore_mem>>)
    %dma_start3A_799 = arith.constant 80 : i32
    %dma_start3A_800 = arith.constant 10 : i32
    %dma_start3A_801 = arith.constant 20 : i32
    %dma_start3A_802 = arith.constant 0 : i32
    %dma_start3A_803 = tpu.memref_slice %arg4[%dma_start3A_800, %dma_start3A_801, %dma_start3A_802] : memref<16x232x768xf32, #tpu.memory_space<any>> -> memref<1x2x768xf32, #tpu.memory_space<any>>
    %dma_start3A_804 = tpu.memref_squeeze %dma_start3A_803 : memref<1x2x768xf32, #tpu.memory_space<any>> -> memref<2x768xf32, #tpu.memory_space<any>>
    %dma_start3A_805 = arith.constant 0 : i32
    %dma_start3A_806 = arith.constant 0 : i32
    %dma_start3A_807 = tpu.memref_slice %arg1[%dma_start3A_799, %dma_start3A_805, %dma_start3A_806] : memref<128x2x768xf32, #tpu.memory_space<vmem>> -> memref<1x2x768xf32, #tpu.memory_space<vmem>>
    %dma_start3A_808 = tpu.memref_squeeze %dma_start3A_807 : memref<1x2x768xf32, #tpu.memory_space<vmem>> -> memref<2x768xf32, #tpu.memory_space<vmem>>
    tpu.enqueue_dma source(%dma_start3A_808 : memref<2x768xf32, #tpu.memory_space<vmem>>) target(%dma_start3A_804 : memref<2x768xf32, #tpu.memory_space<any>>) target_semaphore(%arg7 : memref<!tpu.dma_semaphore, #tpu.memory_space<semaphore_mem>>)
    %dma_start3A_809 = arith.constant 81 : i32
    %dma_start3A_810 = arith.constant 10 : i32
    %dma_start3A_811 = arith.constant 22 : i32
    %dma_start3A_812 = arith.constant 0 : i32
    %dma_start3A_813 = tpu.memref_slice %arg4[%dma_start3A_810, %dma_start3A_811, %dma_start3A_812] : memref<16x232x768xf32, #tpu.memory_space<any>> -> memref<1x2x768xf32, #tpu.memory_space<any>>
    %dma_start3A_814 = tpu.memref_squeeze %dma_start3A_813 : memref<1x2x768xf32, #tpu.memory_space<any>> -> memref<2x768xf32, #tpu.memory_space<any>>
    %dma_start3A_815 = arith.constant 0 : i32
    %dma_start3A_816 = arith.constant 0 : i32
    %dma_start3A_817 = tpu.memref_slice %arg1[%dma_start3A_809, %dma_start3A_815, %dma_start3A_816] : memref<128x2x768xf32, #tpu.memory_space<vmem>> -> memref<1x2x768xf32, #tpu.memory_space<vmem>>
    %dma_start3A_818 = tpu.memref_squeeze %dma_start3A_817 : memref<1x2x768xf32, #tpu.memory_space<vmem>> -> memref<2x768xf32, #tpu.memory_space<vmem>>
    tpu.enqueue_dma source(%dma_start3A_818 : memref<2x768xf32, #tpu.memory_space<vmem>>) target(%dma_start3A_814 : memref<2x768xf32, #tpu.memory_space<any>>) target_semaphore(%arg7 : memref<!tpu.dma_semaphore, #tpu.memory_space<semaphore_mem>>)
    %dma_start3A_819 = arith.constant 82 : i32
    %dma_start3A_820 = arith.constant 10 : i32
    %dma_start3A_821 = arith.constant 24 : i32
    %dma_start3A_822 = arith.constant 0 : i32
    %dma_start3A_823 = tpu.memref_slice %arg4[%dma_start3A_820, %dma_start3A_821, %dma_start3A_822] : memref<16x232x768xf32, #tpu.memory_space<any>> -> memref<1x2x768xf32, #tpu.memory_space<any>>
    %dma_start3A_824 = tpu.memref_squeeze %dma_start3A_823 : memref<1x2x768xf32, #tpu.memory_space<any>> -> memref<2x768xf32, #tpu.memory_space<any>>
    %dma_start3A_825 = arith.constant 0 : i32
    %dma_start3A_826 = arith.constant 0 : i32
    %dma_start3A_827 = tpu.memref_slice %arg1[%dma_start3A_819, %dma_start3A_825, %dma_start3A_826] : memref<128x2x768xf32, #tpu.memory_space<vmem>> -> memref<1x2x768xf32, #tpu.memory_space<vmem>>
    %dma_start3A_828 = tpu.memref_squeeze %dma_start3A_827 : memref<1x2x768xf32, #tpu.memory_space<vmem>> -> memref<2x768xf32, #tpu.memory_space<vmem>>
    tpu.enqueue_dma source(%dma_start3A_828 : memref<2x768xf32, #tpu.memory_space<vmem>>) target(%dma_start3A_824 : memref<2x768xf32, #tpu.memory_space<any>>) target_semaphore(%arg7 : memref<!tpu.dma_semaphore, #tpu.memory_space<semaphore_mem>>)
    %dma_start3A_829 = arith.constant 83 : i32
    %dma_start3A_830 = arith.constant 10 : i32
    %dma_start3A_831 = arith.constant 26 : i32
    %dma_start3A_832 = arith.constant 0 : i32
    %dma_start3A_833 = tpu.memref_slice %arg4[%dma_start3A_830, %dma_start3A_831, %dma_start3A_832] : memref<16x232x768xf32, #tpu.memory_space<any>> -> memref<1x2x768xf32, #tpu.memory_space<any>>
    %dma_start3A_834 = tpu.memref_squeeze %dma_start3A_833 : memref<1x2x768xf32, #tpu.memory_space<any>> -> memref<2x768xf32, #tpu.memory_space<any>>
    %dma_start3A_835 = arith.constant 0 : i32
    %dma_start3A_836 = arith.constant 0 : i32
    %dma_start3A_837 = tpu.memref_slice %arg1[%dma_start3A_829, %dma_start3A_835, %dma_start3A_836] : memref<128x2x768xf32, #tpu.memory_space<vmem>> -> memref<1x2x768xf32, #tpu.memory_space<vmem>>
    %dma_start3A_838 = tpu.memref_squeeze %dma_start3A_837 : memref<1x2x768xf32, #tpu.memory_space<vmem>> -> memref<2x768xf32, #tpu.memory_space<vmem>>
    tpu.enqueue_dma source(%dma_start3A_838 : memref<2x768xf32, #tpu.memory_space<vmem>>) target(%dma_start3A_834 : memref<2x768xf32, #tpu.memory_space<any>>) target_semaphore(%arg7 : memref<!tpu.dma_semaphore, #tpu.memory_space<semaphore_mem>>)
    %dma_start3A_839 = arith.constant 84 : i32
    %dma_start3A_840 = arith.constant 10 : i32
    %dma_start3A_841 = arith.constant 28 : i32
    %dma_start3A_842 = arith.constant 0 : i32
    %dma_start3A_843 = tpu.memref_slice %arg4[%dma_start3A_840, %dma_start3A_841, %dma_start3A_842] : memref<16x232x768xf32, #tpu.memory_space<any>> -> memref<1x2x768xf32, #tpu.memory_space<any>>
    %dma_start3A_844 = tpu.memref_squeeze %dma_start3A_843 : memref<1x2x768xf32, #tpu.memory_space<any>> -> memref<2x768xf32, #tpu.memory_space<any>>
    %dma_start3A_845 = arith.constant 0 : i32
    %dma_start3A_846 = arith.constant 0 : i32
    %dma_start3A_847 = tpu.memref_slice %arg1[%dma_start3A_839, %dma_start3A_845, %dma_start3A_846] : memref<128x2x768xf32, #tpu.memory_space<vmem>> -> memref<1x2x768xf32, #tpu.memory_space<vmem>>
    %dma_start3A_848 = tpu.memref_squeeze %dma_start3A_847 : memref<1x2x768xf32, #tpu.memory_space<vmem>> -> memref<2x768xf32, #tpu.memory_space<vmem>>
    tpu.enqueue_dma source(%dma_start3A_848 : memref<2x768xf32, #tpu.memory_space<vmem>>) target(%dma_start3A_844 : memref<2x768xf32, #tpu.memory_space<any>>) target_semaphore(%arg7 : memref<!tpu.dma_semaphore, #tpu.memory_space<semaphore_mem>>)
    %dma_start3A_849 = arith.constant 85 : i32
    %dma_start3A_850 = arith.constant 10 : i32
    %dma_start3A_851 = arith.constant 30 : i32
    %dma_start3A_852 = arith.constant 0 : i32
    %dma_start3A_853 = tpu.memref_slice %arg4[%dma_start3A_850, %dma_start3A_851, %dma_start3A_852] : memref<16x232x768xf32, #tpu.memory_space<any>> -> memref<1x2x768xf32, #tpu.memory_space<any>>
    %dma_start3A_854 = tpu.memref_squeeze %dma_start3A_853 : memref<1x2x768xf32, #tpu.memory_space<any>> -> memref<2x768xf32, #tpu.memory_space<any>>
    %dma_start3A_855 = arith.constant 0 : i32
    %dma_start3A_856 = arith.constant 0 : i32
    %dma_start3A_857 = tpu.memref_slice %arg1[%dma_start3A_849, %dma_start3A_855, %dma_start3A_856] : memref<128x2x768xf32, #tpu.memory_space<vmem>> -> memref<1x2x768xf32, #tpu.memory_space<vmem>>
    %dma_start3A_858 = tpu.memref_squeeze %dma_start3A_857 : memref<1x2x768xf32, #tpu.memory_space<vmem>> -> memref<2x768xf32, #tpu.memory_space<vmem>>
    tpu.enqueue_dma source(%dma_start3A_858 : memref<2x768xf32, #tpu.memory_space<vmem>>) target(%dma_start3A_854 : memref<2x768xf32, #tpu.memory_space<any>>) target_semaphore(%arg7 : memref<!tpu.dma_semaphore, #tpu.memory_space<semaphore_mem>>)
    %dma_start3A_859 = arith.constant 86 : i32
    %dma_start3A_860 = arith.constant 10 : i32
    %dma_start3A_861 = arith.constant 32 : i32
    %dma_start3A_862 = arith.constant 0 : i32
    %dma_start3A_863 = tpu.memref_slice %arg4[%dma_start3A_860, %dma_start3A_861, %dma_start3A_862] : memref<16x232x768xf32, #tpu.memory_space<any>> -> memref<1x2x768xf32, #tpu.memory_space<any>>
    %dma_start3A_864 = tpu.memref_squeeze %dma_start3A_863 : memref<1x2x768xf32, #tpu.memory_space<any>> -> memref<2x768xf32, #tpu.memory_space<any>>
    %dma_start3A_865 = arith.constant 0 : i32
    %dma_start3A_866 = arith.constant 0 : i32
    %dma_start3A_867 = tpu.memref_slice %arg1[%dma_start3A_859, %dma_start3A_865, %dma_start3A_866] : memref<128x2x768xf32, #tpu.memory_space<vmem>> -> memref<1x2x768xf32, #tpu.memory_space<vmem>>
    %dma_start3A_868 = tpu.memref_squeeze %dma_start3A_867 : memref<1x2x768xf32, #tpu.memory_space<vmem>> -> memref<2x768xf32, #tpu.memory_space<vmem>>
    tpu.enqueue_dma source(%dma_start3A_868 : memref<2x768xf32, #tpu.memory_space<vmem>>) target(%dma_start3A_864 : memref<2x768xf32, #tpu.memory_space<any>>) target_semaphore(%arg7 : memref<!tpu.dma_semaphore, #tpu.memory_space<semaphore_mem>>)
    %dma_start3A_869 = arith.constant 87 : i32
    %dma_start3A_870 = arith.constant 10 : i32
    %dma_start3A_871 = arith.constant 34 : i32
    %dma_start3A_872 = arith.constant 0 : i32
    %dma_start3A_873 = tpu.memref_slice %arg4[%dma_start3A_870, %dma_start3A_871, %dma_start3A_872] : memref<16x232x768xf32, #tpu.memory_space<any>> -> memref<1x2x768xf32, #tpu.memory_space<any>>
    %dma_start3A_874 = tpu.memref_squeeze %dma_start3A_873 : memref<1x2x768xf32, #tpu.memory_space<any>> -> memref<2x768xf32, #tpu.memory_space<any>>
    %dma_start3A_875 = arith.constant 0 : i32
    %dma_start3A_876 = arith.constant 0 : i32
    %dma_start3A_877 = tpu.memref_slice %arg1[%dma_start3A_869, %dma_start3A_875, %dma_start3A_876] : memref<128x2x768xf32, #tpu.memory_space<vmem>> -> memref<1x2x768xf32, #tpu.memory_space<vmem>>
    %dma_start3A_878 = tpu.memref_squeeze %dma_start3A_877 : memref<1x2x768xf32, #tpu.memory_space<vmem>> -> memref<2x768xf32, #tpu.memory_space<vmem>>
    tpu.enqueue_dma source(%dma_start3A_878 : memref<2x768xf32, #tpu.memory_space<vmem>>) target(%dma_start3A_874 : memref<2x768xf32, #tpu.memory_space<any>>) target_semaphore(%arg7 : memref<!tpu.dma_semaphore, #tpu.memory_space<semaphore_mem>>)
    %dma_start3A_879 = arith.constant 88 : i32
    %dma_start3A_880 = arith.constant 11 : i32
    %dma_start3A_881 = arith.constant 20 : i32
    %dma_start3A_882 = arith.constant 0 : i32
    %dma_start3A_883 = tpu.memref_slice %arg4[%dma_start3A_880, %dma_start3A_881, %dma_start3A_882] : memref<16x232x768xf32, #tpu.memory_space<any>> -> memref<1x2x768xf32, #tpu.memory_space<any>>
    %dma_start3A_884 = tpu.memref_squeeze %dma_start3A_883 : memref<1x2x768xf32, #tpu.memory_space<any>> -> memref<2x768xf32, #tpu.memory_space<any>>
    %dma_start3A_885 = arith.constant 0 : i32
    %dma_start3A_886 = arith.constant 0 : i32
    %dma_start3A_887 = tpu.memref_slice %arg1[%dma_start3A_879, %dma_start3A_885, %dma_start3A_886] : memref<128x2x768xf32, #tpu.memory_space<vmem>> -> memref<1x2x768xf32, #tpu.memory_space<vmem>>
    %dma_start3A_888 = tpu.memref_squeeze %dma_start3A_887 : memref<1x2x768xf32, #tpu.memory_space<vmem>> -> memref<2x768xf32, #tpu.memory_space<vmem>>
    tpu.enqueue_dma source(%dma_start3A_888 : memref<2x768xf32, #tpu.memory_space<vmem>>) target(%dma_start3A_884 : memref<2x768xf32, #tpu.memory_space<any>>) target_semaphore(%arg7 : memref<!tpu.dma_semaphore, #tpu.memory_space<semaphore_mem>>)
    %dma_start3A_889 = arith.constant 89 : i32
    %dma_start3A_890 = arith.constant 11 : i32
    %dma_start3A_891 = arith.constant 22 : i32
    %dma_start3A_892 = arith.constant 0 : i32
    %dma_start3A_893 = tpu.memref_slice %arg4[%dma_start3A_890, %dma_start3A_891, %dma_start3A_892] : memref<16x232x768xf32, #tpu.memory_space<any>> -> memref<1x2x768xf32, #tpu.memory_space<any>>
    %dma_start3A_894 = tpu.memref_squeeze %dma_start3A_893 : memref<1x2x768xf32, #tpu.memory_space<any>> -> memref<2x768xf32, #tpu.memory_space<any>>
    %dma_start3A_895 = arith.constant 0 : i32
    %dma_start3A_896 = arith.constant 0 : i32
    %dma_start3A_897 = tpu.memref_slice %arg1[%dma_start3A_889, %dma_start3A_895, %dma_start3A_896] : memref<128x2x768xf32, #tpu.memory_space<vmem>> -> memref<1x2x768xf32, #tpu.memory_space<vmem>>
    %dma_start3A_898 = tpu.memref_squeeze %dma_start3A_897 : memref<1x2x768xf32, #tpu.memory_space<vmem>> -> memref<2x768xf32, #tpu.memory_space<vmem>>
    tpu.enqueue_dma source(%dma_start3A_898 : memref<2x768xf32, #tpu.memory_space<vmem>>) target(%dma_start3A_894 : memref<2x768xf32, #tpu.memory_space<any>>) target_semaphore(%arg7 : memref<!tpu.dma_semaphore, #tpu.memory_space<semaphore_mem>>)
    %dma_start3A_899 = arith.constant 90 : i32
    %dma_start3A_900 = arith.constant 11 : i32
    %dma_start3A_901 = arith.constant 24 : i32
    %dma_start3A_902 = arith.constant 0 : i32
    %dma_start3A_903 = tpu.memref_slice %arg4[%dma_start3A_900, %dma_start3A_901, %dma_start3A_902] : memref<16x232x768xf32, #tpu.memory_space<any>> -> memref<1x2x768xf32, #tpu.memory_space<any>>
    %dma_start3A_904 = tpu.memref_squeeze %dma_start3A_903 : memref<1x2x768xf32, #tpu.memory_space<any>> -> memref<2x768xf32, #tpu.memory_space<any>>
    %dma_start3A_905 = arith.constant 0 : i32
    %dma_start3A_906 = arith.constant 0 : i32
    %dma_start3A_907 = tpu.memref_slice %arg1[%dma_start3A_899, %dma_start3A_905, %dma_start3A_906] : memref<128x2x768xf32, #tpu.memory_space<vmem>> -> memref<1x2x768xf32, #tpu.memory_space<vmem>>
    %dma_start3A_908 = tpu.memref_squeeze %dma_start3A_907 : memref<1x2x768xf32, #tpu.memory_space<vmem>> -> memref<2x768xf32, #tpu.memory_space<vmem>>
    tpu.enqueue_dma source(%dma_start3A_908 : memref<2x768xf32, #tpu.memory_space<vmem>>) target(%dma_start3A_904 : memref<2x768xf32, #tpu.memory_space<any>>) target_semaphore(%arg7 : memref<!tpu.dma_semaphore, #tpu.memory_space<semaphore_mem>>)
    %dma_start3A_909 = arith.constant 91 : i32
    %dma_start3A_910 = arith.constant 11 : i32
    %dma_start3A_911 = arith.constant 26 : i32
    %dma_start3A_912 = arith.constant 0 : i32
    %dma_start3A_913 = tpu.memref_slice %arg4[%dma_start3A_910, %dma_start3A_911, %dma_start3A_912] : memref<16x232x768xf32, #tpu.memory_space<any>> -> memref<1x2x768xf32, #tpu.memory_space<any>>
    %dma_start3A_914 = tpu.memref_squeeze %dma_start3A_913 : memref<1x2x768xf32, #tpu.memory_space<any>> -> memref<2x768xf32, #tpu.memory_space<any>>
    %dma_start3A_915 = arith.constant 0 : i32
    %dma_start3A_916 = arith.constant 0 : i32
    %dma_start3A_917 = tpu.memref_slice %arg1[%dma_start3A_909, %dma_start3A_915, %dma_start3A_916] : memref<128x2x768xf32, #tpu.memory_space<vmem>> -> memref<1x2x768xf32, #tpu.memory_space<vmem>>
    %dma_start3A_918 = tpu.memref_squeeze %dma_start3A_917 : memref<1x2x768xf32, #tpu.memory_space<vmem>> -> memref<2x768xf32, #tpu.memory_space<vmem>>
    tpu.enqueue_dma source(%dma_start3A_918 : memref<2x768xf32, #tpu.memory_space<vmem>>) target(%dma_start3A_914 : memref<2x768xf32, #tpu.memory_space<any>>) target_semaphore(%arg7 : memref<!tpu.dma_semaphore, #tpu.memory_space<semaphore_mem>>)
    %dma_start3A_919 = arith.constant 92 : i32
    %dma_start3A_920 = arith.constant 11 : i32
    %dma_start3A_921 = arith.constant 28 : i32
    %dma_start3A_922 = arith.constant 0 : i32
    %dma_start3A_923 = tpu.memref_slice %arg4[%dma_start3A_920, %dma_start3A_921, %dma_start3A_922] : memref<16x232x768xf32, #tpu.memory_space<any>> -> memref<1x2x768xf32, #tpu.memory_space<any>>
    %dma_start3A_924 = tpu.memref_squeeze %dma_start3A_923 : memref<1x2x768xf32, #tpu.memory_space<any>> -> memref<2x768xf32, #tpu.memory_space<any>>
    %dma_start3A_925 = arith.constant 0 : i32
    %dma_start3A_926 = arith.constant 0 : i32
    %dma_start3A_927 = tpu.memref_slice %arg1[%dma_start3A_919, %dma_start3A_925, %dma_start3A_926] : memref<128x2x768xf32, #tpu.memory_space<vmem>> -> memref<1x2x768xf32, #tpu.memory_space<vmem>>
    %dma_start3A_928 = tpu.memref_squeeze %dma_start3A_927 : memref<1x2x768xf32, #tpu.memory_space<vmem>> -> memref<2x768xf32, #tpu.memory_space<vmem>>
    tpu.enqueue_dma source(%dma_start3A_928 : memref<2x768xf32, #tpu.memory_space<vmem>>) target(%dma_start3A_924 : memref<2x768xf32, #tpu.memory_space<any>>) target_semaphore(%arg7 : memref<!tpu.dma_semaphore, #tpu.memory_space<semaphore_mem>>)
    %dma_start3A_929 = arith.constant 93 : i32
    %dma_start3A_930 = arith.constant 11 : i32
    %dma_start3A_931 = arith.constant 30 : i32
    %dma_start3A_932 = arith.constant 0 : i32
    %dma_start3A_933 = tpu.memref_slice %arg4[%dma_start3A_930, %dma_start3A_931, %dma_start3A_932] : memref<16x232x768xf32, #tpu.memory_space<any>> -> memref<1x2x768xf32, #tpu.memory_space<any>>
    %dma_start3A_934 = tpu.memref_squeeze %dma_start3A_933 : memref<1x2x768xf32, #tpu.memory_space<any>> -> memref<2x768xf32, #tpu.memory_space<any>>
    %dma_start3A_935 = arith.constant 0 : i32
    %dma_start3A_936 = arith.constant 0 : i32
    %dma_start3A_937 = tpu.memref_slice %arg1[%dma_start3A_929, %dma_start3A_935, %dma_start3A_936] : memref<128x2x768xf32, #tpu.memory_space<vmem>> -> memref<1x2x768xf32, #tpu.memory_space<vmem>>
    %dma_start3A_938 = tpu.memref_squeeze %dma_start3A_937 : memref<1x2x768xf32, #tpu.memory_space<vmem>> -> memref<2x768xf32, #tpu.memory_space<vmem>>
    tpu.enqueue_dma source(%dma_start3A_938 : memref<2x768xf32, #tpu.memory_space<vmem>>) target(%dma_start3A_934 : memref<2x768xf32, #tpu.memory_space<any>>) target_semaphore(%arg7 : memref<!tpu.dma_semaphore, #tpu.memory_space<semaphore_mem>>)
    %dma_start3A_939 = arith.constant 94 : i32
    %dma_start3A_940 = arith.constant 11 : i32
    %dma_start3A_941 = arith.constant 32 : i32
    %dma_start3A_942 = arith.constant 0 : i32
    %dma_start3A_943 = tpu.memref_slice %arg4[%dma_start3A_940, %dma_start3A_941, %dma_start3A_942] : memref<16x232x768xf32, #tpu.memory_space<any>> -> memref<1x2x768xf32, #tpu.memory_space<any>>
    %dma_start3A_944 = tpu.memref_squeeze %dma_start3A_943 : memref<1x2x768xf32, #tpu.memory_space<any>> -> memref<2x768xf32, #tpu.memory_space<any>>
    %dma_start3A_945 = arith.constant 0 : i32
    %dma_start3A_946 = arith.constant 0 : i32
    %dma_start3A_947 = tpu.memref_slice %arg1[%dma_start3A_939, %dma_start3A_945, %dma_start3A_946] : memref<128x2x768xf32, #tpu.memory_space<vmem>> -> memref<1x2x768xf32, #tpu.memory_space<vmem>>
    %dma_start3A_948 = tpu.memref_squeeze %dma_start3A_947 : memref<1x2x768xf32, #tpu.memory_space<vmem>> -> memref<2x768xf32, #tpu.memory_space<vmem>>
    tpu.enqueue_dma source(%dma_start3A_948 : memref<2x768xf32, #tpu.memory_space<vmem>>) target(%dma_start3A_944 : memref<2x768xf32, #tpu.memory_space<any>>) target_semaphore(%arg7 : memref<!tpu.dma_semaphore, #tpu.memory_space<semaphore_mem>>)
    %dma_start3A_949 = arith.constant 95 : i32
    %dma_start3A_950 = arith.constant 11 : i32
    %dma_start3A_951 = arith.constant 34 : i32
    %dma_start3A_952 = arith.constant 0 : i32
    %dma_start3A_953 = tpu.memref_slice %arg4[%dma_start3A_950, %dma_start3A_951, %dma_start3A_952] : memref<16x232x768xf32, #tpu.memory_space<any>> -> memref<1x2x768xf32, #tpu.memory_space<any>>
    %dma_start3A_954 = tpu.memref_squeeze %dma_start3A_953 : memref<1x2x768xf32, #tpu.memory_space<any>> -> memref<2x768xf32, #tpu.memory_space<any>>
    %dma_start3A_955 = arith.constant 0 : i32
    %dma_start3A_956 = arith.constant 0 : i32
    %dma_start3A_957 = tpu.memref_slice %arg1[%dma_start3A_949, %dma_start3A_955, %dma_start3A_956] : memref<128x2x768xf32, #tpu.memory_space<vmem>> -> memref<1x2x768xf32, #tpu.memory_space<vmem>>
    %dma_start3A_958 = tpu.memref_squeeze %dma_start3A_957 : memref<1x2x768xf32, #tpu.memory_space<vmem>> -> memref<2x768xf32, #tpu.memory_space<vmem>>
    tpu.enqueue_dma source(%dma_start3A_958 : memref<2x768xf32, #tpu.memory_space<vmem>>) target(%dma_start3A_954 : memref<2x768xf32, #tpu.memory_space<any>>) target_semaphore(%arg7 : memref<!tpu.dma_semaphore, #tpu.memory_space<semaphore_mem>>)
    %dma_start3A_959 = arith.constant 96 : i32
    %dma_start3A_960 = arith.constant 12 : i32
    %dma_start3A_961 = arith.constant 20 : i32
    %dma_start3A_962 = arith.constant 0 : i32
    %dma_start3A_963 = tpu.memref_slice %arg4[%dma_start3A_960, %dma_start3A_961, %dma_start3A_962] : memref<16x232x768xf32, #tpu.memory_space<any>> -> memref<1x2x768xf32, #tpu.memory_space<any>>
    %dma_start3A_964 = tpu.memref_squeeze %dma_start3A_963 : memref<1x2x768xf32, #tpu.memory_space<any>> -> memref<2x768xf32, #tpu.memory_space<any>>
    %dma_start3A_965 = arith.constant 0 : i32
    %dma_start3A_966 = arith.constant 0 : i32
    %dma_start3A_967 = tpu.memref_slice %arg1[%dma_start3A_959, %dma_start3A_965, %dma_start3A_966] : memref<128x2x768xf32, #tpu.memory_space<vmem>> -> memref<1x2x768xf32, #tpu.memory_space<vmem>>
    %dma_start3A_968 = tpu.memref_squeeze %dma_start3A_967 : memref<1x2x768xf32, #tpu.memory_space<vmem>> -> memref<2x768xf32, #tpu.memory_space<vmem>>
    tpu.enqueue_dma source(%dma_start3A_968 : memref<2x768xf32, #tpu.memory_space<vmem>>) target(%dma_start3A_964 : memref<2x768xf32, #tpu.memory_space<any>>) target_semaphore(%arg7 : memref<!tpu.dma_semaphore, #tpu.memory_space<semaphore_mem>>)
    %dma_start3A_969 = arith.constant 97 : i32
    %dma_start3A_970 = arith.constant 12 : i32
    %dma_start3A_971 = arith.constant 22 : i32
    %dma_start3A_972 = arith.constant 0 : i32
    %dma_start3A_973 = tpu.memref_slice %arg4[%dma_start3A_970, %dma_start3A_971, %dma_start3A_972] : memref<16x232x768xf32, #tpu.memory_space<any>> -> memref<1x2x768xf32, #tpu.memory_space<any>>
    %dma_start3A_974 = tpu.memref_squeeze %dma_start3A_973 : memref<1x2x768xf32, #tpu.memory_space<any>> -> memref<2x768xf32, #tpu.memory_space<any>>
    %dma_start3A_975 = arith.constant 0 : i32
    %dma_start3A_976 = arith.constant 0 : i32
    %dma_start3A_977 = tpu.memref_slice %arg1[%dma_start3A_969, %dma_start3A_975, %dma_start3A_976] : memref<128x2x768xf32, #tpu.memory_space<vmem>> -> memref<1x2x768xf32, #tpu.memory_space<vmem>>
    %dma_start3A_978 = tpu.memref_squeeze %dma_start3A_977 : memref<1x2x768xf32, #tpu.memory_space<vmem>> -> memref<2x768xf32, #tpu.memory_space<vmem>>
    tpu.enqueue_dma source(%dma_start3A_978 : memref<2x768xf32, #tpu.memory_space<vmem>>) target(%dma_start3A_974 : memref<2x768xf32, #tpu.memory_space<any>>) target_semaphore(%arg7 : memref<!tpu.dma_semaphore, #tpu.memory_space<semaphore_mem>>)
    %dma_start3A_979 = arith.constant 98 : i32
    %dma_start3A_980 = arith.constant 12 : i32
    %dma_start3A_981 = arith.constant 24 : i32
    %dma_start3A_982 = arith.constant 0 : i32
    %dma_start3A_983 = tpu.memref_slice %arg4[%dma_start3A_980, %dma_start3A_981, %dma_start3A_982] : memref<16x232x768xf32, #tpu.memory_space<any>> -> memref<1x2x768xf32, #tpu.memory_space<any>>
    %dma_start3A_984 = tpu.memref_squeeze %dma_start3A_983 : memref<1x2x768xf32, #tpu.memory_space<any>> -> memref<2x768xf32, #tpu.memory_space<any>>
    %dma_start3A_985 = arith.constant 0 : i32
    %dma_start3A_986 = arith.constant 0 : i32
    %dma_start3A_987 = tpu.memref_slice %arg1[%dma_start3A_979, %dma_start3A_985, %dma_start3A_986] : memref<128x2x768xf32, #tpu.memory_space<vmem>> -> memref<1x2x768xf32, #tpu.memory_space<vmem>>
    %dma_start3A_988 = tpu.memref_squeeze %dma_start3A_987 : memref<1x2x768xf32, #tpu.memory_space<vmem>> -> memref<2x768xf32, #tpu.memory_space<vmem>>
    tpu.enqueue_dma source(%dma_start3A_988 : memref<2x768xf32, #tpu.memory_space<vmem>>) target(%dma_start3A_984 : memref<2x768xf32, #tpu.memory_space<any>>) target_semaphore(%arg7 : memref<!tpu.dma_semaphore, #tpu.memory_space<semaphore_mem>>)
    %dma_start3A_989 = arith.constant 99 : i32
    %dma_start3A_990 = arith.constant 12 : i32
    %dma_start3A_991 = arith.constant 26 : i32
    %dma_start3A_992 = arith.constant 0 : i32
    %dma_start3A_993 = tpu.memref_slice %arg4[%dma_start3A_990, %dma_start3A_991, %dma_start3A_992] : memref<16x232x768xf32, #tpu.memory_space<any>> -> memref<1x2x768xf32, #tpu.memory_space<any>>
    %dma_start3A_994 = tpu.memref_squeeze %dma_start3A_993 : memref<1x2x768xf32, #tpu.memory_space<any>> -> memref<2x768xf32, #tpu.memory_space<any>>
    %dma_start3A_995 = arith.constant 0 : i32
    %dma_start3A_996 = arith.constant 0 : i32
    %dma_start3A_997 = tpu.memref_slice %arg1[%dma_start3A_989, %dma_start3A_995, %dma_start3A_996] : memref<128x2x768xf32, #tpu.memory_space<vmem>> -> memref<1x2x768xf32, #tpu.memory_space<vmem>>
    %dma_start3A_998 = tpu.memref_squeeze %dma_start3A_997 : memref<1x2x768xf32, #tpu.memory_space<vmem>> -> memref<2x768xf32, #tpu.memory_space<vmem>>
    tpu.enqueue_dma source(%dma_start3A_998 : memref<2x768xf32, #tpu.memory_space<vmem>>) target(%dma_start3A_994 : memref<2x768xf32, #tpu.memory_space<any>>) target_semaphore(%arg7 : memref<!tpu.dma_semaphore, #tpu.memory_space<semaphore_mem>>)
    %dma_start3A_999 = arith.constant 100 : i32
    %dma_start3A_1000 = arith.constant 12 : i32
    %dma_start3A_1001 = arith.constant 28 : i32
    %dma_start3A_1002 = arith.constant 0 : i32
    %dma_start3A_1003 = tpu.memref_slice %arg4[%dma_start3A_1000, %dma_start3A_1001, %dma_start3A_1002] : memref<16x232x768xf32, #tpu.memory_space<any>> -> memref<1x2x768xf32, #tpu.memory_space<any>>
    %dma_start3A_1004 = tpu.memref_squeeze %dma_start3A_1003 : memref<1x2x768xf32, #tpu.memory_space<any>> -> memref<2x768xf32, #tpu.memory_space<any>>
    %dma_start3A_1005 = arith.constant 0 : i32
    %dma_start3A_1006 = arith.constant 0 : i32
    %dma_start3A_1007 = tpu.memref_slice %arg1[%dma_start3A_999, %dma_start3A_1005, %dma_start3A_1006] : memref<128x2x768xf32, #tpu.memory_space<vmem>> -> memref<1x2x768xf32, #tpu.memory_space<vmem>>
    %dma_start3A_1008 = tpu.memref_squeeze %dma_start3A_1007 : memref<1x2x768xf32, #tpu.memory_space<vmem>> -> memref<2x768xf32, #tpu.memory_space<vmem>>
    tpu.enqueue_dma source(%dma_start3A_1008 : memref<2x768xf32, #tpu.memory_space<vmem>>) target(%dma_start3A_1004 : memref<2x768xf32, #tpu.memory_space<any>>) target_semaphore(%arg7 : memref<!tpu.dma_semaphore, #tpu.memory_space<semaphore_mem>>)
    %dma_start3A_1009 = arith.constant 101 : i32
    %dma_start3A_1010 = arith.constant 12 : i32
    %dma_start3A_1011 = arith.constant 30 : i32
    %dma_start3A_1012 = arith.constant 0 : i32
    %dma_start3A_1013 = tpu.memref_slice %arg4[%dma_start3A_1010, %dma_start3A_1011, %dma_start3A_1012] : memref<16x232x768xf32, #tpu.memory_space<any>> -> memref<1x2x768xf32, #tpu.memory_space<any>>
    %dma_start3A_1014 = tpu.memref_squeeze %dma_start3A_1013 : memref<1x2x768xf32, #tpu.memory_space<any>> -> memref<2x768xf32, #tpu.memory_space<any>>
    %dma_start3A_1015 = arith.constant 0 : i32
    %dma_start3A_1016 = arith.constant 0 : i32
    %dma_start3A_1017 = tpu.memref_slice %arg1[%dma_start3A_1009, %dma_start3A_1015, %dma_start3A_1016] : memref<128x2x768xf32, #tpu.memory_space<vmem>> -> memref<1x2x768xf32, #tpu.memory_space<vmem>>
    %dma_start3A_1018 = tpu.memref_squeeze %dma_start3A_1017 : memref<1x2x768xf32, #tpu.memory_space<vmem>> -> memref<2x768xf32, #tpu.memory_space<vmem>>
    tpu.enqueue_dma source(%dma_start3A_1018 : memref<2x768xf32, #tpu.memory_space<vmem>>) target(%dma_start3A_1014 : memref<2x768xf32, #tpu.memory_space<any>>) target_semaphore(%arg7 : memref<!tpu.dma_semaphore, #tpu.memory_space<semaphore_mem>>)
    %dma_start3A_1019 = arith.constant 102 : i32
    %dma_start3A_1020 = arith.constant 12 : i32
    %dma_start3A_1021 = arith.constant 32 : i32
    %dma_start3A_1022 = arith.constant 0 : i32
    %dma_start3A_1023 = tpu.memref_slice %arg4[%dma_start3A_1020, %dma_start3A_1021, %dma_start3A_1022] : memref<16x232x768xf32, #tpu.memory_space<any>> -> memref<1x2x768xf32, #tpu.memory_space<any>>
    %dma_start3A_1024 = tpu.memref_squeeze %dma_start3A_1023 : memref<1x2x768xf32, #tpu.memory_space<any>> -> memref<2x768xf32, #tpu.memory_space<any>>
    %dma_start3A_1025 = arith.constant 0 : i32
    %dma_start3A_1026 = arith.constant 0 : i32
    %dma_start3A_1027 = tpu.memref_slice %arg1[%dma_start3A_1019, %dma_start3A_1025, %dma_start3A_1026] : memref<128x2x768xf32, #tpu.memory_space<vmem>> -> memref<1x2x768xf32, #tpu.memory_space<vmem>>
    %dma_start3A_1028 = tpu.memref_squeeze %dma_start3A_1027 : memref<1x2x768xf32, #tpu.memory_space<vmem>> -> memref<2x768xf32, #tpu.memory_space<vmem>>
    tpu.enqueue_dma source(%dma_start3A_1028 : memref<2x768xf32, #tpu.memory_space<vmem>>) target(%dma_start3A_1024 : memref<2x768xf32, #tpu.memory_space<any>>) target_semaphore(%arg7 : memref<!tpu.dma_semaphore, #tpu.memory_space<semaphore_mem>>)
    %dma_start3A_1029 = arith.constant 103 : i32
    %dma_start3A_1030 = arith.constant 12 : i32
    %dma_start3A_1031 = arith.constant 34 : i32
    %dma_start3A_1032 = arith.constant 0 : i32
    %dma_start3A_1033 = tpu.memref_slice %arg4[%dma_start3A_1030, %dma_start3A_1031, %dma_start3A_1032] : memref<16x232x768xf32, #tpu.memory_space<any>> -> memref<1x2x768xf32, #tpu.memory_space<any>>
    %dma_start3A_1034 = tpu.memref_squeeze %dma_start3A_1033 : memref<1x2x768xf32, #tpu.memory_space<any>> -> memref<2x768xf32, #tpu.memory_space<any>>
    %dma_start3A_1035 = arith.constant 0 : i32
    %dma_start3A_1036 = arith.constant 0 : i32
    %dma_start3A_1037 = tpu.memref_slice %arg1[%dma_start3A_1029, %dma_start3A_1035, %dma_start3A_1036] : memref<128x2x768xf32, #tpu.memory_space<vmem>> -> memref<1x2x768xf32, #tpu.memory_space<vmem>>
    %dma_start3A_1038 = tpu.memref_squeeze %dma_start3A_1037 : memref<1x2x768xf32, #tpu.memory_space<vmem>> -> memref<2x768xf32, #tpu.memory_space<vmem>>
    tpu.enqueue_dma source(%dma_start3A_1038 : memref<2x768xf32, #tpu.memory_space<vmem>>) target(%dma_start3A_1034 : memref<2x768xf32, #tpu.memory_space<any>>) target_semaphore(%arg7 : memref<!tpu.dma_semaphore, #tpu.memory_space<semaphore_mem>>)
    %dma_start3A_1039 = arith.constant 104 : i32
    %dma_start3A_1040 = arith.constant 13 : i32
    %dma_start3A_1041 = arith.constant 20 : i32
    %dma_start3A_1042 = arith.constant 0 : i32
    %dma_start3A_1043 = tpu.memref_slice %arg4[%dma_start3A_1040, %dma_start3A_1041, %dma_start3A_1042] : memref<16x232x768xf32, #tpu.memory_space<any>> -> memref<1x2x768xf32, #tpu.memory_space<any>>
    %dma_start3A_1044 = tpu.memref_squeeze %dma_start3A_1043 : memref<1x2x768xf32, #tpu.memory_space<any>> -> memref<2x768xf32, #tpu.memory_space<any>>
    %dma_start3A_1045 = arith.constant 0 : i32
    %dma_start3A_1046 = arith.constant 0 : i32
    %dma_start3A_1047 = tpu.memref_slice %arg1[%dma_start3A_1039, %dma_start3A_1045, %dma_start3A_1046] : memref<128x2x768xf32, #tpu.memory_space<vmem>> -> memref<1x2x768xf32, #tpu.memory_space<vmem>>
    %dma_start3A_1048 = tpu.memref_squeeze %dma_start3A_1047 : memref<1x2x768xf32, #tpu.memory_space<vmem>> -> memref<2x768xf32, #tpu.memory_space<vmem>>
    tpu.enqueue_dma source(%dma_start3A_1048 : memref<2x768xf32, #tpu.memory_space<vmem>>) target(%dma_start3A_1044 : memref<2x768xf32, #tpu.memory_space<any>>) target_semaphore(%arg7 : memref<!tpu.dma_semaphore, #tpu.memory_space<semaphore_mem>>)
    %dma_start3A_1049 = arith.constant 105 : i32
    %dma_start3A_1050 = arith.constant 13 : i32
    %dma_start3A_1051 = arith.constant 22 : i32
    %dma_start3A_1052 = arith.constant 0 : i32
    %dma_start3A_1053 = tpu.memref_slice %arg4[%dma_start3A_1050, %dma_start3A_1051, %dma_start3A_1052] : memref<16x232x768xf32, #tpu.memory_space<any>> -> memref<1x2x768xf32, #tpu.memory_space<any>>
    %dma_start3A_1054 = tpu.memref_squeeze %dma_start3A_1053 : memref<1x2x768xf32, #tpu.memory_space<any>> -> memref<2x768xf32, #tpu.memory_space<any>>
    %dma_start3A_1055 = arith.constant 0 : i32
    %dma_start3A_1056 = arith.constant 0 : i32
    %dma_start3A_1057 = tpu.memref_slice %arg1[%dma_start3A_1049, %dma_start3A_1055, %dma_start3A_1056] : memref<128x2x768xf32, #tpu.memory_space<vmem>> -> memref<1x2x768xf32, #tpu.memory_space<vmem>>
    %dma_start3A_1058 = tpu.memref_squeeze %dma_start3A_1057 : memref<1x2x768xf32, #tpu.memory_space<vmem>> -> memref<2x768xf32, #tpu.memory_space<vmem>>
    tpu.enqueue_dma source(%dma_start3A_1058 : memref<2x768xf32, #tpu.memory_space<vmem>>) target(%dma_start3A_1054 : memref<2x768xf32, #tpu.memory_space<any>>) target_semaphore(%arg7 : memref<!tpu.dma_semaphore, #tpu.memory_space<semaphore_mem>>)
    %dma_start3A_1059 = arith.constant 106 : i32
    %dma_start3A_1060 = arith.constant 13 : i32
    %dma_start3A_1061 = arith.constant 24 : i32
    %dma_start3A_1062 = arith.constant 0 : i32
    %dma_start3A_1063 = tpu.memref_slice %arg4[%dma_start3A_1060, %dma_start3A_1061, %dma_start3A_1062] : memref<16x232x768xf32, #tpu.memory_space<any>> -> memref<1x2x768xf32, #tpu.memory_space<any>>
    %dma_start3A_1064 = tpu.memref_squeeze %dma_start3A_1063 : memref<1x2x768xf32, #tpu.memory_space<any>> -> memref<2x768xf32, #tpu.memory_space<any>>
    %dma_start3A_1065 = arith.constant 0 : i32
    %dma_start3A_1066 = arith.constant 0 : i32
    %dma_start3A_1067 = tpu.memref_slice %arg1[%dma_start3A_1059, %dma_start3A_1065, %dma_start3A_1066] : memref<128x2x768xf32, #tpu.memory_space<vmem>> -> memref<1x2x768xf32, #tpu.memory_space<vmem>>
    %dma_start3A_1068 = tpu.memref_squeeze %dma_start3A_1067 : memref<1x2x768xf32, #tpu.memory_space<vmem>> -> memref<2x768xf32, #tpu.memory_space<vmem>>
    tpu.enqueue_dma source(%dma_start3A_1068 : memref<2x768xf32, #tpu.memory_space<vmem>>) target(%dma_start3A_1064 : memref<2x768xf32, #tpu.memory_space<any>>) target_semaphore(%arg7 : memref<!tpu.dma_semaphore, #tpu.memory_space<semaphore_mem>>)
    %dma_start3A_1069 = arith.constant 107 : i32
    %dma_start3A_1070 = arith.constant 13 : i32
    %dma_start3A_1071 = arith.constant 26 : i32
    %dma_start3A_1072 = arith.constant 0 : i32
    %dma_start3A_1073 = tpu.memref_slice %arg4[%dma_start3A_1070, %dma_start3A_1071, %dma_start3A_1072] : memref<16x232x768xf32, #tpu.memory_space<any>> -> memref<1x2x768xf32, #tpu.memory_space<any>>
    %dma_start3A_1074 = tpu.memref_squeeze %dma_start3A_1073 : memref<1x2x768xf32, #tpu.memory_space<any>> -> memref<2x768xf32, #tpu.memory_space<any>>
    %dma_start3A_1075 = arith.constant 0 : i32
    %dma_start3A_1076 = arith.constant 0 : i32
    %dma_start3A_1077 = tpu.memref_slice %arg1[%dma_start3A_1069, %dma_start3A_1075, %dma_start3A_1076] : memref<128x2x768xf32, #tpu.memory_space<vmem>> -> memref<1x2x768xf32, #tpu.memory_space<vmem>>
    %dma_start3A_1078 = tpu.memref_squeeze %dma_start3A_1077 : memref<1x2x768xf32, #tpu.memory_space<vmem>> -> memref<2x768xf32, #tpu.memory_space<vmem>>
    tpu.enqueue_dma source(%dma_start3A_1078 : memref<2x768xf32, #tpu.memory_space<vmem>>) target(%dma_start3A_1074 : memref<2x768xf32, #tpu.memory_space<any>>) target_semaphore(%arg7 : memref<!tpu.dma_semaphore, #tpu.memory_space<semaphore_mem>>)
    %dma_start3A_1079 = arith.constant 108 : i32
    %dma_start3A_1080 = arith.constant 13 : i32
    %dma_start3A_1081 = arith.constant 28 : i32
    %dma_start3A_1082 = arith.constant 0 : i32
    %dma_start3A_1083 = tpu.memref_slice %arg4[%dma_start3A_1080, %dma_start3A_1081, %dma_start3A_1082] : memref<16x232x768xf32, #tpu.memory_space<any>> -> memref<1x2x768xf32, #tpu.memory_space<any>>
    %dma_start3A_1084 = tpu.memref_squeeze %dma_start3A_1083 : memref<1x2x768xf32, #tpu.memory_space<any>> -> memref<2x768xf32, #tpu.memory_space<any>>
    %dma_start3A_1085 = arith.constant 0 : i32
    %dma_start3A_1086 = arith.constant 0 : i32
    %dma_start3A_1087 = tpu.memref_slice %arg1[%dma_start3A_1079, %dma_start3A_1085, %dma_start3A_1086] : memref<128x2x768xf32, #tpu.memory_space<vmem>> -> memref<1x2x768xf32, #tpu.memory_space<vmem>>
    %dma_start3A_1088 = tpu.memref_squeeze %dma_start3A_1087 : memref<1x2x768xf32, #tpu.memory_space<vmem>> -> memref<2x768xf32, #tpu.memory_space<vmem>>
    tpu.enqueue_dma source(%dma_start3A_1088 : memref<2x768xf32, #tpu.memory_space<vmem>>) target(%dma_start3A_1084 : memref<2x768xf32, #tpu.memory_space<any>>) target_semaphore(%arg7 : memref<!tpu.dma_semaphore, #tpu.memory_space<semaphore_mem>>)
    %dma_start3A_1089 = arith.constant 109 : i32
    %dma_start3A_1090 = arith.constant 13 : i32
    %dma_start3A_1091 = arith.constant 30 : i32
    %dma_start3A_1092 = arith.constant 0 : i32
    %dma_start3A_1093 = tpu.memref_slice %arg4[%dma_start3A_1090, %dma_start3A_1091, %dma_start3A_1092] : memref<16x232x768xf32, #tpu.memory_space<any>> -> memref<1x2x768xf32, #tpu.memory_space<any>>
    %dma_start3A_1094 = tpu.memref_squeeze %dma_start3A_1093 : memref<1x2x768xf32, #tpu.memory_space<any>> -> memref<2x768xf32, #tpu.memory_space<any>>
    %dma_start3A_1095 = arith.constant 0 : i32
    %dma_start3A_1096 = arith.constant 0 : i32
    %dma_start3A_1097 = tpu.memref_slice %arg1[%dma_start3A_1089, %dma_start3A_1095, %dma_start3A_1096] : memref<128x2x768xf32, #tpu.memory_space<vmem>> -> memref<1x2x768xf32, #tpu.memory_space<vmem>>
    %dma_start3A_1098 = tpu.memref_squeeze %dma_start3A_1097 : memref<1x2x768xf32, #tpu.memory_space<vmem>> -> memref<2x768xf32, #tpu.memory_space<vmem>>
    tpu.enqueue_dma source(%dma_start3A_1098 : memref<2x768xf32, #tpu.memory_space<vmem>>) target(%dma_start3A_1094 : memref<2x768xf32, #tpu.memory_space<any>>) target_semaphore(%arg7 : memref<!tpu.dma_semaphore, #tpu.memory_space<semaphore_mem>>)
    %dma_start3A_1099 = arith.constant 110 : i32
    %dma_start3A_1100 = arith.constant 13 : i32
    %dma_start3A_1101 = arith.constant 32 : i32
    %dma_start3A_1102 = arith.constant 0 : i32
    %dma_start3A_1103 = tpu.memref_slice %arg4[%dma_start3A_1100, %dma_start3A_1101, %dma_start3A_1102] : memref<16x232x768xf32, #tpu.memory_space<any>> -> memref<1x2x768xf32, #tpu.memory_space<any>>
    %dma_start3A_1104 = tpu.memref_squeeze %dma_start3A_1103 : memref<1x2x768xf32, #tpu.memory_space<any>> -> memref<2x768xf32, #tpu.memory_space<any>>
    %dma_start3A_1105 = arith.constant 0 : i32
    %dma_start3A_1106 = arith.constant 0 : i32
    %dma_start3A_1107 = tpu.memref_slice %arg1[%dma_start3A_1099, %dma_start3A_1105, %dma_start3A_1106] : memref<128x2x768xf32, #tpu.memory_space<vmem>> -> memref<1x2x768xf32, #tpu.memory_space<vmem>>
    %dma_start3A_1108 = tpu.memref_squeeze %dma_start3A_1107 : memref<1x2x768xf32, #tpu.memory_space<vmem>> -> memref<2x768xf32, #tpu.memory_space<vmem>>
    tpu.enqueue_dma source(%dma_start3A_1108 : memref<2x768xf32, #tpu.memory_space<vmem>>) target(%dma_start3A_1104 : memref<2x768xf32, #tpu.memory_space<any>>) target_semaphore(%arg7 : memref<!tpu.dma_semaphore, #tpu.memory_space<semaphore_mem>>)
    %dma_start3A_1109 = arith.constant 111 : i32
    %dma_start3A_1110 = arith.constant 13 : i32
    %dma_start3A_1111 = arith.constant 34 : i32
    %dma_start3A_1112 = arith.constant 0 : i32
    %dma_start3A_1113 = tpu.memref_slice %arg4[%dma_start3A_1110, %dma_start3A_1111, %dma_start3A_1112] : memref<16x232x768xf32, #tpu.memory_space<any>> -> memref<1x2x768xf32, #tpu.memory_space<any>>
    %dma_start3A_1114 = tpu.memref_squeeze %dma_start3A_1113 : memref<1x2x768xf32, #tpu.memory_space<any>> -> memref<2x768xf32, #tpu.memory_space<any>>
    %dma_start3A_1115 = arith.constant 0 : i32
    %dma_start3A_1116 = arith.constant 0 : i32
    %dma_start3A_1117 = tpu.memref_slice %arg1[%dma_start3A_1109, %dma_start3A_1115, %dma_start3A_1116] : memref<128x2x768xf32, #tpu.memory_space<vmem>> -> memref<1x2x768xf32, #tpu.memory_space<vmem>>
    %dma_start3A_1118 = tpu.memref_squeeze %dma_start3A_1117 : memref<1x2x768xf32, #tpu.memory_space<vmem>> -> memref<2x768xf32, #tpu.memory_space<vmem>>
    tpu.enqueue_dma source(%dma_start3A_1118 : memref<2x768xf32, #tpu.memory_space<vmem>>) target(%dma_start3A_1114 : memref<2x768xf32, #tpu.memory_space<any>>) target_semaphore(%arg7 : memref<!tpu.dma_semaphore, #tpu.memory_space<semaphore_mem>>)
    %dma_start3A_1119 = arith.constant 112 : i32
    %dma_start3A_1120 = arith.constant 14 : i32
    %dma_start3A_1121 = arith.constant 20 : i32
    %dma_start3A_1122 = arith.constant 0 : i32
    %dma_start3A_1123 = tpu.memref_slice %arg4[%dma_start3A_1120, %dma_start3A_1121, %dma_start3A_1122] : memref<16x232x768xf32, #tpu.memory_space<any>> -> memref<1x2x768xf32, #tpu.memory_space<any>>
    %dma_start3A_1124 = tpu.memref_squeeze %dma_start3A_1123 : memref<1x2x768xf32, #tpu.memory_space<any>> -> memref<2x768xf32, #tpu.memory_space<any>>
    %dma_start3A_1125 = arith.constant 0 : i32
    %dma_start3A_1126 = arith.constant 0 : i32
    %dma_start3A_1127 = tpu.memref_slice %arg1[%dma_start3A_1119, %dma_start3A_1125, %dma_start3A_1126] : memref<128x2x768xf32, #tpu.memory_space<vmem>> -> memref<1x2x768xf32, #tpu.memory_space<vmem>>
    %dma_start3A_1128 = tpu.memref_squeeze %dma_start3A_1127 : memref<1x2x768xf32, #tpu.memory_space<vmem>> -> memref<2x768xf32, #tpu.memory_space<vmem>>
    tpu.enqueue_dma source(%dma_start3A_1128 : memref<2x768xf32, #tpu.memory_space<vmem>>) target(%dma_start3A_1124 : memref<2x768xf32, #tpu.memory_space<any>>) target_semaphore(%arg7 : memref<!tpu.dma_semaphore, #tpu.memory_space<semaphore_mem>>)
    %dma_start3A_1129 = arith.constant 113 : i32
    %dma_start3A_1130 = arith.constant 14 : i32
    %dma_start3A_1131 = arith.constant 22 : i32
    %dma_start3A_1132 = arith.constant 0 : i32
    %dma_start3A_1133 = tpu.memref_slice %arg4[%dma_start3A_1130, %dma_start3A_1131, %dma_start3A_1132] : memref<16x232x768xf32, #tpu.memory_space<any>> -> memref<1x2x768xf32, #tpu.memory_space<any>>
    %dma_start3A_1134 = tpu.memref_squeeze %dma_start3A_1133 : memref<1x2x768xf32, #tpu.memory_space<any>> -> memref<2x768xf32, #tpu.memory_space<any>>
    %dma_start3A_1135 = arith.constant 0 : i32
    %dma_start3A_1136 = arith.constant 0 : i32
    %dma_start3A_1137 = tpu.memref_slice %arg1[%dma_start3A_1129, %dma_start3A_1135, %dma_start3A_1136] : memref<128x2x768xf32, #tpu.memory_space<vmem>> -> memref<1x2x768xf32, #tpu.memory_space<vmem>>
    %dma_start3A_1138 = tpu.memref_squeeze %dma_start3A_1137 : memref<1x2x768xf32, #tpu.memory_space<vmem>> -> memref<2x768xf32, #tpu.memory_space<vmem>>
    tpu.enqueue_dma source(%dma_start3A_1138 : memref<2x768xf32, #tpu.memory_space<vmem>>) target(%dma_start3A_1134 : memref<2x768xf32, #tpu.memory_space<any>>) target_semaphore(%arg7 : memref<!tpu.dma_semaphore, #tpu.memory_space<semaphore_mem>>)
    %dma_start3A_1139 = arith.constant 114 : i32
    %dma_start3A_1140 = arith.constant 14 : i32
    %dma_start3A_1141 = arith.constant 24 : i32
    %dma_start3A_1142 = arith.constant 0 : i32
    %dma_start3A_1143 = tpu.memref_slice %arg4[%dma_start3A_1140, %dma_start3A_1141, %dma_start3A_1142] : memref<16x232x768xf32, #tpu.memory_space<any>> -> memref<1x2x768xf32, #tpu.memory_space<any>>
    %dma_start3A_1144 = tpu.memref_squeeze %dma_start3A_1143 : memref<1x2x768xf32, #tpu.memory_space<any>> -> memref<2x768xf32, #tpu.memory_space<any>>
    %dma_start3A_1145 = arith.constant 0 : i32
    %dma_start3A_1146 = arith.constant 0 : i32
    %dma_start3A_1147 = tpu.memref_slice %arg1[%dma_start3A_1139, %dma_start3A_1145, %dma_start3A_1146] : memref<128x2x768xf32, #tpu.memory_space<vmem>> -> memref<1x2x768xf32, #tpu.memory_space<vmem>>
    %dma_start3A_1148 = tpu.memref_squeeze %dma_start3A_1147 : memref<1x2x768xf32, #tpu.memory_space<vmem>> -> memref<2x768xf32, #tpu.memory_space<vmem>>
    tpu.enqueue_dma source(%dma_start3A_1148 : memref<2x768xf32, #tpu.memory_space<vmem>>) target(%dma_start3A_1144 : memref<2x768xf32, #tpu.memory_space<any>>) target_semaphore(%arg7 : memref<!tpu.dma_semaphore, #tpu.memory_space<semaphore_mem>>)
    %dma_start3A_1149 = arith.constant 115 : i32
    %dma_start3A_1150 = arith.constant 14 : i32
    %dma_start3A_1151 = arith.constant 26 : i32
    %dma_start3A_1152 = arith.constant 0 : i32
    %dma_start3A_1153 = tpu.memref_slice %arg4[%dma_start3A_1150, %dma_start3A_1151, %dma_start3A_1152] : memref<16x232x768xf32, #tpu.memory_space<any>> -> memref<1x2x768xf32, #tpu.memory_space<any>>
    %dma_start3A_1154 = tpu.memref_squeeze %dma_start3A_1153 : memref<1x2x768xf32, #tpu.memory_space<any>> -> memref<2x768xf32, #tpu.memory_space<any>>
    %dma_start3A_1155 = arith.constant 0 : i32
    %dma_start3A_1156 = arith.constant 0 : i32
    %dma_start3A_1157 = tpu.memref_slice %arg1[%dma_start3A_1149, %dma_start3A_1155, %dma_start3A_1156] : memref<128x2x768xf32, #tpu.memory_space<vmem>> -> memref<1x2x768xf32, #tpu.memory_space<vmem>>
    %dma_start3A_1158 = tpu.memref_squeeze %dma_start3A_1157 : memref<1x2x768xf32, #tpu.memory_space<vmem>> -> memref<2x768xf32, #tpu.memory_space<vmem>>
    tpu.enqueue_dma source(%dma_start3A_1158 : memref<2x768xf32, #tpu.memory_space<vmem>>) target(%dma_start3A_1154 : memref<2x768xf32, #tpu.memory_space<any>>) target_semaphore(%arg7 : memref<!tpu.dma_semaphore, #tpu.memory_space<semaphore_mem>>)
    %dma_start3A_1159 = arith.constant 116 : i32
    %dma_start3A_1160 = arith.constant 14 : i32
    %dma_start3A_1161 = arith.constant 28 : i32
    %dma_start3A_1162 = arith.constant 0 : i32
    %dma_start3A_1163 = tpu.memref_slice %arg4[%dma_start3A_1160, %dma_start3A_1161, %dma_start3A_1162] : memref<16x232x768xf32, #tpu.memory_space<any>> -> memref<1x2x768xf32, #tpu.memory_space<any>>
    %dma_start3A_1164 = tpu.memref_squeeze %dma_start3A_1163 : memref<1x2x768xf32, #tpu.memory_space<any>> -> memref<2x768xf32, #tpu.memory_space<any>>
    %dma_start3A_1165 = arith.constant 0 : i32
    %dma_start3A_1166 = arith.constant 0 : i32
    %dma_start3A_1167 = tpu.memref_slice %arg1[%dma_start3A_1159, %dma_start3A_1165, %dma_start3A_1166] : memref<128x2x768xf32, #tpu.memory_space<vmem>> -> memref<1x2x768xf32, #tpu.memory_space<vmem>>
    %dma_start3A_1168 = tpu.memref_squeeze %dma_start3A_1167 : memref<1x2x768xf32, #tpu.memory_space<vmem>> -> memref<2x768xf32, #tpu.memory_space<vmem>>
    tpu.enqueue_dma source(%dma_start3A_1168 : memref<2x768xf32, #tpu.memory_space<vmem>>) target(%dma_start3A_1164 : memref<2x768xf32, #tpu.memory_space<any>>) target_semaphore(%arg7 : memref<!tpu.dma_semaphore, #tpu.memory_space<semaphore_mem>>)
    %dma_start3A_1169 = arith.constant 117 : i32
    %dma_start3A_1170 = arith.constant 14 : i32
    %dma_start3A_1171 = arith.constant 30 : i32
    %dma_start3A_1172 = arith.constant 0 : i32
    %dma_start3A_1173 = tpu.memref_slice %arg4[%dma_start3A_1170, %dma_start3A_1171, %dma_start3A_1172] : memref<16x232x768xf32, #tpu.memory_space<any>> -> memref<1x2x768xf32, #tpu.memory_space<any>>
    %dma_start3A_1174 = tpu.memref_squeeze %dma_start3A_1173 : memref<1x2x768xf32, #tpu.memory_space<any>> -> memref<2x768xf32, #tpu.memory_space<any>>
    %dma_start3A_1175 = arith.constant 0 : i32
    %dma_start3A_1176 = arith.constant 0 : i32
    %dma_start3A_1177 = tpu.memref_slice %arg1[%dma_start3A_1169, %dma_start3A_1175, %dma_start3A_1176] : memref<128x2x768xf32, #tpu.memory_space<vmem>> -> memref<1x2x768xf32, #tpu.memory_space<vmem>>
    %dma_start3A_1178 = tpu.memref_squeeze %dma_start3A_1177 : memref<1x2x768xf32, #tpu.memory_space<vmem>> -> memref<2x768xf32, #tpu.memory_space<vmem>>
    tpu.enqueue_dma source(%dma_start3A_1178 : memref<2x768xf32, #tpu.memory_space<vmem>>) target(%dma_start3A_1174 : memref<2x768xf32, #tpu.memory_space<any>>) target_semaphore(%arg7 : memref<!tpu.dma_semaphore, #tpu.memory_space<semaphore_mem>>)
    %dma_start3A_1179 = arith.constant 118 : i32
    %dma_start3A_1180 = arith.constant 14 : i32
    %dma_start3A_1181 = arith.constant 32 : i32
    %dma_start3A_1182 = arith.constant 0 : i32
    %dma_start3A_1183 = tpu.memref_slice %arg4[%dma_start3A_1180, %dma_start3A_1181, %dma_start3A_1182] : memref<16x232x768xf32, #tpu.memory_space<any>> -> memref<1x2x768xf32, #tpu.memory_space<any>>
    %dma_start3A_1184 = tpu.memref_squeeze %dma_start3A_1183 : memref<1x2x768xf32, #tpu.memory_space<any>> -> memref<2x768xf32, #tpu.memory_space<any>>
    %dma_start3A_1185 = arith.constant 0 : i32
    %dma_start3A_1186 = arith.constant 0 : i32
    %dma_start3A_1187 = tpu.memref_slice %arg1[%dma_start3A_1179, %dma_start3A_1185, %dma_start3A_1186] : memref<128x2x768xf32, #tpu.memory_space<vmem>> -> memref<1x2x768xf32, #tpu.memory_space<vmem>>
    %dma_start3A_1188 = tpu.memref_squeeze %dma_start3A_1187 : memref<1x2x768xf32, #tpu.memory_space<vmem>> -> memref<2x768xf32, #tpu.memory_space<vmem>>
    tpu.enqueue_dma source(%dma_start3A_1188 : memref<2x768xf32, #tpu.memory_space<vmem>>) target(%dma_start3A_1184 : memref<2x768xf32, #tpu.memory_space<any>>) target_semaphore(%arg7 : memref<!tpu.dma_semaphore, #tpu.memory_space<semaphore_mem>>)
    %dma_start3A_1189 = arith.constant 119 : i32
    %dma_start3A_1190 = arith.constant 14 : i32
    %dma_start3A_1191 = arith.constant 34 : i32
    %dma_start3A_1192 = arith.constant 0 : i32
    %dma_start3A_1193 = tpu.memref_slice %arg4[%dma_start3A_1190, %dma_start3A_1191, %dma_start3A_1192] : memref<16x232x768xf32, #tpu.memory_space<any>> -> memref<1x2x768xf32, #tpu.memory_space<any>>
    %dma_start3A_1194 = tpu.memref_squeeze %dma_start3A_1193 : memref<1x2x768xf32, #tpu.memory_space<any>> -> memref<2x768xf32, #tpu.memory_space<any>>
    %dma_start3A_1195 = arith.constant 0 : i32
    %dma_start3A_1196 = arith.constant 0 : i32
    %dma_start3A_1197 = tpu.memref_slice %arg1[%dma_start3A_1189, %dma_start3A_1195, %dma_start3A_1196] : memref<128x2x768xf32, #tpu.memory_space<vmem>> -> memref<1x2x768xf32, #tpu.memory_space<vmem>>
    %dma_start3A_1198 = tpu.memref_squeeze %dma_start3A_1197 : memref<1x2x768xf32, #tpu.memory_space<vmem>> -> memref<2x768xf32, #tpu.memory_space<vmem>>
    tpu.enqueue_dma source(%dma_start3A_1198 : memref<2x768xf32, #tpu.memory_space<vmem>>) target(%dma_start3A_1194 : memref<2x768xf32, #tpu.memory_space<any>>) target_semaphore(%arg7 : memref<!tpu.dma_semaphore, #tpu.memory_space<semaphore_mem>>)
    %dma_start3A_1199 = arith.constant 120 : i32
    %dma_start3A_1200 = arith.constant 15 : i32
    %dma_start3A_1201 = arith.constant 20 : i32
    %dma_start3A_1202 = arith.constant 0 : i32
    %dma_start3A_1203 = tpu.memref_slice %arg4[%dma_start3A_1200, %dma_start3A_1201, %dma_start3A_1202] : memref<16x232x768xf32, #tpu.memory_space<any>> -> memref<1x2x768xf32, #tpu.memory_space<any>>
    %dma_start3A_1204 = tpu.memref_squeeze %dma_start3A_1203 : memref<1x2x768xf32, #tpu.memory_space<any>> -> memref<2x768xf32, #tpu.memory_space<any>>
    %dma_start3A_1205 = arith.constant 0 : i32
    %dma_start3A_1206 = arith.constant 0 : i32
    %dma_start3A_1207 = tpu.memref_slice %arg1[%dma_start3A_1199, %dma_start3A_1205, %dma_start3A_1206] : memref<128x2x768xf32, #tpu.memory_space<vmem>> -> memref<1x2x768xf32, #tpu.memory_space<vmem>>
    %dma_start3A_1208 = tpu.memref_squeeze %dma_start3A_1207 : memref<1x2x768xf32, #tpu.memory_space<vmem>> -> memref<2x768xf32, #tpu.memory_space<vmem>>
    tpu.enqueue_dma source(%dma_start3A_1208 : memref<2x768xf32, #tpu.memory_space<vmem>>) target(%dma_start3A_1204 : memref<2x768xf32, #tpu.memory_space<any>>) target_semaphore(%arg7 : memref<!tpu.dma_semaphore, #tpu.memory_space<semaphore_mem>>)
    %dma_start3A_1209 = arith.constant 121 : i32
    %dma_start3A_1210 = arith.constant 15 : i32
    %dma_start3A_1211 = arith.constant 22 : i32
    %dma_start3A_1212 = arith.constant 0 : i32
    %dma_start3A_1213 = tpu.memref_slice %arg4[%dma_start3A_1210, %dma_start3A_1211, %dma_start3A_1212] : memref<16x232x768xf32, #tpu.memory_space<any>> -> memref<1x2x768xf32, #tpu.memory_space<any>>
    %dma_start3A_1214 = tpu.memref_squeeze %dma_start3A_1213 : memref<1x2x768xf32, #tpu.memory_space<any>> -> memref<2x768xf32, #tpu.memory_space<any>>
    %dma_start3A_1215 = arith.constant 0 : i32
    %dma_start3A_1216 = arith.constant 0 : i32
    %dma_start3A_1217 = tpu.memref_slice %arg1[%dma_start3A_1209, %dma_start3A_1215, %dma_start3A_1216] : memref<128x2x768xf32, #tpu.memory_space<vmem>> -> memref<1x2x768xf32, #tpu.memory_space<vmem>>
    %dma_start3A_1218 = tpu.memref_squeeze %dma_start3A_1217 : memref<1x2x768xf32, #tpu.memory_space<vmem>> -> memref<2x768xf32, #tpu.memory_space<vmem>>
    tpu.enqueue_dma source(%dma_start3A_1218 : memref<2x768xf32, #tpu.memory_space<vmem>>) target(%dma_start3A_1214 : memref<2x768xf32, #tpu.memory_space<any>>) target_semaphore(%arg7 : memref<!tpu.dma_semaphore, #tpu.memory_space<semaphore_mem>>)
    %dma_start3A_1219 = arith.constant 122 : i32
    %dma_start3A_1220 = arith.constant 15 : i32
    %dma_start3A_1221 = arith.constant 24 : i32
    %dma_start3A_1222 = arith.constant 0 : i32
    %dma_start3A_1223 = tpu.memref_slice %arg4[%dma_start3A_1220, %dma_start3A_1221, %dma_start3A_1222] : memref<16x232x768xf32, #tpu.memory_space<any>> -> memref<1x2x768xf32, #tpu.memory_space<any>>
    %dma_start3A_1224 = tpu.memref_squeeze %dma_start3A_1223 : memref<1x2x768xf32, #tpu.memory_space<any>> -> memref<2x768xf32, #tpu.memory_space<any>>
    %dma_start3A_1225 = arith.constant 0 : i32
    %dma_start3A_1226 = arith.constant 0 : i32
    %dma_start3A_1227 = tpu.memref_slice %arg1[%dma_start3A_1219, %dma_start3A_1225, %dma_start3A_1226] : memref<128x2x768xf32, #tpu.memory_space<vmem>> -> memref<1x2x768xf32, #tpu.memory_space<vmem>>
    %dma_start3A_1228 = tpu.memref_squeeze %dma_start3A_1227 : memref<1x2x768xf32, #tpu.memory_space<vmem>> -> memref<2x768xf32, #tpu.memory_space<vmem>>
    tpu.enqueue_dma source(%dma_start3A_1228 : memref<2x768xf32, #tpu.memory_space<vmem>>) target(%dma_start3A_1224 : memref<2x768xf32, #tpu.memory_space<any>>) target_semaphore(%arg7 : memref<!tpu.dma_semaphore, #tpu.memory_space<semaphore_mem>>)
    %dma_start3A_1229 = arith.constant 123 : i32
    %dma_start3A_1230 = arith.constant 15 : i32
    %dma_start3A_1231 = arith.constant 26 : i32
    %dma_start3A_1232 = arith.constant 0 : i32
    %dma_start3A_1233 = tpu.memref_slice %arg4[%dma_start3A_1230, %dma_start3A_1231, %dma_start3A_1232] : memref<16x232x768xf32, #tpu.memory_space<any>> -> memref<1x2x768xf32, #tpu.memory_space<any>>
    %dma_start3A_1234 = tpu.memref_squeeze %dma_start3A_1233 : memref<1x2x768xf32, #tpu.memory_space<any>> -> memref<2x768xf32, #tpu.memory_space<any>>
    %dma_start3A_1235 = arith.constant 0 : i32
    %dma_start3A_1236 = arith.constant 0 : i32
    %dma_start3A_1237 = tpu.memref_slice %arg1[%dma_start3A_1229, %dma_start3A_1235, %dma_start3A_1236] : memref<128x2x768xf32, #tpu.memory_space<vmem>> -> memref<1x2x768xf32, #tpu.memory_space<vmem>>
    %dma_start3A_1238 = tpu.memref_squeeze %dma_start3A_1237 : memref<1x2x768xf32, #tpu.memory_space<vmem>> -> memref<2x768xf32, #tpu.memory_space<vmem>>
    tpu.enqueue_dma source(%dma_start3A_1238 : memref<2x768xf32, #tpu.memory_space<vmem>>) target(%dma_start3A_1234 : memref<2x768xf32, #tpu.memory_space<any>>) target_semaphore(%arg7 : memref<!tpu.dma_semaphore, #tpu.memory_space<semaphore_mem>>)
    %dma_start3A_1239 = arith.constant 124 : i32
    %dma_start3A_1240 = arith.constant 15 : i32
    %dma_start3A_1241 = arith.constant 28 : i32
    %dma_start3A_1242 = arith.constant 0 : i32
    %dma_start3A_1243 = tpu.memref_slice %arg4[%dma_start3A_1240, %dma_start3A_1241, %dma_start3A_1242] : memref<16x232x768xf32, #tpu.memory_space<any>> -> memref<1x2x768xf32, #tpu.memory_space<any>>
    %dma_start3A_1244 = tpu.memref_squeeze %dma_start3A_1243 : memref<1x2x768xf32, #tpu.memory_space<any>> -> memref<2x768xf32, #tpu.memory_space<any>>
    %dma_start3A_1245 = arith.constant 0 : i32
    %dma_start3A_1246 = arith.constant 0 : i32
    %dma_start3A_1247 = tpu.memref_slice %arg1[%dma_start3A_1239, %dma_start3A_1245, %dma_start3A_1246] : memref<128x2x768xf32, #tpu.memory_space<vmem>> -> memref<1x2x768xf32, #tpu.memory_space<vmem>>
    %dma_start3A_1248 = tpu.memref_squeeze %dma_start3A_1247 : memref<1x2x768xf32, #tpu.memory_space<vmem>> -> memref<2x768xf32, #tpu.memory_space<vmem>>
    tpu.enqueue_dma source(%dma_start3A_1248 : memref<2x768xf32, #tpu.memory_space<vmem>>) target(%dma_start3A_1244 : memref<2x768xf32, #tpu.memory_space<any>>) target_semaphore(%arg7 : memref<!tpu.dma_semaphore, #tpu.memory_space<semaphore_mem>>)
    %dma_start3A_1249 = arith.constant 125 : i32
    %dma_start3A_1250 = arith.constant 15 : i32
    %dma_start3A_1251 = arith.constant 30 : i32
    %dma_start3A_1252 = arith.constant 0 : i32
    %dma_start3A_1253 = tpu.memref_slice %arg4[%dma_start3A_1250, %dma_start3A_1251, %dma_start3A_1252] : memref<16x232x768xf32, #tpu.memory_space<any>> -> memref<1x2x768xf32, #tpu.memory_space<any>>
    %dma_start3A_1254 = tpu.memref_squeeze %dma_start3A_1253 : memref<1x2x768xf32, #tpu.memory_space<any>> -> memref<2x768xf32, #tpu.memory_space<any>>
    %dma_start3A_1255 = arith.constant 0 : i32
    %dma_start3A_1256 = arith.constant 0 : i32
    %dma_start3A_1257 = tpu.memref_slice %arg1[%dma_start3A_1249, %dma_start3A_1255, %dma_start3A_1256] : memref<128x2x768xf32, #tpu.memory_space<vmem>> -> memref<1x2x768xf32, #tpu.memory_space<vmem>>
    %dma_start3A_1258 = tpu.memref_squeeze %dma_start3A_1257 : memref<1x2x768xf32, #tpu.memory_space<vmem>> -> memref<2x768xf32, #tpu.memory_space<vmem>>
    tpu.enqueue_dma source(%dma_start3A_1258 : memref<2x768xf32, #tpu.memory_space<vmem>>) target(%dma_start3A_1254 : memref<2x768xf32, #tpu.memory_space<any>>) target_semaphore(%arg7 : memref<!tpu.dma_semaphore, #tpu.memory_space<semaphore_mem>>)
    %dma_start3A_1259 = arith.constant 126 : i32
    %dma_start3A_1260 = arith.constant 15 : i32
    %dma_start3A_1261 = arith.constant 32 : i32
    %dma_start3A_1262 = arith.constant 0 : i32
    %dma_start3A_1263 = tpu.memref_slice %arg4[%dma_start3A_1260, %dma_start3A_1261, %dma_start3A_1262] : memref<16x232x768xf32, #tpu.memory_space<any>> -> memref<1x2x768xf32, #tpu.memory_space<any>>
    %dma_start3A_1264 = tpu.memref_squeeze %dma_start3A_1263 : memref<1x2x768xf32, #tpu.memory_space<any>> -> memref<2x768xf32, #tpu.memory_space<any>>
    %dma_start3A_1265 = arith.constant 0 : i32
    %dma_start3A_1266 = arith.constant 0 : i32
    %dma_start3A_1267 = tpu.memref_slice %arg1[%dma_start3A_1259, %dma_start3A_1265, %dma_start3A_1266] : memref<128x2x768xf32, #tpu.memory_space<vmem>> -> memref<1x2x768xf32, #tpu.memory_space<vmem>>
    %dma_start3A_1268 = tpu.memref_squeeze %dma_start3A_1267 : memref<1x2x768xf32, #tpu.memory_space<vmem>> -> memref<2x768xf32, #tpu.memory_space<vmem>>
    tpu.enqueue_dma source(%dma_start3A_1268 : memref<2x768xf32, #tpu.memory_space<vmem>>) target(%dma_start3A_1264 : memref<2x768xf32, #tpu.memory_space<any>>) target_semaphore(%arg7 : memref<!tpu.dma_semaphore, #tpu.memory_space<semaphore_mem>>)
    %dma_start3A_1269 = arith.constant 127 : i32
    %dma_start3A_1270 = arith.constant 15 : i32
    %dma_start3A_1271 = arith.constant 34 : i32
    %dma_start3A_1272 = arith.constant 0 : i32
    %dma_start3A_1273 = tpu.memref_slice %arg4[%dma_start3A_1270, %dma_start3A_1271, %dma_start3A_1272] : memref<16x232x768xf32, #tpu.memory_space<any>> -> memref<1x2x768xf32, #tpu.memory_space<any>>
    %dma_start3A_1274 = tpu.memref_squeeze %dma_start3A_1273 : memref<1x2x768xf32, #tpu.memory_space<any>> -> memref<2x768xf32, #tpu.memory_space<any>>
    %dma_start3A_1275 = arith.constant 0 : i32
    %dma_start3A_1276 = arith.constant 0 : i32
    %dma_start3A_1277 = tpu.memref_slice %arg1[%dma_start3A_1269, %dma_start3A_1275, %dma_start3A_1276] : memref<128x2x768xf32, #tpu.memory_space<vmem>> -> memref<1x2x768xf32, #tpu.memory_space<vmem>>
    %dma_start3A_1278 = tpu.memref_squeeze %dma_start3A_1277 : memref<1x2x768xf32, #tpu.memory_space<vmem>> -> memref<2x768xf32, #tpu.memory_space<vmem>>
    tpu.enqueue_dma source(%dma_start3A_1278 : memref<2x768xf32, #tpu.memory_space<vmem>>) target(%dma_start3A_1274 : memref<2x768xf32, #tpu.memory_space<any>>) target_semaphore(%arg7 : memref<!tpu.dma_semaphore, #tpu.memory_space<semaphore_mem>>)
    %get3A = arith.constant 0 : index
    %get3A_1279 = arith.constant 0 : index
    %get3A_1280 = arith.constant 0 : index
    %get3A_1281 = vector.load %arg2[%get3A, %get3A_1279, %get3A_1280] : memref<16x8x768xf32, #tpu.memory_space<vmem>>, vector<16x8x768xf32>
    %mul3A = arith.mulf %get3A_1281, %get3A_1281 : vector<16x8x768xf32>
    %reduce_sum3A = arith.constant dense<0.000000e+00> : vector<16x8xf32>
    %reduce_sum3A_1282 = vector.multi_reduction <add>, %mul3A, %reduce_sum3A [2] : vector<16x8x768xf32> to vector<16x8xf32>
    %broadcast_in_dim3A = vector.shape_cast %reduce_sum3A_1282 : vector<16x8xf32> to vector<16x8x1xf32>
    %max3A = arith.constant 9.99999996E-13 : f32
    %max3A_1283 = vector.broadcast %max3A : f32 to vector<16x8x1xf32>
    %max3A_1284 = arith.maximumf %broadcast_in_dim3A, %max3A_1283 : vector<16x8x1xf32>
    %rsqrt3A = math.rsqrt %max3A_1284 : vector<16x8x1xf32>
    %mul3A_1285 = vector.broadcast %rsqrt3A : vector<16x8x1xf32> to vector<16x8x768xf32>
    %mul3A_1286 = arith.mulf %get3A_1281, %mul3A_1285 : vector<16x8x768xf32>
    %swap3A = arith.constant 0 : index
    %swap3A_1287 = arith.constant 0 : index
    %swap3A_1288 = arith.constant 0 : index
    %swap3A_1289 = vector.load %arg5[%swap3A, %swap3A_1287, %swap3A_1288] : memref<16x8x768xf32, #tpu.memory_space<vmem>>, vector<16x8x768xf32>
    tpu.vector_store %arg5[%swap3A, %swap3A_1287, %swap3A_1288], %mul3A_1286 {strides = array<i32>} : memref<16x8x768xf32, #tpu.memory_space<vmem>>, vector<16x8x768xf32>,
    %get3A_1290 = arith.constant 0 : index
    %get3A_1291 = arith.constant 0 : index
    %get3A_1292 = arith.constant 0 : index
    %get3A_1293 = vector.load %arg3[%get3A_1290, %get3A_1291, %get3A_1292] : memref<16x1x768xf32, #tpu.memory_space<vmem>>, vector<16x1x768xf32>
    %mul3A_1294 = vector.broadcast %get3A_1293 : vector<16x1x768xf32> to vector<16x8x768xf32>
    %mul3A_1295 = arith.mulf %mul3A_1286, %mul3A_1294 : vector<16x8x768xf32>
    %reduce_sum3A_1296 = vector.shape_cast %mul3A_1295 : vector<16x8x768xf32> to vector<1x16x8x768xf32>
    %reduce_sum3A_1297 = arith.constant dense<0.000000e+00> : vector<1xf32>
    %reduce_sum3A_1298 = vector.multi_reduction <add>, %reduce_sum3A_1296, %reduce_sum3A_1297 [1, 2, 3] : vector<1x16x8x768xf32> to vector<1xf32>
    %reduce_sum3A_1299 = vector.shape_cast %reduce_sum3A_1298 : vector<1xf32> to vector<1x1x1x1xf32>
    %reduce_sum3A_1300 = vector.extract %reduce_sum3A_1299[0, 0, 0, 0] : f32 from vector<1x1x1x1xf32>
    %mul3A_1301 = arith.constant 6.250000e-02 : f32
    %mul3A_1302 = arith.mulf %reduce_sum3A_1300, %mul3A_1301 : f32
    %swap3A_1303 = arith.constant 0 : index
    %swap3A_1304 = arith.constant 0 : index
    %swap3A_1305 = memref.load %arg6[%swap3A_1303, %swap3A_1304] : memref<1x1xf32, #tpu.memory_space<smem>>
    memref.store %mul3A_1302, %arg6[%swap3A_1303, %swap3A_1304] : memref<1x1xf32, #tpu.memory_space<smem>>
    %dma_wait3A = arith.constant 0 : i32
    %dma_wait3A_1306 = arith.constant 0 : i32
    %dma_wait3A_1307 = arith.constant 20 : i32
    %dma_wait3A_1308 = arith.constant 0 : i32
    %dma_wait3A_1309 = tpu.memref_slice %arg4[%dma_wait3A_1306, %dma_wait3A_1307, %dma_wait3A_1308] : memref<16x232x768xf32, #tpu.memory_space<any>> -> memref<1x2x768xf32, #tpu.memory_space<any>>
    %dma_wait3A_1310 = tpu.memref_squeeze %dma_wait3A_1309 : memref<1x2x768xf32, #tpu.memory_space<any>> -> memref<2x768xf32, #tpu.memory_space<any>>
    %dma_wait3A_1311 = arith.constant 0 : i32
    %dma_wait3A_1312 = arith.constant 0 : i32
    %dma_wait3A_1313 = tpu.memref_slice %arg1[%dma_wait3A, %dma_wait3A_1311, %dma_wait3A_1312] : memref<128x2x768xf32, #tpu.memory_space<vmem>> -> memref<1x2x768xf32, #tpu.memory_space<vmem>>
    %dma_wait3A_1314 = tpu.memref_squeeze %dma_wait3A_1313 : memref<1x2x768xf32, #tpu.memory_space<vmem>> -> memref<2x768xf32, #tpu.memory_space<vmem>>
    tpu.wait_dma2 semaphore(%arg7 : memref<!tpu.dma_semaphore, #tpu.memory_space<semaphore_mem>>) src(%dma_wait3A_1314 : memref<2x768xf32, #tpu.memory_space<vmem>>) dst(%dma_wait3A_1310 : memref<2x768xf32, #tpu.memory_space<any>>)
    %dma_wait3A_1315 = arith.constant 1 : i32
    %dma_wait3A_1316 = arith.constant 0 : i32
    %dma_wait3A_1317 = arith.constant 22 : i32
    %dma_wait3A_1318 = arith.constant 0 : i32
    %dma_wait3A_1319 = tpu.memref_slice %arg4[%dma_wait3A_1316, %dma_wait3A_1317, %dma_wait3A_1318] : memref<16x232x768xf32, #tpu.memory_space<any>> -> memref<1x2x768xf32, #tpu.memory_space<any>>
    %dma_wait3A_1320 = tpu.memref_squeeze %dma_wait3A_1319 : memref<1x2x768xf32, #tpu.memory_space<any>> -> memref<2x768xf32, #tpu.memory_space<any>>
    %dma_wait3A_1321 = arith.constant 0 : i32
    %dma_wait3A_1322 = arith.constant 0 : i32
    %dma_wait3A_1323 = tpu.memref_slice %arg1[%dma_wait3A_1315, %dma_wait3A_1321, %dma_wait3A_1322] : memref<128x2x768xf32, #tpu.memory_space<vmem>> -> memref<1x2x768xf32, #tpu.memory_space<vmem>>
    %dma_wait3A_1324 = tpu.memref_squeeze %dma_wait3A_1323 : memref<1x2x768xf32, #tpu.memory_space<vmem>> -> memref<2x768xf32, #tpu.memory_space<vmem>>
    tpu.wait_dma2 semaphore(%arg7 : memref<!tpu.dma_semaphore, #tpu.memory_space<semaphore_mem>>) src(%dma_wait3A_1324 : memref<2x768xf32, #tpu.memory_space<vmem>>) dst(%dma_wait3A_1320 : memref<2x768xf32, #tpu.memory_space<any>>)
    %dma_wait3A_1325 = arith.constant 2 : i32
    %dma_wait3A_1326 = arith.constant 0 : i32
    %dma_wait3A_1327 = arith.constant 24 : i32
    %dma_wait3A_1328 = arith.constant 0 : i32
    %dma_wait3A_1329 = tpu.memref_slice %arg4[%dma_wait3A_1326, %dma_wait3A_1327, %dma_wait3A_1328] : memref<16x232x768xf32, #tpu.memory_space<any>> -> memref<1x2x768xf32, #tpu.memory_space<any>>
    %dma_wait3A_1330 = tpu.memref_squeeze %dma_wait3A_1329 : memref<1x2x768xf32, #tpu.memory_space<any>> -> memref<2x768xf32, #tpu.memory_space<any>>
    %dma_wait3A_1331 = arith.constant 0 : i32
    %dma_wait3A_1332 = arith.constant 0 : i32
    %dma_wait3A_1333 = tpu.memref_slice %arg1[%dma_wait3A_1325, %dma_wait3A_1331, %dma_wait3A_1332] : memref<128x2x768xf32, #tpu.memory_space<vmem>> -> memref<1x2x768xf32, #tpu.memory_space<vmem>>
    %dma_wait3A_1334 = tpu.memref_squeeze %dma_wait3A_1333 : memref<1x2x768xf32, #tpu.memory_space<vmem>> -> memref<2x768xf32, #tpu.memory_space<vmem>>
    tpu.wait_dma2 semaphore(%arg7 : memref<!tpu.dma_semaphore, #tpu.memory_space<semaphore_mem>>) src(%dma_wait3A_1334 : memref<2x768xf32, #tpu.memory_space<vmem>>) dst(%dma_wait3A_1330 : memref<2x768xf32, #tpu.memory_space<any>>)
    %dma_wait3A_1335 = arith.constant 3 : i32
    %dma_wait3A_1336 = arith.constant 0 : i32
    %dma_wait3A_1337 = arith.constant 26 : i32
    %dma_wait3A_1338 = arith.constant 0 : i32
    %dma_wait3A_1339 = tpu.memref_slice %arg4[%dma_wait3A_1336, %dma_wait3A_1337, %dma_wait3A_1338] : memref<16x232x768xf32, #tpu.memory_space<any>> -> memref<1x2x768xf32, #tpu.memory_space<any>>
    %dma_wait3A_1340 = tpu.memref_squeeze %dma_wait3A_1339 : memref<1x2x768xf32, #tpu.memory_space<any>> -> memref<2x768xf32, #tpu.memory_space<any>>
    %dma_wait3A_1341 = arith.constant 0 : i32
    %dma_wait3A_1342 = arith.constant 0 : i32
    %dma_wait3A_1343 = tpu.memref_slice %arg1[%dma_wait3A_1335, %dma_wait3A_1341, %dma_wait3A_1342] : memref<128x2x768xf32, #tpu.memory_space<vmem>> -> memref<1x2x768xf32, #tpu.memory_space<vmem>>
    %dma_wait3A_1344 = tpu.memref_squeeze %dma_wait3A_1343 : memref<1x2x768xf32, #tpu.memory_space<vmem>> -> memref<2x768xf32, #tpu.memory_space<vmem>>
    tpu.wait_dma2 semaphore(%arg7 : memref<!tpu.dma_semaphore, #tpu.memory_space<semaphore_mem>>) src(%dma_wait3A_1344 : memref<2x768xf32, #tpu.memory_space<vmem>>) dst(%dma_wait3A_1340 : memref<2x768xf32, #tpu.memory_space<any>>)
    %dma_wait3A_1345 = arith.constant 4 : i32
    %dma_wait3A_1346 = arith.constant 0 : i32
    %dma_wait3A_1347 = arith.constant 28 : i32
    %dma_wait3A_1348 = arith.constant 0 : i32
    %dma_wait3A_1349 = tpu.memref_slice %arg4[%dma_wait3A_1346, %dma_wait3A_1347, %dma_wait3A_1348] : memref<16x232x768xf32, #tpu.memory_space<any>> -> memref<1x2x768xf32, #tpu.memory_space<any>>
    %dma_wait3A_1350 = tpu.memref_squeeze %dma_wait3A_1349 : memref<1x2x768xf32, #tpu.memory_space<any>> -> memref<2x768xf32, #tpu.memory_space<any>>
    %dma_wait3A_1351 = arith.constant 0 : i32
    %dma_wait3A_1352 = arith.constant 0 : i32
    %dma_wait3A_1353 = tpu.memref_slice %arg1[%dma_wait3A_1345, %dma_wait3A_1351, %dma_wait3A_1352] : memref<128x2x768xf32, #tpu.memory_space<vmem>> -> memref<1x2x768xf32, #tpu.memory_space<vmem>>
    %dma_wait3A_1354 = tpu.memref_squeeze %dma_wait3A_1353 : memref<1x2x768xf32, #tpu.memory_space<vmem>> -> memref<2x768xf32, #tpu.memory_space<vmem>>
    tpu.wait_dma2 semaphore(%arg7 : memref<!tpu.dma_semaphore, #tpu.memory_space<semaphore_mem>>) src(%dma_wait3A_1354 : memref<2x768xf32, #tpu.memory_space<vmem>>) dst(%dma_wait3A_1350 : memref<2x768xf32, #tpu.memory_space<any>>)
    %dma_wait3A_1355 = arith.constant 5 : i32
    %dma_wait3A_1356 = arith.constant 0 : i32
    %dma_wait3A_1357 = arith.constant 30 : i32
    %dma_wait3A_1358 = arith.constant 0 : i32
    %dma_wait3A_1359 = tpu.memref_slice %arg4[%dma_wait3A_1356, %dma_wait3A_1357, %dma_wait3A_1358] : memref<16x232x768xf32, #tpu.memory_space<any>> -> memref<1x2x768xf32, #tpu.memory_space<any>>
    %dma_wait3A_1360 = tpu.memref_squeeze %dma_wait3A_1359 : memref<1x2x768xf32, #tpu.memory_space<any>> -> memref<2x768xf32, #tpu.memory_space<any>>
    %dma_wait3A_1361 = arith.constant 0 : i32
    %dma_wait3A_1362 = arith.constant 0 : i32
    %dma_wait3A_1363 = tpu.memref_slice %arg1[%dma_wait3A_1355, %dma_wait3A_1361, %dma_wait3A_1362] : memref<128x2x768xf32, #tpu.memory_space<vmem>> -> memref<1x2x768xf32, #tpu.memory_space<vmem>>
    %dma_wait3A_1364 = tpu.memref_squeeze %dma_wait3A_1363 : memref<1x2x768xf32, #tpu.memory_space<vmem>> -> memref<2x768xf32, #tpu.memory_space<vmem>>
    tpu.wait_dma2 semaphore(%arg7 : memref<!tpu.dma_semaphore, #tpu.memory_space<semaphore_mem>>) src(%dma_wait3A_1364 : memref<2x768xf32, #tpu.memory_space<vmem>>) dst(%dma_wait3A_1360 : memref<2x768xf32, #tpu.memory_space<any>>)
    %dma_wait3A_1365 = arith.constant 6 : i32
    %dma_wait3A_1366 = arith.constant 0 : i32
    %dma_wait3A_1367 = arith.constant 32 : i32
    %dma_wait3A_1368 = arith.constant 0 : i32
    %dma_wait3A_1369 = tpu.memref_slice %arg4[%dma_wait3A_1366, %dma_wait3A_1367, %dma_wait3A_1368] : memref<16x232x768xf32, #tpu.memory_space<any>> -> memref<1x2x768xf32, #tpu.memory_space<any>>
    %dma_wait3A_1370 = tpu.memref_squeeze %dma_wait3A_1369 : memref<1x2x768xf32, #tpu.memory_space<any>> -> memref<2x768xf32, #tpu.memory_space<any>>
    %dma_wait3A_1371 = arith.constant 0 : i32
    %dma_wait3A_1372 = arith.constant 0 : i32
    %dma_wait3A_1373 = tpu.memref_slice %arg1[%dma_wait3A_1365, %dma_wait3A_1371, %dma_wait3A_1372] : memref<128x2x768xf32, #tpu.memory_space<vmem>> -> memref<1x2x768xf32, #tpu.memory_space<vmem>>
    %dma_wait3A_1374 = tpu.memref_squeeze %dma_wait3A_1373 : memref<1x2x768xf32, #tpu.memory_space<vmem>> -> memref<2x768xf32, #tpu.memory_space<vmem>>
    tpu.wait_dma2 semaphore(%arg7 : memref<!tpu.dma_semaphore, #tpu.memory_space<semaphore_mem>>) src(%dma_wait3A_1374 : memref<2x768xf32, #tpu.memory_space<vmem>>) dst(%dma_wait3A_1370 : memref<2x768xf32, #tpu.memory_space<any>>)
    %dma_wait3A_1375 = arith.constant 7 : i32
    %dma_wait3A_1376 = arith.constant 0 : i32
    %dma_wait3A_1377 = arith.constant 34 : i32
    %dma_wait3A_1378 = arith.constant 0 : i32
    %dma_wait3A_1379 = tpu.memref_slice %arg4[%dma_wait3A_1376, %dma_wait3A_1377, %dma_wait3A_1378] : memref<16x232x768xf32, #tpu.memory_space<any>> -> memref<1x2x768xf32, #tpu.memory_space<any>>
    %dma_wait3A_1380 = tpu.memref_squeeze %dma_wait3A_1379 : memref<1x2x768xf32, #tpu.memory_space<any>> -> memref<2x768xf32, #tpu.memory_space<any>>
    %dma_wait3A_1381 = arith.constant 0 : i32
    %dma_wait3A_1382 = arith.constant 0 : i32
    %dma_wait3A_1383 = tpu.memref_slice %arg1[%dma_wait3A_1375, %dma_wait3A_1381, %dma_wait3A_1382] : memref<128x2x768xf32, #tpu.memory_space<vmem>> -> memref<1x2x768xf32, #tpu.memory_space<vmem>>
    %dma_wait3A_1384 = tpu.memref_squeeze %dma_wait3A_1383 : memref<1x2x768xf32, #tpu.memory_space<vmem>> -> memref<2x768xf32, #tpu.memory_space<vmem>>
    tpu.wait_dma2 semaphore(%arg7 : memref<!tpu.dma_semaphore, #tpu.memory_space<semaphore_mem>>) src(%dma_wait3A_1384 : memref<2x768xf32, #tpu.memory_space<vmem>>) dst(%dma_wait3A_1380 : memref<2x768xf32, #tpu.memory_space<any>>)
    %dma_wait3A_1385 = arith.constant 8 : i32
    %dma_wait3A_1386 = arith.constant 1 : i32
    %dma_wait3A_1387 = arith.constant 20 : i32
    %dma_wait3A_1388 = arith.constant 0 : i32
    %dma_wait3A_1389 = tpu.memref_slice %arg4[%dma_wait3A_1386, %dma_wait3A_1387, %dma_wait3A_1388] : memref<16x232x768xf32, #tpu.memory_space<any>> -> memref<1x2x768xf32, #tpu.memory_space<any>>
    %dma_wait3A_1390 = tpu.memref_squeeze %dma_wait3A_1389 : memref<1x2x768xf32, #tpu.memory_space<any>> -> memref<2x768xf32, #tpu.memory_space<any>>
    %dma_wait3A_1391 = arith.constant 0 : i32
    %dma_wait3A_1392 = arith.constant 0 : i32
    %dma_wait3A_1393 = tpu.memref_slice %arg1[%dma_wait3A_1385, %dma_wait3A_1391, %dma_wait3A_1392] : memref<128x2x768xf32, #tpu.memory_space<vmem>> -> memref<1x2x768xf32, #tpu.memory_space<vmem>>
    %dma_wait3A_1394 = tpu.memref_squeeze %dma_wait3A_1393 : memref<1x2x768xf32, #tpu.memory_space<vmem>> -> memref<2x768xf32, #tpu.memory_space<vmem>>
    tpu.wait_dma2 semaphore(%arg7 : memref<!tpu.dma_semaphore, #tpu.memory_space<semaphore_mem>>) src(%dma_wait3A_1394 : memref<2x768xf32, #tpu.memory_space<vmem>>) dst(%dma_wait3A_1390 : memref<2x768xf32, #tpu.memory_space<any>>)
    %dma_wait3A_1395 = arith.constant 9 : i32
    %dma_wait3A_1396 = arith.constant 1 : i32
    %dma_wait3A_1397 = arith.constant 22 : i32
    %dma_wait3A_1398 = arith.constant 0 : i32
    %dma_wait3A_1399 = tpu.memref_slice %arg4[%dma_wait3A_1396, %dma_wait3A_1397, %dma_wait3A_1398] : memref<16x232x768xf32, #tpu.memory_space<any>> -> memref<1x2x768xf32, #tpu.memory_space<any>>
    %dma_wait3A_1400 = tpu.memref_squeeze %dma_wait3A_1399 : memref<1x2x768xf32, #tpu.memory_space<any>> -> memref<2x768xf32, #tpu.memory_space<any>>
    %dma_wait3A_1401 = arith.constant 0 : i32
    %dma_wait3A_1402 = arith.constant 0 : i32
    %dma_wait3A_1403 = tpu.memref_slice %arg1[%dma_wait3A_1395, %dma_wait3A_1401, %dma_wait3A_1402] : memref<128x2x768xf32, #tpu.memory_space<vmem>> -> memref<1x2x768xf32, #tpu.memory_space<vmem>>
    %dma_wait3A_1404 = tpu.memref_squeeze %dma_wait3A_1403 : memref<1x2x768xf32, #tpu.memory_space<vmem>> -> memref<2x768xf32, #tpu.memory_space<vmem>>
    tpu.wait_dma2 semaphore(%arg7 : memref<!tpu.dma_semaphore, #tpu.memory_space<semaphore_mem>>) src(%dma_wait3A_1404 : memref<2x768xf32, #tpu.memory_space<vmem>>) dst(%dma_wait3A_1400 : memref<2x768xf32, #tpu.memory_space<any>>)
    %dma_wait3A_1405 = arith.constant 10 : i32
    %dma_wait3A_1406 = arith.constant 1 : i32
    %dma_wait3A_1407 = arith.constant 24 : i32
    %dma_wait3A_1408 = arith.constant 0 : i32
    %dma_wait3A_1409 = tpu.memref_slice %arg4[%dma_wait3A_1406, %dma_wait3A_1407, %dma_wait3A_1408] : memref<16x232x768xf32, #tpu.memory_space<any>> -> memref<1x2x768xf32, #tpu.memory_space<any>>
    %dma_wait3A_1410 = tpu.memref_squeeze %dma_wait3A_1409 : memref<1x2x768xf32, #tpu.memory_space<any>> -> memref<2x768xf32, #tpu.memory_space<any>>
    %dma_wait3A_1411 = arith.constant 0 : i32
    %dma_wait3A_1412 = arith.constant 0 : i32
    %dma_wait3A_1413 = tpu.memref_slice %arg1[%dma_wait3A_1405, %dma_wait3A_1411, %dma_wait3A_1412] : memref<128x2x768xf32, #tpu.memory_space<vmem>> -> memref<1x2x768xf32, #tpu.memory_space<vmem>>
    %dma_wait3A_1414 = tpu.memref_squeeze %dma_wait3A_1413 : memref<1x2x768xf32, #tpu.memory_space<vmem>> -> memref<2x768xf32, #tpu.memory_space<vmem>>
    tpu.wait_dma2 semaphore(%arg7 : memref<!tpu.dma_semaphore, #tpu.memory_space<semaphore_mem>>) src(%dma_wait3A_1414 : memref<2x768xf32, #tpu.memory_space<vmem>>) dst(%dma_wait3A_1410 : memref<2x768xf32, #tpu.memory_space<any>>)
    %dma_wait3A_1415 = arith.constant 11 : i32
    %dma_wait3A_1416 = arith.constant 1 : i32
    %dma_wait3A_1417 = arith.constant 26 : i32
    %dma_wait3A_1418 = arith.constant 0 : i32
    %dma_wait3A_1419 = tpu.memref_slice %arg4[%dma_wait3A_1416, %dma_wait3A_1417, %dma_wait3A_1418] : memref<16x232x768xf32, #tpu.memory_space<any>> -> memref<1x2x768xf32, #tpu.memory_space<any>>
    %dma_wait3A_1420 = tpu.memref_squeeze %dma_wait3A_1419 : memref<1x2x768xf32, #tpu.memory_space<any>> -> memref<2x768xf32, #tpu.memory_space<any>>
    %dma_wait3A_1421 = arith.constant 0 : i32
    %dma_wait3A_1422 = arith.constant 0 : i32
    %dma_wait3A_1423 = tpu.memref_slice %arg1[%dma_wait3A_1415, %dma_wait3A_1421, %dma_wait3A_1422] : memref<128x2x768xf32, #tpu.memory_space<vmem>> -> memref<1x2x768xf32, #tpu.memory_space<vmem>>
    %dma_wait3A_1424 = tpu.memref_squeeze %dma_wait3A_1423 : memref<1x2x768xf32, #tpu.memory_space<vmem>> -> memref<2x768xf32, #tpu.memory_space<vmem>>
    tpu.wait_dma2 semaphore(%arg7 : memref<!tpu.dma_semaphore, #tpu.memory_space<semaphore_mem>>) src(%dma_wait3A_1424 : memref<2x768xf32, #tpu.memory_space<vmem>>) dst(%dma_wait3A_1420 : memref<2x768xf32, #tpu.memory_space<any>>)
    %dma_wait3A_1425 = arith.constant 12 : i32
    %dma_wait3A_1426 = arith.constant 1 : i32
    %dma_wait3A_1427 = arith.constant 28 : i32
    %dma_wait3A_1428 = arith.constant 0 : i32
    %dma_wait3A_1429 = tpu.memref_slice %arg4[%dma_wait3A_1426, %dma_wait3A_1427, %dma_wait3A_1428] : memref<16x232x768xf32, #tpu.memory_space<any>> -> memref<1x2x768xf32, #tpu.memory_space<any>>
    %dma_wait3A_1430 = tpu.memref_squeeze %dma_wait3A_1429 : memref<1x2x768xf32, #tpu.memory_space<any>> -> memref<2x768xf32, #tpu.memory_space<any>>
    %dma_wait3A_1431 = arith.constant 0 : i32
    %dma_wait3A_1432 = arith.constant 0 : i32
    %dma_wait3A_1433 = tpu.memref_slice %arg1[%dma_wait3A_1425, %dma_wait3A_1431, %dma_wait3A_1432] : memref<128x2x768xf32, #tpu.memory_space<vmem>> -> memref<1x2x768xf32, #tpu.memory_space<vmem>>
    %dma_wait3A_1434 = tpu.memref_squeeze %dma_wait3A_1433 : memref<1x2x768xf32, #tpu.memory_space<vmem>> -> memref<2x768xf32, #tpu.memory_space<vmem>>
    tpu.wait_dma2 semaphore(%arg7 : memref<!tpu.dma_semaphore, #tpu.memory_space<semaphore_mem>>) src(%dma_wait3A_1434 : memref<2x768xf32, #tpu.memory_space<vmem>>) dst(%dma_wait3A_1430 : memref<2x768xf32, #tpu.memory_space<any>>)
    %dma_wait3A_1435 = arith.constant 13 : i32
    %dma_wait3A_1436 = arith.constant 1 : i32
    %dma_wait3A_1437 = arith.constant 30 : i32
    %dma_wait3A_1438 = arith.constant 0 : i32
    %dma_wait3A_1439 = tpu.memref_slice %arg4[%dma_wait3A_1436, %dma_wait3A_1437, %dma_wait3A_1438] : memref<16x232x768xf32, #tpu.memory_space<any>> -> memref<1x2x768xf32, #tpu.memory_space<any>>
    %dma_wait3A_1440 = tpu.memref_squeeze %dma_wait3A_1439 : memref<1x2x768xf32, #tpu.memory_space<any>> -> memref<2x768xf32, #tpu.memory_space<any>>
    %dma_wait3A_1441 = arith.constant 0 : i32
    %dma_wait3A_1442 = arith.constant 0 : i32
    %dma_wait3A_1443 = tpu.memref_slice %arg1[%dma_wait3A_1435, %dma_wait3A_1441, %dma_wait3A_1442] : memref<128x2x768xf32, #tpu.memory_space<vmem>> -> memref<1x2x768xf32, #tpu.memory_space<vmem>>
    %dma_wait3A_1444 = tpu.memref_squeeze %dma_wait3A_1443 : memref<1x2x768xf32, #tpu.memory_space<vmem>> -> memref<2x768xf32, #tpu.memory_space<vmem>>
    tpu.wait_dma2 semaphore(%arg7 : memref<!tpu.dma_semaphore, #tpu.memory_space<semaphore_mem>>) src(%dma_wait3A_1444 : memref<2x768xf32, #tpu.memory_space<vmem>>) dst(%dma_wait3A_1440 : memref<2x768xf32, #tpu.memory_space<any>>)
    %dma_wait3A_1445 = arith.constant 14 : i32
    %dma_wait3A_1446 = arith.constant 1 : i32
    %dma_wait3A_1447 = arith.constant 32 : i32
    %dma_wait3A_1448 = arith.constant 0 : i32
    %dma_wait3A_1449 = tpu.memref_slice %arg4[%dma_wait3A_1446, %dma_wait3A_1447, %dma_wait3A_1448] : memref<16x232x768xf32, #tpu.memory_space<any>> -> memref<1x2x768xf32, #tpu.memory_space<any>>
    %dma_wait3A_1450 = tpu.memref_squeeze %dma_wait3A_1449 : memref<1x2x768xf32, #tpu.memory_space<any>> -> memref<2x768xf32, #tpu.memory_space<any>>
    %dma_wait3A_1451 = arith.constant 0 : i32
    %dma_wait3A_1452 = arith.constant 0 : i32
    %dma_wait3A_1453 = tpu.memref_slice %arg1[%dma_wait3A_1445, %dma_wait3A_1451, %dma_wait3A_1452] : memref<128x2x768xf32, #tpu.memory_space<vmem>> -> memref<1x2x768xf32, #tpu.memory_space<vmem>>
    %dma_wait3A_1454 = tpu.memref_squeeze %dma_wait3A_1453 : memref<1x2x768xf32, #tpu.memory_space<vmem>> -> memref<2x768xf32, #tpu.memory_space<vmem>>
    tpu.wait_dma2 semaphore(%arg7 : memref<!tpu.dma_semaphore, #tpu.memory_space<semaphore_mem>>) src(%dma_wait3A_1454 : memref<2x768xf32, #tpu.memory_space<vmem>>) dst(%dma_wait3A_1450 : memref<2x768xf32, #tpu.memory_space<any>>)
    %dma_wait3A_1455 = arith.constant 15 : i32
    %dma_wait3A_1456 = arith.constant 1 : i32
    %dma_wait3A_1457 = arith.constant 34 : i32
    %dma_wait3A_1458 = arith.constant 0 : i32
    %dma_wait3A_1459 = tpu.memref_slice %arg4[%dma_wait3A_1456, %dma_wait3A_1457, %dma_wait3A_1458] : memref<16x232x768xf32, #tpu.memory_space<any>> -> memref<1x2x768xf32, #tpu.memory_space<any>>
    %dma_wait3A_1460 = tpu.memref_squeeze %dma_wait3A_1459 : memref<1x2x768xf32, #tpu.memory_space<any>> -> memref<2x768xf32, #tpu.memory_space<any>>
    %dma_wait3A_1461 = arith.constant 0 : i32
    %dma_wait3A_1462 = arith.constant 0 : i32
    %dma_wait3A_1463 = tpu.memref_slice %arg1[%dma_wait3A_1455, %dma_wait3A_1461, %dma_wait3A_1462] : memref<128x2x768xf32, #tpu.memory_space<vmem>> -> memref<1x2x768xf32, #tpu.memory_space<vmem>>
    %dma_wait3A_1464 = tpu.memref_squeeze %dma_wait3A_1463 : memref<1x2x768xf32, #tpu.memory_space<vmem>> -> memref<2x768xf32, #tpu.memory_space<vmem>>
    tpu.wait_dma2 semaphore(%arg7 : memref<!tpu.dma_semaphore, #tpu.memory_space<semaphore_mem>>) src(%dma_wait3A_1464 : memref<2x768xf32, #tpu.memory_space<vmem>>) dst(%dma_wait3A_1460 : memref<2x768xf32, #tpu.memory_space<any>>)
    %dma_wait3A_1465 = arith.constant 16 : i32
    %dma_wait3A_1466 = arith.constant 2 : i32
    %dma_wait3A_1467 = arith.constant 20 : i32
    %dma_wait3A_1468 = arith.constant 0 : i32
    %dma_wait3A_1469 = tpu.memref_slice %arg4[%dma_wait3A_1466, %dma_wait3A_1467, %dma_wait3A_1468] : memref<16x232x768xf32, #tpu.memory_space<any>> -> memref<1x2x768xf32, #tpu.memory_space<any>>
    %dma_wait3A_1470 = tpu.memref_squeeze %dma_wait3A_1469 : memref<1x2x768xf32, #tpu.memory_space<any>> -> memref<2x768xf32, #tpu.memory_space<any>>
    %dma_wait3A_1471 = arith.constant 0 : i32
    %dma_wait3A_1472 = arith.constant 0 : i32
    %dma_wait3A_1473 = tpu.memref_slice %arg1[%dma_wait3A_1465, %dma_wait3A_1471, %dma_wait3A_1472] : memref<128x2x768xf32, #tpu.memory_space<vmem>> -> memref<1x2x768xf32, #tpu.memory_space<vmem>>
    %dma_wait3A_1474 = tpu.memref_squeeze %dma_wait3A_1473 : memref<1x2x768xf32, #tpu.memory_space<vmem>> -> memref<2x768xf32, #tpu.memory_space<vmem>>
    tpu.wait_dma2 semaphore(%arg7 : memref<!tpu.dma_semaphore, #tpu.memory_space<semaphore_mem>>) src(%dma_wait3A_1474 : memref<2x768xf32, #tpu.memory_space<vmem>>) dst(%dma_wait3A_1470 : memref<2x768xf32, #tpu.memory_space<any>>)
    %dma_wait3A_1475 = arith.constant 17 : i32
    %dma_wait3A_1476 = arith.constant 2 : i32
    %dma_wait3A_1477 = arith.constant 22 : i32
    %dma_wait3A_1478 = arith.constant 0 : i32
    %dma_wait3A_1479 = tpu.memref_slice %arg4[%dma_wait3A_1476, %dma_wait3A_1477, %dma_wait3A_1478] : memref<16x232x768xf32, #tpu.memory_space<any>> -> memref<1x2x768xf32, #tpu.memory_space<any>>
    %dma_wait3A_1480 = tpu.memref_squeeze %dma_wait3A_1479 : memref<1x2x768xf32, #tpu.memory_space<any>> -> memref<2x768xf32, #tpu.memory_space<any>>
    %dma_wait3A_1481 = arith.constant 0 : i32
    %dma_wait3A_1482 = arith.constant 0 : i32
    %dma_wait3A_1483 = tpu.memref_slice %arg1[%dma_wait3A_1475, %dma_wait3A_1481, %dma_wait3A_1482] : memref<128x2x768xf32, #tpu.memory_space<vmem>> -> memref<1x2x768xf32, #tpu.memory_space<vmem>>
    %dma_wait3A_1484 = tpu.memref_squeeze %dma_wait3A_1483 : memref<1x2x768xf32, #tpu.memory_space<vmem>> -> memref<2x768xf32, #tpu.memory_space<vmem>>
    tpu.wait_dma2 semaphore(%arg7 : memref<!tpu.dma_semaphore, #tpu.memory_space<semaphore_mem>>) src(%dma_wait3A_1484 : memref<2x768xf32, #tpu.memory_space<vmem>>) dst(%dma_wait3A_1480 : memref<2x768xf32, #tpu.memory_space<any>>)
    %dma_wait3A_1485 = arith.constant 18 : i32
    %dma_wait3A_1486 = arith.constant 2 : i32
    %dma_wait3A_1487 = arith.constant 24 : i32
    %dma_wait3A_1488 = arith.constant 0 : i32
    %dma_wait3A_1489 = tpu.memref_slice %arg4[%dma_wait3A_1486, %dma_wait3A_1487, %dma_wait3A_1488] : memref<16x232x768xf32, #tpu.memory_space<any>> -> memref<1x2x768xf32, #tpu.memory_space<any>>
    %dma_wait3A_1490 = tpu.memref_squeeze %dma_wait3A_1489 : memref<1x2x768xf32, #tpu.memory_space<any>> -> memref<2x768xf32, #tpu.memory_space<any>>
    %dma_wait3A_1491 = arith.constant 0 : i32
    %dma_wait3A_1492 = arith.constant 0 : i32
    %dma_wait3A_1493 = tpu.memref_slice %arg1[%dma_wait3A_1485, %dma_wait3A_1491, %dma_wait3A_1492] : memref<128x2x768xf32, #tpu.memory_space<vmem>> -> memref<1x2x768xf32, #tpu.memory_space<vmem>>
    %dma_wait3A_1494 = tpu.memref_squeeze %dma_wait3A_1493 : memref<1x2x768xf32, #tpu.memory_space<vmem>> -> memref<2x768xf32, #tpu.memory_space<vmem>>
    tpu.wait_dma2 semaphore(%arg7 : memref<!tpu.dma_semaphore, #tpu.memory_space<semaphore_mem>>) src(%dma_wait3A_1494 : memref<2x768xf32, #tpu.memory_space<vmem>>) dst(%dma_wait3A_1490 : memref<2x768xf32, #tpu.memory_space<any>>)
    %dma_wait3A_1495 = arith.constant 19 : i32
    %dma_wait3A_1496 = arith.constant 2 : i32
    %dma_wait3A_1497 = arith.constant 26 : i32
    %dma_wait3A_1498 = arith.constant 0 : i32
    %dma_wait3A_1499 = tpu.memref_slice %arg4[%dma_wait3A_1496, %dma_wait3A_1497, %dma_wait3A_1498] : memref<16x232x768xf32, #tpu.memory_space<any>> -> memref<1x2x768xf32, #tpu.memory_space<any>>
    %dma_wait3A_1500 = tpu.memref_squeeze %dma_wait3A_1499 : memref<1x2x768xf32, #tpu.memory_space<any>> -> memref<2x768xf32, #tpu.memory_space<any>>
    %dma_wait3A_1501 = arith.constant 0 : i32
    %dma_wait3A_1502 = arith.constant 0 : i32
    %dma_wait3A_1503 = tpu.memref_slice %arg1[%dma_wait3A_1495, %dma_wait3A_1501, %dma_wait3A_1502] : memref<128x2x768xf32, #tpu.memory_space<vmem>> -> memref<1x2x768xf32, #tpu.memory_space<vmem>>
    %dma_wait3A_1504 = tpu.memref_squeeze %dma_wait3A_1503 : memref<1x2x768xf32, #tpu.memory_space<vmem>> -> memref<2x768xf32, #tpu.memory_space<vmem>>
    tpu.wait_dma2 semaphore(%arg7 : memref<!tpu.dma_semaphore, #tpu.memory_space<semaphore_mem>>) src(%dma_wait3A_1504 : memref<2x768xf32, #tpu.memory_space<vmem>>) dst(%dma_wait3A_1500 : memref<2x768xf32, #tpu.memory_space<any>>)
    %dma_wait3A_1505 = arith.constant 20 : i32
    %dma_wait3A_1506 = arith.constant 2 : i32
    %dma_wait3A_1507 = arith.constant 28 : i32
    %dma_wait3A_1508 = arith.constant 0 : i32
    %dma_wait3A_1509 = tpu.memref_slice %arg4[%dma_wait3A_1506, %dma_wait3A_1507, %dma_wait3A_1508] : memref<16x232x768xf32, #tpu.memory_space<any>> -> memref<1x2x768xf32, #tpu.memory_space<any>>
    %dma_wait3A_1510 = tpu.memref_squeeze %dma_wait3A_1509 : memref<1x2x768xf32, #tpu.memory_space<any>> -> memref<2x768xf32, #tpu.memory_space<any>>
    %dma_wait3A_1511 = arith.constant 0 : i32
    %dma_wait3A_1512 = arith.constant 0 : i32
    %dma_wait3A_1513 = tpu.memref_slice %arg1[%dma_wait3A_1505, %dma_wait3A_1511, %dma_wait3A_1512] : memref<128x2x768xf32, #tpu.memory_space<vmem>> -> memref<1x2x768xf32, #tpu.memory_space<vmem>>
    %dma_wait3A_1514 = tpu.memref_squeeze %dma_wait3A_1513 : memref<1x2x768xf32, #tpu.memory_space<vmem>> -> memref<2x768xf32, #tpu.memory_space<vmem>>
    tpu.wait_dma2 semaphore(%arg7 : memref<!tpu.dma_semaphore, #tpu.memory_space<semaphore_mem>>) src(%dma_wait3A_1514 : memref<2x768xf32, #tpu.memory_space<vmem>>) dst(%dma_wait3A_1510 : memref<2x768xf32, #tpu.memory_space<any>>)
    %dma_wait3A_1515 = arith.constant 21 : i32
    %dma_wait3A_1516 = arith.constant 2 : i32
    %dma_wait3A_1517 = arith.constant 30 : i32
    %dma_wait3A_1518 = arith.constant 0 : i32
    %dma_wait3A_1519 = tpu.memref_slice %arg4[%dma_wait3A_1516, %dma_wait3A_1517, %dma_wait3A_1518] : memref<16x232x768xf32, #tpu.memory_space<any>> -> memref<1x2x768xf32, #tpu.memory_space<any>>
    %dma_wait3A_1520 = tpu.memref_squeeze %dma_wait3A_1519 : memref<1x2x768xf32, #tpu.memory_space<any>> -> memref<2x768xf32, #tpu.memory_space<any>>
    %dma_wait3A_1521 = arith.constant 0 : i32
    %dma_wait3A_1522 = arith.constant 0 : i32
    %dma_wait3A_1523 = tpu.memref_slice %arg1[%dma_wait3A_1515, %dma_wait3A_1521, %dma_wait3A_1522] : memref<128x2x768xf32, #tpu.memory_space<vmem>> -> memref<1x2x768xf32, #tpu.memory_space<vmem>>
    %dma_wait3A_1524 = tpu.memref_squeeze %dma_wait3A_1523 : memref<1x2x768xf32, #tpu.memory_space<vmem>> -> memref<2x768xf32, #tpu.memory_space<vmem>>
    tpu.wait_dma2 semaphore(%arg7 : memref<!tpu.dma_semaphore, #tpu.memory_space<semaphore_mem>>) src(%dma_wait3A_1524 : memref<2x768xf32, #tpu.memory_space<vmem>>) dst(%dma_wait3A_1520 : memref<2x768xf32, #tpu.memory_space<any>>)
    %dma_wait3A_1525 = arith.constant 22 : i32
    %dma_wait3A_1526 = arith.constant 2 : i32
    %dma_wait3A_1527 = arith.constant 32 : i32
    %dma_wait3A_1528 = arith.constant 0 : i32
    %dma_wait3A_1529 = tpu.memref_slice %arg4[%dma_wait3A_1526, %dma_wait3A_1527, %dma_wait3A_1528] : memref<16x232x768xf32, #tpu.memory_space<any>> -> memref<1x2x768xf32, #tpu.memory_space<any>>
    %dma_wait3A_1530 = tpu.memref_squeeze %dma_wait3A_1529 : memref<1x2x768xf32, #tpu.memory_space<any>> -> memref<2x768xf32, #tpu.memory_space<any>>
    %dma_wait3A_1531 = arith.constant 0 : i32
    %dma_wait3A_1532 = arith.constant 0 : i32
    %dma_wait3A_1533 = tpu.memref_slice %arg1[%dma_wait3A_1525, %dma_wait3A_1531, %dma_wait3A_1532] : memref<128x2x768xf32, #tpu.memory_space<vmem>> -> memref<1x2x768xf32, #tpu.memory_space<vmem>>
    %dma_wait3A_1534 = tpu.memref_squeeze %dma_wait3A_1533 : memref<1x2x768xf32, #tpu.memory_space<vmem>> -> memref<2x768xf32, #tpu.memory_space<vmem>>
    tpu.wait_dma2 semaphore(%arg7 : memref<!tpu.dma_semaphore, #tpu.memory_space<semaphore_mem>>) src(%dma_wait3A_1534 : memref<2x768xf32, #tpu.memory_space<vmem>>) dst(%dma_wait3A_1530 : memref<2x768xf32, #tpu.memory_space<any>>)
    %dma_wait3A_1535 = arith.constant 23 : i32
    %dma_wait3A_1536 = arith.constant 2 : i32
    %dma_wait3A_1537 = arith.constant 34 : i32
    %dma_wait3A_1538 = arith.constant 0 : i32
    %dma_wait3A_1539 = tpu.memref_slice %arg4[%dma_wait3A_1536, %dma_wait3A_1537, %dma_wait3A_1538] : memref<16x232x768xf32, #tpu.memory_space<any>> -> memref<1x2x768xf32, #tpu.memory_space<any>>
    %dma_wait3A_1540 = tpu.memref_squeeze %dma_wait3A_1539 : memref<1x2x768xf32, #tpu.memory_space<any>> -> memref<2x768xf32, #tpu.memory_space<any>>
    %dma_wait3A_1541 = arith.constant 0 : i32
    %dma_wait3A_1542 = arith.constant 0 : i32
    %dma_wait3A_1543 = tpu.memref_slice %arg1[%dma_wait3A_1535, %dma_wait3A_1541, %dma_wait3A_1542] : memref<128x2x768xf32, #tpu.memory_space<vmem>> -> memref<1x2x768xf32, #tpu.memory_space<vmem>>
    %dma_wait3A_1544 = tpu.memref_squeeze %dma_wait3A_1543 : memref<1x2x768xf32, #tpu.memory_space<vmem>> -> memref<2x768xf32, #tpu.memory_space<vmem>>
    tpu.wait_dma2 semaphore(%arg7 : memref<!tpu.dma_semaphore, #tpu.memory_space<semaphore_mem>>) src(%dma_wait3A_1544 : memref<2x768xf32, #tpu.memory_space<vmem>>) dst(%dma_wait3A_1540 : memref<2x768xf32, #tpu.memory_space<any>>)
    %dma_wait3A_1545 = arith.constant 24 : i32
    %dma_wait3A_1546 = arith.constant 3 : i32
    %dma_wait3A_1547 = arith.constant 20 : i32
    %dma_wait3A_1548 = arith.constant 0 : i32
    %dma_wait3A_1549 = tpu.memref_slice %arg4[%dma_wait3A_1546, %dma_wait3A_1547, %dma_wait3A_1548] : memref<16x232x768xf32, #tpu.memory_space<any>> -> memref<1x2x768xf32, #tpu.memory_space<any>>
    %dma_wait3A_1550 = tpu.memref_squeeze %dma_wait3A_1549 : memref<1x2x768xf32, #tpu.memory_space<any>> -> memref<2x768xf32, #tpu.memory_space<any>>
    %dma_wait3A_1551 = arith.constant 0 : i32
    %dma_wait3A_1552 = arith.constant 0 : i32
    %dma_wait3A_1553 = tpu.memref_slice %arg1[%dma_wait3A_1545, %dma_wait3A_1551, %dma_wait3A_1552] : memref<128x2x768xf32, #tpu.memory_space<vmem>> -> memref<1x2x768xf32, #tpu.memory_space<vmem>>
    %dma_wait3A_1554 = tpu.memref_squeeze %dma_wait3A_1553 : memref<1x2x768xf32, #tpu.memory_space<vmem>> -> memref<2x768xf32, #tpu.memory_space<vmem>>
    tpu.wait_dma2 semaphore(%arg7 : memref<!tpu.dma_semaphore, #tpu.memory_space<semaphore_mem>>) src(%dma_wait3A_1554 : memref<2x768xf32, #tpu.memory_space<vmem>>) dst(%dma_wait3A_1550 : memref<2x768xf32, #tpu.memory_space<any>>)
    %dma_wait3A_1555 = arith.constant 25 : i32
    %dma_wait3A_1556 = arith.constant 3 : i32
    %dma_wait3A_1557 = arith.constant 22 : i32
    %dma_wait3A_1558 = arith.constant 0 : i32
    %dma_wait3A_1559 = tpu.memref_slice %arg4[%dma_wait3A_1556, %dma_wait3A_1557, %dma_wait3A_1558] : memref<16x232x768xf32, #tpu.memory_space<any>> -> memref<1x2x768xf32, #tpu.memory_space<any>>
    %dma_wait3A_1560 = tpu.memref_squeeze %dma_wait3A_1559 : memref<1x2x768xf32, #tpu.memory_space<any>> -> memref<2x768xf32, #tpu.memory_space<any>>
    %dma_wait3A_1561 = arith.constant 0 : i32
    %dma_wait3A_1562 = arith.constant 0 : i32
    %dma_wait3A_1563 = tpu.memref_slice %arg1[%dma_wait3A_1555, %dma_wait3A_1561, %dma_wait3A_1562] : memref<128x2x768xf32, #tpu.memory_space<vmem>> -> memref<1x2x768xf32, #tpu.memory_space<vmem>>
    %dma_wait3A_1564 = tpu.memref_squeeze %dma_wait3A_1563 : memref<1x2x768xf32, #tpu.memory_space<vmem>> -> memref<2x768xf32, #tpu.memory_space<vmem>>
    tpu.wait_dma2 semaphore(%arg7 : memref<!tpu.dma_semaphore, #tpu.memory_space<semaphore_mem>>) src(%dma_wait3A_1564 : memref<2x768xf32, #tpu.memory_space<vmem>>) dst(%dma_wait3A_1560 : memref<2x768xf32, #tpu.memory_space<any>>)
    %dma_wait3A_1565 = arith.constant 26 : i32
    %dma_wait3A_1566 = arith.constant 3 : i32
    %dma_wait3A_1567 = arith.constant 24 : i32
    %dma_wait3A_1568 = arith.constant 0 : i32
    %dma_wait3A_1569 = tpu.memref_slice %arg4[%dma_wait3A_1566, %dma_wait3A_1567, %dma_wait3A_1568] : memref<16x232x768xf32, #tpu.memory_space<any>> -> memref<1x2x768xf32, #tpu.memory_space<any>>
    %dma_wait3A_1570 = tpu.memref_squeeze %dma_wait3A_1569 : memref<1x2x768xf32, #tpu.memory_space<any>> -> memref<2x768xf32, #tpu.memory_space<any>>
    %dma_wait3A_1571 = arith.constant 0 : i32
    %dma_wait3A_1572 = arith.constant 0 : i32
    %dma_wait3A_1573 = tpu.memref_slice %arg1[%dma_wait3A_1565, %dma_wait3A_1571, %dma_wait3A_1572] : memref<128x2x768xf32, #tpu.memory_space<vmem>> -> memref<1x2x768xf32, #tpu.memory_space<vmem>>
    %dma_wait3A_1574 = tpu.memref_squeeze %dma_wait3A_1573 : memref<1x2x768xf32, #tpu.memory_space<vmem>> -> memref<2x768xf32, #tpu.memory_space<vmem>>
    tpu.wait_dma2 semaphore(%arg7 : memref<!tpu.dma_semaphore, #tpu.memory_space<semaphore_mem>>) src(%dma_wait3A_1574 : memref<2x768xf32, #tpu.memory_space<vmem>>) dst(%dma_wait3A_1570 : memref<2x768xf32, #tpu.memory_space<any>>)
    %dma_wait3A_1575 = arith.constant 27 : i32
    %dma_wait3A_1576 = arith.constant 3 : i32
    %dma_wait3A_1577 = arith.constant 26 : i32
    %dma_wait3A_1578 = arith.constant 0 : i32
    %dma_wait3A_1579 = tpu.memref_slice %arg4[%dma_wait3A_1576, %dma_wait3A_1577, %dma_wait3A_1578] : memref<16x232x768xf32, #tpu.memory_space<any>> -> memref<1x2x768xf32, #tpu.memory_space<any>>
    %dma_wait3A_1580 = tpu.memref_squeeze %dma_wait3A_1579 : memref<1x2x768xf32, #tpu.memory_space<any>> -> memref<2x768xf32, #tpu.memory_space<any>>
    %dma_wait3A_1581 = arith.constant 0 : i32
    %dma_wait3A_1582 = arith.constant 0 : i32
    %dma_wait3A_1583 = tpu.memref_slice %arg1[%dma_wait3A_1575, %dma_wait3A_1581, %dma_wait3A_1582] : memref<128x2x768xf32, #tpu.memory_space<vmem>> -> memref<1x2x768xf32, #tpu.memory_space<vmem>>
    %dma_wait3A_1584 = tpu.memref_squeeze %dma_wait3A_1583 : memref<1x2x768xf32, #tpu.memory_space<vmem>> -> memref<2x768xf32, #tpu.memory_space<vmem>>
    tpu.wait_dma2 semaphore(%arg7 : memref<!tpu.dma_semaphore, #tpu.memory_space<semaphore_mem>>) src(%dma_wait3A_1584 : memref<2x768xf32, #tpu.memory_space<vmem>>) dst(%dma_wait3A_1580 : memref<2x768xf32, #tpu.memory_space<any>>)
    %dma_wait3A_1585 = arith.constant 28 : i32
    %dma_wait3A_1586 = arith.constant 3 : i32
    %dma_wait3A_1587 = arith.constant 28 : i32
    %dma_wait3A_1588 = arith.constant 0 : i32
    %dma_wait3A_1589 = tpu.memref_slice %arg4[%dma_wait3A_1586, %dma_wait3A_1587, %dma_wait3A_1588] : memref<16x232x768xf32, #tpu.memory_space<any>> -> memref<1x2x768xf32, #tpu.memory_space<any>>
    %dma_wait3A_1590 = tpu.memref_squeeze %dma_wait3A_1589 : memref<1x2x768xf32, #tpu.memory_space<any>> -> memref<2x768xf32, #tpu.memory_space<any>>
    %dma_wait3A_1591 = arith.constant 0 : i32
    %dma_wait3A_1592 = arith.constant 0 : i32
    %dma_wait3A_1593 = tpu.memref_slice %arg1[%dma_wait3A_1585, %dma_wait3A_1591, %dma_wait3A_1592] : memref<128x2x768xf32, #tpu.memory_space<vmem>> -> memref<1x2x768xf32, #tpu.memory_space<vmem>>
    %dma_wait3A_1594 = tpu.memref_squeeze %dma_wait3A_1593 : memref<1x2x768xf32, #tpu.memory_space<vmem>> -> memref<2x768xf32, #tpu.memory_space<vmem>>
    tpu.wait_dma2 semaphore(%arg7 : memref<!tpu.dma_semaphore, #tpu.memory_space<semaphore_mem>>) src(%dma_wait3A_1594 : memref<2x768xf32, #tpu.memory_space<vmem>>) dst(%dma_wait3A_1590 : memref<2x768xf32, #tpu.memory_space<any>>)
    %dma_wait3A_1595 = arith.constant 29 : i32
    %dma_wait3A_1596 = arith.constant 3 : i32
    %dma_wait3A_1597 = arith.constant 30 : i32
    %dma_wait3A_1598 = arith.constant 0 : i32
    %dma_wait3A_1599 = tpu.memref_slice %arg4[%dma_wait3A_1596, %dma_wait3A_1597, %dma_wait3A_1598] : memref<16x232x768xf32, #tpu.memory_space<any>> -> memref<1x2x768xf32, #tpu.memory_space<any>>
    %dma_wait3A_1600 = tpu.memref_squeeze %dma_wait3A_1599 : memref<1x2x768xf32, #tpu.memory_space<any>> -> memref<2x768xf32, #tpu.memory_space<any>>
    %dma_wait3A_1601 = arith.constant 0 : i32
    %dma_wait3A_1602 = arith.constant 0 : i32
    %dma_wait3A_1603 = tpu.memref_slice %arg1[%dma_wait3A_1595, %dma_wait3A_1601, %dma_wait3A_1602] : memref<128x2x768xf32, #tpu.memory_space<vmem>> -> memref<1x2x768xf32, #tpu.memory_space<vmem>>
    %dma_wait3A_1604 = tpu.memref_squeeze %dma_wait3A_1603 : memref<1x2x768xf32, #tpu.memory_space<vmem>> -> memref<2x768xf32, #tpu.memory_space<vmem>>
    tpu.wait_dma2 semaphore(%arg7 : memref<!tpu.dma_semaphore, #tpu.memory_space<semaphore_mem>>) src(%dma_wait3A_1604 : memref<2x768xf32, #tpu.memory_space<vmem>>) dst(%dma_wait3A_1600 : memref<2x768xf32, #tpu.memory_space<any>>)
    %dma_wait3A_1605 = arith.constant 30 : i32
    %dma_wait3A_1606 = arith.constant 3 : i32
    %dma_wait3A_1607 = arith.constant 32 : i32
    %dma_wait3A_1608 = arith.constant 0 : i32
    %dma_wait3A_1609 = tpu.memref_slice %arg4[%dma_wait3A_1606, %dma_wait3A_1607, %dma_wait3A_1608] : memref<16x232x768xf32, #tpu.memory_space<any>> -> memref<1x2x768xf32, #tpu.memory_space<any>>
    %dma_wait3A_1610 = tpu.memref_squeeze %dma_wait3A_1609 : memref<1x2x768xf32, #tpu.memory_space<any>> -> memref<2x768xf32, #tpu.memory_space<any>>
    %dma_wait3A_1611 = arith.constant 0 : i32
    %dma_wait3A_1612 = arith.constant 0 : i32
    %dma_wait3A_1613 = tpu.memref_slice %arg1[%dma_wait3A_1605, %dma_wait3A_1611, %dma_wait3A_1612] : memref<128x2x768xf32, #tpu.memory_space<vmem>> -> memref<1x2x768xf32, #tpu.memory_space<vmem>>
    %dma_wait3A_1614 = tpu.memref_squeeze %dma_wait3A_1613 : memref<1x2x768xf32, #tpu.memory_space<vmem>> -> memref<2x768xf32, #tpu.memory_space<vmem>>
    tpu.wait_dma2 semaphore(%arg7 : memref<!tpu.dma_semaphore, #tpu.memory_space<semaphore_mem>>) src(%dma_wait3A_1614 : memref<2x768xf32, #tpu.memory_space<vmem>>) dst(%dma_wait3A_1610 : memref<2x768xf32, #tpu.memory_space<any>>)
    %dma_wait3A_1615 = arith.constant 31 : i32
    %dma_wait3A_1616 = arith.constant 3 : i32
    %dma_wait3A_1617 = arith.constant 34 : i32
    %dma_wait3A_1618 = arith.constant 0 : i32
    %dma_wait3A_1619 = tpu.memref_slice %arg4[%dma_wait3A_1616, %dma_wait3A_1617, %dma_wait3A_1618] : memref<16x232x768xf32, #tpu.memory_space<any>> -> memref<1x2x768xf32, #tpu.memory_space<any>>
    %dma_wait3A_1620 = tpu.memref_squeeze %dma_wait3A_1619 : memref<1x2x768xf32, #tpu.memory_space<any>> -> memref<2x768xf32, #tpu.memory_space<any>>
    %dma_wait3A_1621 = arith.constant 0 : i32
    %dma_wait3A_1622 = arith.constant 0 : i32
    %dma_wait3A_1623 = tpu.memref_slice %arg1[%dma_wait3A_1615, %dma_wait3A_1621, %dma_wait3A_1622] : memref<128x2x768xf32, #tpu.memory_space<vmem>> -> memref<1x2x768xf32, #tpu.memory_space<vmem>>
    %dma_wait3A_1624 = tpu.memref_squeeze %dma_wait3A_1623 : memref<1x2x768xf32, #tpu.memory_space<vmem>> -> memref<2x768xf32, #tpu.memory_space<vmem>>
    tpu.wait_dma2 semaphore(%arg7 : memref<!tpu.dma_semaphore, #tpu.memory_space<semaphore_mem>>) src(%dma_wait3A_1624 : memref<2x768xf32, #tpu.memory_space<vmem>>) dst(%dma_wait3A_1620 : memref<2x768xf32, #tpu.memory_space<any>>)
    %dma_wait3A_1625 = arith.constant 32 : i32
    %dma_wait3A_1626 = arith.constant 4 : i32
    %dma_wait3A_1627 = arith.constant 20 : i32
    %dma_wait3A_1628 = arith.constant 0 : i32
    %dma_wait3A_1629 = tpu.memref_slice %arg4[%dma_wait3A_1626, %dma_wait3A_1627, %dma_wait3A_1628] : memref<16x232x768xf32, #tpu.memory_space<any>> -> memref<1x2x768xf32, #tpu.memory_space<any>>
    %dma_wait3A_1630 = tpu.memref_squeeze %dma_wait3A_1629 : memref<1x2x768xf32, #tpu.memory_space<any>> -> memref<2x768xf32, #tpu.memory_space<any>>
    %dma_wait3A_1631 = arith.constant 0 : i32
    %dma_wait3A_1632 = arith.constant 0 : i32
    %dma_wait3A_1633 = tpu.memref_slice %arg1[%dma_wait3A_1625, %dma_wait3A_1631, %dma_wait3A_1632] : memref<128x2x768xf32, #tpu.memory_space<vmem>> -> memref<1x2x768xf32, #tpu.memory_space<vmem>>
    %dma_wait3A_1634 = tpu.memref_squeeze %dma_wait3A_1633 : memref<1x2x768xf32, #tpu.memory_space<vmem>> -> memref<2x768xf32, #tpu.memory_space<vmem>>
    tpu.wait_dma2 semaphore(%arg7 : memref<!tpu.dma_semaphore, #tpu.memory_space<semaphore_mem>>) src(%dma_wait3A_1634 : memref<2x768xf32, #tpu.memory_space<vmem>>) dst(%dma_wait3A_1630 : memref<2x768xf32, #tpu.memory_space<any>>)
    %dma_wait3A_1635 = arith.constant 33 : i32
    %dma_wait3A_1636 = arith.constant 4 : i32
    %dma_wait3A_1637 = arith.constant 22 : i32
    %dma_wait3A_1638 = arith.constant 0 : i32
    %dma_wait3A_1639 = tpu.memref_slice %arg4[%dma_wait3A_1636, %dma_wait3A_1637, %dma_wait3A_1638] : memref<16x232x768xf32, #tpu.memory_space<any>> -> memref<1x2x768xf32, #tpu.memory_space<any>>
    %dma_wait3A_1640 = tpu.memref_squeeze %dma_wait3A_1639 : memref<1x2x768xf32, #tpu.memory_space<any>> -> memref<2x768xf32, #tpu.memory_space<any>>
    %dma_wait3A_1641 = arith.constant 0 : i32
    %dma_wait3A_1642 = arith.constant 0 : i32
    %dma_wait3A_1643 = tpu.memref_slice %arg1[%dma_wait3A_1635, %dma_wait3A_1641, %dma_wait3A_1642] : memref<128x2x768xf32, #tpu.memory_space<vmem>> -> memref<1x2x768xf32, #tpu.memory_space<vmem>>
    %dma_wait3A_1644 = tpu.memref_squeeze %dma_wait3A_1643 : memref<1x2x768xf32, #tpu.memory_space<vmem>> -> memref<2x768xf32, #tpu.memory_space<vmem>>
    tpu.wait_dma2 semaphore(%arg7 : memref<!tpu.dma_semaphore, #tpu.memory_space<semaphore_mem>>) src(%dma_wait3A_1644 : memref<2x768xf32, #tpu.memory_space<vmem>>) dst(%dma_wait3A_1640 : memref<2x768xf32, #tpu.memory_space<any>>)
    %dma_wait3A_1645 = arith.constant 34 : i32
    %dma_wait3A_1646 = arith.constant 4 : i32
    %dma_wait3A_1647 = arith.constant 24 : i32
    %dma_wait3A_1648 = arith.constant 0 : i32
    %dma_wait3A_1649 = tpu.memref_slice %arg4[%dma_wait3A_1646, %dma_wait3A_1647, %dma_wait3A_1648] : memref<16x232x768xf32, #tpu.memory_space<any>> -> memref<1x2x768xf32, #tpu.memory_space<any>>
    %dma_wait3A_1650 = tpu.memref_squeeze %dma_wait3A_1649 : memref<1x2x768xf32, #tpu.memory_space<any>> -> memref<2x768xf32, #tpu.memory_space<any>>
    %dma_wait3A_1651 = arith.constant 0 : i32
    %dma_wait3A_1652 = arith.constant 0 : i32
    %dma_wait3A_1653 = tpu.memref_slice %arg1[%dma_wait3A_1645, %dma_wait3A_1651, %dma_wait3A_1652] : memref<128x2x768xf32, #tpu.memory_space<vmem>> -> memref<1x2x768xf32, #tpu.memory_space<vmem>>
    %dma_wait3A_1654 = tpu.memref_squeeze %dma_wait3A_1653 : memref<1x2x768xf32, #tpu.memory_space<vmem>> -> memref<2x768xf32, #tpu.memory_space<vmem>>
    tpu.wait_dma2 semaphore(%arg7 : memref<!tpu.dma_semaphore, #tpu.memory_space<semaphore_mem>>) src(%dma_wait3A_1654 : memref<2x768xf32, #tpu.memory_space<vmem>>) dst(%dma_wait3A_1650 : memref<2x768xf32, #tpu.memory_space<any>>)
    %dma_wait3A_1655 = arith.constant 35 : i32
    %dma_wait3A_1656 = arith.constant 4 : i32
    %dma_wait3A_1657 = arith.constant 26 : i32
    %dma_wait3A_1658 = arith.constant 0 : i32
    %dma_wait3A_1659 = tpu.memref_slice %arg4[%dma_wait3A_1656, %dma_wait3A_1657, %dma_wait3A_1658] : memref<16x232x768xf32, #tpu.memory_space<any>> -> memref<1x2x768xf32, #tpu.memory_space<any>>
    %dma_wait3A_1660 = tpu.memref_squeeze %dma_wait3A_1659 : memref<1x2x768xf32, #tpu.memory_space<any>> -> memref<2x768xf32, #tpu.memory_space<any>>
    %dma_wait3A_1661 = arith.constant 0 : i32
    %dma_wait3A_1662 = arith.constant 0 : i32
    %dma_wait3A_1663 = tpu.memref_slice %arg1[%dma_wait3A_1655, %dma_wait3A_1661, %dma_wait3A_1662] : memref<128x2x768xf32, #tpu.memory_space<vmem>> -> memref<1x2x768xf32, #tpu.memory_space<vmem>>
    %dma_wait3A_1664 = tpu.memref_squeeze %dma_wait3A_1663 : memref<1x2x768xf32, #tpu.memory_space<vmem>> -> memref<2x768xf32, #tpu.memory_space<vmem>>
    tpu.wait_dma2 semaphore(%arg7 : memref<!tpu.dma_semaphore, #tpu.memory_space<semaphore_mem>>) src(%dma_wait3A_1664 : memref<2x768xf32, #tpu.memory_space<vmem>>) dst(%dma_wait3A_1660 : memref<2x768xf32, #tpu.memory_space<any>>)
    %dma_wait3A_1665 = arith.constant 36 : i32
    %dma_wait3A_1666 = arith.constant 4 : i32
    %dma_wait3A_1667 = arith.constant 28 : i32
    %dma_wait3A_1668 = arith.constant 0 : i32
    %dma_wait3A_1669 = tpu.memref_slice %arg4[%dma_wait3A_1666, %dma_wait3A_1667, %dma_wait3A_1668] : memref<16x232x768xf32, #tpu.memory_space<any>> -> memref<1x2x768xf32, #tpu.memory_space<any>>
    %dma_wait3A_1670 = tpu.memref_squeeze %dma_wait3A_1669 : memref<1x2x768xf32, #tpu.memory_space<any>> -> memref<2x768xf32, #tpu.memory_space<any>>
    %dma_wait3A_1671 = arith.constant 0 : i32
    %dma_wait3A_1672 = arith.constant 0 : i32
    %dma_wait3A_1673 = tpu.memref_slice %arg1[%dma_wait3A_1665, %dma_wait3A_1671, %dma_wait3A_1672] : memref<128x2x768xf32, #tpu.memory_space<vmem>> -> memref<1x2x768xf32, #tpu.memory_space<vmem>>
    %dma_wait3A_1674 = tpu.memref_squeeze %dma_wait3A_1673 : memref<1x2x768xf32, #tpu.memory_space<vmem>> -> memref<2x768xf32, #tpu.memory_space<vmem>>
    tpu.wait_dma2 semaphore(%arg7 : memref<!tpu.dma_semaphore, #tpu.memory_space<semaphore_mem>>) src(%dma_wait3A_1674 : memref<2x768xf32, #tpu.memory_space<vmem>>) dst(%dma_wait3A_1670 : memref<2x768xf32, #tpu.memory_space<any>>)
    %dma_wait3A_1675 = arith.constant 37 : i32
    %dma_wait3A_1676 = arith.constant 4 : i32
    %dma_wait3A_1677 = arith.constant 30 : i32
    %dma_wait3A_1678 = arith.constant 0 : i32
    %dma_wait3A_1679 = tpu.memref_slice %arg4[%dma_wait3A_1676, %dma_wait3A_1677, %dma_wait3A_1678] : memref<16x232x768xf32, #tpu.memory_space<any>> -> memref<1x2x768xf32, #tpu.memory_space<any>>
    %dma_wait3A_1680 = tpu.memref_squeeze %dma_wait3A_1679 : memref<1x2x768xf32, #tpu.memory_space<any>> -> memref<2x768xf32, #tpu.memory_space<any>>
    %dma_wait3A_1681 = arith.constant 0 : i32
    %dma_wait3A_1682 = arith.constant 0 : i32
    %dma_wait3A_1683 = tpu.memref_slice %arg1[%dma_wait3A_1675, %dma_wait3A_1681, %dma_wait3A_1682] : memref<128x2x768xf32, #tpu.memory_space<vmem>> -> memref<1x2x768xf32, #tpu.memory_space<vmem>>
    %dma_wait3A_1684 = tpu.memref_squeeze %dma_wait3A_1683 : memref<1x2x768xf32, #tpu.memory_space<vmem>> -> memref<2x768xf32, #tpu.memory_space<vmem>>
    tpu.wait_dma2 semaphore(%arg7 : memref<!tpu.dma_semaphore, #tpu.memory_space<semaphore_mem>>) src(%dma_wait3A_1684 : memref<2x768xf32, #tpu.memory_space<vmem>>) dst(%dma_wait3A_1680 : memref<2x768xf32, #tpu.memory_space<any>>)
    %dma_wait3A_1685 = arith.constant 38 : i32
    %dma_wait3A_1686 = arith.constant 4 : i32
    %dma_wait3A_1687 = arith.constant 32 : i32
    %dma_wait3A_1688 = arith.constant 0 : i32
    %dma_wait3A_1689 = tpu.memref_slice %arg4[%dma_wait3A_1686, %dma_wait3A_1687, %dma_wait3A_1688] : memref<16x232x768xf32, #tpu.memory_space<any>> -> memref<1x2x768xf32, #tpu.memory_space<any>>
    %dma_wait3A_1690 = tpu.memref_squeeze %dma_wait3A_1689 : memref<1x2x768xf32, #tpu.memory_space<any>> -> memref<2x768xf32, #tpu.memory_space<any>>
    %dma_wait3A_1691 = arith.constant 0 : i32
    %dma_wait3A_1692 = arith.constant 0 : i32
    %dma_wait3A_1693 = tpu.memref_slice %arg1[%dma_wait3A_1685, %dma_wait3A_1691, %dma_wait3A_1692] : memref<128x2x768xf32, #tpu.memory_space<vmem>> -> memref<1x2x768xf32, #tpu.memory_space<vmem>>
    %dma_wait3A_1694 = tpu.memref_squeeze %dma_wait3A_1693 : memref<1x2x768xf32, #tpu.memory_space<vmem>> -> memref<2x768xf32, #tpu.memory_space<vmem>>
    tpu.wait_dma2 semaphore(%arg7 : memref<!tpu.dma_semaphore, #tpu.memory_space<semaphore_mem>>) src(%dma_wait3A_1694 : memref<2x768xf32, #tpu.memory_space<vmem>>) dst(%dma_wait3A_1690 : memref<2x768xf32, #tpu.memory_space<any>>)
    %dma_wait3A_1695 = arith.constant 39 : i32
    %dma_wait3A_1696 = arith.constant 4 : i32
    %dma_wait3A_1697 = arith.constant 34 : i32
    %dma_wait3A_1698 = arith.constant 0 : i32
    %dma_wait3A_1699 = tpu.memref_slice %arg4[%dma_wait3A_1696, %dma_wait3A_1697, %dma_wait3A_1698] : memref<16x232x768xf32, #tpu.memory_space<any>> -> memref<1x2x768xf32, #tpu.memory_space<any>>
    %dma_wait3A_1700 = tpu.memref_squeeze %dma_wait3A_1699 : memref<1x2x768xf32, #tpu.memory_space<any>> -> memref<2x768xf32, #tpu.memory_space<any>>
    %dma_wait3A_1701 = arith.constant 0 : i32
    %dma_wait3A_1702 = arith.constant 0 : i32
    %dma_wait3A_1703 = tpu.memref_slice %arg1[%dma_wait3A_1695, %dma_wait3A_1701, %dma_wait3A_1702] : memref<128x2x768xf32, #tpu.memory_space<vmem>> -> memref<1x2x768xf32, #tpu.memory_space<vmem>>
    %dma_wait3A_1704 = tpu.memref_squeeze %dma_wait3A_1703 : memref<1x2x768xf32, #tpu.memory_space<vmem>> -> memref<2x768xf32, #tpu.memory_space<vmem>>
    tpu.wait_dma2 semaphore(%arg7 : memref<!tpu.dma_semaphore, #tpu.memory_space<semaphore_mem>>) src(%dma_wait3A_1704 : memref<2x768xf32, #tpu.memory_space<vmem>>) dst(%dma_wait3A_1700 : memref<2x768xf32, #tpu.memory_space<any>>)
    %dma_wait3A_1705 = arith.constant 40 : i32
    %dma_wait3A_1706 = arith.constant 5 : i32
    %dma_wait3A_1707 = arith.constant 20 : i32
    %dma_wait3A_1708 = arith.constant 0 : i32
    %dma_wait3A_1709 = tpu.memref_slice %arg4[%dma_wait3A_1706, %dma_wait3A_1707, %dma_wait3A_1708] : memref<16x232x768xf32, #tpu.memory_space<any>> -> memref<1x2x768xf32, #tpu.memory_space<any>>
    %dma_wait3A_1710 = tpu.memref_squeeze %dma_wait3A_1709 : memref<1x2x768xf32, #tpu.memory_space<any>> -> memref<2x768xf32, #tpu.memory_space<any>>
    %dma_wait3A_1711 = arith.constant 0 : i32
    %dma_wait3A_1712 = arith.constant 0 : i32
    %dma_wait3A_1713 = tpu.memref_slice %arg1[%dma_wait3A_1705, %dma_wait3A_1711, %dma_wait3A_1712] : memref<128x2x768xf32, #tpu.memory_space<vmem>> -> memref<1x2x768xf32, #tpu.memory_space<vmem>>
    %dma_wait3A_1714 = tpu.memref_squeeze %dma_wait3A_1713 : memref<1x2x768xf32, #tpu.memory_space<vmem>> -> memref<2x768xf32, #tpu.memory_space<vmem>>
    tpu.wait_dma2 semaphore(%arg7 : memref<!tpu.dma_semaphore, #tpu.memory_space<semaphore_mem>>) src(%dma_wait3A_1714 : memref<2x768xf32, #tpu.memory_space<vmem>>) dst(%dma_wait3A_1710 : memref<2x768xf32, #tpu.memory_space<any>>)
    %dma_wait3A_1715 = arith.constant 41 : i32
    %dma_wait3A_1716 = arith.constant 5 : i32
    %dma_wait3A_1717 = arith.constant 22 : i32
    %dma_wait3A_1718 = arith.constant 0 : i32
    %dma_wait3A_1719 = tpu.memref_slice %arg4[%dma_wait3A_1716, %dma_wait3A_1717, %dma_wait3A_1718] : memref<16x232x768xf32, #tpu.memory_space<any>> -> memref<1x2x768xf32, #tpu.memory_space<any>>
    %dma_wait3A_1720 = tpu.memref_squeeze %dma_wait3A_1719 : memref<1x2x768xf32, #tpu.memory_space<any>> -> memref<2x768xf32, #tpu.memory_space<any>>
    %dma_wait3A_1721 = arith.constant 0 : i32
    %dma_wait3A_1722 = arith.constant 0 : i32
    %dma_wait3A_1723 = tpu.memref_slice %arg1[%dma_wait3A_1715, %dma_wait3A_1721, %dma_wait3A_1722] : memref<128x2x768xf32, #tpu.memory_space<vmem>> -> memref<1x2x768xf32, #tpu.memory_space<vmem>>
    %dma_wait3A_1724 = tpu.memref_squeeze %dma_wait3A_1723 : memref<1x2x768xf32, #tpu.memory_space<vmem>> -> memref<2x768xf32, #tpu.memory_space<vmem>>
    tpu.wait_dma2 semaphore(%arg7 : memref<!tpu.dma_semaphore, #tpu.memory_space<semaphore_mem>>) src(%dma_wait3A_1724 : memref<2x768xf32, #tpu.memory_space<vmem>>) dst(%dma_wait3A_1720 : memref<2x768xf32, #tpu.memory_space<any>>)
    %dma_wait3A_1725 = arith.constant 42 : i32
    %dma_wait3A_1726 = arith.constant 5 : i32
    %dma_wait3A_1727 = arith.constant 24 : i32
    %dma_wait3A_1728 = arith.constant 0 : i32
    %dma_wait3A_1729 = tpu.memref_slice %arg4[%dma_wait3A_1726, %dma_wait3A_1727, %dma_wait3A_1728] : memref<16x232x768xf32, #tpu.memory_space<any>> -> memref<1x2x768xf32, #tpu.memory_space<any>>
    %dma_wait3A_1730 = tpu.memref_squeeze %dma_wait3A_1729 : memref<1x2x768xf32, #tpu.memory_space<any>> -> memref<2x768xf32, #tpu.memory_space<any>>
    %dma_wait3A_1731 = arith.constant 0 : i32
    %dma_wait3A_1732 = arith.constant 0 : i32
    %dma_wait3A_1733 = tpu.memref_slice %arg1[%dma_wait3A_1725, %dma_wait3A_1731, %dma_wait3A_1732] : memref<128x2x768xf32, #tpu.memory_space<vmem>> -> memref<1x2x768xf32, #tpu.memory_space<vmem>>
    %dma_wait3A_1734 = tpu.memref_squeeze %dma_wait3A_1733 : memref<1x2x768xf32, #tpu.memory_space<vmem>> -> memref<2x768xf32, #tpu.memory_space<vmem>>
    tpu.wait_dma2 semaphore(%arg7 : memref<!tpu.dma_semaphore, #tpu.memory_space<semaphore_mem>>) src(%dma_wait3A_1734 : memref<2x768xf32, #tpu.memory_space<vmem>>) dst(%dma_wait3A_1730 : memref<2x768xf32, #tpu.memory_space<any>>)
    %dma_wait3A_1735 = arith.constant 43 : i32
    %dma_wait3A_1736 = arith.constant 5 : i32
    %dma_wait3A_1737 = arith.constant 26 : i32
    %dma_wait3A_1738 = arith.constant 0 : i32
    %dma_wait3A_1739 = tpu.memref_slice %arg4[%dma_wait3A_1736, %dma_wait3A_1737, %dma_wait3A_1738] : memref<16x232x768xf32, #tpu.memory_space<any>> -> memref<1x2x768xf32, #tpu.memory_space<any>>
    %dma_wait3A_1740 = tpu.memref_squeeze %dma_wait3A_1739 : memref<1x2x768xf32, #tpu.memory_space<any>> -> memref<2x768xf32, #tpu.memory_space<any>>
    %dma_wait3A_1741 = arith.constant 0 : i32
    %dma_wait3A_1742 = arith.constant 0 : i32
    %dma_wait3A_1743 = tpu.memref_slice %arg1[%dma_wait3A_1735, %dma_wait3A_1741, %dma_wait3A_1742] : memref<128x2x768xf32, #tpu.memory_space<vmem>> -> memref<1x2x768xf32, #tpu.memory_space<vmem>>
    %dma_wait3A_1744 = tpu.memref_squeeze %dma_wait3A_1743 : memref<1x2x768xf32, #tpu.memory_space<vmem>> -> memref<2x768xf32, #tpu.memory_space<vmem>>
    tpu.wait_dma2 semaphore(%arg7 : memref<!tpu.dma_semaphore, #tpu.memory_space<semaphore_mem>>) src(%dma_wait3A_1744 : memref<2x768xf32, #tpu.memory_space<vmem>>) dst(%dma_wait3A_1740 : memref<2x768xf32, #tpu.memory_space<any>>)
    %dma_wait3A_1745 = arith.constant 44 : i32
    %dma_wait3A_1746 = arith.constant 5 : i32
    %dma_wait3A_1747 = arith.constant 28 : i32
    %dma_wait3A_1748 = arith.constant 0 : i32
    %dma_wait3A_1749 = tpu.memref_slice %arg4[%dma_wait3A_1746, %dma_wait3A_1747, %dma_wait3A_1748] : memref<16x232x768xf32, #tpu.memory_space<any>> -> memref<1x2x768xf32, #tpu.memory_space<any>>
    %dma_wait3A_1750 = tpu.memref_squeeze %dma_wait3A_1749 : memref<1x2x768xf32, #tpu.memory_space<any>> -> memref<2x768xf32, #tpu.memory_space<any>>
    %dma_wait3A_1751 = arith.constant 0 : i32
    %dma_wait3A_1752 = arith.constant 0 : i32
    %dma_wait3A_1753 = tpu.memref_slice %arg1[%dma_wait3A_1745, %dma_wait3A_1751, %dma_wait3A_1752] : memref<128x2x768xf32, #tpu.memory_space<vmem>> -> memref<1x2x768xf32, #tpu.memory_space<vmem>>
    %dma_wait3A_1754 = tpu.memref_squeeze %dma_wait3A_1753 : memref<1x2x768xf32, #tpu.memory_space<vmem>> -> memref<2x768xf32, #tpu.memory_space<vmem>>
    tpu.wait_dma2 semaphore(%arg7 : memref<!tpu.dma_semaphore, #tpu.memory_space<semaphore_mem>>) src(%dma_wait3A_1754 : memref<2x768xf32, #tpu.memory_space<vmem>>) dst(%dma_wait3A_1750 : memref<2x768xf32, #tpu.memory_space<any>>)
    %dma_wait3A_1755 = arith.constant 45 : i32
    %dma_wait3A_1756 = arith.constant 5 : i32
    %dma_wait3A_1757 = arith.constant 30 : i32
    %dma_wait3A_1758 = arith.constant 0 : i32
    %dma_wait3A_1759 = tpu.memref_slice %arg4[%dma_wait3A_1756, %dma_wait3A_1757, %dma_wait3A_1758] : memref<16x232x768xf32, #tpu.memory_space<any>> -> memref<1x2x768xf32, #tpu.memory_space<any>>
    %dma_wait3A_1760 = tpu.memref_squeeze %dma_wait3A_1759 : memref<1x2x768xf32, #tpu.memory_space<any>> -> memref<2x768xf32, #tpu.memory_space<any>>
    %dma_wait3A_1761 = arith.constant 0 : i32
    %dma_wait3A_1762 = arith.constant 0 : i32
    %dma_wait3A_1763 = tpu.memref_slice %arg1[%dma_wait3A_1755, %dma_wait3A_1761, %dma_wait3A_1762] : memref<128x2x768xf32, #tpu.memory_space<vmem>> -> memref<1x2x768xf32, #tpu.memory_space<vmem>>
    %dma_wait3A_1764 = tpu.memref_squeeze %dma_wait3A_1763 : memref<1x2x768xf32, #tpu.memory_space<vmem>> -> memref<2x768xf32, #tpu.memory_space<vmem>>
    tpu.wait_dma2 semaphore(%arg7 : memref<!tpu.dma_semaphore, #tpu.memory_space<semaphore_mem>>) src(%dma_wait3A_1764 : memref<2x768xf32, #tpu.memory_space<vmem>>) dst(%dma_wait3A_1760 : memref<2x768xf32, #tpu.memory_space<any>>)
    %dma_wait3A_1765 = arith.constant 46 : i32
    %dma_wait3A_1766 = arith.constant 5 : i32
    %dma_wait3A_1767 = arith.constant 32 : i32
    %dma_wait3A_1768 = arith.constant 0 : i32
    %dma_wait3A_1769 = tpu.memref_slice %arg4[%dma_wait3A_1766, %dma_wait3A_1767, %dma_wait3A_1768] : memref<16x232x768xf32, #tpu.memory_space<any>> -> memref<1x2x768xf32, #tpu.memory_space<any>>
    %dma_wait3A_1770 = tpu.memref_squeeze %dma_wait3A_1769 : memref<1x2x768xf32, #tpu.memory_space<any>> -> memref<2x768xf32, #tpu.memory_space<any>>
    %dma_wait3A_1771 = arith.constant 0 : i32
    %dma_wait3A_1772 = arith.constant 0 : i32
    %dma_wait3A_1773 = tpu.memref_slice %arg1[%dma_wait3A_1765, %dma_wait3A_1771, %dma_wait3A_1772] : memref<128x2x768xf32, #tpu.memory_space<vmem>> -> memref<1x2x768xf32, #tpu.memory_space<vmem>>
    %dma_wait3A_1774 = tpu.memref_squeeze %dma_wait3A_1773 : memref<1x2x768xf32, #tpu.memory_space<vmem>> -> memref<2x768xf32, #tpu.memory_space<vmem>>
    tpu.wait_dma2 semaphore(%arg7 : memref<!tpu.dma_semaphore, #tpu.memory_space<semaphore_mem>>) src(%dma_wait3A_1774 : memref<2x768xf32, #tpu.memory_space<vmem>>) dst(%dma_wait3A_1770 : memref<2x768xf32, #tpu.memory_space<any>>)
    %dma_wait3A_1775 = arith.constant 47 : i32
    %dma_wait3A_1776 = arith.constant 5 : i32
    %dma_wait3A_1777 = arith.constant 34 : i32
    %dma_wait3A_1778 = arith.constant 0 : i32
    %dma_wait3A_1779 = tpu.memref_slice %arg4[%dma_wait3A_1776, %dma_wait3A_1777, %dma_wait3A_1778] : memref<16x232x768xf32, #tpu.memory_space<any>> -> memref<1x2x768xf32, #tpu.memory_space<any>>
    %dma_wait3A_1780 = tpu.memref_squeeze %dma_wait3A_1779 : memref<1x2x768xf32, #tpu.memory_space<any>> -> memref<2x768xf32, #tpu.memory_space<any>>
    %dma_wait3A_1781 = arith.constant 0 : i32
    %dma_wait3A_1782 = arith.constant 0 : i32
    %dma_wait3A_1783 = tpu.memref_slice %arg1[%dma_wait3A_1775, %dma_wait3A_1781, %dma_wait3A_1782] : memref<128x2x768xf32, #tpu.memory_space<vmem>> -> memref<1x2x768xf32, #tpu.memory_space<vmem>>
    %dma_wait3A_1784 = tpu.memref_squeeze %dma_wait3A_1783 : memref<1x2x768xf32, #tpu.memory_space<vmem>> -> memref<2x768xf32, #tpu.memory_space<vmem>>
    tpu.wait_dma2 semaphore(%arg7 : memref<!tpu.dma_semaphore, #tpu.memory_space<semaphore_mem>>) src(%dma_wait3A_1784 : memref<2x768xf32, #tpu.memory_space<vmem>>) dst(%dma_wait3A_1780 : memref<2x768xf32, #tpu.memory_space<any>>)
    %dma_wait3A_1785 = arith.constant 48 : i32
    %dma_wait3A_1786 = arith.constant 6 : i32
    %dma_wait3A_1787 = arith.constant 20 : i32
    %dma_wait3A_1788 = arith.constant 0 : i32
    %dma_wait3A_1789 = tpu.memref_slice %arg4[%dma_wait3A_1786, %dma_wait3A_1787, %dma_wait3A_1788] : memref<16x232x768xf32, #tpu.memory_space<any>> -> memref<1x2x768xf32, #tpu.memory_space<any>>
    %dma_wait3A_1790 = tpu.memref_squeeze %dma_wait3A_1789 : memref<1x2x768xf32, #tpu.memory_space<any>> -> memref<2x768xf32, #tpu.memory_space<any>>
    %dma_wait3A_1791 = arith.constant 0 : i32
    %dma_wait3A_1792 = arith.constant 0 : i32
    %dma_wait3A_1793 = tpu.memref_slice %arg1[%dma_wait3A_1785, %dma_wait3A_1791, %dma_wait3A_1792] : memref<128x2x768xf32, #tpu.memory_space<vmem>> -> memref<1x2x768xf32, #tpu.memory_space<vmem>>
    %dma_wait3A_1794 = tpu.memref_squeeze %dma_wait3A_1793 : memref<1x2x768xf32, #tpu.memory_space<vmem>> -> memref<2x768xf32, #tpu.memory_space<vmem>>
    tpu.wait_dma2 semaphore(%arg7 : memref<!tpu.dma_semaphore, #tpu.memory_space<semaphore_mem>>) src(%dma_wait3A_1794 : memref<2x768xf32, #tpu.memory_space<vmem>>) dst(%dma_wait3A_1790 : memref<2x768xf32, #tpu.memory_space<any>>)
    %dma_wait3A_1795 = arith.constant 49 : i32
    %dma_wait3A_1796 = arith.constant 6 : i32
    %dma_wait3A_1797 = arith.constant 22 : i32
    %dma_wait3A_1798 = arith.constant 0 : i32
    %dma_wait3A_1799 = tpu.memref_slice %arg4[%dma_wait3A_1796, %dma_wait3A_1797, %dma_wait3A_1798] : memref<16x232x768xf32, #tpu.memory_space<any>> -> memref<1x2x768xf32, #tpu.memory_space<any>>
    %dma_wait3A_1800 = tpu.memref_squeeze %dma_wait3A_1799 : memref<1x2x768xf32, #tpu.memory_space<any>> -> memref<2x768xf32, #tpu.memory_space<any>>
    %dma_wait3A_1801 = arith.constant 0 : i32
    %dma_wait3A_1802 = arith.constant 0 : i32
    %dma_wait3A_1803 = tpu.memref_slice %arg1[%dma_wait3A_1795, %dma_wait3A_1801, %dma_wait3A_1802] : memref<128x2x768xf32, #tpu.memory_space<vmem>> -> memref<1x2x768xf32, #tpu.memory_space<vmem>>
    %dma_wait3A_1804 = tpu.memref_squeeze %dma_wait3A_1803 : memref<1x2x768xf32, #tpu.memory_space<vmem>> -> memref<2x768xf32, #tpu.memory_space<vmem>>
    tpu.wait_dma2 semaphore(%arg7 : memref<!tpu.dma_semaphore, #tpu.memory_space<semaphore_mem>>) src(%dma_wait3A_1804 : memref<2x768xf32, #tpu.memory_space<vmem>>) dst(%dma_wait3A_1800 : memref<2x768xf32, #tpu.memory_space<any>>)
    %dma_wait3A_1805 = arith.constant 50 : i32
    %dma_wait3A_1806 = arith.constant 6 : i32
    %dma_wait3A_1807 = arith.constant 24 : i32
    %dma_wait3A_1808 = arith.constant 0 : i32
    %dma_wait3A_1809 = tpu.memref_slice %arg4[%dma_wait3A_1806, %dma_wait3A_1807, %dma_wait3A_1808] : memref<16x232x768xf32, #tpu.memory_space<any>> -> memref<1x2x768xf32, #tpu.memory_space<any>>
    %dma_wait3A_1810 = tpu.memref_squeeze %dma_wait3A_1809 : memref<1x2x768xf32, #tpu.memory_space<any>> -> memref<2x768xf32, #tpu.memory_space<any>>
    %dma_wait3A_1811 = arith.constant 0 : i32
    %dma_wait3A_1812 = arith.constant 0 : i32
    %dma_wait3A_1813 = tpu.memref_slice %arg1[%dma_wait3A_1805, %dma_wait3A_1811, %dma_wait3A_1812] : memref<128x2x768xf32, #tpu.memory_space<vmem>> -> memref<1x2x768xf32, #tpu.memory_space<vmem>>
    %dma_wait3A_1814 = tpu.memref_squeeze %dma_wait3A_1813 : memref<1x2x768xf32, #tpu.memory_space<vmem>> -> memref<2x768xf32, #tpu.memory_space<vmem>>
    tpu.wait_dma2 semaphore(%arg7 : memref<!tpu.dma_semaphore, #tpu.memory_space<semaphore_mem>>) src(%dma_wait3A_1814 : memref<2x768xf32, #tpu.memory_space<vmem>>) dst(%dma_wait3A_1810 : memref<2x768xf32, #tpu.memory_space<any>>)
    %dma_wait3A_1815 = arith.constant 51 : i32
    %dma_wait3A_1816 = arith.constant 6 : i32
    %dma_wait3A_1817 = arith.constant 26 : i32
    %dma_wait3A_1818 = arith.constant 0 : i32
    %dma_wait3A_1819 = tpu.memref_slice %arg4[%dma_wait3A_1816, %dma_wait3A_1817, %dma_wait3A_1818] : memref<16x232x768xf32, #tpu.memory_space<any>> -> memref<1x2x768xf32, #tpu.memory_space<any>>
    %dma_wait3A_1820 = tpu.memref_squeeze %dma_wait3A_1819 : memref<1x2x768xf32, #tpu.memory_space<any>> -> memref<2x768xf32, #tpu.memory_space<any>>
    %dma_wait3A_1821 = arith.constant 0 : i32
    %dma_wait3A_1822 = arith.constant 0 : i32
    %dma_wait3A_1823 = tpu.memref_slice %arg1[%dma_wait3A_1815, %dma_wait3A_1821, %dma_wait3A_1822] : memref<128x2x768xf32, #tpu.memory_space<vmem>> -> memref<1x2x768xf32, #tpu.memory_space<vmem>>
    %dma_wait3A_1824 = tpu.memref_squeeze %dma_wait3A_1823 : memref<1x2x768xf32, #tpu.memory_space<vmem>> -> memref<2x768xf32, #tpu.memory_space<vmem>>
    tpu.wait_dma2 semaphore(%arg7 : memref<!tpu.dma_semaphore, #tpu.memory_space<semaphore_mem>>) src(%dma_wait3A_1824 : memref<2x768xf32, #tpu.memory_space<vmem>>) dst(%dma_wait3A_1820 : memref<2x768xf32, #tpu.memory_space<any>>)
    %dma_wait3A_1825 = arith.constant 52 : i32
    %dma_wait3A_1826 = arith.constant 6 : i32
    %dma_wait3A_1827 = arith.constant 28 : i32
    %dma_wait3A_1828 = arith.constant 0 : i32
    %dma_wait3A_1829 = tpu.memref_slice %arg4[%dma_wait3A_1826, %dma_wait3A_1827, %dma_wait3A_1828] : memref<16x232x768xf32, #tpu.memory_space<any>> -> memref<1x2x768xf32, #tpu.memory_space<any>>
    %dma_wait3A_1830 = tpu.memref_squeeze %dma_wait3A_1829 : memref<1x2x768xf32, #tpu.memory_space<any>> -> memref<2x768xf32, #tpu.memory_space<any>>
    %dma_wait3A_1831 = arith.constant 0 : i32
    %dma_wait3A_1832 = arith.constant 0 : i32
    %dma_wait3A_1833 = tpu.memref_slice %arg1[%dma_wait3A_1825, %dma_wait3A_1831, %dma_wait3A_1832] : memref<128x2x768xf32, #tpu.memory_space<vmem>> -> memref<1x2x768xf32, #tpu.memory_space<vmem>>
    %dma_wait3A_1834 = tpu.memref_squeeze %dma_wait3A_1833 : memref<1x2x768xf32, #tpu.memory_space<vmem>> -> memref<2x768xf32, #tpu.memory_space<vmem>>
    tpu.wait_dma2 semaphore(%arg7 : memref<!tpu.dma_semaphore, #tpu.memory_space<semaphore_mem>>) src(%dma_wait3A_1834 : memref<2x768xf32, #tpu.memory_space<vmem>>) dst(%dma_wait3A_1830 : memref<2x768xf32, #tpu.memory_space<any>>)
    %dma_wait3A_1835 = arith.constant 53 : i32
    %dma_wait3A_1836 = arith.constant 6 : i32
    %dma_wait3A_1837 = arith.constant 30 : i32
    %dma_wait3A_1838 = arith.constant 0 : i32
    %dma_wait3A_1839 = tpu.memref_slice %arg4[%dma_wait3A_1836, %dma_wait3A_1837, %dma_wait3A_1838] : memref<16x232x768xf32, #tpu.memory_space<any>> -> memref<1x2x768xf32, #tpu.memory_space<any>>
    %dma_wait3A_1840 = tpu.memref_squeeze %dma_wait3A_1839 : memref<1x2x768xf32, #tpu.memory_space<any>> -> memref<2x768xf32, #tpu.memory_space<any>>
    %dma_wait3A_1841 = arith.constant 0 : i32
    %dma_wait3A_1842 = arith.constant 0 : i32
    %dma_wait3A_1843 = tpu.memref_slice %arg1[%dma_wait3A_1835, %dma_wait3A_1841, %dma_wait3A_1842] : memref<128x2x768xf32, #tpu.memory_space<vmem>> -> memref<1x2x768xf32, #tpu.memory_space<vmem>>
    %dma_wait3A_1844 = tpu.memref_squeeze %dma_wait3A_1843 : memref<1x2x768xf32, #tpu.memory_space<vmem>> -> memref<2x768xf32, #tpu.memory_space<vmem>>
    tpu.wait_dma2 semaphore(%arg7 : memref<!tpu.dma_semaphore, #tpu.memory_space<semaphore_mem>>) src(%dma_wait3A_1844 : memref<2x768xf32, #tpu.memory_space<vmem>>) dst(%dma_wait3A_1840 : memref<2x768xf32, #tpu.memory_space<any>>)
    %dma_wait3A_1845 = arith.constant 54 : i32
    %dma_wait3A_1846 = arith.constant 6 : i32
    %dma_wait3A_1847 = arith.constant 32 : i32
    %dma_wait3A_1848 = arith.constant 0 : i32
    %dma_wait3A_1849 = tpu.memref_slice %arg4[%dma_wait3A_1846, %dma_wait3A_1847, %dma_wait3A_1848] : memref<16x232x768xf32, #tpu.memory_space<any>> -> memref<1x2x768xf32, #tpu.memory_space<any>>
    %dma_wait3A_1850 = tpu.memref_squeeze %dma_wait3A_1849 : memref<1x2x768xf32, #tpu.memory_space<any>> -> memref<2x768xf32, #tpu.memory_space<any>>
    %dma_wait3A_1851 = arith.constant 0 : i32
    %dma_wait3A_1852 = arith.constant 0 : i32
    %dma_wait3A_1853 = tpu.memref_slice %arg1[%dma_wait3A_1845, %dma_wait3A_1851, %dma_wait3A_1852] : memref<128x2x768xf32, #tpu.memory_space<vmem>> -> memref<1x2x768xf32, #tpu.memory_space<vmem>>
    %dma_wait3A_1854 = tpu.memref_squeeze %dma_wait3A_1853 : memref<1x2x768xf32, #tpu.memory_space<vmem>> -> memref<2x768xf32, #tpu.memory_space<vmem>>
    tpu.wait_dma2 semaphore(%arg7 : memref<!tpu.dma_semaphore, #tpu.memory_space<semaphore_mem>>) src(%dma_wait3A_1854 : memref<2x768xf32, #tpu.memory_space<vmem>>) dst(%dma_wait3A_1850 : memref<2x768xf32, #tpu.memory_space<any>>)
    %dma_wait3A_1855 = arith.constant 55 : i32
    %dma_wait3A_1856 = arith.constant 6 : i32
    %dma_wait3A_1857 = arith.constant 34 : i32
    %dma_wait3A_1858 = arith.constant 0 : i32
    %dma_wait3A_1859 = tpu.memref_slice %arg4[%dma_wait3A_1856, %dma_wait3A_1857, %dma_wait3A_1858] : memref<16x232x768xf32, #tpu.memory_space<any>> -> memref<1x2x768xf32, #tpu.memory_space<any>>
    %dma_wait3A_1860 = tpu.memref_squeeze %dma_wait3A_1859 : memref<1x2x768xf32, #tpu.memory_space<any>> -> memref<2x768xf32, #tpu.memory_space<any>>
    %dma_wait3A_1861 = arith.constant 0 : i32
    %dma_wait3A_1862 = arith.constant 0 : i32
    %dma_wait3A_1863 = tpu.memref_slice %arg1[%dma_wait3A_1855, %dma_wait3A_1861, %dma_wait3A_1862] : memref<128x2x768xf32, #tpu.memory_space<vmem>> -> memref<1x2x768xf32, #tpu.memory_space<vmem>>
    %dma_wait3A_1864 = tpu.memref_squeeze %dma_wait3A_1863 : memref<1x2x768xf32, #tpu.memory_space<vmem>> -> memref<2x768xf32, #tpu.memory_space<vmem>>
    tpu.wait_dma2 semaphore(%arg7 : memref<!tpu.dma_semaphore, #tpu.memory_space<semaphore_mem>>) src(%dma_wait3A_1864 : memref<2x768xf32, #tpu.memory_space<vmem>>) dst(%dma_wait3A_1860 : memref<2x768xf32, #tpu.memory_space<any>>)
    %dma_wait3A_1865 = arith.constant 56 : i32
    %dma_wait3A_1866 = arith.constant 7 : i32
    %dma_wait3A_1867 = arith.constant 20 : i32
    %dma_wait3A_1868 = arith.constant 0 : i32
    %dma_wait3A_1869 = tpu.memref_slice %arg4[%dma_wait3A_1866, %dma_wait3A_1867, %dma_wait3A_1868] : memref<16x232x768xf32, #tpu.memory_space<any>> -> memref<1x2x768xf32, #tpu.memory_space<any>>
    %dma_wait3A_1870 = tpu.memref_squeeze %dma_wait3A_1869 : memref<1x2x768xf32, #tpu.memory_space<any>> -> memref<2x768xf32, #tpu.memory_space<any>>
    %dma_wait3A_1871 = arith.constant 0 : i32
    %dma_wait3A_1872 = arith.constant 0 : i32
    %dma_wait3A_1873 = tpu.memref_slice %arg1[%dma_wait3A_1865, %dma_wait3A_1871, %dma_wait3A_1872] : memref<128x2x768xf32, #tpu.memory_space<vmem>> -> memref<1x2x768xf32, #tpu.memory_space<vmem>>
    %dma_wait3A_1874 = tpu.memref_squeeze %dma_wait3A_1873 : memref<1x2x768xf32, #tpu.memory_space<vmem>> -> memref<2x768xf32, #tpu.memory_space<vmem>>
    tpu.wait_dma2 semaphore(%arg7 : memref<!tpu.dma_semaphore, #tpu.memory_space<semaphore_mem>>) src(%dma_wait3A_1874 : memref<2x768xf32, #tpu.memory_space<vmem>>) dst(%dma_wait3A_1870 : memref<2x768xf32, #tpu.memory_space<any>>)
    %dma_wait3A_1875 = arith.constant 57 : i32
    %dma_wait3A_1876 = arith.constant 7 : i32
    %dma_wait3A_1877 = arith.constant 22 : i32
    %dma_wait3A_1878 = arith.constant 0 : i32
    %dma_wait3A_1879 = tpu.memref_slice %arg4[%dma_wait3A_1876, %dma_wait3A_1877, %dma_wait3A_1878] : memref<16x232x768xf32, #tpu.memory_space<any>> -> memref<1x2x768xf32, #tpu.memory_space<any>>
    %dma_wait3A_1880 = tpu.memref_squeeze %dma_wait3A_1879 : memref<1x2x768xf32, #tpu.memory_space<any>> -> memref<2x768xf32, #tpu.memory_space<any>>
    %dma_wait3A_1881 = arith.constant 0 : i32
    %dma_wait3A_1882 = arith.constant 0 : i32
    %dma_wait3A_1883 = tpu.memref_slice %arg1[%dma_wait3A_1875, %dma_wait3A_1881, %dma_wait3A_1882] : memref<128x2x768xf32, #tpu.memory_space<vmem>> -> memref<1x2x768xf32, #tpu.memory_space<vmem>>
    %dma_wait3A_1884 = tpu.memref_squeeze %dma_wait3A_1883 : memref<1x2x768xf32, #tpu.memory_space<vmem>> -> memref<2x768xf32, #tpu.memory_space<vmem>>
    tpu.wait_dma2 semaphore(%arg7 : memref<!tpu.dma_semaphore, #tpu.memory_space<semaphore_mem>>) src(%dma_wait3A_1884 : memref<2x768xf32, #tpu.memory_space<vmem>>) dst(%dma_wait3A_1880 : memref<2x768xf32, #tpu.memory_space<any>>)
    %dma_wait3A_1885 = arith.constant 58 : i32
    %dma_wait3A_1886 = arith.constant 7 : i32
    %dma_wait3A_1887 = arith.constant 24 : i32
    %dma_wait3A_1888 = arith.constant 0 : i32
    %dma_wait3A_1889 = tpu.memref_slice %arg4[%dma_wait3A_1886, %dma_wait3A_1887, %dma_wait3A_1888] : memref<16x232x768xf32, #tpu.memory_space<any>> -> memref<1x2x768xf32, #tpu.memory_space<any>>
    %dma_wait3A_1890 = tpu.memref_squeeze %dma_wait3A_1889 : memref<1x2x768xf32, #tpu.memory_space<any>> -> memref<2x768xf32, #tpu.memory_space<any>>
    %dma_wait3A_1891 = arith.constant 0 : i32
    %dma_wait3A_1892 = arith.constant 0 : i32
    %dma_wait3A_1893 = tpu.memref_slice %arg1[%dma_wait3A_1885, %dma_wait3A_1891, %dma_wait3A_1892] : memref<128x2x768xf32, #tpu.memory_space<vmem>> -> memref<1x2x768xf32, #tpu.memory_space<vmem>>
    %dma_wait3A_1894 = tpu.memref_squeeze %dma_wait3A_1893 : memref<1x2x768xf32, #tpu.memory_space<vmem>> -> memref<2x768xf32, #tpu.memory_space<vmem>>
    tpu.wait_dma2 semaphore(%arg7 : memref<!tpu.dma_semaphore, #tpu.memory_space<semaphore_mem>>) src(%dma_wait3A_1894 : memref<2x768xf32, #tpu.memory_space<vmem>>) dst(%dma_wait3A_1890 : memref<2x768xf32, #tpu.memory_space<any>>)
    %dma_wait3A_1895 = arith.constant 59 : i32
    %dma_wait3A_1896 = arith.constant 7 : i32
    %dma_wait3A_1897 = arith.constant 26 : i32
    %dma_wait3A_1898 = arith.constant 0 : i32
    %dma_wait3A_1899 = tpu.memref_slice %arg4[%dma_wait3A_1896, %dma_wait3A_1897, %dma_wait3A_1898] : memref<16x232x768xf32, #tpu.memory_space<any>> -> memref<1x2x768xf32, #tpu.memory_space<any>>
    %dma_wait3A_1900 = tpu.memref_squeeze %dma_wait3A_1899 : memref<1x2x768xf32, #tpu.memory_space<any>> -> memref<2x768xf32, #tpu.memory_space<any>>
    %dma_wait3A_1901 = arith.constant 0 : i32
    %dma_wait3A_1902 = arith.constant 0 : i32
    %dma_wait3A_1903 = tpu.memref_slice %arg1[%dma_wait3A_1895, %dma_wait3A_1901, %dma_wait3A_1902] : memref<128x2x768xf32, #tpu.memory_space<vmem>> -> memref<1x2x768xf32, #tpu.memory_space<vmem>>
    %dma_wait3A_1904 = tpu.memref_squeeze %dma_wait3A_1903 : memref<1x2x768xf32, #tpu.memory_space<vmem>> -> memref<2x768xf32, #tpu.memory_space<vmem>>
    tpu.wait_dma2 semaphore(%arg7 : memref<!tpu.dma_semaphore, #tpu.memory_space<semaphore_mem>>) src(%dma_wait3A_1904 : memref<2x768xf32, #tpu.memory_space<vmem>>) dst(%dma_wait3A_1900 : memref<2x768xf32, #tpu.memory_space<any>>)
    %dma_wait3A_1905 = arith.constant 60 : i32
    %dma_wait3A_1906 = arith.constant 7 : i32
    %dma_wait3A_1907 = arith.constant 28 : i32
    %dma_wait3A_1908 = arith.constant 0 : i32
    %dma_wait3A_1909 = tpu.memref_slice %arg4[%dma_wait3A_1906, %dma_wait3A_1907, %dma_wait3A_1908] : memref<16x232x768xf32, #tpu.memory_space<any>> -> memref<1x2x768xf32, #tpu.memory_space<any>>
    %dma_wait3A_1910 = tpu.memref_squeeze %dma_wait3A_1909 : memref<1x2x768xf32, #tpu.memory_space<any>> -> memref<2x768xf32, #tpu.memory_space<any>>
    %dma_wait3A_1911 = arith.constant 0 : i32
    %dma_wait3A_1912 = arith.constant 0 : i32
    %dma_wait3A_1913 = tpu.memref_slice %arg1[%dma_wait3A_1905, %dma_wait3A_1911, %dma_wait3A_1912] : memref<128x2x768xf32, #tpu.memory_space<vmem>> -> memref<1x2x768xf32, #tpu.memory_space<vmem>>
    %dma_wait3A_1914 = tpu.memref_squeeze %dma_wait3A_1913 : memref<1x2x768xf32, #tpu.memory_space<vmem>> -> memref<2x768xf32, #tpu.memory_space<vmem>>
    tpu.wait_dma2 semaphore(%arg7 : memref<!tpu.dma_semaphore, #tpu.memory_space<semaphore_mem>>) src(%dma_wait3A_1914 : memref<2x768xf32, #tpu.memory_space<vmem>>) dst(%dma_wait3A_1910 : memref<2x768xf32, #tpu.memory_space<any>>)
    %dma_wait3A_1915 = arith.constant 61 : i32
    %dma_wait3A_1916 = arith.constant 7 : i32
    %dma_wait3A_1917 = arith.constant 30 : i32
    %dma_wait3A_1918 = arith.constant 0 : i32
    %dma_wait3A_1919 = tpu.memref_slice %arg4[%dma_wait3A_1916, %dma_wait3A_1917, %dma_wait3A_1918] : memref<16x232x768xf32, #tpu.memory_space<any>> -> memref<1x2x768xf32, #tpu.memory_space<any>>
    %dma_wait3A_1920 = tpu.memref_squeeze %dma_wait3A_1919 : memref<1x2x768xf32, #tpu.memory_space<any>> -> memref<2x768xf32, #tpu.memory_space<any>>
    %dma_wait3A_1921 = arith.constant 0 : i32
    %dma_wait3A_1922 = arith.constant 0 : i32
    %dma_wait3A_1923 = tpu.memref_slice %arg1[%dma_wait3A_1915, %dma_wait3A_1921, %dma_wait3A_1922] : memref<128x2x768xf32, #tpu.memory_space<vmem>> -> memref<1x2x768xf32, #tpu.memory_space<vmem>>
    %dma_wait3A_1924 = tpu.memref_squeeze %dma_wait3A_1923 : memref<1x2x768xf32, #tpu.memory_space<vmem>> -> memref<2x768xf32, #tpu.memory_space<vmem>>
    tpu.wait_dma2 semaphore(%arg7 : memref<!tpu.dma_semaphore, #tpu.memory_space<semaphore_mem>>) src(%dma_wait3A_1924 : memref<2x768xf32, #tpu.memory_space<vmem>>) dst(%dma_wait3A_1920 : memref<2x768xf32, #tpu.memory_space<any>>)
    %dma_wait3A_1925 = arith.constant 62 : i32
    %dma_wait3A_1926 = arith.constant 7 : i32
    %dma_wait3A_1927 = arith.constant 32 : i32
    %dma_wait3A_1928 = arith.constant 0 : i32
    %dma_wait3A_1929 = tpu.memref_slice %arg4[%dma_wait3A_1926, %dma_wait3A_1927, %dma_wait3A_1928] : memref<16x232x768xf32, #tpu.memory_space<any>> -> memref<1x2x768xf32, #tpu.memory_space<any>>
    %dma_wait3A_1930 = tpu.memref_squeeze %dma_wait3A_1929 : memref<1x2x768xf32, #tpu.memory_space<any>> -> memref<2x768xf32, #tpu.memory_space<any>>
    %dma_wait3A_1931 = arith.constant 0 : i32
    %dma_wait3A_1932 = arith.constant 0 : i32
    %dma_wait3A_1933 = tpu.memref_slice %arg1[%dma_wait3A_1925, %dma_wait3A_1931, %dma_wait3A_1932] : memref<128x2x768xf32, #tpu.memory_space<vmem>> -> memref<1x2x768xf32, #tpu.memory_space<vmem>>
    %dma_wait3A_1934 = tpu.memref_squeeze %dma_wait3A_1933 : memref<1x2x768xf32, #tpu.memory_space<vmem>> -> memref<2x768xf32, #tpu.memory_space<vmem>>
    tpu.wait_dma2 semaphore(%arg7 : memref<!tpu.dma_semaphore, #tpu.memory_space<semaphore_mem>>) src(%dma_wait3A_1934 : memref<2x768xf32, #tpu.memory_space<vmem>>) dst(%dma_wait3A_1930 : memref<2x768xf32, #tpu.memory_space<any>>)
    %dma_wait3A_1935 = arith.constant 63 : i32
    %dma_wait3A_1936 = arith.constant 7 : i32
    %dma_wait3A_1937 = arith.constant 34 : i32
    %dma_wait3A_1938 = arith.constant 0 : i32
    %dma_wait3A_1939 = tpu.memref_slice %arg4[%dma_wait3A_1936, %dma_wait3A_1937, %dma_wait3A_1938] : memref<16x232x768xf32, #tpu.memory_space<any>> -> memref<1x2x768xf32, #tpu.memory_space<any>>
    %dma_wait3A_1940 = tpu.memref_squeeze %dma_wait3A_1939 : memref<1x2x768xf32, #tpu.memory_space<any>> -> memref<2x768xf32, #tpu.memory_space<any>>
    %dma_wait3A_1941 = arith.constant 0 : i32
    %dma_wait3A_1942 = arith.constant 0 : i32
    %dma_wait3A_1943 = tpu.memref_slice %arg1[%dma_wait3A_1935, %dma_wait3A_1941, %dma_wait3A_1942] : memref<128x2x768xf32, #tpu.memory_space<vmem>> -> memref<1x2x768xf32, #tpu.memory_space<vmem>>
    %dma_wait3A_1944 = tpu.memref_squeeze %dma_wait3A_1943 : memref<1x2x768xf32, #tpu.memory_space<vmem>> -> memref<2x768xf32, #tpu.memory_space<vmem>>
    tpu.wait_dma2 semaphore(%arg7 : memref<!tpu.dma_semaphore, #tpu.memory_space<semaphore_mem>>) src(%dma_wait3A_1944 : memref<2x768xf32, #tpu.memory_space<vmem>>) dst(%dma_wait3A_1940 : memref<2x768xf32, #tpu.memory_space<any>>)
    %dma_wait3A_1945 = arith.constant 64 : i32
    %dma_wait3A_1946 = arith.constant 8 : i32
    %dma_wait3A_1947 = arith.constant 20 : i32
    %dma_wait3A_1948 = arith.constant 0 : i32
    %dma_wait3A_1949 = tpu.memref_slice %arg4[%dma_wait3A_1946, %dma_wait3A_1947, %dma_wait3A_1948] : memref<16x232x768xf32, #tpu.memory_space<any>> -> memref<1x2x768xf32, #tpu.memory_space<any>>
    %dma_wait3A_1950 = tpu.memref_squeeze %dma_wait3A_1949 : memref<1x2x768xf32, #tpu.memory_space<any>> -> memref<2x768xf32, #tpu.memory_space<any>>
    %dma_wait3A_1951 = arith.constant 0 : i32
    %dma_wait3A_1952 = arith.constant 0 : i32
    %dma_wait3A_1953 = tpu.memref_slice %arg1[%dma_wait3A_1945, %dma_wait3A_1951, %dma_wait3A_1952] : memref<128x2x768xf32, #tpu.memory_space<vmem>> -> memref<1x2x768xf32, #tpu.memory_space<vmem>>
    %dma_wait3A_1954 = tpu.memref_squeeze %dma_wait3A_1953 : memref<1x2x768xf32, #tpu.memory_space<vmem>> -> memref<2x768xf32, #tpu.memory_space<vmem>>
    tpu.wait_dma2 semaphore(%arg7 : memref<!tpu.dma_semaphore, #tpu.memory_space<semaphore_mem>>) src(%dma_wait3A_1954 : memref<2x768xf32, #tpu.memory_space<vmem>>) dst(%dma_wait3A_1950 : memref<2x768xf32, #tpu.memory_space<any>>)
    %dma_wait3A_1955 = arith.constant 65 : i32
    %dma_wait3A_1956 = arith.constant 8 : i32
    %dma_wait3A_1957 = arith.constant 22 : i32
    %dma_wait3A_1958 = arith.constant 0 : i32
    %dma_wait3A_1959 = tpu.memref_slice %arg4[%dma_wait3A_1956, %dma_wait3A_1957, %dma_wait3A_1958] : memref<16x232x768xf32, #tpu.memory_space<any>> -> memref<1x2x768xf32, #tpu.memory_space<any>>
    %dma_wait3A_1960 = tpu.memref_squeeze %dma_wait3A_1959 : memref<1x2x768xf32, #tpu.memory_space<any>> -> memref<2x768xf32, #tpu.memory_space<any>>
    %dma_wait3A_1961 = arith.constant 0 : i32
    %dma_wait3A_1962 = arith.constant 0 : i32
    %dma_wait3A_1963 = tpu.memref_slice %arg1[%dma_wait3A_1955, %dma_wait3A_1961, %dma_wait3A_1962] : memref<128x2x768xf32, #tpu.memory_space<vmem>> -> memref<1x2x768xf32, #tpu.memory_space<vmem>>
    %dma_wait3A_1964 = tpu.memref_squeeze %dma_wait3A_1963 : memref<1x2x768xf32, #tpu.memory_space<vmem>> -> memref<2x768xf32, #tpu.memory_space<vmem>>
    tpu.wait_dma2 semaphore(%arg7 : memref<!tpu.dma_semaphore, #tpu.memory_space<semaphore_mem>>) src(%dma_wait3A_1964 : memref<2x768xf32, #tpu.memory_space<vmem>>) dst(%dma_wait3A_1960 : memref<2x768xf32, #tpu.memory_space<any>>)
    %dma_wait3A_1965 = arith.constant 66 : i32
    %dma_wait3A_1966 = arith.constant 8 : i32
    %dma_wait3A_1967 = arith.constant 24 : i32
    %dma_wait3A_1968 = arith.constant 0 : i32
    %dma_wait3A_1969 = tpu.memref_slice %arg4[%dma_wait3A_1966, %dma_wait3A_1967, %dma_wait3A_1968] : memref<16x232x768xf32, #tpu.memory_space<any>> -> memref<1x2x768xf32, #tpu.memory_space<any>>
    %dma_wait3A_1970 = tpu.memref_squeeze %dma_wait3A_1969 : memref<1x2x768xf32, #tpu.memory_space<any>> -> memref<2x768xf32, #tpu.memory_space<any>>
    %dma_wait3A_1971 = arith.constant 0 : i32
    %dma_wait3A_1972 = arith.constant 0 : i32
    %dma_wait3A_1973 = tpu.memref_slice %arg1[%dma_wait3A_1965, %dma_wait3A_1971, %dma_wait3A_1972] : memref<128x2x768xf32, #tpu.memory_space<vmem>> -> memref<1x2x768xf32, #tpu.memory_space<vmem>>
    %dma_wait3A_1974 = tpu.memref_squeeze %dma_wait3A_1973 : memref<1x2x768xf32, #tpu.memory_space<vmem>> -> memref<2x768xf32, #tpu.memory_space<vmem>>
    tpu.wait_dma2 semaphore(%arg7 : memref<!tpu.dma_semaphore, #tpu.memory_space<semaphore_mem>>) src(%dma_wait3A_1974 : memref<2x768xf32, #tpu.memory_space<vmem>>) dst(%dma_wait3A_1970 : memref<2x768xf32, #tpu.memory_space<any>>)
    %dma_wait3A_1975 = arith.constant 67 : i32
    %dma_wait3A_1976 = arith.constant 8 : i32
    %dma_wait3A_1977 = arith.constant 26 : i32
    %dma_wait3A_1978 = arith.constant 0 : i32
    %dma_wait3A_1979 = tpu.memref_slice %arg4[%dma_wait3A_1976, %dma_wait3A_1977, %dma_wait3A_1978] : memref<16x232x768xf32, #tpu.memory_space<any>> -> memref<1x2x768xf32, #tpu.memory_space<any>>
    %dma_wait3A_1980 = tpu.memref_squeeze %dma_wait3A_1979 : memref<1x2x768xf32, #tpu.memory_space<any>> -> memref<2x768xf32, #tpu.memory_space<any>>
    %dma_wait3A_1981 = arith.constant 0 : i32
    %dma_wait3A_1982 = arith.constant 0 : i32
    %dma_wait3A_1983 = tpu.memref_slice %arg1[%dma_wait3A_1975, %dma_wait3A_1981, %dma_wait3A_1982] : memref<128x2x768xf32, #tpu.memory_space<vmem>> -> memref<1x2x768xf32, #tpu.memory_space<vmem>>
    %dma_wait3A_1984 = tpu.memref_squeeze %dma_wait3A_1983 : memref<1x2x768xf32, #tpu.memory_space<vmem>> -> memref<2x768xf32, #tpu.memory_space<vmem>>
    tpu.wait_dma2 semaphore(%arg7 : memref<!tpu.dma_semaphore, #tpu.memory_space<semaphore_mem>>) src(%dma_wait3A_1984 : memref<2x768xf32, #tpu.memory_space<vmem>>) dst(%dma_wait3A_1980 : memref<2x768xf32, #tpu.memory_space<any>>)
    %dma_wait3A_1985 = arith.constant 68 : i32
    %dma_wait3A_1986 = arith.constant 8 : i32
    %dma_wait3A_1987 = arith.constant 28 : i32
    %dma_wait3A_1988 = arith.constant 0 : i32
    %dma_wait3A_1989 = tpu.memref_slice %arg4[%dma_wait3A_1986, %dma_wait3A_1987, %dma_wait3A_1988] : memref<16x232x768xf32, #tpu.memory_space<any>> -> memref<1x2x768xf32, #tpu.memory_space<any>>
    %dma_wait3A_1990 = tpu.memref_squeeze %dma_wait3A_1989 : memref<1x2x768xf32, #tpu.memory_space<any>> -> memref<2x768xf32, #tpu.memory_space<any>>
    %dma_wait3A_1991 = arith.constant 0 : i32
    %dma_wait3A_1992 = arith.constant 0 : i32
    %dma_wait3A_1993 = tpu.memref_slice %arg1[%dma_wait3A_1985, %dma_wait3A_1991, %dma_wait3A_1992] : memref<128x2x768xf32, #tpu.memory_space<vmem>> -> memref<1x2x768xf32, #tpu.memory_space<vmem>>
    %dma_wait3A_1994 = tpu.memref_squeeze %dma_wait3A_1993 : memref<1x2x768xf32, #tpu.memory_space<vmem>> -> memref<2x768xf32, #tpu.memory_space<vmem>>
    tpu.wait_dma2 semaphore(%arg7 : memref<!tpu.dma_semaphore, #tpu.memory_space<semaphore_mem>>) src(%dma_wait3A_1994 : memref<2x768xf32, #tpu.memory_space<vmem>>) dst(%dma_wait3A_1990 : memref<2x768xf32, #tpu.memory_space<any>>)
    %dma_wait3A_1995 = arith.constant 69 : i32
    %dma_wait3A_1996 = arith.constant 8 : i32
    %dma_wait3A_1997 = arith.constant 30 : i32
    %dma_wait3A_1998 = arith.constant 0 : i32
    %dma_wait3A_1999 = tpu.memref_slice %arg4[%dma_wait3A_1996, %dma_wait3A_1997, %dma_wait3A_1998] : memref<16x232x768xf32, #tpu.memory_space<any>> -> memref<1x2x768xf32, #tpu.memory_space<any>>
    %dma_wait3A_2000 = tpu.memref_squeeze %dma_wait3A_1999 : memref<1x2x768xf32, #tpu.memory_space<any>> -> memref<2x768xf32, #tpu.memory_space<any>>
    %dma_wait3A_2001 = arith.constant 0 : i32
    %dma_wait3A_2002 = arith.constant 0 : i32
    %dma_wait3A_2003 = tpu.memref_slice %arg1[%dma_wait3A_1995, %dma_wait3A_2001, %dma_wait3A_2002] : memref<128x2x768xf32, #tpu.memory_space<vmem>> -> memref<1x2x768xf32, #tpu.memory_space<vmem>>
    %dma_wait3A_2004 = tpu.memref_squeeze %dma_wait3A_2003 : memref<1x2x768xf32, #tpu.memory_space<vmem>> -> memref<2x768xf32, #tpu.memory_space<vmem>>
    tpu.wait_dma2 semaphore(%arg7 : memref<!tpu.dma_semaphore, #tpu.memory_space<semaphore_mem>>) src(%dma_wait3A_2004 : memref<2x768xf32, #tpu.memory_space<vmem>>) dst(%dma_wait3A_2000 : memref<2x768xf32, #tpu.memory_space<any>>)
    %dma_wait3A_2005 = arith.constant 70 : i32
    %dma_wait3A_2006 = arith.constant 8 : i32
    %dma_wait3A_2007 = arith.constant 32 : i32
    %dma_wait3A_2008 = arith.constant 0 : i32
    %dma_wait3A_2009 = tpu.memref_slice %arg4[%dma_wait3A_2006, %dma_wait3A_2007, %dma_wait3A_2008] : memref<16x232x768xf32, #tpu.memory_space<any>> -> memref<1x2x768xf32, #tpu.memory_space<any>>
    %dma_wait3A_2010 = tpu.memref_squeeze %dma_wait3A_2009 : memref<1x2x768xf32, #tpu.memory_space<any>> -> memref<2x768xf32, #tpu.memory_space<any>>
    %dma_wait3A_2011 = arith.constant 0 : i32
    %dma_wait3A_2012 = arith.constant 0 : i32
    %dma_wait3A_2013 = tpu.memref_slice %arg1[%dma_wait3A_2005, %dma_wait3A_2011, %dma_wait3A_2012] : memref<128x2x768xf32, #tpu.memory_space<vmem>> -> memref<1x2x768xf32, #tpu.memory_space<vmem>>
    %dma_wait3A_2014 = tpu.memref_squeeze %dma_wait3A_2013 : memref<1x2x768xf32, #tpu.memory_space<vmem>> -> memref<2x768xf32, #tpu.memory_space<vmem>>
    tpu.wait_dma2 semaphore(%arg7 : memref<!tpu.dma_semaphore, #tpu.memory_space<semaphore_mem>>) src(%dma_wait3A_2014 : memref<2x768xf32, #tpu.memory_space<vmem>>) dst(%dma_wait3A_2010 : memref<2x768xf32, #tpu.memory_space<any>>)
    %dma_wait3A_2015 = arith.constant 71 : i32
    %dma_wait3A_2016 = arith.constant 8 : i32
    %dma_wait3A_2017 = arith.constant 34 : i32
    %dma_wait3A_2018 = arith.constant 0 : i32
    %dma_wait3A_2019 = tpu.memref_slice %arg4[%dma_wait3A_2016, %dma_wait3A_2017, %dma_wait3A_2018] : memref<16x232x768xf32, #tpu.memory_space<any>> -> memref<1x2x768xf32, #tpu.memory_space<any>>
    %dma_wait3A_2020 = tpu.memref_squeeze %dma_wait3A_2019 : memref<1x2x768xf32, #tpu.memory_space<any>> -> memref<2x768xf32, #tpu.memory_space<any>>
    %dma_wait3A_2021 = arith.constant 0 : i32
    %dma_wait3A_2022 = arith.constant 0 : i32
    %dma_wait3A_2023 = tpu.memref_slice %arg1[%dma_wait3A_2015, %dma_wait3A_2021, %dma_wait3A_2022] : memref<128x2x768xf32, #tpu.memory_space<vmem>> -> memref<1x2x768xf32, #tpu.memory_space<vmem>>
    %dma_wait3A_2024 = tpu.memref_squeeze %dma_wait3A_2023 : memref<1x2x768xf32, #tpu.memory_space<vmem>> -> memref<2x768xf32, #tpu.memory_space<vmem>>
    tpu.wait_dma2 semaphore(%arg7 : memref<!tpu.dma_semaphore, #tpu.memory_space<semaphore_mem>>) src(%dma_wait3A_2024 : memref<2x768xf32, #tpu.memory_space<vmem>>) dst(%dma_wait3A_2020 : memref<2x768xf32, #tpu.memory_space<any>>)
    %dma_wait3A_2025 = arith.constant 72 : i32
    %dma_wait3A_2026 = arith.constant 9 : i32
    %dma_wait3A_2027 = arith.constant 20 : i32
    %dma_wait3A_2028 = arith.constant 0 : i32
    %dma_wait3A_2029 = tpu.memref_slice %arg4[%dma_wait3A_2026, %dma_wait3A_2027, %dma_wait3A_2028] : memref<16x232x768xf32, #tpu.memory_space<any>> -> memref<1x2x768xf32, #tpu.memory_space<any>>
    %dma_wait3A_2030 = tpu.memref_squeeze %dma_wait3A_2029 : memref<1x2x768xf32, #tpu.memory_space<any>> -> memref<2x768xf32, #tpu.memory_space<any>>
    %dma_wait3A_2031 = arith.constant 0 : i32
    %dma_wait3A_2032 = arith.constant 0 : i32
    %dma_wait3A_2033 = tpu.memref_slice %arg1[%dma_wait3A_2025, %dma_wait3A_2031, %dma_wait3A_2032] : memref<128x2x768xf32, #tpu.memory_space<vmem>> -> memref<1x2x768xf32, #tpu.memory_space<vmem>>
    %dma_wait3A_2034 = tpu.memref_squeeze %dma_wait3A_2033 : memref<1x2x768xf32, #tpu.memory_space<vmem>> -> memref<2x768xf32, #tpu.memory_space<vmem>>
    tpu.wait_dma2 semaphore(%arg7 : memref<!tpu.dma_semaphore, #tpu.memory_space<semaphore_mem>>) src(%dma_wait3A_2034 : memref<2x768xf32, #tpu.memory_space<vmem>>) dst(%dma_wait3A_2030 : memref<2x768xf32, #tpu.memory_space<any>>)
    %dma_wait3A_2035 = arith.constant 73 : i32
    %dma_wait3A_2036 = arith.constant 9 : i32
    %dma_wait3A_2037 = arith.constant 22 : i32
    %dma_wait3A_2038 = arith.constant 0 : i32
    %dma_wait3A_2039 = tpu.memref_slice %arg4[%dma_wait3A_2036, %dma_wait3A_2037, %dma_wait3A_2038] : memref<16x232x768xf32, #tpu.memory_space<any>> -> memref<1x2x768xf32, #tpu.memory_space<any>>
    %dma_wait3A_2040 = tpu.memref_squeeze %dma_wait3A_2039 : memref<1x2x768xf32, #tpu.memory_space<any>> -> memref<2x768xf32, #tpu.memory_space<any>>
    %dma_wait3A_2041 = arith.constant 0 : i32
    %dma_wait3A_2042 = arith.constant 0 : i32
    %dma_wait3A_2043 = tpu.memref_slice %arg1[%dma_wait3A_2035, %dma_wait3A_2041, %dma_wait3A_2042] : memref<128x2x768xf32, #tpu.memory_space<vmem>> -> memref<1x2x768xf32, #tpu.memory_space<vmem>>
    %dma_wait3A_2044 = tpu.memref_squeeze %dma_wait3A_2043 : memref<1x2x768xf32, #tpu.memory_space<vmem>> -> memref<2x768xf32, #tpu.memory_space<vmem>>
    tpu.wait_dma2 semaphore(%arg7 : memref<!tpu.dma_semaphore, #tpu.memory_space<semaphore_mem>>) src(%dma_wait3A_2044 : memref<2x768xf32, #tpu.memory_space<vmem>>) dst(%dma_wait3A_2040 : memref<2x768xf32, #tpu.memory_space<any>>)
    %dma_wait3A_2045 = arith.constant 74 : i32
    %dma_wait3A_2046 = arith.constant 9 : i32
    %dma_wait3A_2047 = arith.constant 24 : i32
    %dma_wait3A_2048 = arith.constant 0 : i32
    %dma_wait3A_2049 = tpu.memref_slice %arg4[%dma_wait3A_2046, %dma_wait3A_2047, %dma_wait3A_2048] : memref<16x232x768xf32, #tpu.memory_space<any>> -> memref<1x2x768xf32, #tpu.memory_space<any>>
    %dma_wait3A_2050 = tpu.memref_squeeze %dma_wait3A_2049 : memref<1x2x768xf32, #tpu.memory_space<any>> -> memref<2x768xf32, #tpu.memory_space<any>>
    %dma_wait3A_2051 = arith.constant 0 : i32
    %dma_wait3A_2052 = arith.constant 0 : i32
    %dma_wait3A_2053 = tpu.memref_slice %arg1[%dma_wait3A_2045, %dma_wait3A_2051, %dma_wait3A_2052] : memref<128x2x768xf32, #tpu.memory_space<vmem>> -> memref<1x2x768xf32, #tpu.memory_space<vmem>>
    %dma_wait3A_2054 = tpu.memref_squeeze %dma_wait3A_2053 : memref<1x2x768xf32, #tpu.memory_space<vmem>> -> memref<2x768xf32, #tpu.memory_space<vmem>>
    tpu.wait_dma2 semaphore(%arg7 : memref<!tpu.dma_semaphore, #tpu.memory_space<semaphore_mem>>) src(%dma_wait3A_2054 : memref<2x768xf32, #tpu.memory_space<vmem>>) dst(%dma_wait3A_2050 : memref<2x768xf32, #tpu.memory_space<any>>)
    %dma_wait3A_2055 = arith.constant 75 : i32
    %dma_wait3A_2056 = arith.constant 9 : i32
    %dma_wait3A_2057 = arith.constant 26 : i32
    %dma_wait3A_2058 = arith.constant 0 : i32
    %dma_wait3A_2059 = tpu.memref_slice %arg4[%dma_wait3A_2056, %dma_wait3A_2057, %dma_wait3A_2058] : memref<16x232x768xf32, #tpu.memory_space<any>> -> memref<1x2x768xf32, #tpu.memory_space<any>>
    %dma_wait3A_2060 = tpu.memref_squeeze %dma_wait3A_2059 : memref<1x2x768xf32, #tpu.memory_space<any>> -> memref<2x768xf32, #tpu.memory_space<any>>
    %dma_wait3A_2061 = arith.constant 0 : i32
    %dma_wait3A_2062 = arith.constant 0 : i32
    %dma_wait3A_2063 = tpu.memref_slice %arg1[%dma_wait3A_2055, %dma_wait3A_2061, %dma_wait3A_2062] : memref<128x2x768xf32, #tpu.memory_space<vmem>> -> memref<1x2x768xf32, #tpu.memory_space<vmem>>
    %dma_wait3A_2064 = tpu.memref_squeeze %dma_wait3A_2063 : memref<1x2x768xf32, #tpu.memory_space<vmem>> -> memref<2x768xf32, #tpu.memory_space<vmem>>
    tpu.wait_dma2 semaphore(%arg7 : memref<!tpu.dma_semaphore, #tpu.memory_space<semaphore_mem>>) src(%dma_wait3A_2064 : memref<2x768xf32, #tpu.memory_space<vmem>>) dst(%dma_wait3A_2060 : memref<2x768xf32, #tpu.memory_space<any>>)
    %dma_wait3A_2065 = arith.constant 76 : i32
    %dma_wait3A_2066 = arith.constant 9 : i32
    %dma_wait3A_2067 = arith.constant 28 : i32
    %dma_wait3A_2068 = arith.constant 0 : i32
    %dma_wait3A_2069 = tpu.memref_slice %arg4[%dma_wait3A_2066, %dma_wait3A_2067, %dma_wait3A_2068] : memref<16x232x768xf32, #tpu.memory_space<any>> -> memref<1x2x768xf32, #tpu.memory_space<any>>
    %dma_wait3A_2070 = tpu.memref_squeeze %dma_wait3A_2069 : memref<1x2x768xf32, #tpu.memory_space<any>> -> memref<2x768xf32, #tpu.memory_space<any>>
    %dma_wait3A_2071 = arith.constant 0 : i32
    %dma_wait3A_2072 = arith.constant 0 : i32
    %dma_wait3A_2073 = tpu.memref_slice %arg1[%dma_wait3A_2065, %dma_wait3A_2071, %dma_wait3A_2072] : memref<128x2x768xf32, #tpu.memory_space<vmem>> -> memref<1x2x768xf32, #tpu.memory_space<vmem>>
    %dma_wait3A_2074 = tpu.memref_squeeze %dma_wait3A_2073 : memref<1x2x768xf32, #tpu.memory_space<vmem>> -> memref<2x768xf32, #tpu.memory_space<vmem>>
    tpu.wait_dma2 semaphore(%arg7 : memref<!tpu.dma_semaphore, #tpu.memory_space<semaphore_mem>>) src(%dma_wait3A_2074 : memref<2x768xf32, #tpu.memory_space<vmem>>) dst(%dma_wait3A_2070 : memref<2x768xf32, #tpu.memory_space<any>>)
    %dma_wait3A_2075 = arith.constant 77 : i32
    %dma_wait3A_2076 = arith.constant 9 : i32
    %dma_wait3A_2077 = arith.constant 30 : i32
    %dma_wait3A_2078 = arith.constant 0 : i32
    %dma_wait3A_2079 = tpu.memref_slice %arg4[%dma_wait3A_2076, %dma_wait3A_2077, %dma_wait3A_2078] : memref<16x232x768xf32, #tpu.memory_space<any>> -> memref<1x2x768xf32, #tpu.memory_space<any>>
    %dma_wait3A_2080 = tpu.memref_squeeze %dma_wait3A_2079 : memref<1x2x768xf32, #tpu.memory_space<any>> -> memref<2x768xf32, #tpu.memory_space<any>>
    %dma_wait3A_2081 = arith.constant 0 : i32
    %dma_wait3A_2082 = arith.constant 0 : i32
    %dma_wait3A_2083 = tpu.memref_slice %arg1[%dma_wait3A_2075, %dma_wait3A_2081, %dma_wait3A_2082] : memref<128x2x768xf32, #tpu.memory_space<vmem>> -> memref<1x2x768xf32, #tpu.memory_space<vmem>>
    %dma_wait3A_2084 = tpu.memref_squeeze %dma_wait3A_2083 : memref<1x2x768xf32, #tpu.memory_space<vmem>> -> memref<2x768xf32, #tpu.memory_space<vmem>>
    tpu.wait_dma2 semaphore(%arg7 : memref<!tpu.dma_semaphore, #tpu.memory_space<semaphore_mem>>) src(%dma_wait3A_2084 : memref<2x768xf32, #tpu.memory_space<vmem>>) dst(%dma_wait3A_2080 : memref<2x768xf32, #tpu.memory_space<any>>)
    %dma_wait3A_2085 = arith.constant 78 : i32
    %dma_wait3A_2086 = arith.constant 9 : i32
    %dma_wait3A_2087 = arith.constant 32 : i32
    %dma_wait3A_2088 = arith.constant 0 : i32
    %dma_wait3A_2089 = tpu.memref_slice %arg4[%dma_wait3A_2086, %dma_wait3A_2087, %dma_wait3A_2088] : memref<16x232x768xf32, #tpu.memory_space<any>> -> memref<1x2x768xf32, #tpu.memory_space<any>>
    %dma_wait3A_2090 = tpu.memref_squeeze %dma_wait3A_2089 : memref<1x2x768xf32, #tpu.memory_space<any>> -> memref<2x768xf32, #tpu.memory_space<any>>
    %dma_wait3A_2091 = arith.constant 0 : i32
    %dma_wait3A_2092 = arith.constant 0 : i32
    %dma_wait3A_2093 = tpu.memref_slice %arg1[%dma_wait3A_2085, %dma_wait3A_2091, %dma_wait3A_2092] : memref<128x2x768xf32, #tpu.memory_space<vmem>> -> memref<1x2x768xf32, #tpu.memory_space<vmem>>
    %dma_wait3A_2094 = tpu.memref_squeeze %dma_wait3A_2093 : memref<1x2x768xf32, #tpu.memory_space<vmem>> -> memref<2x768xf32, #tpu.memory_space<vmem>>
    tpu.wait_dma2 semaphore(%arg7 : memref<!tpu.dma_semaphore, #tpu.memory_space<semaphore_mem>>) src(%dma_wait3A_2094 : memref<2x768xf32, #tpu.memory_space<vmem>>) dst(%dma_wait3A_2090 : memref<2x768xf32, #tpu.memory_space<any>>)
    %dma_wait3A_2095 = arith.constant 79 : i32
    %dma_wait3A_2096 = arith.constant 9 : i32
    %dma_wait3A_2097 = arith.constant 34 : i32
    %dma_wait3A_2098 = arith.constant 0 : i32
    %dma_wait3A_2099 = tpu.memref_slice %arg4[%dma_wait3A_2096, %dma_wait3A_2097, %dma_wait3A_2098] : memref<16x232x768xf32, #tpu.memory_space<any>> -> memref<1x2x768xf32, #tpu.memory_space<any>>
    %dma_wait3A_2100 = tpu.memref_squeeze %dma_wait3A_2099 : memref<1x2x768xf32, #tpu.memory_space<any>> -> memref<2x768xf32, #tpu.memory_space<any>>
    %dma_wait3A_2101 = arith.constant 0 : i32
    %dma_wait3A_2102 = arith.constant 0 : i32
    %dma_wait3A_2103 = tpu.memref_slice %arg1[%dma_wait3A_2095, %dma_wait3A_2101, %dma_wait3A_2102] : memref<128x2x768xf32, #tpu.memory_space<vmem>> -> memref<1x2x768xf32, #tpu.memory_space<vmem>>
    %dma_wait3A_2104 = tpu.memref_squeeze %dma_wait3A_2103 : memref<1x2x768xf32, #tpu.memory_space<vmem>> -> memref<2x768xf32, #tpu.memory_space<vmem>>
    tpu.wait_dma2 semaphore(%arg7 : memref<!tpu.dma_semaphore, #tpu.memory_space<semaphore_mem>>) src(%dma_wait3A_2104 : memref<2x768xf32, #tpu.memory_space<vmem>>) dst(%dma_wait3A_2100 : memref<2x768xf32, #tpu.memory_space<any>>)
    %dma_wait3A_2105 = arith.constant 80 : i32
    %dma_wait3A_2106 = arith.constant 10 : i32
    %dma_wait3A_2107 = arith.constant 20 : i32
    %dma_wait3A_2108 = arith.constant 0 : i32
    %dma_wait3A_2109 = tpu.memref_slice %arg4[%dma_wait3A_2106, %dma_wait3A_2107, %dma_wait3A_2108] : memref<16x232x768xf32, #tpu.memory_space<any>> -> memref<1x2x768xf32, #tpu.memory_space<any>>
    %dma_wait3A_2110 = tpu.memref_squeeze %dma_wait3A_2109 : memref<1x2x768xf32, #tpu.memory_space<any>> -> memref<2x768xf32, #tpu.memory_space<any>>
    %dma_wait3A_2111 = arith.constant 0 : i32
    %dma_wait3A_2112 = arith.constant 0 : i32
    %dma_wait3A_2113 = tpu.memref_slice %arg1[%dma_wait3A_2105, %dma_wait3A_2111, %dma_wait3A_2112] : memref<128x2x768xf32, #tpu.memory_space<vmem>> -> memref<1x2x768xf32, #tpu.memory_space<vmem>>
    %dma_wait3A_2114 = tpu.memref_squeeze %dma_wait3A_2113 : memref<1x2x768xf32, #tpu.memory_space<vmem>> -> memref<2x768xf32, #tpu.memory_space<vmem>>
    tpu.wait_dma2 semaphore(%arg7 : memref<!tpu.dma_semaphore, #tpu.memory_space<semaphore_mem>>) src(%dma_wait3A_2114 : memref<2x768xf32, #tpu.memory_space<vmem>>) dst(%dma_wait3A_2110 : memref<2x768xf32, #tpu.memory_space<any>>)
    %dma_wait3A_2115 = arith.constant 81 : i32
    %dma_wait3A_2116 = arith.constant 10 : i32
    %dma_wait3A_2117 = arith.constant 22 : i32
    %dma_wait3A_2118 = arith.constant 0 : i32
    %dma_wait3A_2119 = tpu.memref_slice %arg4[%dma_wait3A_2116, %dma_wait3A_2117, %dma_wait3A_2118] : memref<16x232x768xf32, #tpu.memory_space<any>> -> memref<1x2x768xf32, #tpu.memory_space<any>>
    %dma_wait3A_2120 = tpu.memref_squeeze %dma_wait3A_2119 : memref<1x2x768xf32, #tpu.memory_space<any>> -> memref<2x768xf32, #tpu.memory_space<any>>
    %dma_wait3A_2121 = arith.constant 0 : i32
    %dma_wait3A_2122 = arith.constant 0 : i32
    %dma_wait3A_2123 = tpu.memref_slice %arg1[%dma_wait3A_2115, %dma_wait3A_2121, %dma_wait3A_2122] : memref<128x2x768xf32, #tpu.memory_space<vmem>> -> memref<1x2x768xf32, #tpu.memory_space<vmem>>
    %dma_wait3A_2124 = tpu.memref_squeeze %dma_wait3A_2123 : memref<1x2x768xf32, #tpu.memory_space<vmem>> -> memref<2x768xf32, #tpu.memory_space<vmem>>
    tpu.wait_dma2 semaphore(%arg7 : memref<!tpu.dma_semaphore, #tpu.memory_space<semaphore_mem>>) src(%dma_wait3A_2124 : memref<2x768xf32, #tpu.memory_space<vmem>>) dst(%dma_wait3A_2120 : memref<2x768xf32, #tpu.memory_space<any>>)
    %dma_wait3A_2125 = arith.constant 82 : i32
    %dma_wait3A_2126 = arith.constant 10 : i32
    %dma_wait3A_2127 = arith.constant 24 : i32
    %dma_wait3A_2128 = arith.constant 0 : i32
    %dma_wait3A_2129 = tpu.memref_slice %arg4[%dma_wait3A_2126, %dma_wait3A_2127, %dma_wait3A_2128] : memref<16x232x768xf32, #tpu.memory_space<any>> -> memref<1x2x768xf32, #tpu.memory_space<any>>
    %dma_wait3A_2130 = tpu.memref_squeeze %dma_wait3A_2129 : memref<1x2x768xf32, #tpu.memory_space<any>> -> memref<2x768xf32, #tpu.memory_space<any>>
    %dma_wait3A_2131 = arith.constant 0 : i32
    %dma_wait3A_2132 = arith.constant 0 : i32
    %dma_wait3A_2133 = tpu.memref_slice %arg1[%dma_wait3A_2125, %dma_wait3A_2131, %dma_wait3A_2132] : memref<128x2x768xf32, #tpu.memory_space<vmem>> -> memref<1x2x768xf32, #tpu.memory_space<vmem>>
    %dma_wait3A_2134 = tpu.memref_squeeze %dma_wait3A_2133 : memref<1x2x768xf32, #tpu.memory_space<vmem>> -> memref<2x768xf32, #tpu.memory_space<vmem>>
    tpu.wait_dma2 semaphore(%arg7 : memref<!tpu.dma_semaphore, #tpu.memory_space<semaphore_mem>>) src(%dma_wait3A_2134 : memref<2x768xf32, #tpu.memory_space<vmem>>) dst(%dma_wait3A_2130 : memref<2x768xf32, #tpu.memory_space<any>>)
    %dma_wait3A_2135 = arith.constant 83 : i32
    %dma_wait3A_2136 = arith.constant 10 : i32
    %dma_wait3A_2137 = arith.constant 26 : i32
    %dma_wait3A_2138 = arith.constant 0 : i32
    %dma_wait3A_2139 = tpu.memref_slice %arg4[%dma_wait3A_2136, %dma_wait3A_2137, %dma_wait3A_2138] : memref<16x232x768xf32, #tpu.memory_space<any>> -> memref<1x2x768xf32, #tpu.memory_space<any>>
    %dma_wait3A_2140 = tpu.memref_squeeze %dma_wait3A_2139 : memref<1x2x768xf32, #tpu.memory_space<any>> -> memref<2x768xf32, #tpu.memory_space<any>>
    %dma_wait3A_2141 = arith.constant 0 : i32
    %dma_wait3A_2142 = arith.constant 0 : i32
    %dma_wait3A_2143 = tpu.memref_slice %arg1[%dma_wait3A_2135, %dma_wait3A_2141, %dma_wait3A_2142] : memref<128x2x768xf32, #tpu.memory_space<vmem>> -> memref<1x2x768xf32, #tpu.memory_space<vmem>>
    %dma_wait3A_2144 = tpu.memref_squeeze %dma_wait3A_2143 : memref<1x2x768xf32, #tpu.memory_space<vmem>> -> memref<2x768xf32, #tpu.memory_space<vmem>>
    tpu.wait_dma2 semaphore(%arg7 : memref<!tpu.dma_semaphore, #tpu.memory_space<semaphore_mem>>) src(%dma_wait3A_2144 : memref<2x768xf32, #tpu.memory_space<vmem>>) dst(%dma_wait3A_2140 : memref<2x768xf32, #tpu.memory_space<any>>)
    %dma_wait3A_2145 = arith.constant 84 : i32
    %dma_wait3A_2146 = arith.constant 10 : i32
    %dma_wait3A_2147 = arith.constant 28 : i32
    %dma_wait3A_2148 = arith.constant 0 : i32
    %dma_wait3A_2149 = tpu.memref_slice %arg4[%dma_wait3A_2146, %dma_wait3A_2147, %dma_wait3A_2148] : memref<16x232x768xf32, #tpu.memory_space<any>> -> memref<1x2x768xf32, #tpu.memory_space<any>>
    %dma_wait3A_2150 = tpu.memref_squeeze %dma_wait3A_2149 : memref<1x2x768xf32, #tpu.memory_space<any>> -> memref<2x768xf32, #tpu.memory_space<any>>
    %dma_wait3A_2151 = arith.constant 0 : i32
    %dma_wait3A_2152 = arith.constant 0 : i32
    %dma_wait3A_2153 = tpu.memref_slice %arg1[%dma_wait3A_2145, %dma_wait3A_2151, %dma_wait3A_2152] : memref<128x2x768xf32, #tpu.memory_space<vmem>> -> memref<1x2x768xf32, #tpu.memory_space<vmem>>
    %dma_wait3A_2154 = tpu.memref_squeeze %dma_wait3A_2153 : memref<1x2x768xf32, #tpu.memory_space<vmem>> -> memref<2x768xf32, #tpu.memory_space<vmem>>
    tpu.wait_dma2 semaphore(%arg7 : memref<!tpu.dma_semaphore, #tpu.memory_space<semaphore_mem>>) src(%dma_wait3A_2154 : memref<2x768xf32, #tpu.memory_space<vmem>>) dst(%dma_wait3A_2150 : memref<2x768xf32, #tpu.memory_space<any>>)
    %dma_wait3A_2155 = arith.constant 85 : i32
    %dma_wait3A_2156 = arith.constant 10 : i32
    %dma_wait3A_2157 = arith.constant 30 : i32
    %dma_wait3A_2158 = arith.constant 0 : i32
    %dma_wait3A_2159 = tpu.memref_slice %arg4[%dma_wait3A_2156, %dma_wait3A_2157, %dma_wait3A_2158] : memref<16x232x768xf32, #tpu.memory_space<any>> -> memref<1x2x768xf32, #tpu.memory_space<any>>
    %dma_wait3A_2160 = tpu.memref_squeeze %dma_wait3A_2159 : memref<1x2x768xf32, #tpu.memory_space<any>> -> memref<2x768xf32, #tpu.memory_space<any>>
    %dma_wait3A_2161 = arith.constant 0 : i32
    %dma_wait3A_2162 = arith.constant 0 : i32
    %dma_wait3A_2163 = tpu.memref_slice %arg1[%dma_wait3A_2155, %dma_wait3A_2161, %dma_wait3A_2162] : memref<128x2x768xf32, #tpu.memory_space<vmem>> -> memref<1x2x768xf32, #tpu.memory_space<vmem>>
    %dma_wait3A_2164 = tpu.memref_squeeze %dma_wait3A_2163 : memref<1x2x768xf32, #tpu.memory_space<vmem>> -> memref<2x768xf32, #tpu.memory_space<vmem>>
    tpu.wait_dma2 semaphore(%arg7 : memref<!tpu.dma_semaphore, #tpu.memory_space<semaphore_mem>>) src(%dma_wait3A_2164 : memref<2x768xf32, #tpu.memory_space<vmem>>) dst(%dma_wait3A_2160 : memref<2x768xf32, #tpu.memory_space<any>>)
    %dma_wait3A_2165 = arith.constant 86 : i32
    %dma_wait3A_2166 = arith.constant 10 : i32
    %dma_wait3A_2167 = arith.constant 32 : i32
    %dma_wait3A_2168 = arith.constant 0 : i32
    %dma_wait3A_2169 = tpu.memref_slice %arg4[%dma_wait3A_2166, %dma_wait3A_2167, %dma_wait3A_2168] : memref<16x232x768xf32, #tpu.memory_space<any>> -> memref<1x2x768xf32, #tpu.memory_space<any>>
    %dma_wait3A_2170 = tpu.memref_squeeze %dma_wait3A_2169 : memref<1x2x768xf32, #tpu.memory_space<any>> -> memref<2x768xf32, #tpu.memory_space<any>>
    %dma_wait3A_2171 = arith.constant 0 : i32
    %dma_wait3A_2172 = arith.constant 0 : i32
    %dma_wait3A_2173 = tpu.memref_slice %arg1[%dma_wait3A_2165, %dma_wait3A_2171, %dma_wait3A_2172] : memref<128x2x768xf32, #tpu.memory_space<vmem>> -> memref<1x2x768xf32, #tpu.memory_space<vmem>>
    %dma_wait3A_2174 = tpu.memref_squeeze %dma_wait3A_2173 : memref<1x2x768xf32, #tpu.memory_space<vmem>> -> memref<2x768xf32, #tpu.memory_space<vmem>>
    tpu.wait_dma2 semaphore(%arg7 : memref<!tpu.dma_semaphore, #tpu.memory_space<semaphore_mem>>) src(%dma_wait3A_2174 : memref<2x768xf32, #tpu.memory_space<vmem>>) dst(%dma_wait3A_2170 : memref<2x768xf32, #tpu.memory_space<any>>)
    %dma_wait3A_2175 = arith.constant 87 : i32
    %dma_wait3A_2176 = arith.constant 10 : i32
    %dma_wait3A_2177 = arith.constant 34 : i32
    %dma_wait3A_2178 = arith.constant 0 : i32
    %dma_wait3A_2179 = tpu.memref_slice %arg4[%dma_wait3A_2176, %dma_wait3A_2177, %dma_wait3A_2178] : memref<16x232x768xf32, #tpu.memory_space<any>> -> memref<1x2x768xf32, #tpu.memory_space<any>>
    %dma_wait3A_2180 = tpu.memref_squeeze %dma_wait3A_2179 : memref<1x2x768xf32, #tpu.memory_space<any>> -> memref<2x768xf32, #tpu.memory_space<any>>
    %dma_wait3A_2181 = arith.constant 0 : i32
    %dma_wait3A_2182 = arith.constant 0 : i32
    %dma_wait3A_2183 = tpu.memref_slice %arg1[%dma_wait3A_2175, %dma_wait3A_2181, %dma_wait3A_2182] : memref<128x2x768xf32, #tpu.memory_space<vmem>> -> memref<1x2x768xf32, #tpu.memory_space<vmem>>
    %dma_wait3A_2184 = tpu.memref_squeeze %dma_wait3A_2183 : memref<1x2x768xf32, #tpu.memory_space<vmem>> -> memref<2x768xf32, #tpu.memory_space<vmem>>
    tpu.wait_dma2 semaphore(%arg7 : memref<!tpu.dma_semaphore, #tpu.memory_space<semaphore_mem>>) src(%dma_wait3A_2184 : memref<2x768xf32, #tpu.memory_space<vmem>>) dst(%dma_wait3A_2180 : memref<2x768xf32, #tpu.memory_space<any>>)
    %dma_wait3A_2185 = arith.constant 88 : i32
    %dma_wait3A_2186 = arith.constant 11 : i32
    %dma_wait3A_2187 = arith.constant 20 : i32
    %dma_wait3A_2188 = arith.constant 0 : i32
    %dma_wait3A_2189 = tpu.memref_slice %arg4[%dma_wait3A_2186, %dma_wait3A_2187, %dma_wait3A_2188] : memref<16x232x768xf32, #tpu.memory_space<any>> -> memref<1x2x768xf32, #tpu.memory_space<any>>
    %dma_wait3A_2190 = tpu.memref_squeeze %dma_wait3A_2189 : memref<1x2x768xf32, #tpu.memory_space<any>> -> memref<2x768xf32, #tpu.memory_space<any>>
    %dma_wait3A_2191 = arith.constant 0 : i32
    %dma_wait3A_2192 = arith.constant 0 : i32
    %dma_wait3A_2193 = tpu.memref_slice %arg1[%dma_wait3A_2185, %dma_wait3A_2191, %dma_wait3A_2192] : memref<128x2x768xf32, #tpu.memory_space<vmem>> -> memref<1x2x768xf32, #tpu.memory_space<vmem>>
    %dma_wait3A_2194 = tpu.memref_squeeze %dma_wait3A_2193 : memref<1x2x768xf32, #tpu.memory_space<vmem>> -> memref<2x768xf32, #tpu.memory_space<vmem>>
    tpu.wait_dma2 semaphore(%arg7 : memref<!tpu.dma_semaphore, #tpu.memory_space<semaphore_mem>>) src(%dma_wait3A_2194 : memref<2x768xf32, #tpu.memory_space<vmem>>) dst(%dma_wait3A_2190 : memref<2x768xf32, #tpu.memory_space<any>>)
    %dma_wait3A_2195 = arith.constant 89 : i32
    %dma_wait3A_2196 = arith.constant 11 : i32
    %dma_wait3A_2197 = arith.constant 22 : i32
    %dma_wait3A_2198 = arith.constant 0 : i32
    %dma_wait3A_2199 = tpu.memref_slice %arg4[%dma_wait3A_2196, %dma_wait3A_2197, %dma_wait3A_2198] : memref<16x232x768xf32, #tpu.memory_space<any>> -> memref<1x2x768xf32, #tpu.memory_space<any>>
    %dma_wait3A_2200 = tpu.memref_squeeze %dma_wait3A_2199 : memref<1x2x768xf32, #tpu.memory_space<any>> -> memref<2x768xf32, #tpu.memory_space<any>>
    %dma_wait3A_2201 = arith.constant 0 : i32
    %dma_wait3A_2202 = arith.constant 0 : i32
    %dma_wait3A_2203 = tpu.memref_slice %arg1[%dma_wait3A_2195, %dma_wait3A_2201, %dma_wait3A_2202] : memref<128x2x768xf32, #tpu.memory_space<vmem>> -> memref<1x2x768xf32, #tpu.memory_space<vmem>>
    %dma_wait3A_2204 = tpu.memref_squeeze %dma_wait3A_2203 : memref<1x2x768xf32, #tpu.memory_space<vmem>> -> memref<2x768xf32, #tpu.memory_space<vmem>>
    tpu.wait_dma2 semaphore(%arg7 : memref<!tpu.dma_semaphore, #tpu.memory_space<semaphore_mem>>) src(%dma_wait3A_2204 : memref<2x768xf32, #tpu.memory_space<vmem>>) dst(%dma_wait3A_2200 : memref<2x768xf32, #tpu.memory_space<any>>)
    %dma_wait3A_2205 = arith.constant 90 : i32
    %dma_wait3A_2206 = arith.constant 11 : i32
    %dma_wait3A_2207 = arith.constant 24 : i32
    %dma_wait3A_2208 = arith.constant 0 : i32
    %dma_wait3A_2209 = tpu.memref_slice %arg4[%dma_wait3A_2206, %dma_wait3A_2207, %dma_wait3A_2208] : memref<16x232x768xf32, #tpu.memory_space<any>> -> memref<1x2x768xf32, #tpu.memory_space<any>>
    %dma_wait3A_2210 = tpu.memref_squeeze %dma_wait3A_2209 : memref<1x2x768xf32, #tpu.memory_space<any>> -> memref<2x768xf32, #tpu.memory_space<any>>
    %dma_wait3A_2211 = arith.constant 0 : i32
    %dma_wait3A_2212 = arith.constant 0 : i32
    %dma_wait3A_2213 = tpu.memref_slice %arg1[%dma_wait3A_2205, %dma_wait3A_2211, %dma_wait3A_2212] : memref<128x2x768xf32, #tpu.memory_space<vmem>> -> memref<1x2x768xf32, #tpu.memory_space<vmem>>
    %dma_wait3A_2214 = tpu.memref_squeeze %dma_wait3A_2213 : memref<1x2x768xf32, #tpu.memory_space<vmem>> -> memref<2x768xf32, #tpu.memory_space<vmem>>
    tpu.wait_dma2 semaphore(%arg7 : memref<!tpu.dma_semaphore, #tpu.memory_space<semaphore_mem>>) src(%dma_wait3A_2214 : memref<2x768xf32, #tpu.memory_space<vmem>>) dst(%dma_wait3A_2210 : memref<2x768xf32, #tpu.memory_space<any>>)
    %dma_wait3A_2215 = arith.constant 91 : i32
    %dma_wait3A_2216 = arith.constant 11 : i32
    %dma_wait3A_2217 = arith.constant 26 : i32
    %dma_wait3A_2218 = arith.constant 0 : i32
    %dma_wait3A_2219 = tpu.memref_slice %arg4[%dma_wait3A_2216, %dma_wait3A_2217, %dma_wait3A_2218] : memref<16x232x768xf32, #tpu.memory_space<any>> -> memref<1x2x768xf32, #tpu.memory_space<any>>
    %dma_wait3A_2220 = tpu.memref_squeeze %dma_wait3A_2219 : memref<1x2x768xf32, #tpu.memory_space<any>> -> memref<2x768xf32, #tpu.memory_space<any>>
    %dma_wait3A_2221 = arith.constant 0 : i32
    %dma_wait3A_2222 = arith.constant 0 : i32
    %dma_wait3A_2223 = tpu.memref_slice %arg1[%dma_wait3A_2215, %dma_wait3A_2221, %dma_wait3A_2222] : memref<128x2x768xf32, #tpu.memory_space<vmem>> -> memref<1x2x768xf32, #tpu.memory_space<vmem>>
    %dma_wait3A_2224 = tpu.memref_squeeze %dma_wait3A_2223 : memref<1x2x768xf32, #tpu.memory_space<vmem>> -> memref<2x768xf32, #tpu.memory_space<vmem>>
    tpu.wait_dma2 semaphore(%arg7 : memref<!tpu.dma_semaphore, #tpu.memory_space<semaphore_mem>>) src(%dma_wait3A_2224 : memref<2x768xf32, #tpu.memory_space<vmem>>) dst(%dma_wait3A_2220 : memref<2x768xf32, #tpu.memory_space<any>>)
    %dma_wait3A_2225 = arith.constant 92 : i32
    %dma_wait3A_2226 = arith.constant 11 : i32
    %dma_wait3A_2227 = arith.constant 28 : i32
    %dma_wait3A_2228 = arith.constant 0 : i32
    %dma_wait3A_2229 = tpu.memref_slice %arg4[%dma_wait3A_2226, %dma_wait3A_2227, %dma_wait3A_2228] : memref<16x232x768xf32, #tpu.memory_space<any>> -> memref<1x2x768xf32, #tpu.memory_space<any>>
    %dma_wait3A_2230 = tpu.memref_squeeze %dma_wait3A_2229 : memref<1x2x768xf32, #tpu.memory_space<any>> -> memref<2x768xf32, #tpu.memory_space<any>>
    %dma_wait3A_2231 = arith.constant 0 : i32
    %dma_wait3A_2232 = arith.constant 0 : i32
    %dma_wait3A_2233 = tpu.memref_slice %arg1[%dma_wait3A_2225, %dma_wait3A_2231, %dma_wait3A_2232] : memref<128x2x768xf32, #tpu.memory_space<vmem>> -> memref<1x2x768xf32, #tpu.memory_space<vmem>>
    %dma_wait3A_2234 = tpu.memref_squeeze %dma_wait3A_2233 : memref<1x2x768xf32, #tpu.memory_space<vmem>> -> memref<2x768xf32, #tpu.memory_space<vmem>>
    tpu.wait_dma2 semaphore(%arg7 : memref<!tpu.dma_semaphore, #tpu.memory_space<semaphore_mem>>) src(%dma_wait3A_2234 : memref<2x768xf32, #tpu.memory_space<vmem>>) dst(%dma_wait3A_2230 : memref<2x768xf32, #tpu.memory_space<any>>)
    %dma_wait3A_2235 = arith.constant 93 : i32
    %dma_wait3A_2236 = arith.constant 11 : i32
    %dma_wait3A_2237 = arith.constant 30 : i32
    %dma_wait3A_2238 = arith.constant 0 : i32
    %dma_wait3A_2239 = tpu.memref_slice %arg4[%dma_wait3A_2236, %dma_wait3A_2237, %dma_wait3A_2238] : memref<16x232x768xf32, #tpu.memory_space<any>> -> memref<1x2x768xf32, #tpu.memory_space<any>>
    %dma_wait3A_2240 = tpu.memref_squeeze %dma_wait3A_2239 : memref<1x2x768xf32, #tpu.memory_space<any>> -> memref<2x768xf32, #tpu.memory_space<any>>
    %dma_wait3A_2241 = arith.constant 0 : i32
    %dma_wait3A_2242 = arith.constant 0 : i32
    %dma_wait3A_2243 = tpu.memref_slice %arg1[%dma_wait3A_2235, %dma_wait3A_2241, %dma_wait3A_2242] : memref<128x2x768xf32, #tpu.memory_space<vmem>> -> memref<1x2x768xf32, #tpu.memory_space<vmem>>
    %dma_wait3A_2244 = tpu.memref_squeeze %dma_wait3A_2243 : memref<1x2x768xf32, #tpu.memory_space<vmem>> -> memref<2x768xf32, #tpu.memory_space<vmem>>
    tpu.wait_dma2 semaphore(%arg7 : memref<!tpu.dma_semaphore, #tpu.memory_space<semaphore_mem>>) src(%dma_wait3A_2244 : memref<2x768xf32, #tpu.memory_space<vmem>>) dst(%dma_wait3A_2240 : memref<2x768xf32, #tpu.memory_space<any>>)
    %dma_wait3A_2245 = arith.constant 94 : i32
    %dma_wait3A_2246 = arith.constant 11 : i32
    %dma_wait3A_2247 = arith.constant 32 : i32
    %dma_wait3A_2248 = arith.constant 0 : i32
    %dma_wait3A_2249 = tpu.memref_slice %arg4[%dma_wait3A_2246, %dma_wait3A_2247, %dma_wait3A_2248] : memref<16x232x768xf32, #tpu.memory_space<any>> -> memref<1x2x768xf32, #tpu.memory_space<any>>
    %dma_wait3A_2250 = tpu.memref_squeeze %dma_wait3A_2249 : memref<1x2x768xf32, #tpu.memory_space<any>> -> memref<2x768xf32, #tpu.memory_space<any>>
    %dma_wait3A_2251 = arith.constant 0 : i32
    %dma_wait3A_2252 = arith.constant 0 : i32
    %dma_wait3A_2253 = tpu.memref_slice %arg1[%dma_wait3A_2245, %dma_wait3A_2251, %dma_wait3A_2252] : memref<128x2x768xf32, #tpu.memory_space<vmem>> -> memref<1x2x768xf32, #tpu.memory_space<vmem>>
    %dma_wait3A_2254 = tpu.memref_squeeze %dma_wait3A_2253 : memref<1x2x768xf32, #tpu.memory_space<vmem>> -> memref<2x768xf32, #tpu.memory_space<vmem>>
    tpu.wait_dma2 semaphore(%arg7 : memref<!tpu.dma_semaphore, #tpu.memory_space<semaphore_mem>>) src(%dma_wait3A_2254 : memref<2x768xf32, #tpu.memory_space<vmem>>) dst(%dma_wait3A_2250 : memref<2x768xf32, #tpu.memory_space<any>>)
    %dma_wait3A_2255 = arith.constant 95 : i32
    %dma_wait3A_2256 = arith.constant 11 : i32
    %dma_wait3A_2257 = arith.constant 34 : i32
    %dma_wait3A_2258 = arith.constant 0 : i32
    %dma_wait3A_2259 = tpu.memref_slice %arg4[%dma_wait3A_2256, %dma_wait3A_2257, %dma_wait3A_2258] : memref<16x232x768xf32, #tpu.memory_space<any>> -> memref<1x2x768xf32, #tpu.memory_space<any>>
    %dma_wait3A_2260 = tpu.memref_squeeze %dma_wait3A_2259 : memref<1x2x768xf32, #tpu.memory_space<any>> -> memref<2x768xf32, #tpu.memory_space<any>>
    %dma_wait3A_2261 = arith.constant 0 : i32
    %dma_wait3A_2262 = arith.constant 0 : i32
    %dma_wait3A_2263 = tpu.memref_slice %arg1[%dma_wait3A_2255, %dma_wait3A_2261, %dma_wait3A_2262] : memref<128x2x768xf32, #tpu.memory_space<vmem>> -> memref<1x2x768xf32, #tpu.memory_space<vmem>>
    %dma_wait3A_2264 = tpu.memref_squeeze %dma_wait3A_2263 : memref<1x2x768xf32, #tpu.memory_space<vmem>> -> memref<2x768xf32, #tpu.memory_space<vmem>>
    tpu.wait_dma2 semaphore(%arg7 : memref<!tpu.dma_semaphore, #tpu.memory_space<semaphore_mem>>) src(%dma_wait3A_2264 : memref<2x768xf32, #tpu.memory_space<vmem>>) dst(%dma_wait3A_2260 : memref<2x768xf32, #tpu.memory_space<any>>)
    %dma_wait3A_2265 = arith.constant 96 : i32
    %dma_wait3A_2266 = arith.constant 12 : i32
    %dma_wait3A_2267 = arith.constant 20 : i32
    %dma_wait3A_2268 = arith.constant 0 : i32
    %dma_wait3A_2269 = tpu.memref_slice %arg4[%dma_wait3A_2266, %dma_wait3A_2267, %dma_wait3A_2268] : memref<16x232x768xf32, #tpu.memory_space<any>> -> memref<1x2x768xf32, #tpu.memory_space<any>>
    %dma_wait3A_2270 = tpu.memref_squeeze %dma_wait3A_2269 : memref<1x2x768xf32, #tpu.memory_space<any>> -> memref<2x768xf32, #tpu.memory_space<any>>
    %dma_wait3A_2271 = arith.constant 0 : i32
    %dma_wait3A_2272 = arith.constant 0 : i32
    %dma_wait3A_2273 = tpu.memref_slice %arg1[%dma_wait3A_2265, %dma_wait3A_2271, %dma_wait3A_2272] : memref<128x2x768xf32, #tpu.memory_space<vmem>> -> memref<1x2x768xf32, #tpu.memory_space<vmem>>
    %dma_wait3A_2274 = tpu.memref_squeeze %dma_wait3A_2273 : memref<1x2x768xf32, #tpu.memory_space<vmem>> -> memref<2x768xf32, #tpu.memory_space<vmem>>
    tpu.wait_dma2 semaphore(%arg7 : memref<!tpu.dma_semaphore, #tpu.memory_space<semaphore_mem>>) src(%dma_wait3A_2274 : memref<2x768xf32, #tpu.memory_space<vmem>>) dst(%dma_wait3A_2270 : memref<2x768xf32, #tpu.memory_space<any>>)
    %dma_wait3A_2275 = arith.constant 97 : i32
    %dma_wait3A_2276 = arith.constant 12 : i32
    %dma_wait3A_2277 = arith.constant 22 : i32
    %dma_wait3A_2278 = arith.constant 0 : i32
    %dma_wait3A_2279 = tpu.memref_slice %arg4[%dma_wait3A_2276, %dma_wait3A_2277, %dma_wait3A_2278] : memref<16x232x768xf32, #tpu.memory_space<any>> -> memref<1x2x768xf32, #tpu.memory_space<any>>
    %dma_wait3A_2280 = tpu.memref_squeeze %dma_wait3A_2279 : memref<1x2x768xf32, #tpu.memory_space<any>> -> memref<2x768xf32, #tpu.memory_space<any>>
    %dma_wait3A_2281 = arith.constant 0 : i32
    %dma_wait3A_2282 = arith.constant 0 : i32
    %dma_wait3A_2283 = tpu.memref_slice %arg1[%dma_wait3A_2275, %dma_wait3A_2281, %dma_wait3A_2282] : memref<128x2x768xf32, #tpu.memory_space<vmem>> -> memref<1x2x768xf32, #tpu.memory_space<vmem>>
    %dma_wait3A_2284 = tpu.memref_squeeze %dma_wait3A_2283 : memref<1x2x768xf32, #tpu.memory_space<vmem>> -> memref<2x768xf32, #tpu.memory_space<vmem>>
    tpu.wait_dma2 semaphore(%arg7 : memref<!tpu.dma_semaphore, #tpu.memory_space<semaphore_mem>>) src(%dma_wait3A_2284 : memref<2x768xf32, #tpu.memory_space<vmem>>) dst(%dma_wait3A_2280 : memref<2x768xf32, #tpu.memory_space<any>>)
    %dma_wait3A_2285 = arith.constant 98 : i32
    %dma_wait3A_2286 = arith.constant 12 : i32
    %dma_wait3A_2287 = arith.constant 24 : i32
    %dma_wait3A_2288 = arith.constant 0 : i32
    %dma_wait3A_2289 = tpu.memref_slice %arg4[%dma_wait3A_2286, %dma_wait3A_2287, %dma_wait3A_2288] : memref<16x232x768xf32, #tpu.memory_space<any>> -> memref<1x2x768xf32, #tpu.memory_space<any>>
    %dma_wait3A_2290 = tpu.memref_squeeze %dma_wait3A_2289 : memref<1x2x768xf32, #tpu.memory_space<any>> -> memref<2x768xf32, #tpu.memory_space<any>>
    %dma_wait3A_2291 = arith.constant 0 : i32
    %dma_wait3A_2292 = arith.constant 0 : i32
    %dma_wait3A_2293 = tpu.memref_slice %arg1[%dma_wait3A_2285, %dma_wait3A_2291, %dma_wait3A_2292] : memref<128x2x768xf32, #tpu.memory_space<vmem>> -> memref<1x2x768xf32, #tpu.memory_space<vmem>>
    %dma_wait3A_2294 = tpu.memref_squeeze %dma_wait3A_2293 : memref<1x2x768xf32, #tpu.memory_space<vmem>> -> memref<2x768xf32, #tpu.memory_space<vmem>>
    tpu.wait_dma2 semaphore(%arg7 : memref<!tpu.dma_semaphore, #tpu.memory_space<semaphore_mem>>) src(%dma_wait3A_2294 : memref<2x768xf32, #tpu.memory_space<vmem>>) dst(%dma_wait3A_2290 : memref<2x768xf32, #tpu.memory_space<any>>)
    %dma_wait3A_2295 = arith.constant 99 : i32
    %dma_wait3A_2296 = arith.constant 12 : i32
    %dma_wait3A_2297 = arith.constant 26 : i32
    %dma_wait3A_2298 = arith.constant 0 : i32
    %dma_wait3A_2299 = tpu.memref_slice %arg4[%dma_wait3A_2296, %dma_wait3A_2297, %dma_wait3A_2298] : memref<16x232x768xf32, #tpu.memory_space<any>> -> memref<1x2x768xf32, #tpu.memory_space<any>>
    %dma_wait3A_2300 = tpu.memref_squeeze %dma_wait3A_2299 : memref<1x2x768xf32, #tpu.memory_space<any>> -> memref<2x768xf32, #tpu.memory_space<any>>
    %dma_wait3A_2301 = arith.constant 0 : i32
    %dma_wait3A_2302 = arith.constant 0 : i32
    %dma_wait3A_2303 = tpu.memref_slice %arg1[%dma_wait3A_2295, %dma_wait3A_2301, %dma_wait3A_2302] : memref<128x2x768xf32, #tpu.memory_space<vmem>> -> memref<1x2x768xf32, #tpu.memory_space<vmem>>
    %dma_wait3A_2304 = tpu.memref_squeeze %dma_wait3A_2303 : memref<1x2x768xf32, #tpu.memory_space<vmem>> -> memref<2x768xf32, #tpu.memory_space<vmem>>
    tpu.wait_dma2 semaphore(%arg7 : memref<!tpu.dma_semaphore, #tpu.memory_space<semaphore_mem>>) src(%dma_wait3A_2304 : memref<2x768xf32, #tpu.memory_space<vmem>>) dst(%dma_wait3A_2300 : memref<2x768xf32, #tpu.memory_space<any>>)
    %dma_wait3A_2305 = arith.constant 100 : i32
    %dma_wait3A_2306 = arith.constant 12 : i32
    %dma_wait3A_2307 = arith.constant 28 : i32
    %dma_wait3A_2308 = arith.constant 0 : i32
    %dma_wait3A_2309 = tpu.memref_slice %arg4[%dma_wait3A_2306, %dma_wait3A_2307, %dma_wait3A_2308] : memref<16x232x768xf32, #tpu.memory_space<any>> -> memref<1x2x768xf32, #tpu.memory_space<any>>
    %dma_wait3A_2310 = tpu.memref_squeeze %dma_wait3A_2309 : memref<1x2x768xf32, #tpu.memory_space<any>> -> memref<2x768xf32, #tpu.memory_space<any>>
    %dma_wait3A_2311 = arith.constant 0 : i32
    %dma_wait3A_2312 = arith.constant 0 : i32
    %dma_wait3A_2313 = tpu.memref_slice %arg1[%dma_wait3A_2305, %dma_wait3A_2311, %dma_wait3A_2312] : memref<128x2x768xf32, #tpu.memory_space<vmem>> -> memref<1x2x768xf32, #tpu.memory_space<vmem>>
    %dma_wait3A_2314 = tpu.memref_squeeze %dma_wait3A_2313 : memref<1x2x768xf32, #tpu.memory_space<vmem>> -> memref<2x768xf32, #tpu.memory_space<vmem>>
    tpu.wait_dma2 semaphore(%arg7 : memref<!tpu.dma_semaphore, #tpu.memory_space<semaphore_mem>>) src(%dma_wait3A_2314 : memref<2x768xf32, #tpu.memory_space<vmem>>) dst(%dma_wait3A_2310 : memref<2x768xf32, #tpu.memory_space<any>>)
    %dma_wait3A_2315 = arith.constant 101 : i32
    %dma_wait3A_2316 = arith.constant 12 : i32
    %dma_wait3A_2317 = arith.constant 30 : i32
    %dma_wait3A_2318 = arith.constant 0 : i32
    %dma_wait3A_2319 = tpu.memref_slice %arg4[%dma_wait3A_2316, %dma_wait3A_2317, %dma_wait3A_2318] : memref<16x232x768xf32, #tpu.memory_space<any>> -> memref<1x2x768xf32, #tpu.memory_space<any>>
    %dma_wait3A_2320 = tpu.memref_squeeze %dma_wait3A_2319 : memref<1x2x768xf32, #tpu.memory_space<any>> -> memref<2x768xf32, #tpu.memory_space<any>>
    %dma_wait3A_2321 = arith.constant 0 : i32
    %dma_wait3A_2322 = arith.constant 0 : i32
    %dma_wait3A_2323 = tpu.memref_slice %arg1[%dma_wait3A_2315, %dma_wait3A_2321, %dma_wait3A_2322] : memref<128x2x768xf32, #tpu.memory_space<vmem>> -> memref<1x2x768xf32, #tpu.memory_space<vmem>>
    %dma_wait3A_2324 = tpu.memref_squeeze %dma_wait3A_2323 : memref<1x2x768xf32, #tpu.memory_space<vmem>> -> memref<2x768xf32, #tpu.memory_space<vmem>>
    tpu.wait_dma2 semaphore(%arg7 : memref<!tpu.dma_semaphore, #tpu.memory_space<semaphore_mem>>) src(%dma_wait3A_2324 : memref<2x768xf32, #tpu.memory_space<vmem>>) dst(%dma_wait3A_2320 : memref<2x768xf32, #tpu.memory_space<any>>)
    %dma_wait3A_2325 = arith.constant 102 : i32
    %dma_wait3A_2326 = arith.constant 12 : i32
    %dma_wait3A_2327 = arith.constant 32 : i32
    %dma_wait3A_2328 = arith.constant 0 : i32
    %dma_wait3A_2329 = tpu.memref_slice %arg4[%dma_wait3A_2326, %dma_wait3A_2327, %dma_wait3A_2328] : memref<16x232x768xf32, #tpu.memory_space<any>> -> memref<1x2x768xf32, #tpu.memory_space<any>>
    %dma_wait3A_2330 = tpu.memref_squeeze %dma_wait3A_2329 : memref<1x2x768xf32, #tpu.memory_space<any>> -> memref<2x768xf32, #tpu.memory_space<any>>
    %dma_wait3A_2331 = arith.constant 0 : i32
    %dma_wait3A_2332 = arith.constant 0 : i32
    %dma_wait3A_2333 = tpu.memref_slice %arg1[%dma_wait3A_2325, %dma_wait3A_2331, %dma_wait3A_2332] : memref<128x2x768xf32, #tpu.memory_space<vmem>> -> memref<1x2x768xf32, #tpu.memory_space<vmem>>
    %dma_wait3A_2334 = tpu.memref_squeeze %dma_wait3A_2333 : memref<1x2x768xf32, #tpu.memory_space<vmem>> -> memref<2x768xf32, #tpu.memory_space<vmem>>
    tpu.wait_dma2 semaphore(%arg7 : memref<!tpu.dma_semaphore, #tpu.memory_space<semaphore_mem>>) src(%dma_wait3A_2334 : memref<2x768xf32, #tpu.memory_space<vmem>>) dst(%dma_wait3A_2330 : memref<2x768xf32, #tpu.memory_space<any>>)
    %dma_wait3A_2335 = arith.constant 103 : i32
    %dma_wait3A_2336 = arith.constant 12 : i32
    %dma_wait3A_2337 = arith.constant 34 : i32
    %dma_wait3A_2338 = arith.constant 0 : i32
    %dma_wait3A_2339 = tpu.memref_slice %arg4[%dma_wait3A_2336, %dma_wait3A_2337, %dma_wait3A_2338] : memref<16x232x768xf32, #tpu.memory_space<any>> -> memref<1x2x768xf32, #tpu.memory_space<any>>
    %dma_wait3A_2340 = tpu.memref_squeeze %dma_wait3A_2339 : memref<1x2x768xf32, #tpu.memory_space<any>> -> memref<2x768xf32, #tpu.memory_space<any>>
    %dma_wait3A_2341 = arith.constant 0 : i32
    %dma_wait3A_2342 = arith.constant 0 : i32
    %dma_wait3A_2343 = tpu.memref_slice %arg1[%dma_wait3A_2335, %dma_wait3A_2341, %dma_wait3A_2342] : memref<128x2x768xf32, #tpu.memory_space<vmem>> -> memref<1x2x768xf32, #tpu.memory_space<vmem>>
    %dma_wait3A_2344 = tpu.memref_squeeze %dma_wait3A_2343 : memref<1x2x768xf32, #tpu.memory_space<vmem>> -> memref<2x768xf32, #tpu.memory_space<vmem>>
    tpu.wait_dma2 semaphore(%arg7 : memref<!tpu.dma_semaphore, #tpu.memory_space<semaphore_mem>>) src(%dma_wait3A_2344 : memref<2x768xf32, #tpu.memory_space<vmem>>) dst(%dma_wait3A_2340 : memref<2x768xf32, #tpu.memory_space<any>>)
    %dma_wait3A_2345 = arith.constant 104 : i32
    %dma_wait3A_2346 = arith.constant 13 : i32
    %dma_wait3A_2347 = arith.constant 20 : i32
    %dma_wait3A_2348 = arith.constant 0 : i32
    %dma_wait3A_2349 = tpu.memref_slice %arg4[%dma_wait3A_2346, %dma_wait3A_2347, %dma_wait3A_2348] : memref<16x232x768xf32, #tpu.memory_space<any>> -> memref<1x2x768xf32, #tpu.memory_space<any>>
    %dma_wait3A_2350 = tpu.memref_squeeze %dma_wait3A_2349 : memref<1x2x768xf32, #tpu.memory_space<any>> -> memref<2x768xf32, #tpu.memory_space<any>>
    %dma_wait3A_2351 = arith.constant 0 : i32
    %dma_wait3A_2352 = arith.constant 0 : i32
    %dma_wait3A_2353 = tpu.memref_slice %arg1[%dma_wait3A_2345, %dma_wait3A_2351, %dma_wait3A_2352] : memref<128x2x768xf32, #tpu.memory_space<vmem>> -> memref<1x2x768xf32, #tpu.memory_space<vmem>>
    %dma_wait3A_2354 = tpu.memref_squeeze %dma_wait3A_2353 : memref<1x2x768xf32, #tpu.memory_space<vmem>> -> memref<2x768xf32, #tpu.memory_space<vmem>>
    tpu.wait_dma2 semaphore(%arg7 : memref<!tpu.dma_semaphore, #tpu.memory_space<semaphore_mem>>) src(%dma_wait3A_2354 : memref<2x768xf32, #tpu.memory_space<vmem>>) dst(%dma_wait3A_2350 : memref<2x768xf32, #tpu.memory_space<any>>)
    %dma_wait3A_2355 = arith.constant 105 : i32
    %dma_wait3A_2356 = arith.constant 13 : i32
    %dma_wait3A_2357 = arith.constant 22 : i32
    %dma_wait3A_2358 = arith.constant 0 : i32
    %dma_wait3A_2359 = tpu.memref_slice %arg4[%dma_wait3A_2356, %dma_wait3A_2357, %dma_wait3A_2358] : memref<16x232x768xf32, #tpu.memory_space<any>> -> memref<1x2x768xf32, #tpu.memory_space<any>>
    %dma_wait3A_2360 = tpu.memref_squeeze %dma_wait3A_2359 : memref<1x2x768xf32, #tpu.memory_space<any>> -> memref<2x768xf32, #tpu.memory_space<any>>
    %dma_wait3A_2361 = arith.constant 0 : i32
    %dma_wait3A_2362 = arith.constant 0 : i32
    %dma_wait3A_2363 = tpu.memref_slice %arg1[%dma_wait3A_2355, %dma_wait3A_2361, %dma_wait3A_2362] : memref<128x2x768xf32, #tpu.memory_space<vmem>> -> memref<1x2x768xf32, #tpu.memory_space<vmem>>
    %dma_wait3A_2364 = tpu.memref_squeeze %dma_wait3A_2363 : memref<1x2x768xf32, #tpu.memory_space<vmem>> -> memref<2x768xf32, #tpu.memory_space<vmem>>
    tpu.wait_dma2 semaphore(%arg7 : memref<!tpu.dma_semaphore, #tpu.memory_space<semaphore_mem>>) src(%dma_wait3A_2364 : memref<2x768xf32, #tpu.memory_space<vmem>>) dst(%dma_wait3A_2360 : memref<2x768xf32, #tpu.memory_space<any>>)
    %dma_wait3A_2365 = arith.constant 106 : i32
    %dma_wait3A_2366 = arith.constant 13 : i32
    %dma_wait3A_2367 = arith.constant 24 : i32
    %dma_wait3A_2368 = arith.constant 0 : i32
    %dma_wait3A_2369 = tpu.memref_slice %arg4[%dma_wait3A_2366, %dma_wait3A_2367, %dma_wait3A_2368] : memref<16x232x768xf32, #tpu.memory_space<any>> -> memref<1x2x768xf32, #tpu.memory_space<any>>
    %dma_wait3A_2370 = tpu.memref_squeeze %dma_wait3A_2369 : memref<1x2x768xf32, #tpu.memory_space<any>> -> memref<2x768xf32, #tpu.memory_space<any>>
    %dma_wait3A_2371 = arith.constant 0 : i32
    %dma_wait3A_2372 = arith.constant 0 : i32
    %dma_wait3A_2373 = tpu.memref_slice %arg1[%dma_wait3A_2365, %dma_wait3A_2371, %dma_wait3A_2372] : memref<128x2x768xf32, #tpu.memory_space<vmem>> -> memref<1x2x768xf32, #tpu.memory_space<vmem>>
    %dma_wait3A_2374 = tpu.memref_squeeze %dma_wait3A_2373 : memref<1x2x768xf32, #tpu.memory_space<vmem>> -> memref<2x768xf32, #tpu.memory_space<vmem>>
    tpu.wait_dma2 semaphore(%arg7 : memref<!tpu.dma_semaphore, #tpu.memory_space<semaphore_mem>>) src(%dma_wait3A_2374 : memref<2x768xf32, #tpu.memory_space<vmem>>) dst(%dma_wait3A_2370 : memref<2x768xf32, #tpu.memory_space<any>>)
    %dma_wait3A_2375 = arith.constant 107 : i32
    %dma_wait3A_2376 = arith.constant 13 : i32
    %dma_wait3A_2377 = arith.constant 26 : i32
    %dma_wait3A_2378 = arith.constant 0 : i32
    %dma_wait3A_2379 = tpu.memref_slice %arg4[%dma_wait3A_2376, %dma_wait3A_2377, %dma_wait3A_2378] : memref<16x232x768xf32, #tpu.memory_space<any>> -> memref<1x2x768xf32, #tpu.memory_space<any>>
    %dma_wait3A_2380 = tpu.memref_squeeze %dma_wait3A_2379 : memref<1x2x768xf32, #tpu.memory_space<any>> -> memref<2x768xf32, #tpu.memory_space<any>>
    %dma_wait3A_2381 = arith.constant 0 : i32
    %dma_wait3A_2382 = arith.constant 0 : i32
    %dma_wait3A_2383 = tpu.memref_slice %arg1[%dma_wait3A_2375, %dma_wait3A_2381, %dma_wait3A_2382] : memref<128x2x768xf32, #tpu.memory_space<vmem>> -> memref<1x2x768xf32, #tpu.memory_space<vmem>>
    %dma_wait3A_2384 = tpu.memref_squeeze %dma_wait3A_2383 : memref<1x2x768xf32, #tpu.memory_space<vmem>> -> memref<2x768xf32, #tpu.memory_space<vmem>>
    tpu.wait_dma2 semaphore(%arg7 : memref<!tpu.dma_semaphore, #tpu.memory_space<semaphore_mem>>) src(%dma_wait3A_2384 : memref<2x768xf32, #tpu.memory_space<vmem>>) dst(%dma_wait3A_2380 : memref<2x768xf32, #tpu.memory_space<any>>)
    %dma_wait3A_2385 = arith.constant 108 : i32
    %dma_wait3A_2386 = arith.constant 13 : i32
    %dma_wait3A_2387 = arith.constant 28 : i32
    %dma_wait3A_2388 = arith.constant 0 : i32
    %dma_wait3A_2389 = tpu.memref_slice %arg4[%dma_wait3A_2386, %dma_wait3A_2387, %dma_wait3A_2388] : memref<16x232x768xf32, #tpu.memory_space<any>> -> memref<1x2x768xf32, #tpu.memory_space<any>>
    %dma_wait3A_2390 = tpu.memref_squeeze %dma_wait3A_2389 : memref<1x2x768xf32, #tpu.memory_space<any>> -> memref<2x768xf32, #tpu.memory_space<any>>
    %dma_wait3A_2391 = arith.constant 0 : i32
    %dma_wait3A_2392 = arith.constant 0 : i32
    %dma_wait3A_2393 = tpu.memref_slice %arg1[%dma_wait3A_2385, %dma_wait3A_2391, %dma_wait3A_2392] : memref<128x2x768xf32, #tpu.memory_space<vmem>> -> memref<1x2x768xf32, #tpu.memory_space<vmem>>
    %dma_wait3A_2394 = tpu.memref_squeeze %dma_wait3A_2393 : memref<1x2x768xf32, #tpu.memory_space<vmem>> -> memref<2x768xf32, #tpu.memory_space<vmem>>
    tpu.wait_dma2 semaphore(%arg7 : memref<!tpu.dma_semaphore, #tpu.memory_space<semaphore_mem>>) src(%dma_wait3A_2394 : memref<2x768xf32, #tpu.memory_space<vmem>>) dst(%dma_wait3A_2390 : memref<2x768xf32, #tpu.memory_space<any>>)
    %dma_wait3A_2395 = arith.constant 109 : i32
    %dma_wait3A_2396 = arith.constant 13 : i32
    %dma_wait3A_2397 = arith.constant 30 : i32
    %dma_wait3A_2398 = arith.constant 0 : i32
    %dma_wait3A_2399 = tpu.memref_slice %arg4[%dma_wait3A_2396, %dma_wait3A_2397, %dma_wait3A_2398] : memref<16x232x768xf32, #tpu.memory_space<any>> -> memref<1x2x768xf32, #tpu.memory_space<any>>
    %dma_wait3A_2400 = tpu.memref_squeeze %dma_wait3A_2399 : memref<1x2x768xf32, #tpu.memory_space<any>> -> memref<2x768xf32, #tpu.memory_space<any>>
    %dma_wait3A_2401 = arith.constant 0 : i32
    %dma_wait3A_2402 = arith.constant 0 : i32
    %dma_wait3A_2403 = tpu.memref_slice %arg1[%dma_wait3A_2395, %dma_wait3A_2401, %dma_wait3A_2402] : memref<128x2x768xf32, #tpu.memory_space<vmem>> -> memref<1x2x768xf32, #tpu.memory_space<vmem>>
    %dma_wait3A_2404 = tpu.memref_squeeze %dma_wait3A_2403 : memref<1x2x768xf32, #tpu.memory_space<vmem>> -> memref<2x768xf32, #tpu.memory_space<vmem>>
    tpu.wait_dma2 semaphore(%arg7 : memref<!tpu.dma_semaphore, #tpu.memory_space<semaphore_mem>>) src(%dma_wait3A_2404 : memref<2x768xf32, #tpu.memory_space<vmem>>) dst(%dma_wait3A_2400 : memref<2x768xf32, #tpu.memory_space<any>>)
    %dma_wait3A_2405 = arith.constant 110 : i32
    %dma_wait3A_2406 = arith.constant 13 : i32
    %dma_wait3A_2407 = arith.constant 32 : i32
    %dma_wait3A_2408 = arith.constant 0 : i32
    %dma_wait3A_2409 = tpu.memref_slice %arg4[%dma_wait3A_2406, %dma_wait3A_2407, %dma_wait3A_2408] : memref<16x232x768xf32, #tpu.memory_space<any>> -> memref<1x2x768xf32, #tpu.memory_space<any>>
    %dma_wait3A_2410 = tpu.memref_squeeze %dma_wait3A_2409 : memref<1x2x768xf32, #tpu.memory_space<any>> -> memref<2x768xf32, #tpu.memory_space<any>>
    %dma_wait3A_2411 = arith.constant 0 : i32
    %dma_wait3A_2412 = arith.constant 0 : i32
    %dma_wait3A_2413 = tpu.memref_slice %arg1[%dma_wait3A_2405, %dma_wait3A_2411, %dma_wait3A_2412] : memref<128x2x768xf32, #tpu.memory_space<vmem>> -> memref<1x2x768xf32, #tpu.memory_space<vmem>>
    %dma_wait3A_2414 = tpu.memref_squeeze %dma_wait3A_2413 : memref<1x2x768xf32, #tpu.memory_space<vmem>> -> memref<2x768xf32, #tpu.memory_space<vmem>>
    tpu.wait_dma2 semaphore(%arg7 : memref<!tpu.dma_semaphore, #tpu.memory_space<semaphore_mem>>) src(%dma_wait3A_2414 : memref<2x768xf32, #tpu.memory_space<vmem>>) dst(%dma_wait3A_2410 : memref<2x768xf32, #tpu.memory_space<any>>)
    %dma_wait3A_2415 = arith.constant 111 : i32
    %dma_wait3A_2416 = arith.constant 13 : i32
    %dma_wait3A_2417 = arith.constant 34 : i32
    %dma_wait3A_2418 = arith.constant 0 : i32
    %dma_wait3A_2419 = tpu.memref_slice %arg4[%dma_wait3A_2416, %dma_wait3A_2417, %dma_wait3A_2418] : memref<16x232x768xf32, #tpu.memory_space<any>> -> memref<1x2x768xf32, #tpu.memory_space<any>>
    %dma_wait3A_2420 = tpu.memref_squeeze %dma_wait3A_2419 : memref<1x2x768xf32, #tpu.memory_space<any>> -> memref<2x768xf32, #tpu.memory_space<any>>
    %dma_wait3A_2421 = arith.constant 0 : i32
    %dma_wait3A_2422 = arith.constant 0 : i32
    %dma_wait3A_2423 = tpu.memref_slice %arg1[%dma_wait3A_2415, %dma_wait3A_2421, %dma_wait3A_2422] : memref<128x2x768xf32, #tpu.memory_space<vmem>> -> memref<1x2x768xf32, #tpu.memory_space<vmem>>
    %dma_wait3A_2424 = tpu.memref_squeeze %dma_wait3A_2423 : memref<1x2x768xf32, #tpu.memory_space<vmem>> -> memref<2x768xf32, #tpu.memory_space<vmem>>
    tpu.wait_dma2 semaphore(%arg7 : memref<!tpu.dma_semaphore, #tpu.memory_space<semaphore_mem>>) src(%dma_wait3A_2424 : memref<2x768xf32, #tpu.memory_space<vmem>>) dst(%dma_wait3A_2420 : memref<2x768xf32, #tpu.memory_space<any>>)
    %dma_wait3A_2425 = arith.constant 112 : i32
    %dma_wait3A_2426 = arith.constant 14 : i32
    %dma_wait3A_2427 = arith.constant 20 : i32
    %dma_wait3A_2428 = arith.constant 0 : i32
    %dma_wait3A_2429 = tpu.memref_slice %arg4[%dma_wait3A_2426, %dma_wait3A_2427, %dma_wait3A_2428] : memref<16x232x768xf32, #tpu.memory_space<any>> -> memref<1x2x768xf32, #tpu.memory_space<any>>
    %dma_wait3A_2430 = tpu.memref_squeeze %dma_wait3A_2429 : memref<1x2x768xf32, #tpu.memory_space<any>> -> memref<2x768xf32, #tpu.memory_space<any>>
    %dma_wait3A_2431 = arith.constant 0 : i32
    %dma_wait3A_2432 = arith.constant 0 : i32
    %dma_wait3A_2433 = tpu.memref_slice %arg1[%dma_wait3A_2425, %dma_wait3A_2431, %dma_wait3A_2432] : memref<128x2x768xf32, #tpu.memory_space<vmem>> -> memref<1x2x768xf32, #tpu.memory_space<vmem>>
    %dma_wait3A_2434 = tpu.memref_squeeze %dma_wait3A_2433 : memref<1x2x768xf32, #tpu.memory_space<vmem>> -> memref<2x768xf32, #tpu.memory_space<vmem>>
    tpu.wait_dma2 semaphore(%arg7 : memref<!tpu.dma_semaphore, #tpu.memory_space<semaphore_mem>>) src(%dma_wait3A_2434 : memref<2x768xf32, #tpu.memory_space<vmem>>) dst(%dma_wait3A_2430 : memref<2x768xf32, #tpu.memory_space<any>>)
    %dma_wait3A_2435 = arith.constant 113 : i32
    %dma_wait3A_2436 = arith.constant 14 : i32
    %dma_wait3A_2437 = arith.constant 22 : i32
    %dma_wait3A_2438 = arith.constant 0 : i32
    %dma_wait3A_2439 = tpu.memref_slice %arg4[%dma_wait3A_2436, %dma_wait3A_2437, %dma_wait3A_2438] : memref<16x232x768xf32, #tpu.memory_space<any>> -> memref<1x2x768xf32, #tpu.memory_space<any>>
    %dma_wait3A_2440 = tpu.memref_squeeze %dma_wait3A_2439 : memref<1x2x768xf32, #tpu.memory_space<any>> -> memref<2x768xf32, #tpu.memory_space<any>>
    %dma_wait3A_2441 = arith.constant 0 : i32
    %dma_wait3A_2442 = arith.constant 0 : i32
    %dma_wait3A_2443 = tpu.memref_slice %arg1[%dma_wait3A_2435, %dma_wait3A_2441, %dma_wait3A_2442] : memref<128x2x768xf32, #tpu.memory_space<vmem>> -> memref<1x2x768xf32, #tpu.memory_space<vmem>>
    %dma_wait3A_2444 = tpu.memref_squeeze %dma_wait3A_2443 : memref<1x2x768xf32, #tpu.memory_space<vmem>> -> memref<2x768xf32, #tpu.memory_space<vmem>>
    tpu.wait_dma2 semaphore(%arg7 : memref<!tpu.dma_semaphore, #tpu.memory_space<semaphore_mem>>) src(%dma_wait3A_2444 : memref<2x768xf32, #tpu.memory_space<vmem>>) dst(%dma_wait3A_2440 : memref<2x768xf32, #tpu.memory_space<any>>)
    %dma_wait3A_2445 = arith.constant 114 : i32
    %dma_wait3A_2446 = arith.constant 14 : i32
    %dma_wait3A_2447 = arith.constant 24 : i32
    %dma_wait3A_2448 = arith.constant 0 : i32
    %dma_wait3A_2449 = tpu.memref_slice %arg4[%dma_wait3A_2446, %dma_wait3A_2447, %dma_wait3A_2448] : memref<16x232x768xf32, #tpu.memory_space<any>> -> memref<1x2x768xf32, #tpu.memory_space<any>>
    %dma_wait3A_2450 = tpu.memref_squeeze %dma_wait3A_2449 : memref<1x2x768xf32, #tpu.memory_space<any>> -> memref<2x768xf32, #tpu.memory_space<any>>
    %dma_wait3A_2451 = arith.constant 0 : i32
    %dma_wait3A_2452 = arith.constant 0 : i32
    %dma_wait3A_2453 = tpu.memref_slice %arg1[%dma_wait3A_2445, %dma_wait3A_2451, %dma_wait3A_2452] : memref<128x2x768xf32, #tpu.memory_space<vmem>> -> memref<1x2x768xf32, #tpu.memory_space<vmem>>
    %dma_wait3A_2454 = tpu.memref_squeeze %dma_wait3A_2453 : memref<1x2x768xf32, #tpu.memory_space<vmem>> -> memref<2x768xf32, #tpu.memory_space<vmem>>
    tpu.wait_dma2 semaphore(%arg7 : memref<!tpu.dma_semaphore, #tpu.memory_space<semaphore_mem>>) src(%dma_wait3A_2454 : memref<2x768xf32, #tpu.memory_space<vmem>>) dst(%dma_wait3A_2450 : memref<2x768xf32, #tpu.memory_space<any>>)
    %dma_wait3A_2455 = arith.constant 115 : i32
    %dma_wait3A_2456 = arith.constant 14 : i32
    %dma_wait3A_2457 = arith.constant 26 : i32
    %dma_wait3A_2458 = arith.constant 0 : i32
    %dma_wait3A_2459 = tpu.memref_slice %arg4[%dma_wait3A_2456, %dma_wait3A_2457, %dma_wait3A_2458] : memref<16x232x768xf32, #tpu.memory_space<any>> -> memref<1x2x768xf32, #tpu.memory_space<any>>
    %dma_wait3A_2460 = tpu.memref_squeeze %dma_wait3A_2459 : memref<1x2x768xf32, #tpu.memory_space<any>> -> memref<2x768xf32, #tpu.memory_space<any>>
    %dma_wait3A_2461 = arith.constant 0 : i32
    %dma_wait3A_2462 = arith.constant 0 : i32
    %dma_wait3A_2463 = tpu.memref_slice %arg1[%dma_wait3A_2455, %dma_wait3A_2461, %dma_wait3A_2462] : memref<128x2x768xf32, #tpu.memory_space<vmem>> -> memref<1x2x768xf32, #tpu.memory_space<vmem>>
    %dma_wait3A_2464 = tpu.memref_squeeze %dma_wait3A_2463 : memref<1x2x768xf32, #tpu.memory_space<vmem>> -> memref<2x768xf32, #tpu.memory_space<vmem>>
    tpu.wait_dma2 semaphore(%arg7 : memref<!tpu.dma_semaphore, #tpu.memory_space<semaphore_mem>>) src(%dma_wait3A_2464 : memref<2x768xf32, #tpu.memory_space<vmem>>) dst(%dma_wait3A_2460 : memref<2x768xf32, #tpu.memory_space<any>>)
    %dma_wait3A_2465 = arith.constant 116 : i32
    %dma_wait3A_2466 = arith.constant 14 : i32
    %dma_wait3A_2467 = arith.constant 28 : i32
    %dma_wait3A_2468 = arith.constant 0 : i32
    %dma_wait3A_2469 = tpu.memref_slice %arg4[%dma_wait3A_2466, %dma_wait3A_2467, %dma_wait3A_2468] : memref<16x232x768xf32, #tpu.memory_space<any>> -> memref<1x2x768xf32, #tpu.memory_space<any>>
    %dma_wait3A_2470 = tpu.memref_squeeze %dma_wait3A_2469 : memref<1x2x768xf32, #tpu.memory_space<any>> -> memref<2x768xf32, #tpu.memory_space<any>>
    %dma_wait3A_2471 = arith.constant 0 : i32
    %dma_wait3A_2472 = arith.constant 0 : i32
    %dma_wait3A_2473 = tpu.memref_slice %arg1[%dma_wait3A_2465, %dma_wait3A_2471, %dma_wait3A_2472] : memref<128x2x768xf32, #tpu.memory_space<vmem>> -> memref<1x2x768xf32, #tpu.memory_space<vmem>>
    %dma_wait3A_2474 = tpu.memref_squeeze %dma_wait3A_2473 : memref<1x2x768xf32, #tpu.memory_space<vmem>> -> memref<2x768xf32, #tpu.memory_space<vmem>>
    tpu.wait_dma2 semaphore(%arg7 : memref<!tpu.dma_semaphore, #tpu.memory_space<semaphore_mem>>) src(%dma_wait3A_2474 : memref<2x768xf32, #tpu.memory_space<vmem>>) dst(%dma_wait3A_2470 : memref<2x768xf32, #tpu.memory_space<any>>)
    %dma_wait3A_2475 = arith.constant 117 : i32
    %dma_wait3A_2476 = arith.constant 14 : i32
    %dma_wait3A_2477 = arith.constant 30 : i32
    %dma_wait3A_2478 = arith.constant 0 : i32
    %dma_wait3A_2479 = tpu.memref_slice %arg4[%dma_wait3A_2476, %dma_wait3A_2477, %dma_wait3A_2478] : memref<16x232x768xf32, #tpu.memory_space<any>> -> memref<1x2x768xf32, #tpu.memory_space<any>>
    %dma_wait3A_2480 = tpu.memref_squeeze %dma_wait3A_2479 : memref<1x2x768xf32, #tpu.memory_space<any>> -> memref<2x768xf32, #tpu.memory_space<any>>
    %dma_wait3A_2481 = arith.constant 0 : i32
    %dma_wait3A_2482 = arith.constant 0 : i32
    %dma_wait3A_2483 = tpu.memref_slice %arg1[%dma_wait3A_2475, %dma_wait3A_2481, %dma_wait3A_2482] : memref<128x2x768xf32, #tpu.memory_space<vmem>> -> memref<1x2x768xf32, #tpu.memory_space<vmem>>
    %dma_wait3A_2484 = tpu.memref_squeeze %dma_wait3A_2483 : memref<1x2x768xf32, #tpu.memory_space<vmem>> -> memref<2x768xf32, #tpu.memory_space<vmem>>
    tpu.wait_dma2 semaphore(%arg7 : memref<!tpu.dma_semaphore, #tpu.memory_space<semaphore_mem>>) src(%dma_wait3A_2484 : memref<2x768xf32, #tpu.memory_space<vmem>>) dst(%dma_wait3A_2480 : memref<2x768xf32, #tpu.memory_space<any>>)
    %dma_wait3A_2485 = arith.constant 118 : i32
    %dma_wait3A_2486 = arith.constant 14 : i32
    %dma_wait3A_2487 = arith.constant 32 : i32
    %dma_wait3A_2488 = arith.constant 0 : i32
    %dma_wait3A_2489 = tpu.memref_slice %arg4[%dma_wait3A_2486, %dma_wait3A_2487, %dma_wait3A_2488] : memref<16x232x768xf32, #tpu.memory_space<any>> -> memref<1x2x768xf32, #tpu.memory_space<any>>
    %dma_wait3A_2490 = tpu.memref_squeeze %dma_wait3A_2489 : memref<1x2x768xf32, #tpu.memory_space<any>> -> memref<2x768xf32, #tpu.memory_space<any>>
    %dma_wait3A_2491 = arith.constant 0 : i32
    %dma_wait3A_2492 = arith.constant 0 : i32
    %dma_wait3A_2493 = tpu.memref_slice %arg1[%dma_wait3A_2485, %dma_wait3A_2491, %dma_wait3A_2492] : memref<128x2x768xf32, #tpu.memory_space<vmem>> -> memref<1x2x768xf32, #tpu.memory_space<vmem>>
    %dma_wait3A_2494 = tpu.memref_squeeze %dma_wait3A_2493 : memref<1x2x768xf32, #tpu.memory_space<vmem>> -> memref<2x768xf32, #tpu.memory_space<vmem>>
    tpu.wait_dma2 semaphore(%arg7 : memref<!tpu.dma_semaphore, #tpu.memory_space<semaphore_mem>>) src(%dma_wait3A_2494 : memref<2x768xf32, #tpu.memory_space<vmem>>) dst(%dma_wait3A_2490 : memref<2x768xf32, #tpu.memory_space<any>>)
    %dma_wait3A_2495 = arith.constant 119 : i32
    %dma_wait3A_2496 = arith.constant 14 : i32
    %dma_wait3A_2497 = arith.constant 34 : i32
    %dma_wait3A_2498 = arith.constant 0 : i32
    %dma_wait3A_2499 = tpu.memref_slice %arg4[%dma_wait3A_2496, %dma_wait3A_2497, %dma_wait3A_2498] : memref<16x232x768xf32, #tpu.memory_space<any>> -> memref<1x2x768xf32, #tpu.memory_space<any>>
    %dma_wait3A_2500 = tpu.memref_squeeze %dma_wait3A_2499 : memref<1x2x768xf32, #tpu.memory_space<any>> -> memref<2x768xf32, #tpu.memory_space<any>>
    %dma_wait3A_2501 = arith.constant 0 : i32
    %dma_wait3A_2502 = arith.constant 0 : i32
    %dma_wait3A_2503 = tpu.memref_slice %arg1[%dma_wait3A_2495, %dma_wait3A_2501, %dma_wait3A_2502] : memref<128x2x768xf32, #tpu.memory_space<vmem>> -> memref<1x2x768xf32, #tpu.memory_space<vmem>>
    %dma_wait3A_2504 = tpu.memref_squeeze %dma_wait3A_2503 : memref<1x2x768xf32, #tpu.memory_space<vmem>> -> memref<2x768xf32, #tpu.memory_space<vmem>>
    tpu.wait_dma2 semaphore(%arg7 : memref<!tpu.dma_semaphore, #tpu.memory_space<semaphore_mem>>) src(%dma_wait3A_2504 : memref<2x768xf32, #tpu.memory_space<vmem>>) dst(%dma_wait3A_2500 : memref<2x768xf32, #tpu.memory_space<any>>)
    %dma_wait3A_2505 = arith.constant 120 : i32
    %dma_wait3A_2506 = arith.constant 15 : i32
    %dma_wait3A_2507 = arith.constant 20 : i32
    %dma_wait3A_2508 = arith.constant 0 : i32
    %dma_wait3A_2509 = tpu.memref_slice %arg4[%dma_wait3A_2506, %dma_wait3A_2507, %dma_wait3A_2508] : memref<16x232x768xf32, #tpu.memory_space<any>> -> memref<1x2x768xf32, #tpu.memory_space<any>>
    %dma_wait3A_2510 = tpu.memref_squeeze %dma_wait3A_2509 : memref<1x2x768xf32, #tpu.memory_space<any>> -> memref<2x768xf32, #tpu.memory_space<any>>
    %dma_wait3A_2511 = arith.constant 0 : i32
    %dma_wait3A_2512 = arith.constant 0 : i32
    %dma_wait3A_2513 = tpu.memref_slice %arg1[%dma_wait3A_2505, %dma_wait3A_2511, %dma_wait3A_2512] : memref<128x2x768xf32, #tpu.memory_space<vmem>> -> memref<1x2x768xf32, #tpu.memory_space<vmem>>
    %dma_wait3A_2514 = tpu.memref_squeeze %dma_wait3A_2513 : memref<1x2x768xf32, #tpu.memory_space<vmem>> -> memref<2x768xf32, #tpu.memory_space<vmem>>
    tpu.wait_dma2 semaphore(%arg7 : memref<!tpu.dma_semaphore, #tpu.memory_space<semaphore_mem>>) src(%dma_wait3A_2514 : memref<2x768xf32, #tpu.memory_space<vmem>>) dst(%dma_wait3A_2510 : memref<2x768xf32, #tpu.memory_space<any>>)
    %dma_wait3A_2515 = arith.constant 121 : i32
    %dma_wait3A_2516 = arith.constant 15 : i32
    %dma_wait3A_2517 = arith.constant 22 : i32
    %dma_wait3A_2518 = arith.constant 0 : i32
    %dma_wait3A_2519 = tpu.memref_slice %arg4[%dma_wait3A_2516, %dma_wait3A_2517, %dma_wait3A_2518] : memref<16x232x768xf32, #tpu.memory_space<any>> -> memref<1x2x768xf32, #tpu.memory_space<any>>
    %dma_wait3A_2520 = tpu.memref_squeeze %dma_wait3A_2519 : memref<1x2x768xf32, #tpu.memory_space<any>> -> memref<2x768xf32, #tpu.memory_space<any>>
    %dma_wait3A_2521 = arith.constant 0 : i32
    %dma_wait3A_2522 = arith.constant 0 : i32
    %dma_wait3A_2523 = tpu.memref_slice %arg1[%dma_wait3A_2515, %dma_wait3A_2521, %dma_wait3A_2522] : memref<128x2x768xf32, #tpu.memory_space<vmem>> -> memref<1x2x768xf32, #tpu.memory_space<vmem>>
    %dma_wait3A_2524 = tpu.memref_squeeze %dma_wait3A_2523 : memref<1x2x768xf32, #tpu.memory_space<vmem>> -> memref<2x768xf32, #tpu.memory_space<vmem>>
    tpu.wait_dma2 semaphore(%arg7 : memref<!tpu.dma_semaphore, #tpu.memory_space<semaphore_mem>>) src(%dma_wait3A_2524 : memref<2x768xf32, #tpu.memory_space<vmem>>) dst(%dma_wait3A_2520 : memref<2x768xf32, #tpu.memory_space<any>>)
    %dma_wait3A_2525 = arith.constant 122 : i32
    %dma_wait3A_2526 = arith.constant 15 : i32
    %dma_wait3A_2527 = arith.constant 24 : i32
    %dma_wait3A_2528 = arith.constant 0 : i32
    %dma_wait3A_2529 = tpu.memref_slice %arg4[%dma_wait3A_2526, %dma_wait3A_2527, %dma_wait3A_2528] : memref<16x232x768xf32, #tpu.memory_space<any>> -> memref<1x2x768xf32, #tpu.memory_space<any>>
    %dma_wait3A_2530 = tpu.memref_squeeze %dma_wait3A_2529 : memref<1x2x768xf32, #tpu.memory_space<any>> -> memref<2x768xf32, #tpu.memory_space<any>>
    %dma_wait3A_2531 = arith.constant 0 : i32
    %dma_wait3A_2532 = arith.constant 0 : i32
    %dma_wait3A_2533 = tpu.memref_slice %arg1[%dma_wait3A_2525, %dma_wait3A_2531, %dma_wait3A_2532] : memref<128x2x768xf32, #tpu.memory_space<vmem>> -> memref<1x2x768xf32, #tpu.memory_space<vmem>>
    %dma_wait3A_2534 = tpu.memref_squeeze %dma_wait3A_2533 : memref<1x2x768xf32, #tpu.memory_space<vmem>> -> memref<2x768xf32, #tpu.memory_space<vmem>>
    tpu.wait_dma2 semaphore(%arg7 : memref<!tpu.dma_semaphore, #tpu.memory_space<semaphore_mem>>) src(%dma_wait3A_2534 : memref<2x768xf32, #tpu.memory_space<vmem>>) dst(%dma_wait3A_2530 : memref<2x768xf32, #tpu.memory_space<any>>)
    %dma_wait3A_2535 = arith.constant 123 : i32
    %dma_wait3A_2536 = arith.constant 15 : i32
    %dma_wait3A_2537 = arith.constant 26 : i32
    %dma_wait3A_2538 = arith.constant 0 : i32
    %dma_wait3A_2539 = tpu.memref_slice %arg4[%dma_wait3A_2536, %dma_wait3A_2537, %dma_wait3A_2538] : memref<16x232x768xf32, #tpu.memory_space<any>> -> memref<1x2x768xf32, #tpu.memory_space<any>>
    %dma_wait3A_2540 = tpu.memref_squeeze %dma_wait3A_2539 : memref<1x2x768xf32, #tpu.memory_space<any>> -> memref<2x768xf32, #tpu.memory_space<any>>
    %dma_wait3A_2541 = arith.constant 0 : i32
    %dma_wait3A_2542 = arith.constant 0 : i32
    %dma_wait3A_2543 = tpu.memref_slice %arg1[%dma_wait3A_2535, %dma_wait3A_2541, %dma_wait3A_2542] : memref<128x2x768xf32, #tpu.memory_space<vmem>> -> memref<1x2x768xf32, #tpu.memory_space<vmem>>
    %dma_wait3A_2544 = tpu.memref_squeeze %dma_wait3A_2543 : memref<1x2x768xf32, #tpu.memory_space<vmem>> -> memref<2x768xf32, #tpu.memory_space<vmem>>
    tpu.wait_dma2 semaphore(%arg7 : memref<!tpu.dma_semaphore, #tpu.memory_space<semaphore_mem>>) src(%dma_wait3A_2544 : memref<2x768xf32, #tpu.memory_space<vmem>>) dst(%dma_wait3A_2540 : memref<2x768xf32, #tpu.memory_space<any>>)
    %dma_wait3A_2545 = arith.constant 124 : i32
    %dma_wait3A_2546 = arith.constant 15 : i32
    %dma_wait3A_2547 = arith.constant 28 : i32
    %dma_wait3A_2548 = arith.constant 0 : i32
    %dma_wait3A_2549 = tpu.memref_slice %arg4[%dma_wait3A_2546, %dma_wait3A_2547, %dma_wait3A_2548] : memref<16x232x768xf32, #tpu.memory_space<any>> -> memref<1x2x768xf32, #tpu.memory_space<any>>
    %dma_wait3A_2550 = tpu.memref_squeeze %dma_wait3A_2549 : memref<1x2x768xf32, #tpu.memory_space<any>> -> memref<2x768xf32, #tpu.memory_space<any>>
    %dma_wait3A_2551 = arith.constant 0 : i32
    %dma_wait3A_2552 = arith.constant 0 : i32
    %dma_wait3A_2553 = tpu.memref_slice %arg1[%dma_wait3A_2545, %dma_wait3A_2551, %dma_wait3A_2552] : memref<128x2x768xf32, #tpu.memory_space<vmem>> -> memref<1x2x768xf32, #tpu.memory_space<vmem>>
    %dma_wait3A_2554 = tpu.memref_squeeze %dma_wait3A_2553 : memref<1x2x768xf32, #tpu.memory_space<vmem>> -> memref<2x768xf32, #tpu.memory_space<vmem>>
    tpu.wait_dma2 semaphore(%arg7 : memref<!tpu.dma_semaphore, #tpu.memory_space<semaphore_mem>>) src(%dma_wait3A_2554 : memref<2x768xf32, #tpu.memory_space<vmem>>) dst(%dma_wait3A_2550 : memref<2x768xf32, #tpu.memory_space<any>>)
    %dma_wait3A_2555 = arith.constant 125 : i32
    %dma_wait3A_2556 = arith.constant 15 : i32
    %dma_wait3A_2557 = arith.constant 30 : i32
    %dma_wait3A_2558 = arith.constant 0 : i32
    %dma_wait3A_2559 = tpu.memref_slice %arg4[%dma_wait3A_2556, %dma_wait3A_2557, %dma_wait3A_2558] : memref<16x232x768xf32, #tpu.memory_space<any>> -> memref<1x2x768xf32, #tpu.memory_space<any>>
    %dma_wait3A_2560 = tpu.memref_squeeze %dma_wait3A_2559 : memref<1x2x768xf32, #tpu.memory_space<any>> -> memref<2x768xf32, #tpu.memory_space<any>>
    %dma_wait3A_2561 = arith.constant 0 : i32
    %dma_wait3A_2562 = arith.constant 0 : i32
    %dma_wait3A_2563 = tpu.memref_slice %arg1[%dma_wait3A_2555, %dma_wait3A_2561, %dma_wait3A_2562] : memref<128x2x768xf32, #tpu.memory_space<vmem>> -> memref<1x2x768xf32, #tpu.memory_space<vmem>>
    %dma_wait3A_2564 = tpu.memref_squeeze %dma_wait3A_2563 : memref<1x2x768xf32, #tpu.memory_space<vmem>> -> memref<2x768xf32, #tpu.memory_space<vmem>>
    tpu.wait_dma2 semaphore(%arg7 : memref<!tpu.dma_semaphore, #tpu.memory_space<semaphore_mem>>) src(%dma_wait3A_2564 : memref<2x768xf32, #tpu.memory_space<vmem>>) dst(%dma_wait3A_2560 : memref<2x768xf32, #tpu.memory_space<any>>)
    %dma_wait3A_2565 = arith.constant 126 : i32
    %dma_wait3A_2566 = arith.constant 15 : i32
    %dma_wait3A_2567 = arith.constant 32 : i32
    %dma_wait3A_2568 = arith.constant 0 : i32
    %dma_wait3A_2569 = tpu.memref_slice %arg4[%dma_wait3A_2566, %dma_wait3A_2567, %dma_wait3A_2568] : memref<16x232x768xf32, #tpu.memory_space<any>> -> memref<1x2x768xf32, #tpu.memory_space<any>>
    %dma_wait3A_2570 = tpu.memref_squeeze %dma_wait3A_2569 : memref<1x2x768xf32, #tpu.memory_space<any>> -> memref<2x768xf32, #tpu.memory_space<any>>
    %dma_wait3A_2571 = arith.constant 0 : i32
    %dma_wait3A_2572 = arith.constant 0 : i32
    %dma_wait3A_2573 = tpu.memref_slice %arg1[%dma_wait3A_2565, %dma_wait3A_2571, %dma_wait3A_2572] : memref<128x2x768xf32, #tpu.memory_space<vmem>> -> memref<1x2x768xf32, #tpu.memory_space<vmem>>
    %dma_wait3A_2574 = tpu.memref_squeeze %dma_wait3A_2573 : memref<1x2x768xf32, #tpu.memory_space<vmem>> -> memref<2x768xf32, #tpu.memory_space<vmem>>
    tpu.wait_dma2 semaphore(%arg7 : memref<!tpu.dma_semaphore, #tpu.memory_space<semaphore_mem>>) src(%dma_wait3A_2574 : memref<2x768xf32, #tpu.memory_space<vmem>>) dst(%dma_wait3A_2570 : memref<2x768xf32, #tpu.memory_space<any>>)
    %dma_wait3A_2575 = arith.constant 127 : i32
    %dma_wait3A_2576 = arith.constant 15 : i32
    %dma_wait3A_2577 = arith.constant 34 : i32
    %dma_wait3A_2578 = arith.constant 0 : i32
    %dma_wait3A_2579 = tpu.memref_slice %arg4[%dma_wait3A_2576, %dma_wait3A_2577, %dma_wait3A_2578] : memref<16x232x768xf32, #tpu.memory_space<any>> -> memref<1x2x768xf32, #tpu.memory_space<any>>
    %dma_wait3A_2580 = tpu.memref_squeeze %dma_wait3A_2579 : memref<1x2x768xf32, #tpu.memory_space<any>> -> memref<2x768xf32, #tpu.memory_space<any>>
    %dma_wait3A_2581 = arith.constant 0 : i32
    %dma_wait3A_2582 = arith.constant 0 : i32
    %dma_wait3A_2583 = tpu.memref_slice %arg1[%dma_wait3A_2575, %dma_wait3A_2581, %dma_wait3A_2582] : memref<128x2x768xf32, #tpu.memory_space<vmem>> -> memref<1x2x768xf32, #tpu.memory_space<vmem>>
    %dma_wait3A_2584 = tpu.memref_squeeze %dma_wait3A_2583 : memref<1x2x768xf32, #tpu.memory_space<vmem>> -> memref<2x768xf32, #tpu.memory_space<vmem>>
    tpu.wait_dma2 semaphore(%arg7 : memref<!tpu.dma_semaphore, #tpu.memory_space<semaphore_mem>>) src(%dma_wait3A_2584 : memref<2x768xf32, #tpu.memory_space<vmem>>) dst(%dma_wait3A_2580 : memref<2x768xf32, #tpu.memory_space<any>>)
    return
  }
}

</mosaic_0001>

<sc_bundles>
// kernel: kernel.5.cloned.1.call-start
scs
__scs_entry_jumppad:
0x0: {  	(pc) =	sbr.rel $0x88, $3  }
0x1: {  	(tag) =	ssettag $0x0;
	lr =	simm.s32 $0x1  }
0x2: {  	[smem:$0x3F95] =	sst lr;
	_ =	strace $0xD0000000  }
0x3: {  	_ = 	snop  }
0x4: {  	_ = 	snop  }
0x5: {  	_ = 	snop  }
0x6: {  	_ = 	snop  }
0x7: {  	_ = 	snop  }
__scs_overlays_trampoline_lowered:
0x8: {  	[smem:$0x3FA4] =	sst s0  }
0x9: {  	[smem:$0x3FA5] =	sst s1  }
0xa: {  	[smem:$0x3FA6] =	sst s2  }
0xb: {  	[smem:$0x3FA7] =	sst s3  }
0xc: {  	[smem:$0x3FA8] =	sst s4  }
0xd: {  	[smem:$0x3FA9] =	sst s5  }
0xe: {  	[smem:$0x3FAA] =	sst s6  }
0xf: {  	[smem:$0x3FAB] =	sst s7  }
0x10: {  	[smem:$0x3FAC] =	sst s8  }
0x11: {  	[smem:$0x3FAD] =	sst s9;
	s0 =	simm.s32 @!p0 $0x0  }
0x12: {  	s1 =	sld [smem:$0x3F93];
	s0 =	simm.s32 @p0 $0x1  }
0x13: {  	[smem:$0x3FAE] =	sst s0;
	s0 =	simm.s32 @!p1 $0x0  }
0x14: {  	s2 =	sld [smem:$0x3F92];
	s0 =	simm.s32 @p1 $0x1  }
0x15: {  	[smem:$0x3FAF] =	sst s0;
	s0 =	simm.s32 @!p2 $0x0  }
0x16: {  	s3 =	sld [smem:$0x3FDB];
	s0 =	simm.s32 @p2 $0x1  }
0x17: {  	s4 =	simm.s32 $0x1BF5;
	[smem:$0x3FB1] =	sst s0  }
0x18: {  	s0 =	sld [smem:$0x3F94];
	_ =	swait.ge [sflag:s4], $0x0  }
0x19: {  	s7 =	sld [smem:$0x3F95]  }
0x1a: {  	s8 =	sadd.s32 $0xFFFFE003, lr  }
0x1b: {  	s9 =	sadd.s32 $0xFFFFFEF7, lr;
	s5 =	simm.s32 $0xFFFFFFFF;
	p2 =	slt.u32 s8, $0xFFFFF086  }
0x1c: {  	p1 =	slt.u32 s9, $0xF7A;
	s5 =	simm.s32 @!p2 $0x0  }
0x1d: {  	s5 =	simm.s32 @p1 $0x1;
	p0 =	seq.s32 s7, s2  }
0x1e: {  	s7 =	smul.u32 @!p0 $0xF7A, s2;
	p2 =	seq.s32 @!p0 s5, $0x0  }
0x1f: {  	s9 =	smul.u32 $0xF7A, s1;
	s8 =	simm.s32 @!p0 $0x1BF5;
	p2 =	por !p2, p0  }
0x20: {  	[sflag:s8] =	ssyncset.s32 @!p0 $0xFFFFF086;
	s6 =	sadd.s32 @!p0 s3, s7;
	s7 =	simm.s32 @!p0 $0x108  }
0x21: {  	s3 =	sadd.s32 s3, s9;
	s6 =	sadd.s32 @!p0 $0x88, s6;
	s7 =	simm.s32 @p2 $0x1082  }
0x22: {  	[simem:s7], [sflag:s8] =	dma.local @!p0 [hbm:s6], $0xF7A  }
0x23: {  	s9 =	sor.u32 $0xD0000000, s2;
	s6 =	simm.s32 $0x108;
	_ =	swait.ge @!p0 [sflag:s8], $0x0  }
0x24: {  	s3 =	sadd.s32 $0x88, s3;
	s6 =	simm.s32 @!p1 $0x1082;
	[sflag:s4] =	ssyncset.s32 $0xFFFFF086  }
0x25: {  	[simem:s6], [sflag:s4] =	dma.local [hbm:s3], $0xF7A  }
0x26: {  	[smem:$0x3F95] =	sst s1;
	(tag) =	ssettag s2;
	_ =	strace s9  }
0x27: {  	s1 =	sld [smem:$0x3FA5]  }
0x28: {  	s2 =	sld [smem:$0x3FA6]  }
0x29: {  	s4 =	sld [smem:$0x3FA8]  }
0x2a: {  	p0 =	seq.s32 s5, $0x0;
	s5 =	sld [smem:$0x3FA9]  }
0x2b: {  	s6 =	sld [smem:$0x3FAA]  }
0x2c: {  	s7 =	sld [smem:$0x3FAB]  }
0x2d: {  	s3 =	simm.s32 $0x108;
	s8 =	sld [smem:$0x3FAC]  }
0x2e: {  	s3 =	simm.s32 @!p0 $0x1082;
	s9 =	sld [smem:$0x3FAD]  }
0x2f: {  	lr =	sadd.s32 s0, s3;
	s0 =	sld [smem:$0x3FA4]  }
0x30: {  	s3 =	sld [smem:$0x3FA7]  }
0x31: {  	[smem:$0x3FB0] =	sst s10  }
0x32: {  	s10 =	sld [smem:$0x3FAE];
	_ =	sdelay $0x3  }
0x33: {  	p0 =	seq.s32 s10, $0x1;
	s10 =	sld [smem:$0x3FB0];
	_ =	sdelay $0x3  }
0x34: {  	[smem:$0x3FB0] =	sst s10  }
0x35: {  	s10 =	sld [smem:$0x3FAF];
	_ =	sdelay $0x3  }
0x36: {  	p1 =	seq.s32 s10, $0x1;
	s10 =	sld [smem:$0x3FB0];
	_ =	sdelay $0x3  }
0x37: {  	[smem:$0x3FB0] =	sst s10  }
0x38: {  	s10 =	sld [smem:$0x3FB1]  }
0x39: {  	_ = 	snop;
	(pc) =	sbr.ind lr, $3  }
0x3a: {  	_ = 	snop  }
0x3b: {  	_ = 	snop  }
0x3c: {  	p2 =	seq.s32 s10, $0x1;
	s10 =	sld [smem:$0x3FB0]  }
0x3d: {  	_ =	shalt  }
0x3e: {  	_ =	shalt  }
0x3f: {  	_ =	shalt  }
0x40: {  	_ =	shalt  }
0x41: {  	_ =	shalt  }
0x42: {  	_ =	shalt  }
0x43: {  	_ =	shalt  }
0x44: {  	_ =	shalt  }
0x45: {  	_ =	shalt  }
0x46: {  	_ =	shalt  }
0x47: {  	_ =	shalt  }
0x48: {  	_ =	shalt  }
0x49: {  	_ =	shalt  }
0x4a: {  	_ =	shalt  }
0x4b: {  	_ =	shalt  }
0x4c: {  	_ =	shalt  }
0x4d: {  	_ =	shalt  }
0x4e: {  	_ =	shalt  }
0x4f: {  	_ =	shalt  }
0x50: {  	_ =	shalt  }
0x51: {  	_ =	shalt  }
0x52: {  	_ =	shalt  }
0x53: {  	_ =	shalt  }
0x54: {  	_ =	shalt  }
0x55: {  	_ =	shalt  }
0x56: {  	_ =	shalt  }
0x57: {  	_ =	shalt  }
0x58: {  	_ =	shalt  }
0x59: {  	_ =	shalt  }
0x5a: {  	_ =	shalt  }
0x5b: {  	_ =	shalt  }
0x5c: {  	_ =	shalt  }
0x5d: {  	_ =	shalt  }
0x5e: {  	_ =	shalt  }
0x5f: {  	_ =	shalt  }
0x60: {  	_ =	shalt  }
0x61: {  	_ =	shalt  }
0x62: {  	_ =	shalt  }
0x63: {  	_ =	shalt  }
0x64: {  	_ =	shalt  }
0x65: {  	_ =	shalt  }
0x66: {  	_ =	shalt  }
0x67: {  	_ =	shalt  }
0x68: {  	_ =	shalt  }
0x69: {  	_ =	shalt  }
0x6a: {  	_ =	shalt  }
0x6b: {  	_ =	shalt  }
0x6c: {  	_ =	shalt  }
0x6d: {  	_ =	shalt  }
0x6e: {  	_ =	shalt  }
0x6f: {  	_ =	shalt  }
0x70: {  	_ =	shalt  }
0x71: {  	_ =	shalt  }
0x72: {  	_ =	shalt  }
0x73: {  	_ =	shalt  }
0x74: {  	_ =	shalt  }
0x75: {  	_ =	shalt  }
0x76: {  	_ =	shalt  }
0x77: {  	_ =	shalt  }
0x78: {  	_ =	shalt  }
0x79: {  	_ =	shalt  }
0x7a: {  	_ =	shalt  }
0x7b: {  	_ =	shalt  }
0x7c: {  	_ =	shalt  }
0x7d: {  	_ =	shalt  }
0x7e: {  	_ =	shalt  }
0x7f: {  	_ =	shalt  }
0x80: {  	_ =	shalt  }
0x81: {  	_ =	shalt  }
0x82: {  	_ =	shalt  }
0x83: {  	_ =	shalt  }
0x84: {  	_ =	shalt  }
0x85: {  	_ =	shalt  }
0x86: {  	_ =	shalt  }
0x87: {  	_ =	shalt  }
.Lfunc_end0:
.L_simem_size_0:
called_computation_lowered:
.L_overlay_start_0:
0x88: {  	s2 =	sld [smem:$0x3FD9]  }
0x89: {  	s3 =	sld [smem:$0x3FFE];
	_ =	sdelay $0x1  }
0x8a: {  	s1 =	srdreg.scid  }
0x8b: {  	s0 =	sand.u32 $0x1, s1  }
0x8c: {  	s14 =	sshll.u32 s0, $0xA;
	s2 =	sadd.s32 s3, s2  }
0x8d: {  	s2 =	sadd.s32 s2, s14  }
0x8e: {  	[smem:$0x3FBC] =	sst s2  }
0x8f: {  	_ = 	snop  }
0x90: {  	s2 =	sld [smem:$0x3FD0];
	_ =	sdelay $0x1  }
0x91: {  	s15 =	sld [smem:$0x3FC6]  }
0x92: {  	s5 =	simm.s32 $0xA;
	s6 =	simm.s32 $0x10;
	s4 =	sld [smem:$0x3FC5]  }
0x93: {  	[smem:s6], [sflag:s5] =	dma.local [hbm:s2], $0x1  }
0x94: {  	_ =	swait.eq [sflag:s5], $0x1  }
0x95: {  	[sflag:s5] =	ssyncset.done $0x0  }
0x96: {  	[sflag:s5] =	ssyncadd.s32 $0xFFFFFFFF  }
0x97: {  	s16 =	sld [smem:$0x11];
	(tm) =	ssettm $0x1  }
0x98: {  	s17 =	sld [smem:$0x3FFB];
	_ =	sdelay $0x3  }
0x99: {  	_ =	strace s17  }
0x9a: {  	s5 =	sld [smem:$0x3FFC];
	_ =	sdelay $0x3  }
0x9b: {  	_ =	strace s5  }
0x9c: {  	s5 =	sld [smem:$0x3FFD];
	_ =	sdelay $0x3  }
0x9d: {  	_ =	strace s5  }
0x9e: {  	_ =	strace $0x8FFFFFFF  }
0x9f: {  	s18 =	sld [smem:$0x3FDB];
	_ =	sdelay $0x1  }
0xa0: {  	s19 =	simm.s32 $_scs_section_size  }
0xa1: {  	s7 =	simm.s32 $_size__tile_overlayer_lowered;
	s8 =	simm.s32 $_tile_overlayer_lowered  }
0xa2: {  	s22 =	simm.s32 $0x1BFF;
	s21 =	sshll.u32 s8, $0x1;
	s5 =	sadd.s32 s19, s18  }
0xa3: {  	s9 =	simm.s32 $0x0;
	s20 =	sshll.u32 s7, $0x1;
	s7 =	sadd.s32 s21, s5  }
0xa4: {  	[timem:s9], [sflag:s22] =	dma.local [hbm:s7], s20  }
0xa5: {  	_ =	swait.ge [sflag:s22], s20  }
0xa6: {  	s6 =	ssub.s32 $0x0, s20;
	[sflag:s22] =	ssyncset.done $0x0  }
0xa7: {  	[sflag:s22] =	ssyncadd.s32 s6;
	_ =	sdelay $0x1  }
0xa8: {  	s23 =	simm.s32 $0x1B8B  }
0xa9: {  	_ =	swait.ge [sflag:s23], $0x1  }
0xaa: {  	[sflag:s23] =	ssyncset.done $0x0  }
0xab: {  	s25 =	simm.s32 $0x1B8E;
	s24 =	sld [smem:$0x3FFE];
	[sflag:s23] =	ssyncadd.s32 $0xFFFFFFFF  }
0xac: {  	s26 =	simm.s32 $execute0_lowered;
	[smem:$0x3FD2] =	sst s25  }
0xad: {  	s7 =	sshll.u32 s26, $0x1;
	_ =	strace $0x80000046;
	[dreg:$0x1] =	wrdreg $0xFFFFFFFF  }
0xae: {  	s28 =	simm.s32 $_size_execute0_lowered;
	s5 =	sadd.s32 s5, s7;
	[dreg:$0x0] =	wrdreg $0x0  }
0xaf: {  	s7 =	sshll.u32 s28, $0x1;
	[dreg:$0x2] =	wrdreg s5  }
0xb0: {  	[dreg:$0x3] =	wrdreg s7  }
0xb1: {  	[dreg:$0x4] =	wrdreg $0xC0  }
0xb2: {  	_ =	task [dreg:s9], $0x5FFFF  }
0xb3: {  	[dreg:$0x1] =	wrdreg $0xFFFFFFFF  }
0xb4: {  	[dreg:$0x0] =	wrdreg $0x60  }
0xb5: {  	[dreg:$0x2] =	wrdreg s15  }
0xb6: {  	[dreg:$0x3] =	wrdreg s4  }
0xb7: {  	[dreg:$0x4] =	wrdreg s24  }
0xb8: {  	[dreg:$0x5] =	wrdreg s16  }
0xb9: {  	[dreg:$0x6] =	wrdreg $0x9  }
0xba: {  	_ =	task.clear_ibuf [dreg:s9], $0x7FFFF;
	_ =	strace $0x90000046  }
0xbb: {  	s29 =	simm.s32 $0x9;
	_ =	strace $0x80000048  }
0xbc: {  	_ =	swait.ge [sflag:s29], $0x1  }
0xbd: {  	[sflag:s29] =	ssyncadd.s32 $0xFFFFFFFF  }
0xbe: {  	_ =	strace $0x90000048  }
0xbf: {  	_ =	sfence  }
0xc0: {  	s30 =	sld [smem:$0x0];
	_ =	sdelay $0x2  }
0xc1: {  	s31 =	sshll.u32 s1, $0xD;
	s1 =	sshrl.u32 s1, $0x2  }
0xc2: {  	s3 =	sand.u32 $0x4000, s31;
	s1 =	sadd.s32 s1, s30  }
0xc3: {  	s0 =	sor.u32 s3, s0;
	s1 =	sshll.u32 s1, $0x11  }
0xc4: {  	s0 =	sor.u32 s1, s0  }
0xc5: {  	s0 =	sadd.s32 $0x8F2B, s0  }
0xc6: {  	[sflag:s0] =	ssyncadd.remote.s32 $0x1  }
0xc7: {  	_ =	sfence.sel $0xFFFF  }
0xc8: {  	[dreg:$0x0] =	wrdreg $0xFFFFFFFF;
	(pc) =	sbr.abs _section_cstart, $3  }
0xc9: {  	[dreg:$0x1] =	wrdreg $0xFFFFFFFF  }
0xca: {  	_ =	task.clear_ibuf [dreg:s9], $0x2FFFF;
	_ =	strace $0x9FFFFFFF  }
0xcb: {  	(tm) =	ssettm $0x7FFFFFFF  }
tec
execute0_lowered:
.L_overlay_start_1:
0x0: {  	(tag) =	ssettag $0x1  }
0x1: {  	s3 =	stileid.u32  }
0x2: {  	s1 =	rddreg [dreg:$0x0];
	p0 =	sgt.u32 s3, $0x7  }
.Ltmp0:
0x3: {  	s2 =	rddreg [dreg:$0x1];
	(pc) =	sbr.rel @p0 .LBB2_3-.Ltmp0, $4  }
0x4: {  	s5 =	rddreg [dreg:$0x2]  }
0x5: {  	s8 =	rddreg [dreg:$0x3];
	s4 =	simm.s32 $0x0  }
0x6: {  	[smem:$0x7FF] =	sst s4  }
0x7: {  	s0 =	rddreg [dreg:$0x4];
	_ =	strace $0x80000047  }
0x8: {  	s6 =	srdreg.scid;
	s7 =	sshll.u32 s3, $0x1;
	s10 =	sadd.s32 $0x2200, s5  }
0x9: {  	s14 =	simm.s32 $0x3080;
	s15 =	simm.s32 $0x3880;
	s6 =	sand.u32 $0x1, s6  }
0xa: {  	s16 =	simm.s32 $0x4080;
	s9 =	sor.u32 s6, s7;
	s11 =	ssub.s32 $0x2, s6  }
0xb: {  	s6 =	sadd.s32 $0x200, s2;
	s7 =	smul.u32 $0x600, s9;
	s13 =	sshrl.u32 s11, $0x1  }
0xc: {  	s12 =	smul.u32 $0x300, s9;
	s9 =	sshll.u32 s9, $0x4;
	s11 =	ssub.s32 s11, s13  }
0xd: {  	v0 =	vlaneseq.u32;
	s9 =	sadd.s32 s10, s9;
	s13 =	simm.s32 $0x1;
	s7 =	sadd.s32 s7, s5  }
0xe: {  	vm0 =	vmmov $0xff;
	v2 =	vshrl.u32 v0, $0x3;
	s5 =	sadd.s32 $0x100, s2;
	s8 =	sadd.s32 s8, s12;
	s10 =	smax.u32 s11, $0x1  }
0xf: {  	vm1 =	vmmov $0xffff;
	v1 =	vand.u32 $0x7, v0;
	v2 =	vmul.u32 $0x8, v2;
	s11 =	simm.s32 $0x2;
	s12 =	simm.s32 $0x80;
	s7 =	sadd.s32 $0x2400, s7  }
.LBB2_2:
0x10: {  	[tilespmem:s4], [sflag:$0x2] =	stream.linear.gather [hbm4b:s9+s4], $0x80, $0x38;
	[tilespmem:$0x4880] =	vst v63  }
0x11: {  	_ =	swait.ge [sflag:s11], $0x80  }
0x12: {  	[sflag:s11] =	ssyncset.done $0x0  }
0x13: {  	[sflag:s11] =	ssyncadd.s32 $0xFFFFFF80  }
0x14: {  	v3 =	vld.msk [tilespmem:$0x0], $0xff;
	_ =	sdelay $0x4  }
0x15: {  	v3 =	vmul.u32 $0x600, v3;
	_ =	sdelay $0x1  }
0x16: {  	v3 =	vperm.xlane v3, v0;
	_ =	sdelay $0x5  }
0x17: {  	[tilespmem:s12], [sflag:$0x1] =	stream.indirect_vreg.gather [hbm4b:s1+s4], $0x600, v3, vm0, $0x38;
	[tilespmem:$0x4880] =	vst v63  }
0x18: {  	_ =	swait.ge [sflag:s13], $0x3000  }
0x19: {  	[sflag:s13] =	ssyncset.done $0x0  }
0x1a: {  	[sflag:s13] =	ssyncadd.s32 $0xFFFFD000  }
0x1b: {  	v3 =	vld.msk [tilespmem:$0x0], $0xff;
	_ =	sdelay $0x4  }
0x1c: {  	v4 =	vshrl.u32 v3, $0x3  }
0x1d: {  	v4 =	vmul.u32 $0x30, v4  }
0x1e: {  	v3 =	vand.u32 $0x7, v3  }
0x1f: {  	v3 =	vor.u32 v3, v4  }
0x20: {  	v3 =	vperm.xlane v3, v1;
	_ =	sdelay $0x1  }
0x21: {  	v3 =	vadd.s32 v2, v3;
	_ =	sdelay $0x4  }
0x22: {  	[tilespmem:s14], [sflag:$0x1] =	stream.indirect_vreg.gather [hbm4b:s2+s4], $0x80, v3, vm1, $0xb8;
	[tilespmem:$0x4880] =	vst v63  }
0x23: {  	_ = 	snop  }
0x24: {  	[tilespmem:s15], [sflag:$0x1] =	stream.indirect_vreg.gather [hbm4b:s5+s4], $0x80, v3, vm1, $0xb8;
	[tilespmem:$0x4880] =	vst v63  }
0x25: {  	_ = 	snop  }
0x26: {  	[tilespmem:s16], [sflag:$0x1] =	stream.indirect_vreg.gather [hbm4b:s6+s4], $0x80, v3, vm1, $0xb8;
	[tilespmem:$0x4880] =	vst v63  }
0x27: {  	_ =	swait.ge [sflag:s13], $0x1800  }
0x28: {  	[sflag:s13] =	ssyncset.done $0x0  }
0x29: {  	[sflag:s13] =	ssyncadd.s32 $0xFFFFE800  }
0x2a: {  	[hbm4b:s7+s4] =	stream.linear.scatter [tilespmem:s12], [sflag:$0x2], $0x3000, $0x38;
	[tilespmem:$0x4880] =	vst v63  }
0x2b: {  	_ =	swait.ge [sflag:s11], $0x3000  }
0x2c: {  	p0 =	sne.s32 s10, $0x1;
	[sflag:s11] =	ssyncset.done $0x0  }
.Ltmp1:
0x2d: {  	[sflag:s11] =	ssyncadd.s32 $0xFFFFD000;
	(pc) =	sbr.rel @p0 .LBB2_2-.Ltmp1, $4  }
0x2e: {  	[hbm4b:s8+s4] =	stream.linear.scatter [tilespmem:s14], [sflag:$0x2], $0x1800, $0x38;
	[tilespmem:$0x4880] =	vst v63  }
0x2f: {  	_ =	swait.ge [sflag:s11], $0x1800  }
0x30: {  	[sflag:s11] =	ssyncset.done $0x0  }
0x31: {  	s10 =	sadd.s32 $0xFFFFFFFF, s10;
	[sflag:s11] =	ssyncadd.s32 $0xFFFFE800  }
.LBB2_3:
0x32: {  	_ =	sfence.sel $0x180000  }
0x33: {  	[bflag:$0x0] =	sbarrier.arrive $0xFFFF  }
0x34: {  	p0 =	sne.s32 s3, $0x0;
	_ =	strace $0x90000047  }
0x35: {  	s0 =	sadd.s32 @!p0 $0x100000, s0;
	[bflag:$0x2] =	sbarrier.arrive $0xFFFF  }
0x36: {  	[sflag:s0] =	ssyncadd.tile.s32 @!p0 $0x1;
	_ =	shalt  }
.Lfunc_end2:
_tile_overlayer_lowered:
.L_overlay_start_2:
0x37: {  	(tag) =	ssettag $0x2  }
0x38: {  	s0 =	rddreg [dreg:$0x0];
	s2 =	stileid.u32  }
0x39: {  	s1 =	rddreg [dreg:$0x1];
	p0 =	sne.s32 s2, $0x0  }
0x3a: {  	s3 =	rddreg [dreg:$0x2];
	[bflag:$0x3] =	sbarrier.arrive $0xFFFF;
	s2 =	simm.s32 @!p0 $0x1C02  }
0x3b: {  	[timem:s3], [sflag:s2] =	dma.local @!p0 [hbm:s0], s1  }
0x3c: {  	s0 =	simm.s32 @!p0 $0x2  }
0x3d: {  	_ =	swait.ge @!p0 [sflag:s0], s1  }
0x3e: {  	s1 =	ssub.s32 @!p0 $0x0, s1;
	[sflag:s0] =	ssyncset.done @!p0 $0x0  }
0x3f: {  	[sflag:s0] =	ssyncadd.s32 @!p0 s1  }
0x40: {  	[bflag:$0x3] =	sbarrier.arrive $0xFFFF  }
0x41: {  	_ =	shalt  }

</sc_bundles>
